<compile_context>
chip_gen: v7x
topology: tpu7x:2x2x1
jax: 0.10.2.dev20260603
libtpu: 0.0.44.dev20260713+nightly
codegen_flags: <defaults>
</compile_context>

<pallas_src>
import functools

import jax
import jax.numpy as jnp
from jax import lax
from jax.experimental import pallas as pl
from jax.experimental.pallas import tpu as pltpu
from jax.experimental.pallas import tpu_sc as plsc

NC = 2
NS = 16
L = 16
NW = NC * NS

BATCH = 16384
SEQ = 48
HALF = 24
D = 64
RW = BATCH // NW
G = 16
CROWS = G * SEQ
NCHUNK = RW // G


_mesh = plsc.VectorSubcoreMesh(
    core_axis_name="c", subcore_axis_name="s", num_cores=NC, num_subcores=NS
)


@functools.partial(
    pl.kernel,
    out_type=jax.ShapeDtypeStruct((NW, L), jnp.float32),
    mesh=_mesh,
    compiler_params=pltpu.CompilerParams(use_tc_tiling_on_sc=False),
    scratch_types=[
        pltpu.VMEM((RW, SEQ), jnp.int32),
        pltpu.VMEM((CROWS, D), jnp.float32),
        pltpu.VMEM((CROWS, D), jnp.float32),
        pltpu.VMEM((L,), jnp.float32),
        pltpu.SemaphoreType.DMA,
        pltpu.SemaphoreType.DMA,
    ],
)
def _pair_loss(table_hbm, x_hbm, out_hbm, x2_v, e0, e1, acc_v, s0, s1):
    bufs = (e0, e1)
    sems = (s0, s1)

    wid = lax.axis_index("s") * NC + lax.axis_index("c")

    pltpu.sync_copy(x_hbm.at[pl.ds(wid * RW, RW)], x2_v)

    def start(g, slot):
        for t in range(G):
            pltpu.async_copy(table_hbm.at[x2_v.at[g * G + t]],
                             bufs[slot].at[pl.ds(t * SEQ, SEQ)], sems[slot])

    def drain(slot):
        for t in range(G):
            pltpu.make_async_copy(table_hbm.at[pl.ds(0, SEQ)],
                                  bufs[slot].at[pl.ds(t * SEQ, SEQ)],
                                  sems[slot]).wait()

    def compute(slot, accs):
        e_buf = bufs[slot]

        def brow(r, accs):
            rb = r * SEQ

            def pair(s, accs):
                out = list(accs)
                for j in range(4):
                    av = e_buf[rb + s, pl.ds(j * L, L)]
                    bv = e_buf[rb + s + HALF, pl.ds(j * L, L)]
                    dv = av - bv
                    out[j] = out[j] + dv * dv
                return tuple(out)

            return lax.fori_loop(0, HALF, pair, accs, unroll=4)

        return lax.fori_loop(0, G, brow, accs)

    zeros = jnp.zeros((L,), jnp.float32)
    accs = (zeros, zeros, zeros, zeros)

    start(0, 0)

    def body(h, accs):
        g = 2 * h
        start(g + 1, 1)
        drain(0)
        accs = compute(0, accs)
        start(g + 2, 0)
        drain(1)
        return compute(1, accs)

    accs = lax.fori_loop(0, NCHUNK // 2 - 1, body, accs)

    start(NCHUNK - 1, 1)
    drain(0)
    accs = compute(0, accs)
    drain(1)
    accs = compute(1, accs)

    acc_v[...] = (accs[0] + accs[1]) + (accs[2] + accs[3])
    pltpu.sync_copy(acc_v, out_hbm.at[wid])


def kernel(x, embd_size, table):
    partials = _pair_loss(table, x)
    return jnp.sum(partials)

# --- scband reference (transcript-rebuilt; emitter-appended) ---
"""Pipeline reference for scband-embd-period-loss-46213848105439 (READ-ONLY COPY).

The authoritative reference and input builder live on the scoring server;
editing this copy changes nothing except your own understanding.
"""

import jax, jax.numpy as jnp
import numpy as np

VOCAB = 100000
EMBED_DIM = 64
BATCH = 16384
SEQ_LEN = 48


def setup_inputs(seed: int = 0) -> dict:
    key = jax.random.key(seed)
    k1, k2 = jax.random.split(key)
    x = jax.random.randint(k1, (BATCH, SEQ_LEN), 0, VOCAB, dtype=jnp.int64 if jax.config.jax_enable_x64 else jnp.int32)
    table = jax.random.normal(k2, (VOCAB, EMBED_DIM), dtype=jnp.float32)
    return {"x": x, "embd_size": EMBED_DIM, "table": table}


def reference(x, embd_size, table):
    # emb = self.embd(x)  -> embedding gather
    emb = jnp.take(table, x, axis=0)          # [B, S, D]
    # emb.permute(1, 0, 2)
    emb = jnp.transpose(emb, (1, 0, 2))       # [S, B, D]
    # curr = emb[:24].view(-1, embd_size); next = emb[24:].view(-1, embd_size)
    d = table.shape[1]
    curr = emb[:24].reshape(-1, d)
    nxt = emb[24:].reshape(-1, d)
    # mse_loss with reduction='sum'
    loss = jnp.sum((curr - nxt) ** 2)
    loss = loss + jnp.asarray(embd_size, loss.dtype) * jnp.zeros((), loss.dtype)
    return loss

if __name__ == "__main__":
    import jax
    _d = setup_inputs()
    print(jax.jit(kernel)(*tuple(_d.values())))

</pallas_src>

<mosaic_0001>
#map = affine_map<(d0, d1) -> (0, 0)>
module attributes {stable_mosaic.version = 14 : i64} {
  func.func @_pair_loss(%arg0: i32, %arg1: i32, %arg2: memref<100000x64xf32, #tpu.memory_space<hbm>>, %arg3: memref<16384x48xi32, #tpu.memory_space<hbm>>, %arg4: memref<32x16xf32, #tpu.memory_space<hbm>>, %arg5: memref<512x48xi32, #tpu.memory_space<vmem>>, %arg6: memref<768x64xf32, #tpu.memory_space<vmem>>, %arg7: memref<768x64xf32, #tpu.memory_space<vmem>>, %arg8: memref<16xf32, #tpu.memory_space<vmem>>, %arg9: memref<!tpu.dma_semaphore, #tpu.memory_space<semaphore_mem>>, %arg10: memref<!tpu.dma_semaphore, #tpu.memory_space<semaphore_mem>>) attributes {dimension_semantics = [#tpu.dimension_semantics<core_parallel>, #tpu.dimension_semantics<subcore_parallel>], iteration_bounds = array<i64: 2, 16>, scalar_prefetch = 0 : i64, scratch_operands = 6 : i64, tpu.core_type = #tpu.core_type<sc_vector_subcore>, window_params = [{transform_indices = #map}, {transform_indices = #map}, {transform_indices = #map}]} {
    %mul3A = arith.constant 2 : i32
    %mul3A_0 = arith.muli %arg1, %mul3A : i32
    %add3A = arith.addi %mul3A_0, %arg0 : i32
    %mul3A_1 = arith.constant 512 : i32
    %mul3A_2 = arith.muli %add3A, %mul3A_1 : i32
    "tpu.region"() ({
      %run_scoped3A = tpu.sem_alloc : memref<!tpu.dma_semaphore, #tpu.memory_space<semaphore_mem>>
      %dma_start3A_729 = arith.constant 0 : i32
      %dma_start3A_730 = tpu.memref_slice %arg3[%mul3A_2, %dma_start3A_729] : memref<16384x48xi32, #tpu.memory_space<hbm>> -> memref<512x48xi32, #tpu.memory_space<hbm>>
      %dma_start3A_731 = arith.constant 0 : i32
      %dma_start3A_732 = tpu.memref_slice %arg3[%mul3A_2, %dma_start3A_731] : memref<16384x48xi32, #tpu.memory_space<hbm>> -> memref<512x48xi32, #tpu.memory_space<hbm>>
      tpu.enqueue_dma source(%dma_start3A_732 : memref<512x48xi32, #tpu.memory_space<hbm>>) target(%arg5 : memref<512x48xi32, #tpu.memory_space<vmem>>) target_semaphore(%run_scoped3A : memref<!tpu.dma_semaphore, #tpu.memory_space<semaphore_mem>>)
      %dma_wait3A_733 = arith.constant 0 : i32
      %dma_wait3A_734 = tpu.memref_slice %arg3[%mul3A_2, %dma_wait3A_733] : memref<16384x48xi32, #tpu.memory_space<hbm>> -> memref<512x48xi32, #tpu.memory_space<hbm>>
      %dma_wait3A_735 = arith.constant 0 : i32
      %dma_wait3A_736 = tpu.memref_slice %arg3[%mul3A_2, %dma_wait3A_735] : memref<16384x48xi32, #tpu.memory_space<hbm>> -> memref<512x48xi32, #tpu.memory_space<hbm>>
      tpu.wait_dma2 semaphore(%run_scoped3A : memref<!tpu.dma_semaphore, #tpu.memory_space<semaphore_mem>>) src(%dma_wait3A_736 : memref<512x48xi32, #tpu.memory_space<hbm>>) dst(%arg5 : memref<512x48xi32, #tpu.memory_space<vmem>>)
      tpu.yield
    }) : () -> ()
    %broadcast_in_dim3A = arith.constant 0.000000e+00 : f32
    %broadcast_in_dim3A_3 = vector.broadcast %broadcast_in_dim3A : f32 to vector<16xf32>
    %dma_start3A = arith.constant 0 : i32
    %dma_start3A_4 = arith.constant 0 : i32
    %dma_start3A_5 = arith.constant 0 : i32
    %dma_start3A_6 = tpu.memref_slice %arg6[%dma_start3A_4, %dma_start3A_5] : memref<768x64xf32, #tpu.memory_space<vmem>> -> memref<48x64xf32, #tpu.memory_space<vmem>>
    %dma_start3A_7 = arith.constant 0 : i32
    %dma_start3A_8 = tpu.memref_slice %arg5[%dma_start3A, %dma_start3A_7] : memref<512x48xi32, #tpu.memory_space<vmem>> -> memref<1x48xi32, #tpu.memory_space<vmem>>
    %dma_start3A_9 = tpu.memref_squeeze %dma_start3A_8 : memref<1x48xi32, #tpu.memory_space<vmem>> -> memref<48xi32, #tpu.memory_space<vmem>>
    %dma_start3A_10 = arith.constant 0 : i32
    %dma_start3A_11 = arith.constant 0 : i32
    %dma_start3A_12 = tpu.memref_slice %arg2[%dma_start3A_10, %dma_start3A_11] : memref<100000x64xf32, #tpu.memory_space<hbm>> -> memref<100000x64xf32, #tpu.memory_space<hbm>>
    tpu.enqueue_indirect_dma source(%dma_start3A_12 : memref<100000x64xf32, #tpu.memory_space<hbm>>) target(%dma_start3A_6 : memref<48x64xf32, #tpu.memory_space<vmem>>) offsets(%dma_start3A_9 : memref<48xi32, #tpu.memory_space<vmem>>) semaphore(%arg9 : memref<!tpu.dma_semaphore, #tpu.memory_space<semaphore_mem>>)
    %dma_start3A_13 = arith.constant 1 : i32
    %dma_start3A_14 = arith.constant 48 : i32
    %dma_start3A_15 = arith.constant 0 : i32
    %dma_start3A_16 = tpu.memref_slice %arg6[%dma_start3A_14, %dma_start3A_15] : memref<768x64xf32, #tpu.memory_space<vmem>> -> memref<48x64xf32, #tpu.memory_space<vmem>>
    %dma_start3A_17 = arith.constant 0 : i32
    %dma_start3A_18 = tpu.memref_slice %arg5[%dma_start3A_13, %dma_start3A_17] : memref<512x48xi32, #tpu.memory_space<vmem>> -> memref<1x48xi32, #tpu.memory_space<vmem>>
    %dma_start3A_19 = tpu.memref_squeeze %dma_start3A_18 : memref<1x48xi32, #tpu.memory_space<vmem>> -> memref<48xi32, #tpu.memory_space<vmem>>
    %dma_start3A_20 = arith.constant 0 : i32
    %dma_start3A_21 = arith.constant 0 : i32
    %dma_start3A_22 = tpu.memref_slice %arg2[%dma_start3A_20, %dma_start3A_21] : memref<100000x64xf32, #tpu.memory_space<hbm>> -> memref<100000x64xf32, #tpu.memory_space<hbm>>
    tpu.enqueue_indirect_dma source(%dma_start3A_22 : memref<100000x64xf32, #tpu.memory_space<hbm>>) target(%dma_start3A_16 : memref<48x64xf32, #tpu.memory_space<vmem>>) offsets(%dma_start3A_19 : memref<48xi32, #tpu.memory_space<vmem>>) semaphore(%arg9 : memref<!tpu.dma_semaphore, #tpu.memory_space<semaphore_mem>>)
    %dma_start3A_23 = arith.constant 2 : i32
    %dma_start3A_24 = arith.constant 96 : i32
    %dma_start3A_25 = arith.constant 0 : i32
    %dma_start3A_26 = tpu.memref_slice %arg6[%dma_start3A_24, %dma_start3A_25] : memref<768x64xf32, #tpu.memory_space<vmem>> -> memref<48x64xf32, #tpu.memory_space<vmem>>
    %dma_start3A_27 = arith.constant 0 : i32
    %dma_start3A_28 = tpu.memref_slice %arg5[%dma_start3A_23, %dma_start3A_27] : memref<512x48xi32, #tpu.memory_space<vmem>> -> memref<1x48xi32, #tpu.memory_space<vmem>>
    %dma_start3A_29 = tpu.memref_squeeze %dma_start3A_28 : memref<1x48xi32, #tpu.memory_space<vmem>> -> memref<48xi32, #tpu.memory_space<vmem>>
    %dma_start3A_30 = arith.constant 0 : i32
    %dma_start3A_31 = arith.constant 0 : i32
    %dma_start3A_32 = tpu.memref_slice %arg2[%dma_start3A_30, %dma_start3A_31] : memref<100000x64xf32, #tpu.memory_space<hbm>> -> memref<100000x64xf32, #tpu.memory_space<hbm>>
    tpu.enqueue_indirect_dma source(%dma_start3A_32 : memref<100000x64xf32, #tpu.memory_space<hbm>>) target(%dma_start3A_26 : memref<48x64xf32, #tpu.memory_space<vmem>>) offsets(%dma_start3A_29 : memref<48xi32, #tpu.memory_space<vmem>>) semaphore(%arg9 : memref<!tpu.dma_semaphore, #tpu.memory_space<semaphore_mem>>)
    %dma_start3A_33 = arith.constant 3 : i32
    %dma_start3A_34 = arith.constant 144 : i32
    %dma_start3A_35 = arith.constant 0 : i32
    %dma_start3A_36 = tpu.memref_slice %arg6[%dma_start3A_34, %dma_start3A_35] : memref<768x64xf32, #tpu.memory_space<vmem>> -> memref<48x64xf32, #tpu.memory_space<vmem>>
    %dma_start3A_37 = arith.constant 0 : i32
    %dma_start3A_38 = tpu.memref_slice %arg5[%dma_start3A_33, %dma_start3A_37] : memref<512x48xi32, #tpu.memory_space<vmem>> -> memref<1x48xi32, #tpu.memory_space<vmem>>
    %dma_start3A_39 = tpu.memref_squeeze %dma_start3A_38 : memref<1x48xi32, #tpu.memory_space<vmem>> -> memref<48xi32, #tpu.memory_space<vmem>>
    %dma_start3A_40 = arith.constant 0 : i32
    %dma_start3A_41 = arith.constant 0 : i32
    %dma_start3A_42 = tpu.memref_slice %arg2[%dma_start3A_40, %dma_start3A_41] : memref<100000x64xf32, #tpu.memory_space<hbm>> -> memref<100000x64xf32, #tpu.memory_space<hbm>>
    tpu.enqueue_indirect_dma source(%dma_start3A_42 : memref<100000x64xf32, #tpu.memory_space<hbm>>) target(%dma_start3A_36 : memref<48x64xf32, #tpu.memory_space<vmem>>) offsets(%dma_start3A_39 : memref<48xi32, #tpu.memory_space<vmem>>) semaphore(%arg9 : memref<!tpu.dma_semaphore, #tpu.memory_space<semaphore_mem>>)
    %dma_start3A_43 = arith.constant 4 : i32
    %dma_start3A_44 = arith.constant 192 : i32
    %dma_start3A_45 = arith.constant 0 : i32
    %dma_start3A_46 = tpu.memref_slice %arg6[%dma_start3A_44, %dma_start3A_45] : memref<768x64xf32, #tpu.memory_space<vmem>> -> memref<48x64xf32, #tpu.memory_space<vmem>>
    %dma_start3A_47 = arith.constant 0 : i32
    %dma_start3A_48 = tpu.memref_slice %arg5[%dma_start3A_43, %dma_start3A_47] : memref<512x48xi32, #tpu.memory_space<vmem>> -> memref<1x48xi32, #tpu.memory_space<vmem>>
    %dma_start3A_49 = tpu.memref_squeeze %dma_start3A_48 : memref<1x48xi32, #tpu.memory_space<vmem>> -> memref<48xi32, #tpu.memory_space<vmem>>
    %dma_start3A_50 = arith.constant 0 : i32
    %dma_start3A_51 = arith.constant 0 : i32
    %dma_start3A_52 = tpu.memref_slice %arg2[%dma_start3A_50, %dma_start3A_51] : memref<100000x64xf32, #tpu.memory_space<hbm>> -> memref<100000x64xf32, #tpu.memory_space<hbm>>
    tpu.enqueue_indirect_dma source(%dma_start3A_52 : memref<100000x64xf32, #tpu.memory_space<hbm>>) target(%dma_start3A_46 : memref<48x64xf32, #tpu.memory_space<vmem>>) offsets(%dma_start3A_49 : memref<48xi32, #tpu.memory_space<vmem>>) semaphore(%arg9 : memref<!tpu.dma_semaphore, #tpu.memory_space<semaphore_mem>>)
    %dma_start3A_53 = arith.constant 5 : i32
    %dma_start3A_54 = arith.constant 240 : i32
    %dma_start3A_55 = arith.constant 0 : i32
    %dma_start3A_56 = tpu.memref_slice %arg6[%dma_start3A_54, %dma_start3A_55] : memref<768x64xf32, #tpu.memory_space<vmem>> -> memref<48x64xf32, #tpu.memory_space<vmem>>
    %dma_start3A_57 = arith.constant 0 : i32
    %dma_start3A_58 = tpu.memref_slice %arg5[%dma_start3A_53, %dma_start3A_57] : memref<512x48xi32, #tpu.memory_space<vmem>> -> memref<1x48xi32, #tpu.memory_space<vmem>>
    %dma_start3A_59 = tpu.memref_squeeze %dma_start3A_58 : memref<1x48xi32, #tpu.memory_space<vmem>> -> memref<48xi32, #tpu.memory_space<vmem>>
    %dma_start3A_60 = arith.constant 0 : i32
    %dma_start3A_61 = arith.constant 0 : i32
    %dma_start3A_62 = tpu.memref_slice %arg2[%dma_start3A_60, %dma_start3A_61] : memref<100000x64xf32, #tpu.memory_space<hbm>> -> memref<100000x64xf32, #tpu.memory_space<hbm>>
    tpu.enqueue_indirect_dma source(%dma_start3A_62 : memref<100000x64xf32, #tpu.memory_space<hbm>>) target(%dma_start3A_56 : memref<48x64xf32, #tpu.memory_space<vmem>>) offsets(%dma_start3A_59 : memref<48xi32, #tpu.memory_space<vmem>>) semaphore(%arg9 : memref<!tpu.dma_semaphore, #tpu.memory_space<semaphore_mem>>)
    %dma_start3A_63 = arith.constant 6 : i32
    %dma_start3A_64 = arith.constant 288 : i32
    %dma_start3A_65 = arith.constant 0 : i32
    %dma_start3A_66 = tpu.memref_slice %arg6[%dma_start3A_64, %dma_start3A_65] : memref<768x64xf32, #tpu.memory_space<vmem>> -> memref<48x64xf32, #tpu.memory_space<vmem>>
    %dma_start3A_67 = arith.constant 0 : i32
    %dma_start3A_68 = tpu.memref_slice %arg5[%dma_start3A_63, %dma_start3A_67] : memref<512x48xi32, #tpu.memory_space<vmem>> -> memref<1x48xi32, #tpu.memory_space<vmem>>
    %dma_start3A_69 = tpu.memref_squeeze %dma_start3A_68 : memref<1x48xi32, #tpu.memory_space<vmem>> -> memref<48xi32, #tpu.memory_space<vmem>>
    %dma_start3A_70 = arith.constant 0 : i32
    %dma_start3A_71 = arith.constant 0 : i32
    %dma_start3A_72 = tpu.memref_slice %arg2[%dma_start3A_70, %dma_start3A_71] : memref<100000x64xf32, #tpu.memory_space<hbm>> -> memref<100000x64xf32, #tpu.memory_space<hbm>>
    tpu.enqueue_indirect_dma source(%dma_start3A_72 : memref<100000x64xf32, #tpu.memory_space<hbm>>) target(%dma_start3A_66 : memref<48x64xf32, #tpu.memory_space<vmem>>) offsets(%dma_start3A_69 : memref<48xi32, #tpu.memory_space<vmem>>) semaphore(%arg9 : memref<!tpu.dma_semaphore, #tpu.memory_space<semaphore_mem>>)
    %dma_start3A_73 = arith.constant 7 : i32
    %dma_start3A_74 = arith.constant 336 : i32
    %dma_start3A_75 = arith.constant 0 : i32
    %dma_start3A_76 = tpu.memref_slice %arg6[%dma_start3A_74, %dma_start3A_75] : memref<768x64xf32, #tpu.memory_space<vmem>> -> memref<48x64xf32, #tpu.memory_space<vmem>>
    %dma_start3A_77 = arith.constant 0 : i32
    %dma_start3A_78 = tpu.memref_slice %arg5[%dma_start3A_73, %dma_start3A_77] : memref<512x48xi32, #tpu.memory_space<vmem>> -> memref<1x48xi32, #tpu.memory_space<vmem>>
    %dma_start3A_79 = tpu.memref_squeeze %dma_start3A_78 : memref<1x48xi32, #tpu.memory_space<vmem>> -> memref<48xi32, #tpu.memory_space<vmem>>
    %dma_start3A_80 = arith.constant 0 : i32
    %dma_start3A_81 = arith.constant 0 : i32
    %dma_start3A_82 = tpu.memref_slice %arg2[%dma_start3A_80, %dma_start3A_81] : memref<100000x64xf32, #tpu.memory_space<hbm>> -> memref<100000x64xf32, #tpu.memory_space<hbm>>
    tpu.enqueue_indirect_dma source(%dma_start3A_82 : memref<100000x64xf32, #tpu.memory_space<hbm>>) target(%dma_start3A_76 : memref<48x64xf32, #tpu.memory_space<vmem>>) offsets(%dma_start3A_79 : memref<48xi32, #tpu.memory_space<vmem>>) semaphore(%arg9 : memref<!tpu.dma_semaphore, #tpu.memory_space<semaphore_mem>>)
    %dma_start3A_83 = arith.constant 8 : i32
    %dma_start3A_84 = arith.constant 384 : i32
    %dma_start3A_85 = arith.constant 0 : i32
    %dma_start3A_86 = tpu.memref_slice %arg6[%dma_start3A_84, %dma_start3A_85] : memref<768x64xf32, #tpu.memory_space<vmem>> -> memref<48x64xf32, #tpu.memory_space<vmem>>
    %dma_start3A_87 = arith.constant 0 : i32
    %dma_start3A_88 = tpu.memref_slice %arg5[%dma_start3A_83, %dma_start3A_87] : memref<512x48xi32, #tpu.memory_space<vmem>> -> memref<1x48xi32, #tpu.memory_space<vmem>>
    %dma_start3A_89 = tpu.memref_squeeze %dma_start3A_88 : memref<1x48xi32, #tpu.memory_space<vmem>> -> memref<48xi32, #tpu.memory_space<vmem>>
    %dma_start3A_90 = arith.constant 0 : i32
    %dma_start3A_91 = arith.constant 0 : i32
    %dma_start3A_92 = tpu.memref_slice %arg2[%dma_start3A_90, %dma_start3A_91] : memref<100000x64xf32, #tpu.memory_space<hbm>> -> memref<100000x64xf32, #tpu.memory_space<hbm>>
    tpu.enqueue_indirect_dma source(%dma_start3A_92 : memref<100000x64xf32, #tpu.memory_space<hbm>>) target(%dma_start3A_86 : memref<48x64xf32, #tpu.memory_space<vmem>>) offsets(%dma_start3A_89 : memref<48xi32, #tpu.memory_space<vmem>>) semaphore(%arg9 : memref<!tpu.dma_semaphore, #tpu.memory_space<semaphore_mem>>)
    %dma_start3A_93 = arith.constant 9 : i32
    %dma_start3A_94 = arith.constant 432 : i32
    %dma_start3A_95 = arith.constant 0 : i32
    %dma_start3A_96 = tpu.memref_slice %arg6[%dma_start3A_94, %dma_start3A_95] : memref<768x64xf32, #tpu.memory_space<vmem>> -> memref<48x64xf32, #tpu.memory_space<vmem>>
    %dma_start3A_97 = arith.constant 0 : i32
    %dma_start3A_98 = tpu.memref_slice %arg5[%dma_start3A_93, %dma_start3A_97] : memref<512x48xi32, #tpu.memory_space<vmem>> -> memref<1x48xi32, #tpu.memory_space<vmem>>
    %dma_start3A_99 = tpu.memref_squeeze %dma_start3A_98 : memref<1x48xi32, #tpu.memory_space<vmem>> -> memref<48xi32, #tpu.memory_space<vmem>>
    %dma_start3A_100 = arith.constant 0 : i32
    %dma_start3A_101 = arith.constant 0 : i32
    %dma_start3A_102 = tpu.memref_slice %arg2[%dma_start3A_100, %dma_start3A_101] : memref<100000x64xf32, #tpu.memory_space<hbm>> -> memref<100000x64xf32, #tpu.memory_space<hbm>>
    tpu.enqueue_indirect_dma source(%dma_start3A_102 : memref<100000x64xf32, #tpu.memory_space<hbm>>) target(%dma_start3A_96 : memref<48x64xf32, #tpu.memory_space<vmem>>) offsets(%dma_start3A_99 : memref<48xi32, #tpu.memory_space<vmem>>) semaphore(%arg9 : memref<!tpu.dma_semaphore, #tpu.memory_space<semaphore_mem>>)
    %dma_start3A_103 = arith.constant 10 : i32
    %dma_start3A_104 = arith.constant 480 : i32
    %dma_start3A_105 = arith.constant 0 : i32
    %dma_start3A_106 = tpu.memref_slice %arg6[%dma_start3A_104, %dma_start3A_105] : memref<768x64xf32, #tpu.memory_space<vmem>> -> memref<48x64xf32, #tpu.memory_space<vmem>>
    %dma_start3A_107 = arith.constant 0 : i32
    %dma_start3A_108 = tpu.memref_slice %arg5[%dma_start3A_103, %dma_start3A_107] : memref<512x48xi32, #tpu.memory_space<vmem>> -> memref<1x48xi32, #tpu.memory_space<vmem>>
    %dma_start3A_109 = tpu.memref_squeeze %dma_start3A_108 : memref<1x48xi32, #tpu.memory_space<vmem>> -> memref<48xi32, #tpu.memory_space<vmem>>
    %dma_start3A_110 = arith.constant 0 : i32
    %dma_start3A_111 = arith.constant 0 : i32
    %dma_start3A_112 = tpu.memref_slice %arg2[%dma_start3A_110, %dma_start3A_111] : memref<100000x64xf32, #tpu.memory_space<hbm>> -> memref<100000x64xf32, #tpu.memory_space<hbm>>
    tpu.enqueue_indirect_dma source(%dma_start3A_112 : memref<100000x64xf32, #tpu.memory_space<hbm>>) target(%dma_start3A_106 : memref<48x64xf32, #tpu.memory_space<vmem>>) offsets(%dma_start3A_109 : memref<48xi32, #tpu.memory_space<vmem>>) semaphore(%arg9 : memref<!tpu.dma_semaphore, #tpu.memory_space<semaphore_mem>>)
    %dma_start3A_113 = arith.constant 11 : i32
    %dma_start3A_114 = arith.constant 528 : i32
    %dma_start3A_115 = arith.constant 0 : i32
    %dma_start3A_116 = tpu.memref_slice %arg6[%dma_start3A_114, %dma_start3A_115] : memref<768x64xf32, #tpu.memory_space<vmem>> -> memref<48x64xf32, #tpu.memory_space<vmem>>
    %dma_start3A_117 = arith.constant 0 : i32
    %dma_start3A_118 = tpu.memref_slice %arg5[%dma_start3A_113, %dma_start3A_117] : memref<512x48xi32, #tpu.memory_space<vmem>> -> memref<1x48xi32, #tpu.memory_space<vmem>>
    %dma_start3A_119 = tpu.memref_squeeze %dma_start3A_118 : memref<1x48xi32, #tpu.memory_space<vmem>> -> memref<48xi32, #tpu.memory_space<vmem>>
    %dma_start3A_120 = arith.constant 0 : i32
    %dma_start3A_121 = arith.constant 0 : i32
    %dma_start3A_122 = tpu.memref_slice %arg2[%dma_start3A_120, %dma_start3A_121] : memref<100000x64xf32, #tpu.memory_space<hbm>> -> memref<100000x64xf32, #tpu.memory_space<hbm>>
    tpu.enqueue_indirect_dma source(%dma_start3A_122 : memref<100000x64xf32, #tpu.memory_space<hbm>>) target(%dma_start3A_116 : memref<48x64xf32, #tpu.memory_space<vmem>>) offsets(%dma_start3A_119 : memref<48xi32, #tpu.memory_space<vmem>>) semaphore(%arg9 : memref<!tpu.dma_semaphore, #tpu.memory_space<semaphore_mem>>)
    %dma_start3A_123 = arith.constant 12 : i32
    %dma_start3A_124 = arith.constant 576 : i32
    %dma_start3A_125 = arith.constant 0 : i32
    %dma_start3A_126 = tpu.memref_slice %arg6[%dma_start3A_124, %dma_start3A_125] : memref<768x64xf32, #tpu.memory_space<vmem>> -> memref<48x64xf32, #tpu.memory_space<vmem>>
    %dma_start3A_127 = arith.constant 0 : i32
    %dma_start3A_128 = tpu.memref_slice %arg5[%dma_start3A_123, %dma_start3A_127] : memref<512x48xi32, #tpu.memory_space<vmem>> -> memref<1x48xi32, #tpu.memory_space<vmem>>
    %dma_start3A_129 = tpu.memref_squeeze %dma_start3A_128 : memref<1x48xi32, #tpu.memory_space<vmem>> -> memref<48xi32, #tpu.memory_space<vmem>>
    %dma_start3A_130 = arith.constant 0 : i32
    %dma_start3A_131 = arith.constant 0 : i32
    %dma_start3A_132 = tpu.memref_slice %arg2[%dma_start3A_130, %dma_start3A_131] : memref<100000x64xf32, #tpu.memory_space<hbm>> -> memref<100000x64xf32, #tpu.memory_space<hbm>>
    tpu.enqueue_indirect_dma source(%dma_start3A_132 : memref<100000x64xf32, #tpu.memory_space<hbm>>) target(%dma_start3A_126 : memref<48x64xf32, #tpu.memory_space<vmem>>) offsets(%dma_start3A_129 : memref<48xi32, #tpu.memory_space<vmem>>) semaphore(%arg9 : memref<!tpu.dma_semaphore, #tpu.memory_space<semaphore_mem>>)
    %dma_start3A_133 = arith.constant 13 : i32
    %dma_start3A_134 = arith.constant 624 : i32
    %dma_start3A_135 = arith.constant 0 : i32
    %dma_start3A_136 = tpu.memref_slice %arg6[%dma_start3A_134, %dma_start3A_135] : memref<768x64xf32, #tpu.memory_space<vmem>> -> memref<48x64xf32, #tpu.memory_space<vmem>>
    %dma_start3A_137 = arith.constant 0 : i32
    %dma_start3A_138 = tpu.memref_slice %arg5[%dma_start3A_133, %dma_start3A_137] : memref<512x48xi32, #tpu.memory_space<vmem>> -> memref<1x48xi32, #tpu.memory_space<vmem>>
    %dma_start3A_139 = tpu.memref_squeeze %dma_start3A_138 : memref<1x48xi32, #tpu.memory_space<vmem>> -> memref<48xi32, #tpu.memory_space<vmem>>
    %dma_start3A_140 = arith.constant 0 : i32
    %dma_start3A_141 = arith.constant 0 : i32
    %dma_start3A_142 = tpu.memref_slice %arg2[%dma_start3A_140, %dma_start3A_141] : memref<100000x64xf32, #tpu.memory_space<hbm>> -> memref<100000x64xf32, #tpu.memory_space<hbm>>
    tpu.enqueue_indirect_dma source(%dma_start3A_142 : memref<100000x64xf32, #tpu.memory_space<hbm>>) target(%dma_start3A_136 : memref<48x64xf32, #tpu.memory_space<vmem>>) offsets(%dma_start3A_139 : memref<48xi32, #tpu.memory_space<vmem>>) semaphore(%arg9 : memref<!tpu.dma_semaphore, #tpu.memory_space<semaphore_mem>>)
    %dma_start3A_143 = arith.constant 14 : i32
    %dma_start3A_144 = arith.constant 672 : i32
    %dma_start3A_145 = arith.constant 0 : i32
    %dma_start3A_146 = tpu.memref_slice %arg6[%dma_start3A_144, %dma_start3A_145] : memref<768x64xf32, #tpu.memory_space<vmem>> -> memref<48x64xf32, #tpu.memory_space<vmem>>
    %dma_start3A_147 = arith.constant 0 : i32
    %dma_start3A_148 = tpu.memref_slice %arg5[%dma_start3A_143, %dma_start3A_147] : memref<512x48xi32, #tpu.memory_space<vmem>> -> memref<1x48xi32, #tpu.memory_space<vmem>>
    %dma_start3A_149 = tpu.memref_squeeze %dma_start3A_148 : memref<1x48xi32, #tpu.memory_space<vmem>> -> memref<48xi32, #tpu.memory_space<vmem>>
    %dma_start3A_150 = arith.constant 0 : i32
    %dma_start3A_151 = arith.constant 0 : i32
    %dma_start3A_152 = tpu.memref_slice %arg2[%dma_start3A_150, %dma_start3A_151] : memref<100000x64xf32, #tpu.memory_space<hbm>> -> memref<100000x64xf32, #tpu.memory_space<hbm>>
    tpu.enqueue_indirect_dma source(%dma_start3A_152 : memref<100000x64xf32, #tpu.memory_space<hbm>>) target(%dma_start3A_146 : memref<48x64xf32, #tpu.memory_space<vmem>>) offsets(%dma_start3A_149 : memref<48xi32, #tpu.memory_space<vmem>>) semaphore(%arg9 : memref<!tpu.dma_semaphore, #tpu.memory_space<semaphore_mem>>)
    %dma_start3A_153 = arith.constant 15 : i32
    %dma_start3A_154 = arith.constant 720 : i32
    %dma_start3A_155 = arith.constant 0 : i32
    %dma_start3A_156 = tpu.memref_slice %arg6[%dma_start3A_154, %dma_start3A_155] : memref<768x64xf32, #tpu.memory_space<vmem>> -> memref<48x64xf32, #tpu.memory_space<vmem>>
    %dma_start3A_157 = arith.constant 0 : i32
    %dma_start3A_158 = tpu.memref_slice %arg5[%dma_start3A_153, %dma_start3A_157] : memref<512x48xi32, #tpu.memory_space<vmem>> -> memref<1x48xi32, #tpu.memory_space<vmem>>
    %dma_start3A_159 = tpu.memref_squeeze %dma_start3A_158 : memref<1x48xi32, #tpu.memory_space<vmem>> -> memref<48xi32, #tpu.memory_space<vmem>>
    %dma_start3A_160 = arith.constant 0 : i32
    %dma_start3A_161 = arith.constant 0 : i32
    %dma_start3A_162 = tpu.memref_slice %arg2[%dma_start3A_160, %dma_start3A_161] : memref<100000x64xf32, #tpu.memory_space<hbm>> -> memref<100000x64xf32, #tpu.memory_space<hbm>>
    tpu.enqueue_indirect_dma source(%dma_start3A_162 : memref<100000x64xf32, #tpu.memory_space<hbm>>) target(%dma_start3A_156 : memref<48x64xf32, #tpu.memory_space<vmem>>) offsets(%dma_start3A_159 : memref<48xi32, #tpu.memory_space<vmem>>) semaphore(%arg9 : memref<!tpu.dma_semaphore, #tpu.memory_space<semaphore_mem>>)
    %scan3A = arith.constant 0 : i32
    %scan3A_163 = arith.constant 15 : i32
    %scan3A_164 = arith.addi %scan3A, %scan3A_163 : i32
    %scan3A_165 = arith.constant 1 : i32
    %scan3A_166:4 = scf.for %scan3A_729 = %scan3A to %scan3A_164 step %scan3A_165 iter_args(%scan3A_730 = %broadcast_in_dim3A_3, %scan3A_731 = %broadcast_in_dim3A_3, %scan3A_732 = %broadcast_in_dim3A_3, %scan3A_733 = %broadcast_in_dim3A_3) -> (vector<16xf32>, vector<16xf32>, vector<16xf32>, vector<16xf32>)  : i32 {
      %mul3A_734 = arith.constant 2 : i32
      %mul3A_735 = arith.muli %mul3A_734, %scan3A_729 : i32
      %add3A_736 = arith.constant 1 : i32
      %add3A_737 = arith.addi %mul3A_735, %add3A_736 : i32
      %mul3A_738 = arith.constant 16 : i32
      %mul3A_739 = arith.muli %add3A_737, %mul3A_738 : i32
      %add3A_740 = arith.constant 0 : i32
      %add3A_741 = arith.addi %mul3A_739, %add3A_740 : i32
      %dma_start3A_742 = arith.constant 0 : i32
      %dma_start3A_743 = arith.constant 0 : i32
      %dma_start3A_744 = tpu.memref_slice %arg7[%dma_start3A_742, %dma_start3A_743] : memref<768x64xf32, #tpu.memory_space<vmem>> -> memref<48x64xf32, #tpu.memory_space<vmem>>
      %dma_start3A_745 = arith.constant 0 : i32
      %dma_start3A_746 = tpu.memref_slice %arg5[%add3A_741, %dma_start3A_745] : memref<512x48xi32, #tpu.memory_space<vmem>> -> memref<1x48xi32, #tpu.memory_space<vmem>>
      %dma_start3A_747 = tpu.memref_squeeze %dma_start3A_746 : memref<1x48xi32, #tpu.memory_space<vmem>> -> memref<48xi32, #tpu.memory_space<vmem>>
      %dma_start3A_748 = arith.constant 0 : i32
      %dma_start3A_749 = arith.constant 0 : i32
      %dma_start3A_750 = tpu.memref_slice %arg2[%dma_start3A_748, %dma_start3A_749] : memref<100000x64xf32, #tpu.memory_space<hbm>> -> memref<100000x64xf32, #tpu.memory_space<hbm>>
      tpu.enqueue_indirect_dma source(%dma_start3A_750 : memref<100000x64xf32, #tpu.memory_space<hbm>>) target(%dma_start3A_744 : memref<48x64xf32, #tpu.memory_space<vmem>>) offsets(%dma_start3A_747 : memref<48xi32, #tpu.memory_space<vmem>>) semaphore(%arg10 : memref<!tpu.dma_semaphore, #tpu.memory_space<semaphore_mem>>)
      %mul3A_751 = arith.constant 16 : i32
      %mul3A_752 = arith.muli %add3A_737, %mul3A_751 : i32
      %add3A_753 = arith.constant 1 : i32
      %add3A_754 = arith.addi %mul3A_752, %add3A_753 : i32
      %dma_start3A_755 = arith.constant 48 : i32
      %dma_start3A_756 = arith.constant 0 : i32
      %dma_start3A_757 = tpu.memref_slice %arg7[%dma_start3A_755, %dma_start3A_756] : memref<768x64xf32, #tpu.memory_space<vmem>> -> memref<48x64xf32, #tpu.memory_space<vmem>>
      %dma_start3A_758 = arith.constant 0 : i32
      %dma_start3A_759 = tpu.memref_slice %arg5[%add3A_754, %dma_start3A_758] : memref<512x48xi32, #tpu.memory_space<vmem>> -> memref<1x48xi32, #tpu.memory_space<vmem>>
      %dma_start3A_760 = tpu.memref_squeeze %dma_start3A_759 : memref<1x48xi32, #tpu.memory_space<vmem>> -> memref<48xi32, #tpu.memory_space<vmem>>
      %dma_start3A_761 = arith.constant 0 : i32
      %dma_start3A_762 = arith.constant 0 : i32
      %dma_start3A_763 = tpu.memref_slice %arg2[%dma_start3A_761, %dma_start3A_762] : memref<100000x64xf32, #tpu.memory_space<hbm>> -> memref<100000x64xf32, #tpu.memory_space<hbm>>
      tpu.enqueue_indirect_dma source(%dma_start3A_763 : memref<100000x64xf32, #tpu.memory_space<hbm>>) target(%dma_start3A_757 : memref<48x64xf32, #tpu.memory_space<vmem>>) offsets(%dma_start3A_760 : memref<48xi32, #tpu.memory_space<vmem>>) semaphore(%arg10 : memref<!tpu.dma_semaphore, #tpu.memory_space<semaphore_mem>>)
      %mul3A_764 = arith.constant 16 : i32
      %mul3A_765 = arith.muli %add3A_737, %mul3A_764 : i32
      %add3A_766 = arith.constant 2 : i32
      %add3A_767 = arith.addi %mul3A_765, %add3A_766 : i32
      %dma_start3A_768 = arith.constant 96 : i32
      %dma_start3A_769 = arith.constant 0 : i32
      %dma_start3A_770 = tpu.memref_slice %arg7[%dma_start3A_768, %dma_start3A_769] : memref<768x64xf32, #tpu.memory_space<vmem>> -> memref<48x64xf32, #tpu.memory_space<vmem>>
      %dma_start3A_771 = arith.constant 0 : i32
      %dma_start3A_772 = tpu.memref_slice %arg5[%add3A_767, %dma_start3A_771] : memref<512x48xi32, #tpu.memory_space<vmem>> -> memref<1x48xi32, #tpu.memory_space<vmem>>
      %dma_start3A_773 = tpu.memref_squeeze %dma_start3A_772 : memref<1x48xi32, #tpu.memory_space<vmem>> -> memref<48xi32, #tpu.memory_space<vmem>>
      %dma_start3A_774 = arith.constant 0 : i32
      %dma_start3A_775 = arith.constant 0 : i32
      %dma_start3A_776 = tpu.memref_slice %arg2[%dma_start3A_774, %dma_start3A_775] : memref<100000x64xf32, #tpu.memory_space<hbm>> -> memref<100000x64xf32, #tpu.memory_space<hbm>>
      tpu.enqueue_indirect_dma source(%dma_start3A_776 : memref<100000x64xf32, #tpu.memory_space<hbm>>) target(%dma_start3A_770 : memref<48x64xf32, #tpu.memory_space<vmem>>) offsets(%dma_start3A_773 : memref<48xi32, #tpu.memory_space<vmem>>) semaphore(%arg10 : memref<!tpu.dma_semaphore, #tpu.memory_space<semaphore_mem>>)
      %mul3A_777 = arith.constant 16 : i32
      %mul3A_778 = arith.muli %add3A_737, %mul3A_777 : i32
      %add3A_779 = arith.constant 3 : i32
      %add3A_780 = arith.addi %mul3A_778, %add3A_779 : i32
      %dma_start3A_781 = arith.constant 144 : i32
      %dma_start3A_782 = arith.constant 0 : i32
      %dma_start3A_783 = tpu.memref_slice %arg7[%dma_start3A_781, %dma_start3A_782] : memref<768x64xf32, #tpu.memory_space<vmem>> -> memref<48x64xf32, #tpu.memory_space<vmem>>
      %dma_start3A_784 = arith.constant 0 : i32
      %dma_start3A_785 = tpu.memref_slice %arg5[%add3A_780, %dma_start3A_784] : memref<512x48xi32, #tpu.memory_space<vmem>> -> memref<1x48xi32, #tpu.memory_space<vmem>>
      %dma_start3A_786 = tpu.memref_squeeze %dma_start3A_785 : memref<1x48xi32, #tpu.memory_space<vmem>> -> memref<48xi32, #tpu.memory_space<vmem>>
      %dma_start3A_787 = arith.constant 0 : i32
      %dma_start3A_788 = arith.constant 0 : i32
      %dma_start3A_789 = tpu.memref_slice %arg2[%dma_start3A_787, %dma_start3A_788] : memref<100000x64xf32, #tpu.memory_space<hbm>> -> memref<100000x64xf32, #tpu.memory_space<hbm>>
      tpu.enqueue_indirect_dma source(%dma_start3A_789 : memref<100000x64xf32, #tpu.memory_space<hbm>>) target(%dma_start3A_783 : memref<48x64xf32, #tpu.memory_space<vmem>>) offsets(%dma_start3A_786 : memref<48xi32, #tpu.memory_space<vmem>>) semaphore(%arg10 : memref<!tpu.dma_semaphore, #tpu.memory_space<semaphore_mem>>)
      %mul3A_790 = arith.constant 16 : i32
      %mul3A_791 = arith.muli %add3A_737, %mul3A_790 : i32
      %add3A_792 = arith.constant 4 : i32
      %add3A_793 = arith.addi %mul3A_791, %add3A_792 : i32
      %dma_start3A_794 = arith.constant 192 : i32
      %dma_start3A_795 = arith.constant 0 : i32
      %dma_start3A_796 = tpu.memref_slice %arg7[%dma_start3A_794, %dma_start3A_795] : memref<768x64xf32, #tpu.memory_space<vmem>> -> memref<48x64xf32, #tpu.memory_space<vmem>>
      %dma_start3A_797 = arith.constant 0 : i32
      %dma_start3A_798 = tpu.memref_slice %arg5[%add3A_793, %dma_start3A_797] : memref<512x48xi32, #tpu.memory_space<vmem>> -> memref<1x48xi32, #tpu.memory_space<vmem>>
      %dma_start3A_799 = tpu.memref_squeeze %dma_start3A_798 : memref<1x48xi32, #tpu.memory_space<vmem>> -> memref<48xi32, #tpu.memory_space<vmem>>
      %dma_start3A_800 = arith.constant 0 : i32
      %dma_start3A_801 = arith.constant 0 : i32
      %dma_start3A_802 = tpu.memref_slice %arg2[%dma_start3A_800, %dma_start3A_801] : memref<100000x64xf32, #tpu.memory_space<hbm>> -> memref<100000x64xf32, #tpu.memory_space<hbm>>
      tpu.enqueue_indirect_dma source(%dma_start3A_802 : memref<100000x64xf32, #tpu.memory_space<hbm>>) target(%dma_start3A_796 : memref<48x64xf32, #tpu.memory_space<vmem>>) offsets(%dma_start3A_799 : memref<48xi32, #tpu.memory_space<vmem>>) semaphore(%arg10 : memref<!tpu.dma_semaphore, #tpu.memory_space<semaphore_mem>>)
      %mul3A_803 = arith.constant 16 : i32
      %mul3A_804 = arith.muli %add3A_737, %mul3A_803 : i32
      %add3A_805 = arith.constant 5 : i32
      %add3A_806 = arith.addi %mul3A_804, %add3A_805 : i32
      %dma_start3A_807 = arith.constant 240 : i32
      %dma_start3A_808 = arith.constant 0 : i32
      %dma_start3A_809 = tpu.memref_slice %arg7[%dma_start3A_807, %dma_start3A_808] : memref<768x64xf32, #tpu.memory_space<vmem>> -> memref<48x64xf32, #tpu.memory_space<vmem>>
      %dma_start3A_810 = arith.constant 0 : i32
      %dma_start3A_811 = tpu.memref_slice %arg5[%add3A_806, %dma_start3A_810] : memref<512x48xi32, #tpu.memory_space<vmem>> -> memref<1x48xi32, #tpu.memory_space<vmem>>
      %dma_start3A_812 = tpu.memref_squeeze %dma_start3A_811 : memref<1x48xi32, #tpu.memory_space<vmem>> -> memref<48xi32, #tpu.memory_space<vmem>>
      %dma_start3A_813 = arith.constant 0 : i32
      %dma_start3A_814 = arith.constant 0 : i32
      %dma_start3A_815 = tpu.memref_slice %arg2[%dma_start3A_813, %dma_start3A_814] : memref<100000x64xf32, #tpu.memory_space<hbm>> -> memref<100000x64xf32, #tpu.memory_space<hbm>>
      tpu.enqueue_indirect_dma source(%dma_start3A_815 : memref<100000x64xf32, #tpu.memory_space<hbm>>) target(%dma_start3A_809 : memref<48x64xf32, #tpu.memory_space<vmem>>) offsets(%dma_start3A_812 : memref<48xi32, #tpu.memory_space<vmem>>) semaphore(%arg10 : memref<!tpu.dma_semaphore, #tpu.memory_space<semaphore_mem>>)
      %mul3A_816 = arith.constant 16 : i32
      %mul3A_817 = arith.muli %add3A_737, %mul3A_816 : i32
      %add3A_818 = arith.constant 6 : i32
      %add3A_819 = arith.addi %mul3A_817, %add3A_818 : i32
      %dma_start3A_820 = arith.constant 288 : i32
      %dma_start3A_821 = arith.constant 0 : i32
      %dma_start3A_822 = tpu.memref_slice %arg7[%dma_start3A_820, %dma_start3A_821] : memref<768x64xf32, #tpu.memory_space<vmem>> -> memref<48x64xf32, #tpu.memory_space<vmem>>
      %dma_start3A_823 = arith.constant 0 : i32
      %dma_start3A_824 = tpu.memref_slice %arg5[%add3A_819, %dma_start3A_823] : memref<512x48xi32, #tpu.memory_space<vmem>> -> memref<1x48xi32, #tpu.memory_space<vmem>>
      %dma_start3A_825 = tpu.memref_squeeze %dma_start3A_824 : memref<1x48xi32, #tpu.memory_space<vmem>> -> memref<48xi32, #tpu.memory_space<vmem>>
      %dma_start3A_826 = arith.constant 0 : i32
      %dma_start3A_827 = arith.constant 0 : i32
      %dma_start3A_828 = tpu.memref_slice %arg2[%dma_start3A_826, %dma_start3A_827] : memref<100000x64xf32, #tpu.memory_space<hbm>> -> memref<100000x64xf32, #tpu.memory_space<hbm>>
      tpu.enqueue_indirect_dma source(%dma_start3A_828 : memref<100000x64xf32, #tpu.memory_space<hbm>>) target(%dma_start3A_822 : memref<48x64xf32, #tpu.memory_space<vmem>>) offsets(%dma_start3A_825 : memref<48xi32, #tpu.memory_space<vmem>>) semaphore(%arg10 : memref<!tpu.dma_semaphore, #tpu.memory_space<semaphore_mem>>)
      %mul3A_829 = arith.constant 16 : i32
      %mul3A_830 = arith.muli %add3A_737, %mul3A_829 : i32
      %add3A_831 = arith.constant 7 : i32
      %add3A_832 = arith.addi %mul3A_830, %add3A_831 : i32
      %dma_start3A_833 = arith.constant 336 : i32
      %dma_start3A_834 = arith.constant 0 : i32
      %dma_start3A_835 = tpu.memref_slice %arg7[%dma_start3A_833, %dma_start3A_834] : memref<768x64xf32, #tpu.memory_space<vmem>> -> memref<48x64xf32, #tpu.memory_space<vmem>>
      %dma_start3A_836 = arith.constant 0 : i32
      %dma_start3A_837 = tpu.memref_slice %arg5[%add3A_832, %dma_start3A_836] : memref<512x48xi32, #tpu.memory_space<vmem>> -> memref<1x48xi32, #tpu.memory_space<vmem>>
      %dma_start3A_838 = tpu.memref_squeeze %dma_start3A_837 : memref<1x48xi32, #tpu.memory_space<vmem>> -> memref<48xi32, #tpu.memory_space<vmem>>
      %dma_start3A_839 = arith.constant 0 : i32
      %dma_start3A_840 = arith.constant 0 : i32
      %dma_start3A_841 = tpu.memref_slice %arg2[%dma_start3A_839, %dma_start3A_840] : memref<100000x64xf32, #tpu.memory_space<hbm>> -> memref<100000x64xf32, #tpu.memory_space<hbm>>
      tpu.enqueue_indirect_dma source(%dma_start3A_841 : memref<100000x64xf32, #tpu.memory_space<hbm>>) target(%dma_start3A_835 : memref<48x64xf32, #tpu.memory_space<vmem>>) offsets(%dma_start3A_838 : memref<48xi32, #tpu.memory_space<vmem>>) semaphore(%arg10 : memref<!tpu.dma_semaphore, #tpu.memory_space<semaphore_mem>>)
      %mul3A_842 = arith.constant 16 : i32
      %mul3A_843 = arith.muli %add3A_737, %mul3A_842 : i32
      %add3A_844 = arith.constant 8 : i32
      %add3A_845 = arith.addi %mul3A_843, %add3A_844 : i32
      %dma_start3A_846 = arith.constant 384 : i32
      %dma_start3A_847 = arith.constant 0 : i32
      %dma_start3A_848 = tpu.memref_slice %arg7[%dma_start3A_846, %dma_start3A_847] : memref<768x64xf32, #tpu.memory_space<vmem>> -> memref<48x64xf32, #tpu.memory_space<vmem>>
      %dma_start3A_849 = arith.constant 0 : i32
      %dma_start3A_850 = tpu.memref_slice %arg5[%add3A_845, %dma_start3A_849] : memref<512x48xi32, #tpu.memory_space<vmem>> -> memref<1x48xi32, #tpu.memory_space<vmem>>
      %dma_start3A_851 = tpu.memref_squeeze %dma_start3A_850 : memref<1x48xi32, #tpu.memory_space<vmem>> -> memref<48xi32, #tpu.memory_space<vmem>>
      %dma_start3A_852 = arith.constant 0 : i32
      %dma_start3A_853 = arith.constant 0 : i32
      %dma_start3A_854 = tpu.memref_slice %arg2[%dma_start3A_852, %dma_start3A_853] : memref<100000x64xf32, #tpu.memory_space<hbm>> -> memref<100000x64xf32, #tpu.memory_space<hbm>>
      tpu.enqueue_indirect_dma source(%dma_start3A_854 : memref<100000x64xf32, #tpu.memory_space<hbm>>) target(%dma_start3A_848 : memref<48x64xf32, #tpu.memory_space<vmem>>) offsets(%dma_start3A_851 : memref<48xi32, #tpu.memory_space<vmem>>) semaphore(%arg10 : memref<!tpu.dma_semaphore, #tpu.memory_space<semaphore_mem>>)
      %mul3A_855 = arith.constant 16 : i32
      %mul3A_856 = arith.muli %add3A_737, %mul3A_855 : i32
      %add3A_857 = arith.constant 9 : i32
      %add3A_858 = arith.addi %mul3A_856, %add3A_857 : i32
      %dma_start3A_859 = arith.constant 432 : i32
      %dma_start3A_860 = arith.constant 0 : i32
      %dma_start3A_861 = tpu.memref_slice %arg7[%dma_start3A_859, %dma_start3A_860] : memref<768x64xf32, #tpu.memory_space<vmem>> -> memref<48x64xf32, #tpu.memory_space<vmem>>
      %dma_start3A_862 = arith.constant 0 : i32
      %dma_start3A_863 = tpu.memref_slice %arg5[%add3A_858, %dma_start3A_862] : memref<512x48xi32, #tpu.memory_space<vmem>> -> memref<1x48xi32, #tpu.memory_space<vmem>>
      %dma_start3A_864 = tpu.memref_squeeze %dma_start3A_863 : memref<1x48xi32, #tpu.memory_space<vmem>> -> memref<48xi32, #tpu.memory_space<vmem>>
      %dma_start3A_865 = arith.constant 0 : i32
      %dma_start3A_866 = arith.constant 0 : i32
      %dma_start3A_867 = tpu.memref_slice %arg2[%dma_start3A_865, %dma_start3A_866] : memref<100000x64xf32, #tpu.memory_space<hbm>> -> memref<100000x64xf32, #tpu.memory_space<hbm>>
      tpu.enqueue_indirect_dma source(%dma_start3A_867 : memref<100000x64xf32, #tpu.memory_space<hbm>>) target(%dma_start3A_861 : memref<48x64xf32, #tpu.memory_space<vmem>>) offsets(%dma_start3A_864 : memref<48xi32, #tpu.memory_space<vmem>>) semaphore(%arg10 : memref<!tpu.dma_semaphore, #tpu.memory_space<semaphore_mem>>)
      %mul3A_868 = arith.constant 16 : i32
      %mul3A_869 = arith.muli %add3A_737, %mul3A_868 : i32
      %add3A_870 = arith.constant 10 : i32
      %add3A_871 = arith.addi %mul3A_869, %add3A_870 : i32
      %dma_start3A_872 = arith.constant 480 : i32
      %dma_start3A_873 = arith.constant 0 : i32
      %dma_start3A_874 = tpu.memref_slice %arg7[%dma_start3A_872, %dma_start3A_873] : memref<768x64xf32, #tpu.memory_space<vmem>> -> memref<48x64xf32, #tpu.memory_space<vmem>>
      %dma_start3A_875 = arith.constant 0 : i32
      %dma_start3A_876 = tpu.memref_slice %arg5[%add3A_871, %dma_start3A_875] : memref<512x48xi32, #tpu.memory_space<vmem>> -> memref<1x48xi32, #tpu.memory_space<vmem>>
      %dma_start3A_877 = tpu.memref_squeeze %dma_start3A_876 : memref<1x48xi32, #tpu.memory_space<vmem>> -> memref<48xi32, #tpu.memory_space<vmem>>
      %dma_start3A_878 = arith.constant 0 : i32
      %dma_start3A_879 = arith.constant 0 : i32
      %dma_start3A_880 = tpu.memref_slice %arg2[%dma_start3A_878, %dma_start3A_879] : memref<100000x64xf32, #tpu.memory_space<hbm>> -> memref<100000x64xf32, #tpu.memory_space<hbm>>
      tpu.enqueue_indirect_dma source(%dma_start3A_880 : memref<100000x64xf32, #tpu.memory_space<hbm>>) target(%dma_start3A_874 : memref<48x64xf32, #tpu.memory_space<vmem>>) offsets(%dma_start3A_877 : memref<48xi32, #tpu.memory_space<vmem>>) semaphore(%arg10 : memref<!tpu.dma_semaphore, #tpu.memory_space<semaphore_mem>>)
      %mul3A_881 = arith.constant 16 : i32
      %mul3A_882 = arith.muli %add3A_737, %mul3A_881 : i32
      %add3A_883 = arith.constant 11 : i32
      %add3A_884 = arith.addi %mul3A_882, %add3A_883 : i32
      %dma_start3A_885 = arith.constant 528 : i32
      %dma_start3A_886 = arith.constant 0 : i32
      %dma_start3A_887 = tpu.memref_slice %arg7[%dma_start3A_885, %dma_start3A_886] : memref<768x64xf32, #tpu.memory_space<vmem>> -> memref<48x64xf32, #tpu.memory_space<vmem>>
      %dma_start3A_888 = arith.constant 0 : i32
      %dma_start3A_889 = tpu.memref_slice %arg5[%add3A_884, %dma_start3A_888] : memref<512x48xi32, #tpu.memory_space<vmem>> -> memref<1x48xi32, #tpu.memory_space<vmem>>
      %dma_start3A_890 = tpu.memref_squeeze %dma_start3A_889 : memref<1x48xi32, #tpu.memory_space<vmem>> -> memref<48xi32, #tpu.memory_space<vmem>>
      %dma_start3A_891 = arith.constant 0 : i32
      %dma_start3A_892 = arith.constant 0 : i32
      %dma_start3A_893 = tpu.memref_slice %arg2[%dma_start3A_891, %dma_start3A_892] : memref<100000x64xf32, #tpu.memory_space<hbm>> -> memref<100000x64xf32, #tpu.memory_space<hbm>>
      tpu.enqueue_indirect_dma source(%dma_start3A_893 : memref<100000x64xf32, #tpu.memory_space<hbm>>) target(%dma_start3A_887 : memref<48x64xf32, #tpu.memory_space<vmem>>) offsets(%dma_start3A_890 : memref<48xi32, #tpu.memory_space<vmem>>) semaphore(%arg10 : memref<!tpu.dma_semaphore, #tpu.memory_space<semaphore_mem>>)
      %mul3A_894 = arith.constant 16 : i32
      %mul3A_895 = arith.muli %add3A_737, %mul3A_894 : i32
      %add3A_896 = arith.constant 12 : i32
      %add3A_897 = arith.addi %mul3A_895, %add3A_896 : i32
      %dma_start3A_898 = arith.constant 576 : i32
      %dma_start3A_899 = arith.constant 0 : i32
      %dma_start3A_900 = tpu.memref_slice %arg7[%dma_start3A_898, %dma_start3A_899] : memref<768x64xf32, #tpu.memory_space<vmem>> -> memref<48x64xf32, #tpu.memory_space<vmem>>
      %dma_start3A_901 = arith.constant 0 : i32
      %dma_start3A_902 = tpu.memref_slice %arg5[%add3A_897, %dma_start3A_901] : memref<512x48xi32, #tpu.memory_space<vmem>> -> memref<1x48xi32, #tpu.memory_space<vmem>>
      %dma_start3A_903 = tpu.memref_squeeze %dma_start3A_902 : memref<1x48xi32, #tpu.memory_space<vmem>> -> memref<48xi32, #tpu.memory_space<vmem>>
      %dma_start3A_904 = arith.constant 0 : i32
      %dma_start3A_905 = arith.constant 0 : i32
      %dma_start3A_906 = tpu.memref_slice %arg2[%dma_start3A_904, %dma_start3A_905] : memref<100000x64xf32, #tpu.memory_space<hbm>> -> memref<100000x64xf32, #tpu.memory_space<hbm>>
      tpu.enqueue_indirect_dma source(%dma_start3A_906 : memref<100000x64xf32, #tpu.memory_space<hbm>>) target(%dma_start3A_900 : memref<48x64xf32, #tpu.memory_space<vmem>>) offsets(%dma_start3A_903 : memref<48xi32, #tpu.memory_space<vmem>>) semaphore(%arg10 : memref<!tpu.dma_semaphore, #tpu.memory_space<semaphore_mem>>)
      %mul3A_907 = arith.constant 16 : i32
      %mul3A_908 = arith.muli %add3A_737, %mul3A_907 : i32
      %add3A_909 = arith.constant 13 : i32
      %add3A_910 = arith.addi %mul3A_908, %add3A_909 : i32
      %dma_start3A_911 = arith.constant 624 : i32
      %dma_start3A_912 = arith.constant 0 : i32
      %dma_start3A_913 = tpu.memref_slice %arg7[%dma_start3A_911, %dma_start3A_912] : memref<768x64xf32, #tpu.memory_space<vmem>> -> memref<48x64xf32, #tpu.memory_space<vmem>>
      %dma_start3A_914 = arith.constant 0 : i32
      %dma_start3A_915 = tpu.memref_slice %arg5[%add3A_910, %dma_start3A_914] : memref<512x48xi32, #tpu.memory_space<vmem>> -> memref<1x48xi32, #tpu.memory_space<vmem>>
      %dma_start3A_916 = tpu.memref_squeeze %dma_start3A_915 : memref<1x48xi32, #tpu.memory_space<vmem>> -> memref<48xi32, #tpu.memory_space<vmem>>
      %dma_start3A_917 = arith.constant 0 : i32
      %dma_start3A_918 = arith.constant 0 : i32
      %dma_start3A_919 = tpu.memref_slice %arg2[%dma_start3A_917, %dma_start3A_918] : memref<100000x64xf32, #tpu.memory_space<hbm>> -> memref<100000x64xf32, #tpu.memory_space<hbm>>
      tpu.enqueue_indirect_dma source(%dma_start3A_919 : memref<100000x64xf32, #tpu.memory_space<hbm>>) target(%dma_start3A_913 : memref<48x64xf32, #tpu.memory_space<vmem>>) offsets(%dma_start3A_916 : memref<48xi32, #tpu.memory_space<vmem>>) semaphore(%arg10 : memref<!tpu.dma_semaphore, #tpu.memory_space<semaphore_mem>>)
      %mul3A_920 = arith.constant 16 : i32
      %mul3A_921 = arith.muli %add3A_737, %mul3A_920 : i32
      %add3A_922 = arith.constant 14 : i32
      %add3A_923 = arith.addi %mul3A_921, %add3A_922 : i32
      %dma_start3A_924 = arith.constant 672 : i32
      %dma_start3A_925 = arith.constant 0 : i32
      %dma_start3A_926 = tpu.memref_slice %arg7[%dma_start3A_924, %dma_start3A_925] : memref<768x64xf32, #tpu.memory_space<vmem>> -> memref<48x64xf32, #tpu.memory_space<vmem>>
      %dma_start3A_927 = arith.constant 0 : i32
      %dma_start3A_928 = tpu.memref_slice %arg5[%add3A_923, %dma_start3A_927] : memref<512x48xi32, #tpu.memory_space<vmem>> -> memref<1x48xi32, #tpu.memory_space<vmem>>
      %dma_start3A_929 = tpu.memref_squeeze %dma_start3A_928 : memref<1x48xi32, #tpu.memory_space<vmem>> -> memref<48xi32, #tpu.memory_space<vmem>>
      %dma_start3A_930 = arith.constant 0 : i32
      %dma_start3A_931 = arith.constant 0 : i32
      %dma_start3A_932 = tpu.memref_slice %arg2[%dma_start3A_930, %dma_start3A_931] : memref<100000x64xf32, #tpu.memory_space<hbm>> -> memref<100000x64xf32, #tpu.memory_space<hbm>>
      tpu.enqueue_indirect_dma source(%dma_start3A_932 : memref<100000x64xf32, #tpu.memory_space<hbm>>) target(%dma_start3A_926 : memref<48x64xf32, #tpu.memory_space<vmem>>) offsets(%dma_start3A_929 : memref<48xi32, #tpu.memory_space<vmem>>) semaphore(%arg10 : memref<!tpu.dma_semaphore, #tpu.memory_space<semaphore_mem>>)
      %mul3A_933 = arith.constant 16 : i32
      %mul3A_934 = arith.muli %add3A_737, %mul3A_933 : i32
      %add3A_935 = arith.constant 15 : i32
      %add3A_936 = arith.addi %mul3A_934, %add3A_935 : i32
      %dma_start3A_937 = arith.constant 720 : i32
      %dma_start3A_938 = arith.constant 0 : i32
      %dma_start3A_939 = tpu.memref_slice %arg7[%dma_start3A_937, %dma_start3A_938] : memref<768x64xf32, #tpu.memory_space<vmem>> -> memref<48x64xf32, #tpu.memory_space<vmem>>
      %dma_start3A_940 = arith.constant 0 : i32
      %dma_start3A_941 = tpu.memref_slice %arg5[%add3A_936, %dma_start3A_940] : memref<512x48xi32, #tpu.memory_space<vmem>> -> memref<1x48xi32, #tpu.memory_space<vmem>>
      %dma_start3A_942 = tpu.memref_squeeze %dma_start3A_941 : memref<1x48xi32, #tpu.memory_space<vmem>> -> memref<48xi32, #tpu.memory_space<vmem>>
      %dma_start3A_943 = arith.constant 0 : i32
      %dma_start3A_944 = arith.constant 0 : i32
      %dma_start3A_945 = tpu.memref_slice %arg2[%dma_start3A_943, %dma_start3A_944] : memref<100000x64xf32, #tpu.memory_space<hbm>> -> memref<100000x64xf32, #tpu.memory_space<hbm>>
      tpu.enqueue_indirect_dma source(%dma_start3A_945 : memref<100000x64xf32, #tpu.memory_space<hbm>>) target(%dma_start3A_939 : memref<48x64xf32, #tpu.memory_space<vmem>>) offsets(%dma_start3A_942 : memref<48xi32, #tpu.memory_space<vmem>>) semaphore(%arg10 : memref<!tpu.dma_semaphore, #tpu.memory_space<semaphore_mem>>)
      %dma_wait3A_946 = arith.constant 0 : i32
      %dma_wait3A_947 = arith.constant 0 : i32
      %dma_wait3A_948 = tpu.memref_slice %arg6[%dma_wait3A_946, %dma_wait3A_947] : memref<768x64xf32, #tpu.memory_space<vmem>> -> memref<48x64xf32, #tpu.memory_space<vmem>>
      %dma_wait3A_949 = arith.constant 0 : i32
      %dma_wait3A_950 = arith.constant 0 : i32
      %dma_wait3A_951 = tpu.memref_slice %arg2[%dma_wait3A_949, %dma_wait3A_950] : memref<100000x64xf32, #tpu.memory_space<hbm>> -> memref<48x64xf32, #tpu.memory_space<hbm>>
      %dma_wait3A_952 = arith.constant 0 : i32
      %dma_wait3A_953 = arith.constant 0 : i32
      %dma_wait3A_954 = tpu.memref_slice %arg6[%dma_wait3A_952, %dma_wait3A_953] : memref<768x64xf32, #tpu.memory_space<vmem>> -> memref<48x64xf32, #tpu.memory_space<vmem>>
      %dma_wait3A_955 = arith.constant 0 : i32
      %dma_wait3A_956 = arith.constant 0 : i32
      %dma_wait3A_957 = tpu.memref_slice %arg2[%dma_wait3A_955, %dma_wait3A_956] : memref<100000x64xf32, #tpu.memory_space<hbm>> -> memref<48x64xf32, #tpu.memory_space<hbm>>
      tpu.wait_dma2 semaphore(%arg9 : memref<!tpu.dma_semaphore, #tpu.memory_space<semaphore_mem>>) src(%dma_wait3A_957 : memref<48x64xf32, #tpu.memory_space<hbm>>) dst(%dma_wait3A_954 : memref<48x64xf32, #tpu.memory_space<vmem>>)
      %dma_wait3A_958 = arith.constant 48 : i32
      %dma_wait3A_959 = arith.constant 0 : i32
      %dma_wait3A_960 = tpu.memref_slice %arg6[%dma_wait3A_958, %dma_wait3A_959] : memref<768x64xf32, #tpu.memory_space<vmem>> -> memref<48x64xf32, #tpu.memory_space<vmem>>
      %dma_wait3A_961 = arith.constant 0 : i32
      %dma_wait3A_962 = arith.constant 0 : i32
      %dma_wait3A_963 = tpu.memref_slice %arg2[%dma_wait3A_961, %dma_wait3A_962] : memref<100000x64xf32, #tpu.memory_space<hbm>> -> memref<48x64xf32, #tpu.memory_space<hbm>>
      %dma_wait3A_964 = arith.constant 48 : i32
      %dma_wait3A_965 = arith.constant 0 : i32
      %dma_wait3A_966 = tpu.memref_slice %arg6[%dma_wait3A_964, %dma_wait3A_965] : memref<768x64xf32, #tpu.memory_space<vmem>> -> memref<48x64xf32, #tpu.memory_space<vmem>>
      %dma_wait3A_967 = arith.constant 0 : i32
      %dma_wait3A_968 = arith.constant 0 : i32
      %dma_wait3A_969 = tpu.memref_slice %arg2[%dma_wait3A_967, %dma_wait3A_968] : memref<100000x64xf32, #tpu.memory_space<hbm>> -> memref<48x64xf32, #tpu.memory_space<hbm>>
      tpu.wait_dma2 semaphore(%arg9 : memref<!tpu.dma_semaphore, #tpu.memory_space<semaphore_mem>>) src(%dma_wait3A_969 : memref<48x64xf32, #tpu.memory_space<hbm>>) dst(%dma_wait3A_966 : memref<48x64xf32, #tpu.memory_space<vmem>>)
      %dma_wait3A_970 = arith.constant 96 : i32
      %dma_wait3A_971 = arith.constant 0 : i32
      %dma_wait3A_972 = tpu.memref_slice %arg6[%dma_wait3A_970, %dma_wait3A_971] : memref<768x64xf32, #tpu.memory_space<vmem>> -> memref<48x64xf32, #tpu.memory_space<vmem>>
      %dma_wait3A_973 = arith.constant 0 : i32
      %dma_wait3A_974 = arith.constant 0 : i32
      %dma_wait3A_975 = tpu.memref_slice %arg2[%dma_wait3A_973, %dma_wait3A_974] : memref<100000x64xf32, #tpu.memory_space<hbm>> -> memref<48x64xf32, #tpu.memory_space<hbm>>
      %dma_wait3A_976 = arith.constant 96 : i32
      %dma_wait3A_977 = arith.constant 0 : i32
      %dma_wait3A_978 = tpu.memref_slice %arg6[%dma_wait3A_976, %dma_wait3A_977] : memref<768x64xf32, #tpu.memory_space<vmem>> -> memref<48x64xf32, #tpu.memory_space<vmem>>
      %dma_wait3A_979 = arith.constant 0 : i32
      %dma_wait3A_980 = arith.constant 0 : i32
      %dma_wait3A_981 = tpu.memref_slice %arg2[%dma_wait3A_979, %dma_wait3A_980] : memref<100000x64xf32, #tpu.memory_space<hbm>> -> memref<48x64xf32, #tpu.memory_space<hbm>>
      tpu.wait_dma2 semaphore(%arg9 : memref<!tpu.dma_semaphore, #tpu.memory_space<semaphore_mem>>) src(%dma_wait3A_981 : memref<48x64xf32, #tpu.memory_space<hbm>>) dst(%dma_wait3A_978 : memref<48x64xf32, #tpu.memory_space<vmem>>)
      %dma_wait3A_982 = arith.constant 144 : i32
      %dma_wait3A_983 = arith.constant 0 : i32
      %dma_wait3A_984 = tpu.memref_slice %arg6[%dma_wait3A_982, %dma_wait3A_983] : memref<768x64xf32, #tpu.memory_space<vmem>> -> memref<48x64xf32, #tpu.memory_space<vmem>>
      %dma_wait3A_985 = arith.constant 0 : i32
      %dma_wait3A_986 = arith.constant 0 : i32
      %dma_wait3A_987 = tpu.memref_slice %arg2[%dma_wait3A_985, %dma_wait3A_986] : memref<100000x64xf32, #tpu.memory_space<hbm>> -> memref<48x64xf32, #tpu.memory_space<hbm>>
      %dma_wait3A_988 = arith.constant 144 : i32
      %dma_wait3A_989 = arith.constant 0 : i32
      %dma_wait3A_990 = tpu.memref_slice %arg6[%dma_wait3A_988, %dma_wait3A_989] : memref<768x64xf32, #tpu.memory_space<vmem>> -> memref<48x64xf32, #tpu.memory_space<vmem>>
      %dma_wait3A_991 = arith.constant 0 : i32
      %dma_wait3A_992 = arith.constant 0 : i32
      %dma_wait3A_993 = tpu.memref_slice %arg2[%dma_wait3A_991, %dma_wait3A_992] : memref<100000x64xf32, #tpu.memory_space<hbm>> -> memref<48x64xf32, #tpu.memory_space<hbm>>
      tpu.wait_dma2 semaphore(%arg9 : memref<!tpu.dma_semaphore, #tpu.memory_space<semaphore_mem>>) src(%dma_wait3A_993 : memref<48x64xf32, #tpu.memory_space<hbm>>) dst(%dma_wait3A_990 : memref<48x64xf32, #tpu.memory_space<vmem>>)
      %dma_wait3A_994 = arith.constant 192 : i32
      %dma_wait3A_995 = arith.constant 0 : i32
      %dma_wait3A_996 = tpu.memref_slice %arg6[%dma_wait3A_994, %dma_wait3A_995] : memref<768x64xf32, #tpu.memory_space<vmem>> -> memref<48x64xf32, #tpu.memory_space<vmem>>
      %dma_wait3A_997 = arith.constant 0 : i32
      %dma_wait3A_998 = arith.constant 0 : i32
      %dma_wait3A_999 = tpu.memref_slice %arg2[%dma_wait3A_997, %dma_wait3A_998] : memref<100000x64xf32, #tpu.memory_space<hbm>> -> memref<48x64xf32, #tpu.memory_space<hbm>>
      %dma_wait3A_1000 = arith.constant 192 : i32
      %dma_wait3A_1001 = arith.constant 0 : i32
      %dma_wait3A_1002 = tpu.memref_slice %arg6[%dma_wait3A_1000, %dma_wait3A_1001] : memref<768x64xf32, #tpu.memory_space<vmem>> -> memref<48x64xf32, #tpu.memory_space<vmem>>
      %dma_wait3A_1003 = arith.constant 0 : i32
      %dma_wait3A_1004 = arith.constant 0 : i32
      %dma_wait3A_1005 = tpu.memref_slice %arg2[%dma_wait3A_1003, %dma_wait3A_1004] : memref<100000x64xf32, #tpu.memory_space<hbm>> -> memref<48x64xf32, #tpu.memory_space<hbm>>
      tpu.wait_dma2 semaphore(%arg9 : memref<!tpu.dma_semaphore, #tpu.memory_space<semaphore_mem>>) src(%dma_wait3A_1005 : memref<48x64xf32, #tpu.memory_space<hbm>>) dst(%dma_wait3A_1002 : memref<48x64xf32, #tpu.memory_space<vmem>>)
      %dma_wait3A_1006 = arith.constant 240 : i32
      %dma_wait3A_1007 = arith.constant 0 : i32
      %dma_wait3A_1008 = tpu.memref_slice %arg6[%dma_wait3A_1006, %dma_wait3A_1007] : memref<768x64xf32, #tpu.memory_space<vmem>> -> memref<48x64xf32, #tpu.memory_space<vmem>>
      %dma_wait3A_1009 = arith.constant 0 : i32
      %dma_wait3A_1010 = arith.constant 0 : i32
      %dma_wait3A_1011 = tpu.memref_slice %arg2[%dma_wait3A_1009, %dma_wait3A_1010] : memref<100000x64xf32, #tpu.memory_space<hbm>> -> memref<48x64xf32, #tpu.memory_space<hbm>>
      %dma_wait3A_1012 = arith.constant 240 : i32
      %dma_wait3A_1013 = arith.constant 0 : i32
      %dma_wait3A_1014 = tpu.memref_slice %arg6[%dma_wait3A_1012, %dma_wait3A_1013] : memref<768x64xf32, #tpu.memory_space<vmem>> -> memref<48x64xf32, #tpu.memory_space<vmem>>
      %dma_wait3A_1015 = arith.constant 0 : i32
      %dma_wait3A_1016 = arith.constant 0 : i32
      %dma_wait3A_1017 = tpu.memref_slice %arg2[%dma_wait3A_1015, %dma_wait3A_1016] : memref<100000x64xf32, #tpu.memory_space<hbm>> -> memref<48x64xf32, #tpu.memory_space<hbm>>
      tpu.wait_dma2 semaphore(%arg9 : memref<!tpu.dma_semaphore, #tpu.memory_space<semaphore_mem>>) src(%dma_wait3A_1017 : memref<48x64xf32, #tpu.memory_space<hbm>>) dst(%dma_wait3A_1014 : memref<48x64xf32, #tpu.memory_space<vmem>>)
      %dma_wait3A_1018 = arith.constant 288 : i32
      %dma_wait3A_1019 = arith.constant 0 : i32
      %dma_wait3A_1020 = tpu.memref_slice %arg6[%dma_wait3A_1018, %dma_wait3A_1019] : memref<768x64xf32, #tpu.memory_space<vmem>> -> memref<48x64xf32, #tpu.memory_space<vmem>>
      %dma_wait3A_1021 = arith.constant 0 : i32
      %dma_wait3A_1022 = arith.constant 0 : i32
      %dma_wait3A_1023 = tpu.memref_slice %arg2[%dma_wait3A_1021, %dma_wait3A_1022] : memref<100000x64xf32, #tpu.memory_space<hbm>> -> memref<48x64xf32, #tpu.memory_space<hbm>>
      %dma_wait3A_1024 = arith.constant 288 : i32
      %dma_wait3A_1025 = arith.constant 0 : i32
      %dma_wait3A_1026 = tpu.memref_slice %arg6[%dma_wait3A_1024, %dma_wait3A_1025] : memref<768x64xf32, #tpu.memory_space<vmem>> -> memref<48x64xf32, #tpu.memory_space<vmem>>
      %dma_wait3A_1027 = arith.constant 0 : i32
      %dma_wait3A_1028 = arith.constant 0 : i32
      %dma_wait3A_1029 = tpu.memref_slice %arg2[%dma_wait3A_1027, %dma_wait3A_1028] : memref<100000x64xf32, #tpu.memory_space<hbm>> -> memref<48x64xf32, #tpu.memory_space<hbm>>
      tpu.wait_dma2 semaphore(%arg9 : memref<!tpu.dma_semaphore, #tpu.memory_space<semaphore_mem>>) src(%dma_wait3A_1029 : memref<48x64xf32, #tpu.memory_space<hbm>>) dst(%dma_wait3A_1026 : memref<48x64xf32, #tpu.memory_space<vmem>>)
      %dma_wait3A_1030 = arith.constant 336 : i32
      %dma_wait3A_1031 = arith.constant 0 : i32
      %dma_wait3A_1032 = tpu.memref_slice %arg6[%dma_wait3A_1030, %dma_wait3A_1031] : memref<768x64xf32, #tpu.memory_space<vmem>> -> memref<48x64xf32, #tpu.memory_space<vmem>>
      %dma_wait3A_1033 = arith.constant 0 : i32
      %dma_wait3A_1034 = arith.constant 0 : i32
      %dma_wait3A_1035 = tpu.memref_slice %arg2[%dma_wait3A_1033, %dma_wait3A_1034] : memref<100000x64xf32, #tpu.memory_space<hbm>> -> memref<48x64xf32, #tpu.memory_space<hbm>>
      %dma_wait3A_1036 = arith.constant 336 : i32
      %dma_wait3A_1037 = arith.constant 0 : i32
      %dma_wait3A_1038 = tpu.memref_slice %arg6[%dma_wait3A_1036, %dma_wait3A_1037] : memref<768x64xf32, #tpu.memory_space<vmem>> -> memref<48x64xf32, #tpu.memory_space<vmem>>
      %dma_wait3A_1039 = arith.constant 0 : i32
      %dma_wait3A_1040 = arith.constant 0 : i32
      %dma_wait3A_1041 = tpu.memref_slice %arg2[%dma_wait3A_1039, %dma_wait3A_1040] : memref<100000x64xf32, #tpu.memory_space<hbm>> -> memref<48x64xf32, #tpu.memory_space<hbm>>
      tpu.wait_dma2 semaphore(%arg9 : memref<!tpu.dma_semaphore, #tpu.memory_space<semaphore_mem>>) src(%dma_wait3A_1041 : memref<48x64xf32, #tpu.memory_space<hbm>>) dst(%dma_wait3A_1038 : memref<48x64xf32, #tpu.memory_space<vmem>>)
      %dma_wait3A_1042 = arith.constant 384 : i32
      %dma_wait3A_1043 = arith.constant 0 : i32
      %dma_wait3A_1044 = tpu.memref_slice %arg6[%dma_wait3A_1042, %dma_wait3A_1043] : memref<768x64xf32, #tpu.memory_space<vmem>> -> memref<48x64xf32, #tpu.memory_space<vmem>>
      %dma_wait3A_1045 = arith.constant 0 : i32
      %dma_wait3A_1046 = arith.constant 0 : i32
      %dma_wait3A_1047 = tpu.memref_slice %arg2[%dma_wait3A_1045, %dma_wait3A_1046] : memref<100000x64xf32, #tpu.memory_space<hbm>> -> memref<48x64xf32, #tpu.memory_space<hbm>>
      %dma_wait3A_1048 = arith.constant 384 : i32
      %dma_wait3A_1049 = arith.constant 0 : i32
      %dma_wait3A_1050 = tpu.memref_slice %arg6[%dma_wait3A_1048, %dma_wait3A_1049] : memref<768x64xf32, #tpu.memory_space<vmem>> -> memref<48x64xf32, #tpu.memory_space<vmem>>
      %dma_wait3A_1051 = arith.constant 0 : i32
      %dma_wait3A_1052 = arith.constant 0 : i32
      %dma_wait3A_1053 = tpu.memref_slice %arg2[%dma_wait3A_1051, %dma_wait3A_1052] : memref<100000x64xf32, #tpu.memory_space<hbm>> -> memref<48x64xf32, #tpu.memory_space<hbm>>
      tpu.wait_dma2 semaphore(%arg9 : memref<!tpu.dma_semaphore, #tpu.memory_space<semaphore_mem>>) src(%dma_wait3A_1053 : memref<48x64xf32, #tpu.memory_space<hbm>>) dst(%dma_wait3A_1050 : memref<48x64xf32, #tpu.memory_space<vmem>>)
      %dma_wait3A_1054 = arith.constant 432 : i32
      %dma_wait3A_1055 = arith.constant 0 : i32
      %dma_wait3A_1056 = tpu.memref_slice %arg6[%dma_wait3A_1054, %dma_wait3A_1055] : memref<768x64xf32, #tpu.memory_space<vmem>> -> memref<48x64xf32, #tpu.memory_space<vmem>>
      %dma_wait3A_1057 = arith.constant 0 : i32
      %dma_wait3A_1058 = arith.constant 0 : i32
      %dma_wait3A_1059 = tpu.memref_slice %arg2[%dma_wait3A_1057, %dma_wait3A_1058] : memref<100000x64xf32, #tpu.memory_space<hbm>> -> memref<48x64xf32, #tpu.memory_space<hbm>>
      %dma_wait3A_1060 = arith.constant 432 : i32
      %dma_wait3A_1061 = arith.constant 0 : i32
      %dma_wait3A_1062 = tpu.memref_slice %arg6[%dma_wait3A_1060, %dma_wait3A_1061] : memref<768x64xf32, #tpu.memory_space<vmem>> -> memref<48x64xf32, #tpu.memory_space<vmem>>
      %dma_wait3A_1063 = arith.constant 0 : i32
      %dma_wait3A_1064 = arith.constant 0 : i32
      %dma_wait3A_1065 = tpu.memref_slice %arg2[%dma_wait3A_1063, %dma_wait3A_1064] : memref<100000x64xf32, #tpu.memory_space<hbm>> -> memref<48x64xf32, #tpu.memory_space<hbm>>
      tpu.wait_dma2 semaphore(%arg9 : memref<!tpu.dma_semaphore, #tpu.memory_space<semaphore_mem>>) src(%dma_wait3A_1065 : memref<48x64xf32, #tpu.memory_space<hbm>>) dst(%dma_wait3A_1062 : memref<48x64xf32, #tpu.memory_space<vmem>>)
      %dma_wait3A_1066 = arith.constant 480 : i32
      %dma_wait3A_1067 = arith.constant 0 : i32
      %dma_wait3A_1068 = tpu.memref_slice %arg6[%dma_wait3A_1066, %dma_wait3A_1067] : memref<768x64xf32, #tpu.memory_space<vmem>> -> memref<48x64xf32, #tpu.memory_space<vmem>>
      %dma_wait3A_1069 = arith.constant 0 : i32
      %dma_wait3A_1070 = arith.constant 0 : i32
      %dma_wait3A_1071 = tpu.memref_slice %arg2[%dma_wait3A_1069, %dma_wait3A_1070] : memref<100000x64xf32, #tpu.memory_space<hbm>> -> memref<48x64xf32, #tpu.memory_space<hbm>>
      %dma_wait3A_1072 = arith.constant 480 : i32
      %dma_wait3A_1073 = arith.constant 0 : i32
      %dma_wait3A_1074 = tpu.memref_slice %arg6[%dma_wait3A_1072, %dma_wait3A_1073] : memref<768x64xf32, #tpu.memory_space<vmem>> -> memref<48x64xf32, #tpu.memory_space<vmem>>
      %dma_wait3A_1075 = arith.constant 0 : i32
      %dma_wait3A_1076 = arith.constant 0 : i32
      %dma_wait3A_1077 = tpu.memref_slice %arg2[%dma_wait3A_1075, %dma_wait3A_1076] : memref<100000x64xf32, #tpu.memory_space<hbm>> -> memref<48x64xf32, #tpu.memory_space<hbm>>
      tpu.wait_dma2 semaphore(%arg9 : memref<!tpu.dma_semaphore, #tpu.memory_space<semaphore_mem>>) src(%dma_wait3A_1077 : memref<48x64xf32, #tpu.memory_space<hbm>>) dst(%dma_wait3A_1074 : memref<48x64xf32, #tpu.memory_space<vmem>>)
      %dma_wait3A_1078 = arith.constant 528 : i32
      %dma_wait3A_1079 = arith.constant 0 : i32
      %dma_wait3A_1080 = tpu.memref_slice %arg6[%dma_wait3A_1078, %dma_wait3A_1079] : memref<768x64xf32, #tpu.memory_space<vmem>> -> memref<48x64xf32, #tpu.memory_space<vmem>>
      %dma_wait3A_1081 = arith.constant 0 : i32
      %dma_wait3A_1082 = arith.constant 0 : i32
      %dma_wait3A_1083 = tpu.memref_slice %arg2[%dma_wait3A_1081, %dma_wait3A_1082] : memref<100000x64xf32, #tpu.memory_space<hbm>> -> memref<48x64xf32, #tpu.memory_space<hbm>>
      %dma_wait3A_1084 = arith.constant 528 : i32
      %dma_wait3A_1085 = arith.constant 0 : i32
      %dma_wait3A_1086 = tpu.memref_slice %arg6[%dma_wait3A_1084, %dma_wait3A_1085] : memref<768x64xf32, #tpu.memory_space<vmem>> -> memref<48x64xf32, #tpu.memory_space<vmem>>
      %dma_wait3A_1087 = arith.constant 0 : i32
      %dma_wait3A_1088 = arith.constant 0 : i32
      %dma_wait3A_1089 = tpu.memref_slice %arg2[%dma_wait3A_1087, %dma_wait3A_1088] : memref<100000x64xf32, #tpu.memory_space<hbm>> -> memref<48x64xf32, #tpu.memory_space<hbm>>
      tpu.wait_dma2 semaphore(%arg9 : memref<!tpu.dma_semaphore, #tpu.memory_space<semaphore_mem>>) src(%dma_wait3A_1089 : memref<48x64xf32, #tpu.memory_space<hbm>>) dst(%dma_wait3A_1086 : memref<48x64xf32, #tpu.memory_space<vmem>>)
      %dma_wait3A_1090 = arith.constant 576 : i32
      %dma_wait3A_1091 = arith.constant 0 : i32
      %dma_wait3A_1092 = tpu.memref_slice %arg6[%dma_wait3A_1090, %dma_wait3A_1091] : memref<768x64xf32, #tpu.memory_space<vmem>> -> memref<48x64xf32, #tpu.memory_space<vmem>>
      %dma_wait3A_1093 = arith.constant 0 : i32
      %dma_wait3A_1094 = arith.constant 0 : i32
      %dma_wait3A_1095 = tpu.memref_slice %arg2[%dma_wait3A_1093, %dma_wait3A_1094] : memref<100000x64xf32, #tpu.memory_space<hbm>> -> memref<48x64xf32, #tpu.memory_space<hbm>>
      %dma_wait3A_1096 = arith.constant 576 : i32
      %dma_wait3A_1097 = arith.constant 0 : i32
      %dma_wait3A_1098 = tpu.memref_slice %arg6[%dma_wait3A_1096, %dma_wait3A_1097] : memref<768x64xf32, #tpu.memory_space<vmem>> -> memref<48x64xf32, #tpu.memory_space<vmem>>
      %dma_wait3A_1099 = arith.constant 0 : i32
      %dma_wait3A_1100 = arith.constant 0 : i32
      %dma_wait3A_1101 = tpu.memref_slice %arg2[%dma_wait3A_1099, %dma_wait3A_1100] : memref<100000x64xf32, #tpu.memory_space<hbm>> -> memref<48x64xf32, #tpu.memory_space<hbm>>
      tpu.wait_dma2 semaphore(%arg9 : memref<!tpu.dma_semaphore, #tpu.memory_space<semaphore_mem>>) src(%dma_wait3A_1101 : memref<48x64xf32, #tpu.memory_space<hbm>>) dst(%dma_wait3A_1098 : memref<48x64xf32, #tpu.memory_space<vmem>>)
      %dma_wait3A_1102 = arith.constant 624 : i32
      %dma_wait3A_1103 = arith.constant 0 : i32
      %dma_wait3A_1104 = tpu.memref_slice %arg6[%dma_wait3A_1102, %dma_wait3A_1103] : memref<768x64xf32, #tpu.memory_space<vmem>> -> memref<48x64xf32, #tpu.memory_space<vmem>>
      %dma_wait3A_1105 = arith.constant 0 : i32
      %dma_wait3A_1106 = arith.constant 0 : i32
      %dma_wait3A_1107 = tpu.memref_slice %arg2[%dma_wait3A_1105, %dma_wait3A_1106] : memref<100000x64xf32, #tpu.memory_space<hbm>> -> memref<48x64xf32, #tpu.memory_space<hbm>>
      %dma_wait3A_1108 = arith.constant 624 : i32
      %dma_wait3A_1109 = arith.constant 0 : i32
      %dma_wait3A_1110 = tpu.memref_slice %arg6[%dma_wait3A_1108, %dma_wait3A_1109] : memref<768x64xf32, #tpu.memory_space<vmem>> -> memref<48x64xf32, #tpu.memory_space<vmem>>
      %dma_wait3A_1111 = arith.constant 0 : i32
      %dma_wait3A_1112 = arith.constant 0 : i32
      %dma_wait3A_1113 = tpu.memref_slice %arg2[%dma_wait3A_1111, %dma_wait3A_1112] : memref<100000x64xf32, #tpu.memory_space<hbm>> -> memref<48x64xf32, #tpu.memory_space<hbm>>
      tpu.wait_dma2 semaphore(%arg9 : memref<!tpu.dma_semaphore, #tpu.memory_space<semaphore_mem>>) src(%dma_wait3A_1113 : memref<48x64xf32, #tpu.memory_space<hbm>>) dst(%dma_wait3A_1110 : memref<48x64xf32, #tpu.memory_space<vmem>>)
      %dma_wait3A_1114 = arith.constant 672 : i32
      %dma_wait3A_1115 = arith.constant 0 : i32
      %dma_wait3A_1116 = tpu.memref_slice %arg6[%dma_wait3A_1114, %dma_wait3A_1115] : memref<768x64xf32, #tpu.memory_space<vmem>> -> memref<48x64xf32, #tpu.memory_space<vmem>>
      %dma_wait3A_1117 = arith.constant 0 : i32
      %dma_wait3A_1118 = arith.constant 0 : i32
      %dma_wait3A_1119 = tpu.memref_slice %arg2[%dma_wait3A_1117, %dma_wait3A_1118] : memref<100000x64xf32, #tpu.memory_space<hbm>> -> memref<48x64xf32, #tpu.memory_space<hbm>>
      %dma_wait3A_1120 = arith.constant 672 : i32
      %dma_wait3A_1121 = arith.constant 0 : i32
      %dma_wait3A_1122 = tpu.memref_slice %arg6[%dma_wait3A_1120, %dma_wait3A_1121] : memref<768x64xf32, #tpu.memory_space<vmem>> -> memref<48x64xf32, #tpu.memory_space<vmem>>
      %dma_wait3A_1123 = arith.constant 0 : i32
      %dma_wait3A_1124 = arith.constant 0 : i32
      %dma_wait3A_1125 = tpu.memref_slice %arg2[%dma_wait3A_1123, %dma_wait3A_1124] : memref<100000x64xf32, #tpu.memory_space<hbm>> -> memref<48x64xf32, #tpu.memory_space<hbm>>
      tpu.wait_dma2 semaphore(%arg9 : memref<!tpu.dma_semaphore, #tpu.memory_space<semaphore_mem>>) src(%dma_wait3A_1125 : memref<48x64xf32, #tpu.memory_space<hbm>>) dst(%dma_wait3A_1122 : memref<48x64xf32, #tpu.memory_space<vmem>>)
      %dma_wait3A_1126 = arith.constant 720 : i32
      %dma_wait3A_1127 = arith.constant 0 : i32
      %dma_wait3A_1128 = tpu.memref_slice %arg6[%dma_wait3A_1126, %dma_wait3A_1127] : memref<768x64xf32, #tpu.memory_space<vmem>> -> memref<48x64xf32, #tpu.memory_space<vmem>>
      %dma_wait3A_1129 = arith.constant 0 : i32
      %dma_wait3A_1130 = arith.constant 0 : i32
      %dma_wait3A_1131 = tpu.memref_slice %arg2[%dma_wait3A_1129, %dma_wait3A_1130] : memref<100000x64xf32, #tpu.memory_space<hbm>> -> memref<48x64xf32, #tpu.memory_space<hbm>>
      %dma_wait3A_1132 = arith.constant 720 : i32
      %dma_wait3A_1133 = arith.constant 0 : i32
      %dma_wait3A_1134 = tpu.memref_slice %arg6[%dma_wait3A_1132, %dma_wait3A_1133] : memref<768x64xf32, #tpu.memory_space<vmem>> -> memref<48x64xf32, #tpu.memory_space<vmem>>
      %dma_wait3A_1135 = arith.constant 0 : i32
      %dma_wait3A_1136 = arith.constant 0 : i32
      %dma_wait3A_1137 = tpu.memref_slice %arg2[%dma_wait3A_1135, %dma_wait3A_1136] : memref<100000x64xf32, #tpu.memory_space<hbm>> -> memref<48x64xf32, #tpu.memory_space<hbm>>
      tpu.wait_dma2 semaphore(%arg9 : memref<!tpu.dma_semaphore, #tpu.memory_space<semaphore_mem>>) src(%dma_wait3A_1137 : memref<48x64xf32, #tpu.memory_space<hbm>>) dst(%dma_wait3A_1134 : memref<48x64xf32, #tpu.memory_space<vmem>>)
      %scan3A_1138 = arith.constant 0 : i32
      %scan3A_1139 = arith.constant 16 : i32
      %scan3A_1140 = arith.addi %scan3A_1138, %scan3A_1139 : i32
      %scan3A_1141 = arith.constant 1 : i32
      %scan3A_1142:4 = scf.for %scan3A_1552 = %scan3A_1138 to %scan3A_1140 step %scan3A_1141 iter_args(%scan3A_1553 = %scan3A_730, %scan3A_1554 = %scan3A_731, %scan3A_1555 = %scan3A_732, %scan3A_1556 = %scan3A_733) -> (vector<16xf32>, vector<16xf32>, vector<16xf32>, vector<16xf32>)  : i32 {
        %mul3A_1557 = arith.constant 48 : i32
        %mul3A_1558 = arith.muli %scan3A_1552, %mul3A_1557 : i32
        %scan3A_1559 = arith.constant 0 : i32
        %scan3A_1560 = arith.constant 24 : i32
        %scan3A_1561 = arith.addi %scan3A_1559, %scan3A_1560 : i32
        %scan3A_1562 = arith.constant 4 : i32
        %scan3A_1563:4 = scf.for %scan3A_1565 = %scan3A_1559 to %scan3A_1561 step %scan3A_1562 iter_args(%scan3A_1566 = %scan3A_1553, %scan3A_1567 = %scan3A_1554, %scan3A_1568 = %scan3A_1555, %scan3A_1569 = %scan3A_1556) -> (vector<16xf32>, vector<16xf32>, vector<16xf32>, vector<16xf32>)  : i32 {
          %add3A_1570 = arith.addi %mul3A_1558, %scan3A_1565 : i32
          %get3A = arith.index_cast %add3A_1570 : i32 to index
          %get3A_1571 = arith.constant 0 : index
          %get3A_1572 = tpu.vector_load %arg6[%get3A, %get3A_1571] {strides = array<i32>} : memref<768x64xf32, #tpu.memory_space<vmem>>, vector<1x16xf32>,
          %get3A_1573 = vector.shape_cast %get3A_1572 : vector<1x16xf32> to vector<16xf32>
          %add3A_1574 = arith.addi %mul3A_1558, %scan3A_1565 : i32
          %add3A_1575 = arith.constant 24 : i32
          %add3A_1576 = arith.addi %add3A_1574, %add3A_1575 : i32
          %get3A_1577 = arith.index_cast %add3A_1576 : i32 to index
          %get3A_1578 = arith.constant 0 : index
          %get3A_1579 = tpu.vector_load %arg6[%get3A_1577, %get3A_1578] {strides = array<i32>} : memref<768x64xf32, #tpu.memory_space<vmem>>, vector<1x16xf32>,
          %get3A_1580 = vector.shape_cast %get3A_1579 : vector<1x16xf32> to vector<16xf32>
          %sub3A = arith.subf %get3A_1573, %get3A_1580 : vector<16xf32>
          %mul3A_1581 = arith.mulf %sub3A, %sub3A : vector<16xf32>
          %add3A_1582 = arith.addf %scan3A_1566, %mul3A_1581 : vector<16xf32>
          %add3A_1583 = arith.addi %mul3A_1558, %scan3A_1565 : i32
          %get3A_1584 = arith.index_cast %add3A_1583 : i32 to index
          %get3A_1585 = arith.constant 16 : index
          %get3A_1586 = tpu.vector_load %arg6[%get3A_1584, %get3A_1585] {strides = array<i32>} : memref<768x64xf32, #tpu.memory_space<vmem>>, vector<1x16xf32>,
          %get3A_1587 = vector.shape_cast %get3A_1586 : vector<1x16xf32> to vector<16xf32>
          %add3A_1588 = arith.addi %mul3A_1558, %scan3A_1565 : i32
          %add3A_1589 = arith.constant 24 : i32
          %add3A_1590 = arith.addi %add3A_1588, %add3A_1589 : i32
          %get3A_1591 = arith.index_cast %add3A_1590 : i32 to index
          %get3A_1592 = arith.constant 16 : index
          %get3A_1593 = tpu.vector_load %arg6[%get3A_1591, %get3A_1592] {strides = array<i32>} : memref<768x64xf32, #tpu.memory_space<vmem>>, vector<1x16xf32>,
          %get3A_1594 = vector.shape_cast %get3A_1593 : vector<1x16xf32> to vector<16xf32>
          %sub3A_1595 = arith.subf %get3A_1587, %get3A_1594 : vector<16xf32>
          %mul3A_1596 = arith.mulf %sub3A_1595, %sub3A_1595 : vector<16xf32>
          %add3A_1597 = arith.addf %scan3A_1567, %mul3A_1596 : vector<16xf32>
          %add3A_1598 = arith.addi %mul3A_1558, %scan3A_1565 : i32
          %get3A_1599 = arith.index_cast %add3A_1598 : i32 to index
          %get3A_1600 = arith.constant 32 : index
          %get3A_1601 = tpu.vector_load %arg6[%get3A_1599, %get3A_1600] {strides = array<i32>} : memref<768x64xf32, #tpu.memory_space<vmem>>, vector<1x16xf32>,
          %get3A_1602 = vector.shape_cast %get3A_1601 : vector<1x16xf32> to vector<16xf32>
          %add3A_1603 = arith.addi %mul3A_1558, %scan3A_1565 : i32
          %add3A_1604 = arith.constant 24 : i32
          %add3A_1605 = arith.addi %add3A_1603, %add3A_1604 : i32
          %get3A_1606 = arith.index_cast %add3A_1605 : i32 to index
          %get3A_1607 = arith.constant 32 : index
          %get3A_1608 = tpu.vector_load %arg6[%get3A_1606, %get3A_1607] {strides = array<i32>} : memref<768x64xf32, #tpu.memory_space<vmem>>, vector<1x16xf32>,
          %get3A_1609 = vector.shape_cast %get3A_1608 : vector<1x16xf32> to vector<16xf32>
          %sub3A_1610 = arith.subf %get3A_1602, %get3A_1609 : vector<16xf32>
          %mul3A_1611 = arith.mulf %sub3A_1610, %sub3A_1610 : vector<16xf32>
          %add3A_1612 = arith.addf %scan3A_1568, %mul3A_1611 : vector<16xf32>
          %add3A_1613 = arith.addi %mul3A_1558, %scan3A_1565 : i32
          %get3A_1614 = arith.index_cast %add3A_1613 : i32 to index
          %get3A_1615 = arith.constant 48 : index
          %get3A_1616 = tpu.vector_load %arg6[%get3A_1614, %get3A_1615] {strides = array<i32>} : memref<768x64xf32, #tpu.memory_space<vmem>>, vector<1x16xf32>,
          %get3A_1617 = vector.shape_cast %get3A_1616 : vector<1x16xf32> to vector<16xf32>
          %add3A_1618 = arith.addi %mul3A_1558, %scan3A_1565 : i32
          %add3A_1619 = arith.constant 24 : i32
          %add3A_1620 = arith.addi %add3A_1618, %add3A_1619 : i32
          %get3A_1621 = arith.index_cast %add3A_1620 : i32 to index
          %get3A_1622 = arith.constant 48 : index
          %get3A_1623 = tpu.vector_load %arg6[%get3A_1621, %get3A_1622] {strides = array<i32>} : memref<768x64xf32, #tpu.memory_space<vmem>>, vector<1x16xf32>,
          %get3A_1624 = vector.shape_cast %get3A_1623 : vector<1x16xf32> to vector<16xf32>
          %sub3A_1625 = arith.subf %get3A_1617, %get3A_1624 : vector<16xf32>
          %mul3A_1626 = arith.mulf %sub3A_1625, %sub3A_1625 : vector<16xf32>
          %add3A_1627 = arith.addf %scan3A_1569, %mul3A_1626 : vector<16xf32>
          %scan3A_1628 = arith.constant 1 : i32
          %scan3A_1629 = arith.addi %scan3A_1565, %scan3A_1628 : i32
          %add3A_1630 = arith.addi %mul3A_1558, %scan3A_1629 : i32
          %get3A_1631 = arith.index_cast %add3A_1630 : i32 to index
          %get3A_1632 = arith.constant 0 : index
          %get3A_1633 = tpu.vector_load %arg6[%get3A_1631, %get3A_1632] {strides = array<i32>} : memref<768x64xf32, #tpu.memory_space<vmem>>, vector<1x16xf32>,
          %get3A_1634 = vector.shape_cast %get3A_1633 : vector<1x16xf32> to vector<16xf32>
          %add3A_1635 = arith.addi %mul3A_1558, %scan3A_1629 : i32
          %add3A_1636 = arith.constant 24 : i32
          %add3A_1637 = arith.addi %add3A_1635, %add3A_1636 : i32
          %get3A_1638 = arith.index_cast %add3A_1637 : i32 to index
          %get3A_1639 = arith.constant 0 : index
          %get3A_1640 = tpu.vector_load %arg6[%get3A_1638, %get3A_1639] {strides = array<i32>} : memref<768x64xf32, #tpu.memory_space<vmem>>, vector<1x16xf32>,
          %get3A_1641 = vector.shape_cast %get3A_1640 : vector<1x16xf32> to vector<16xf32>
          %sub3A_1642 = arith.subf %get3A_1634, %get3A_1641 : vector<16xf32>
          %mul3A_1643 = arith.mulf %sub3A_1642, %sub3A_1642 : vector<16xf32>
          %add3A_1644 = arith.addf %add3A_1582, %mul3A_1643 : vector<16xf32>
          %add3A_1645 = arith.addi %mul3A_1558, %scan3A_1629 : i32
          %get3A_1646 = arith.index_cast %add3A_1645 : i32 to index
          %get3A_1647 = arith.constant 16 : index
          %get3A_1648 = tpu.vector_load %arg6[%get3A_1646, %get3A_1647] {strides = array<i32>} : memref<768x64xf32, #tpu.memory_space<vmem>>, vector<1x16xf32>,
          %get3A_1649 = vector.shape_cast %get3A_1648 : vector<1x16xf32> to vector<16xf32>
          %add3A_1650 = arith.addi %mul3A_1558, %scan3A_1629 : i32
          %add3A_1651 = arith.constant 24 : i32
          %add3A_1652 = arith.addi %add3A_1650, %add3A_1651 : i32
          %get3A_1653 = arith.index_cast %add3A_1652 : i32 to index
          %get3A_1654 = arith.constant 16 : index
          %get3A_1655 = tpu.vector_load %arg6[%get3A_1653, %get3A_1654] {strides = array<i32>} : memref<768x64xf32, #tpu.memory_space<vmem>>, vector<1x16xf32>,
          %get3A_1656 = vector.shape_cast %get3A_1655 : vector<1x16xf32> to vector<16xf32>
          %sub3A_1657 = arith.subf %get3A_1649, %get3A_1656 : vector<16xf32>
          %mul3A_1658 = arith.mulf %sub3A_1657, %sub3A_1657 : vector<16xf32>
          %add3A_1659 = arith.addf %add3A_1597, %mul3A_1658 : vector<16xf32>
          %add3A_1660 = arith.addi %mul3A_1558, %scan3A_1629 : i32
          %get3A_1661 = arith.index_cast %add3A_1660 : i32 to index
          %get3A_1662 = arith.constant 32 : index
          %get3A_1663 = tpu.vector_load %arg6[%get3A_1661, %get3A_1662] {strides = array<i32>} : memref<768x64xf32, #tpu.memory_space<vmem>>, vector<1x16xf32>,
          %get3A_1664 = vector.shape_cast %get3A_1663 : vector<1x16xf32> to vector<16xf32>
          %add3A_1665 = arith.addi %mul3A_1558, %scan3A_1629 : i32
          %add3A_1666 = arith.constant 24 : i32
          %add3A_1667 = arith.addi %add3A_1665, %add3A_1666 : i32
          %get3A_1668 = arith.index_cast %add3A_1667 : i32 to index
          %get3A_1669 = arith.constant 32 : index
          %get3A_1670 = tpu.vector_load %arg6[%get3A_1668, %get3A_1669] {strides = array<i32>} : memref<768x64xf32, #tpu.memory_space<vmem>>, vector<1x16xf32>,
          %get3A_1671 = vector.shape_cast %get3A_1670 : vector<1x16xf32> to vector<16xf32>
          %sub3A_1672 = arith.subf %get3A_1664, %get3A_1671 : vector<16xf32>
          %mul3A_1673 = arith.mulf %sub3A_1672, %sub3A_1672 : vector<16xf32>
          %add3A_1674 = arith.addf %add3A_1612, %mul3A_1673 : vector<16xf32>
          %add3A_1675 = arith.addi %mul3A_1558, %scan3A_1629 : i32
          %get3A_1676 = arith.index_cast %add3A_1675 : i32 to index
          %get3A_1677 = arith.constant 48 : index
          %get3A_1678 = tpu.vector_load %arg6[%get3A_1676, %get3A_1677] {strides = array<i32>} : memref<768x64xf32, #tpu.memory_space<vmem>>, vector<1x16xf32>,
          %get3A_1679 = vector.shape_cast %get3A_1678 : vector<1x16xf32> to vector<16xf32>
          %add3A_1680 = arith.addi %mul3A_1558, %scan3A_1629 : i32
          %add3A_1681 = arith.constant 24 : i32
          %add3A_1682 = arith.addi %add3A_1680, %add3A_1681 : i32
          %get3A_1683 = arith.index_cast %add3A_1682 : i32 to index
          %get3A_1684 = arith.constant 48 : index
          %get3A_1685 = tpu.vector_load %arg6[%get3A_1683, %get3A_1684] {strides = array<i32>} : memref<768x64xf32, #tpu.memory_space<vmem>>, vector<1x16xf32>,
          %get3A_1686 = vector.shape_cast %get3A_1685 : vector<1x16xf32> to vector<16xf32>
          %sub3A_1687 = arith.subf %get3A_1679, %get3A_1686 : vector<16xf32>
          %mul3A_1688 = arith.mulf %sub3A_1687, %sub3A_1687 : vector<16xf32>
          %add3A_1689 = arith.addf %add3A_1627, %mul3A_1688 : vector<16xf32>
          %scan3A_1690 = arith.constant 2 : i32
          %scan3A_1691 = arith.addi %scan3A_1565, %scan3A_1690 : i32
          %add3A_1692 = arith.addi %mul3A_1558, %scan3A_1691 : i32
          %get3A_1693 = arith.index_cast %add3A_1692 : i32 to index
          %get3A_1694 = arith.constant 0 : index
          %get3A_1695 = tpu.vector_load %arg6[%get3A_1693, %get3A_1694] {strides = array<i32>} : memref<768x64xf32, #tpu.memory_space<vmem>>, vector<1x16xf32>,
          %get3A_1696 = vector.shape_cast %get3A_1695 : vector<1x16xf32> to vector<16xf32>
          %add3A_1697 = arith.addi %mul3A_1558, %scan3A_1691 : i32
          %add3A_1698 = arith.constant 24 : i32
          %add3A_1699 = arith.addi %add3A_1697, %add3A_1698 : i32
          %get3A_1700 = arith.index_cast %add3A_1699 : i32 to index
          %get3A_1701 = arith.constant 0 : index
          %get3A_1702 = tpu.vector_load %arg6[%get3A_1700, %get3A_1701] {strides = array<i32>} : memref<768x64xf32, #tpu.memory_space<vmem>>, vector<1x16xf32>,
          %get3A_1703 = vector.shape_cast %get3A_1702 : vector<1x16xf32> to vector<16xf32>
          %sub3A_1704 = arith.subf %get3A_1696, %get3A_1703 : vector<16xf32>
          %mul3A_1705 = arith.mulf %sub3A_1704, %sub3A_1704 : vector<16xf32>
          %add3A_1706 = arith.addf %add3A_1644, %mul3A_1705 : vector<16xf32>
          %add3A_1707 = arith.addi %mul3A_1558, %scan3A_1691 : i32
          %get3A_1708 = arith.index_cast %add3A_1707 : i32 to index
          %get3A_1709 = arith.constant 16 : index
          %get3A_1710 = tpu.vector_load %arg6[%get3A_1708, %get3A_1709] {strides = array<i32>} : memref<768x64xf32, #tpu.memory_space<vmem>>, vector<1x16xf32>,
          %get3A_1711 = vector.shape_cast %get3A_1710 : vector<1x16xf32> to vector<16xf32>
          %add3A_1712 = arith.addi %mul3A_1558, %scan3A_1691 : i32
          %add3A_1713 = arith.constant 24 : i32
          %add3A_1714 = arith.addi %add3A_1712, %add3A_1713 : i32
          %get3A_1715 = arith.index_cast %add3A_1714 : i32 to index
          %get3A_1716 = arith.constant 16 : index
          %get3A_1717 = tpu.vector_load %arg6[%get3A_1715, %get3A_1716] {strides = array<i32>} : memref<768x64xf32, #tpu.memory_space<vmem>>, vector<1x16xf32>,
          %get3A_1718 = vector.shape_cast %get3A_1717 : vector<1x16xf32> to vector<16xf32>
          %sub3A_1719 = arith.subf %get3A_1711, %get3A_1718 : vector<16xf32>
          %mul3A_1720 = arith.mulf %sub3A_1719, %sub3A_1719 : vector<16xf32>
          %add3A_1721 = arith.addf %add3A_1659, %mul3A_1720 : vector<16xf32>
          %add3A_1722 = arith.addi %mul3A_1558, %scan3A_1691 : i32
          %get3A_1723 = arith.index_cast %add3A_1722 : i32 to index
          %get3A_1724 = arith.constant 32 : index
          %get3A_1725 = tpu.vector_load %arg6[%get3A_1723, %get3A_1724] {strides = array<i32>} : memref<768x64xf32, #tpu.memory_space<vmem>>, vector<1x16xf32>,
          %get3A_1726 = vector.shape_cast %get3A_1725 : vector<1x16xf32> to vector<16xf32>
          %add3A_1727 = arith.addi %mul3A_1558, %scan3A_1691 : i32
          %add3A_1728 = arith.constant 24 : i32
          %add3A_1729 = arith.addi %add3A_1727, %add3A_1728 : i32
          %get3A_1730 = arith.index_cast %add3A_1729 : i32 to index
          %get3A_1731 = arith.constant 32 : index
          %get3A_1732 = tpu.vector_load %arg6[%get3A_1730, %get3A_1731] {strides = array<i32>} : memref<768x64xf32, #tpu.memory_space<vmem>>, vector<1x16xf32>,
          %get3A_1733 = vector.shape_cast %get3A_1732 : vector<1x16xf32> to vector<16xf32>
          %sub3A_1734 = arith.subf %get3A_1726, %get3A_1733 : vector<16xf32>
          %mul3A_1735 = arith.mulf %sub3A_1734, %sub3A_1734 : vector<16xf32>
          %add3A_1736 = arith.addf %add3A_1674, %mul3A_1735 : vector<16xf32>
          %add3A_1737 = arith.addi %mul3A_1558, %scan3A_1691 : i32
          %get3A_1738 = arith.index_cast %add3A_1737 : i32 to index
          %get3A_1739 = arith.constant 48 : index
          %get3A_1740 = tpu.vector_load %arg6[%get3A_1738, %get3A_1739] {strides = array<i32>} : memref<768x64xf32, #tpu.memory_space<vmem>>, vector<1x16xf32>,
          %get3A_1741 = vector.shape_cast %get3A_1740 : vector<1x16xf32> to vector<16xf32>
          %add3A_1742 = arith.addi %mul3A_1558, %scan3A_1691 : i32
          %add3A_1743 = arith.constant 24 : i32
          %add3A_1744 = arith.addi %add3A_1742, %add3A_1743 : i32
          %get3A_1745 = arith.index_cast %add3A_1744 : i32 to index
          %get3A_1746 = arith.constant 48 : index
          %get3A_1747 = tpu.vector_load %arg6[%get3A_1745, %get3A_1746] {strides = array<i32>} : memref<768x64xf32, #tpu.memory_space<vmem>>, vector<1x16xf32>,
          %get3A_1748 = vector.shape_cast %get3A_1747 : vector<1x16xf32> to vector<16xf32>
          %sub3A_1749 = arith.subf %get3A_1741, %get3A_1748 : vector<16xf32>
          %mul3A_1750 = arith.mulf %sub3A_1749, %sub3A_1749 : vector<16xf32>
          %add3A_1751 = arith.addf %add3A_1689, %mul3A_1750 : vector<16xf32>
          %scan3A_1752 = arith.constant 3 : i32
          %scan3A_1753 = arith.addi %scan3A_1565, %scan3A_1752 : i32
          %add3A_1754 = arith.addi %mul3A_1558, %scan3A_1753 : i32
          %get3A_1755 = arith.index_cast %add3A_1754 : i32 to index
          %get3A_1756 = arith.constant 0 : index
          %get3A_1757 = tpu.vector_load %arg6[%get3A_1755, %get3A_1756] {strides = array<i32>} : memref<768x64xf32, #tpu.memory_space<vmem>>, vector<1x16xf32>,
          %get3A_1758 = vector.shape_cast %get3A_1757 : vector<1x16xf32> to vector<16xf32>
          %add3A_1759 = arith.addi %mul3A_1558, %scan3A_1753 : i32
          %add3A_1760 = arith.constant 24 : i32
          %add3A_1761 = arith.addi %add3A_1759, %add3A_1760 : i32
          %get3A_1762 = arith.index_cast %add3A_1761 : i32 to index
          %get3A_1763 = arith.constant 0 : index
          %get3A_1764 = tpu.vector_load %arg6[%get3A_1762, %get3A_1763] {strides = array<i32>} : memref<768x64xf32, #tpu.memory_space<vmem>>, vector<1x16xf32>,
          %get3A_1765 = vector.shape_cast %get3A_1764 : vector<1x16xf32> to vector<16xf32>
          %sub3A_1766 = arith.subf %get3A_1758, %get3A_1765 : vector<16xf32>
          %mul3A_1767 = arith.mulf %sub3A_1766, %sub3A_1766 : vector<16xf32>
          %add3A_1768 = arith.addf %add3A_1706, %mul3A_1767 : vector<16xf32>
          %add3A_1769 = arith.addi %mul3A_1558, %scan3A_1753 : i32
          %get3A_1770 = arith.index_cast %add3A_1769 : i32 to index
          %get3A_1771 = arith.constant 16 : index
          %get3A_1772 = tpu.vector_load %arg6[%get3A_1770, %get3A_1771] {strides = array<i32>} : memref<768x64xf32, #tpu.memory_space<vmem>>, vector<1x16xf32>,
          %get3A_1773 = vector.shape_cast %get3A_1772 : vector<1x16xf32> to vector<16xf32>
          %add3A_1774 = arith.addi %mul3A_1558, %scan3A_1753 : i32
          %add3A_1775 = arith.constant 24 : i32
          %add3A_1776 = arith.addi %add3A_1774, %add3A_1775 : i32
          %get3A_1777 = arith.index_cast %add3A_1776 : i32 to index
          %get3A_1778 = arith.constant 16 : index
          %get3A_1779 = tpu.vector_load %arg6[%get3A_1777, %get3A_1778] {strides = array<i32>} : memref<768x64xf32, #tpu.memory_space<vmem>>, vector<1x16xf32>,
          %get3A_1780 = vector.shape_cast %get3A_1779 : vector<1x16xf32> to vector<16xf32>
          %sub3A_1781 = arith.subf %get3A_1773, %get3A_1780 : vector<16xf32>
          %mul3A_1782 = arith.mulf %sub3A_1781, %sub3A_1781 : vector<16xf32>
          %add3A_1783 = arith.addf %add3A_1721, %mul3A_1782 : vector<16xf32>
          %add3A_1784 = arith.addi %mul3A_1558, %scan3A_1753 : i32
          %get3A_1785 = arith.index_cast %add3A_1784 : i32 to index
          %get3A_1786 = arith.constant 32 : index
          %get3A_1787 = tpu.vector_load %arg6[%get3A_1785, %get3A_1786] {strides = array<i32>} : memref<768x64xf32, #tpu.memory_space<vmem>>, vector<1x16xf32>,
          %get3A_1788 = vector.shape_cast %get3A_1787 : vector<1x16xf32> to vector<16xf32>
          %add3A_1789 = arith.addi %mul3A_1558, %scan3A_1753 : i32
          %add3A_1790 = arith.constant 24 : i32
          %add3A_1791 = arith.addi %add3A_1789, %add3A_1790 : i32
          %get3A_1792 = arith.index_cast %add3A_1791 : i32 to index
          %get3A_1793 = arith.constant 32 : index
          %get3A_1794 = tpu.vector_load %arg6[%get3A_1792, %get3A_1793] {strides = array<i32>} : memref<768x64xf32, #tpu.memory_space<vmem>>, vector<1x16xf32>,
          %get3A_1795 = vector.shape_cast %get3A_1794 : vector<1x16xf32> to vector<16xf32>
          %sub3A_1796 = arith.subf %get3A_1788, %get3A_1795 : vector<16xf32>
          %mul3A_1797 = arith.mulf %sub3A_1796, %sub3A_1796 : vector<16xf32>
          %add3A_1798 = arith.addf %add3A_1736, %mul3A_1797 : vector<16xf32>
          %add3A_1799 = arith.addi %mul3A_1558, %scan3A_1753 : i32
          %get3A_1800 = arith.index_cast %add3A_1799 : i32 to index
          %get3A_1801 = arith.constant 48 : index
          %get3A_1802 = tpu.vector_load %arg6[%get3A_1800, %get3A_1801] {strides = array<i32>} : memref<768x64xf32, #tpu.memory_space<vmem>>, vector<1x16xf32>,
          %get3A_1803 = vector.shape_cast %get3A_1802 : vector<1x16xf32> to vector<16xf32>
          %add3A_1804 = arith.addi %mul3A_1558, %scan3A_1753 : i32
          %add3A_1805 = arith.constant 24 : i32
          %add3A_1806 = arith.addi %add3A_1804, %add3A_1805 : i32
          %get3A_1807 = arith.index_cast %add3A_1806 : i32 to index
          %get3A_1808 = arith.constant 48 : index
          %get3A_1809 = tpu.vector_load %arg6[%get3A_1807, %get3A_1808] {strides = array<i32>} : memref<768x64xf32, #tpu.memory_space<vmem>>, vector<1x16xf32>,
          %get3A_1810 = vector.shape_cast %get3A_1809 : vector<1x16xf32> to vector<16xf32>
          %sub3A_1811 = arith.subf %get3A_1803, %get3A_1810 : vector<16xf32>
          %mul3A_1812 = arith.mulf %sub3A_1811, %sub3A_1811 : vector<16xf32>
          %add3A_1813 = arith.addf %add3A_1751, %mul3A_1812 : vector<16xf32>
          scf.yield %add3A_1768, %add3A_1783, %add3A_1798, %add3A_1813 : vector<16xf32>, vector<16xf32>, vector<16xf32>, vector<16xf32>
        }
        %scan3A_1564 = arith.constant 24 : i32
        scf.yield %scan3A_1563#0, %scan3A_1563#1, %scan3A_1563#2, %scan3A_1563#3 : vector<16xf32>, vector<16xf32>, vector<16xf32>, vector<16xf32>
      }
      %scan3A_1143 = arith.constant 16 : i32
      %add3A_1144 = arith.constant 2 : i32
      %add3A_1145 = arith.addi %mul3A_735, %add3A_1144 : i32
      %mul3A_1146 = arith.constant 16 : i32
      %mul3A_1147 = arith.muli %add3A_1145, %mul3A_1146 : i32
      %add3A_1148 = arith.constant 0 : i32
      %add3A_1149 = arith.addi %mul3A_1147, %add3A_1148 : i32
      %dma_start3A_1150 = arith.constant 0 : i32
      %dma_start3A_1151 = arith.constant 0 : i32
      %dma_start3A_1152 = tpu.memref_slice %arg6[%dma_start3A_1150, %dma_start3A_1151] : memref<768x64xf32, #tpu.memory_space<vmem>> -> memref<48x64xf32, #tpu.memory_space<vmem>>
      %dma_start3A_1153 = arith.constant 0 : i32
      %dma_start3A_1154 = tpu.memref_slice %arg5[%add3A_1149, %dma_start3A_1153] : memref<512x48xi32, #tpu.memory_space<vmem>> -> memref<1x48xi32, #tpu.memory_space<vmem>>
      %dma_start3A_1155 = tpu.memref_squeeze %dma_start3A_1154 : memref<1x48xi32, #tpu.memory_space<vmem>> -> memref<48xi32, #tpu.memory_space<vmem>>
      %dma_start3A_1156 = arith.constant 0 : i32
      %dma_start3A_1157 = arith.constant 0 : i32
      %dma_start3A_1158 = tpu.memref_slice %arg2[%dma_start3A_1156, %dma_start3A_1157] : memref<100000x64xf32, #tpu.memory_space<hbm>> -> memref<100000x64xf32, #tpu.memory_space<hbm>>
      tpu.enqueue_indirect_dma source(%dma_start3A_1158 : memref<100000x64xf32, #tpu.memory_space<hbm>>) target(%dma_start3A_1152 : memref<48x64xf32, #tpu.memory_space<vmem>>) offsets(%dma_start3A_1155 : memref<48xi32, #tpu.memory_space<vmem>>) semaphore(%arg9 : memref<!tpu.dma_semaphore, #tpu.memory_space<semaphore_mem>>)
      %mul3A_1159 = arith.constant 16 : i32
      %mul3A_1160 = arith.muli %add3A_1145, %mul3A_1159 : i32
      %add3A_1161 = arith.constant 1 : i32
      %add3A_1162 = arith.addi %mul3A_1160, %add3A_1161 : i32
      %dma_start3A_1163 = arith.constant 48 : i32
      %dma_start3A_1164 = arith.constant 0 : i32
      %dma_start3A_1165 = tpu.memref_slice %arg6[%dma_start3A_1163, %dma_start3A_1164] : memref<768x64xf32, #tpu.memory_space<vmem>> -> memref<48x64xf32, #tpu.memory_space<vmem>>
      %dma_start3A_1166 = arith.constant 0 : i32
      %dma_start3A_1167 = tpu.memref_slice %arg5[%add3A_1162, %dma_start3A_1166] : memref<512x48xi32, #tpu.memory_space<vmem>> -> memref<1x48xi32, #tpu.memory_space<vmem>>
      %dma_start3A_1168 = tpu.memref_squeeze %dma_start3A_1167 : memref<1x48xi32, #tpu.memory_space<vmem>> -> memref<48xi32, #tpu.memory_space<vmem>>
      %dma_start3A_1169 = arith.constant 0 : i32
      %dma_start3A_1170 = arith.constant 0 : i32
      %dma_start3A_1171 = tpu.memref_slice %arg2[%dma_start3A_1169, %dma_start3A_1170] : memref<100000x64xf32, #tpu.memory_space<hbm>> -> memref<100000x64xf32, #tpu.memory_space<hbm>>
      tpu.enqueue_indirect_dma source(%dma_start3A_1171 : memref<100000x64xf32, #tpu.memory_space<hbm>>) target(%dma_start3A_1165 : memref<48x64xf32, #tpu.memory_space<vmem>>) offsets(%dma_start3A_1168 : memref<48xi32, #tpu.memory_space<vmem>>) semaphore(%arg9 : memref<!tpu.dma_semaphore, #tpu.memory_space<semaphore_mem>>)
      %mul3A_1172 = arith.constant 16 : i32
      %mul3A_1173 = arith.muli %add3A_1145, %mul3A_1172 : i32
      %add3A_1174 = arith.constant 2 : i32
      %add3A_1175 = arith.addi %mul3A_1173, %add3A_1174 : i32
      %dma_start3A_1176 = arith.constant 96 : i32
      %dma_start3A_1177 = arith.constant 0 : i32
      %dma_start3A_1178 = tpu.memref_slice %arg6[%dma_start3A_1176, %dma_start3A_1177] : memref<768x64xf32, #tpu.memory_space<vmem>> -> memref<48x64xf32, #tpu.memory_space<vmem>>
      %dma_start3A_1179 = arith.constant 0 : i32
      %dma_start3A_1180 = tpu.memref_slice %arg5[%add3A_1175, %dma_start3A_1179] : memref<512x48xi32, #tpu.memory_space<vmem>> -> memref<1x48xi32, #tpu.memory_space<vmem>>
      %dma_start3A_1181 = tpu.memref_squeeze %dma_start3A_1180 : memref<1x48xi32, #tpu.memory_space<vmem>> -> memref<48xi32, #tpu.memory_space<vmem>>
      %dma_start3A_1182 = arith.constant 0 : i32
      %dma_start3A_1183 = arith.constant 0 : i32
      %dma_start3A_1184 = tpu.memref_slice %arg2[%dma_start3A_1182, %dma_start3A_1183] : memref<100000x64xf32, #tpu.memory_space<hbm>> -> memref<100000x64xf32, #tpu.memory_space<hbm>>
      tpu.enqueue_indirect_dma source(%dma_start3A_1184 : memref<100000x64xf32, #tpu.memory_space<hbm>>) target(%dma_start3A_1178 : memref<48x64xf32, #tpu.memory_space<vmem>>) offsets(%dma_start3A_1181 : memref<48xi32, #tpu.memory_space<vmem>>) semaphore(%arg9 : memref<!tpu.dma_semaphore, #tpu.memory_space<semaphore_mem>>)
      %mul3A_1185 = arith.constant 16 : i32
      %mul3A_1186 = arith.muli %add3A_1145, %mul3A_1185 : i32
      %add3A_1187 = arith.constant 3 : i32
      %add3A_1188 = arith.addi %mul3A_1186, %add3A_1187 : i32
      %dma_start3A_1189 = arith.constant 144 : i32
      %dma_start3A_1190 = arith.constant 0 : i32
      %dma_start3A_1191 = tpu.memref_slice %arg6[%dma_start3A_1189, %dma_start3A_1190] : memref<768x64xf32, #tpu.memory_space<vmem>> -> memref<48x64xf32, #tpu.memory_space<vmem>>
      %dma_start3A_1192 = arith.constant 0 : i32
      %dma_start3A_1193 = tpu.memref_slice %arg5[%add3A_1188, %dma_start3A_1192] : memref<512x48xi32, #tpu.memory_space<vmem>> -> memref<1x48xi32, #tpu.memory_space<vmem>>
      %dma_start3A_1194 = tpu.memref_squeeze %dma_start3A_1193 : memref<1x48xi32, #tpu.memory_space<vmem>> -> memref<48xi32, #tpu.memory_space<vmem>>
      %dma_start3A_1195 = arith.constant 0 : i32
      %dma_start3A_1196 = arith.constant 0 : i32
      %dma_start3A_1197 = tpu.memref_slice %arg2[%dma_start3A_1195, %dma_start3A_1196] : memref<100000x64xf32, #tpu.memory_space<hbm>> -> memref<100000x64xf32, #tpu.memory_space<hbm>>
      tpu.enqueue_indirect_dma source(%dma_start3A_1197 : memref<100000x64xf32, #tpu.memory_space<hbm>>) target(%dma_start3A_1191 : memref<48x64xf32, #tpu.memory_space<vmem>>) offsets(%dma_start3A_1194 : memref<48xi32, #tpu.memory_space<vmem>>) semaphore(%arg9 : memref<!tpu.dma_semaphore, #tpu.memory_space<semaphore_mem>>)
      %mul3A_1198 = arith.constant 16 : i32
      %mul3A_1199 = arith.muli %add3A_1145, %mul3A_1198 : i32
      %add3A_1200 = arith.constant 4 : i32
      %add3A_1201 = arith.addi %mul3A_1199, %add3A_1200 : i32
      %dma_start3A_1202 = arith.constant 192 : i32
      %dma_start3A_1203 = arith.constant 0 : i32
      %dma_start3A_1204 = tpu.memref_slice %arg6[%dma_start3A_1202, %dma_start3A_1203] : memref<768x64xf32, #tpu.memory_space<vmem>> -> memref<48x64xf32, #tpu.memory_space<vmem>>
      %dma_start3A_1205 = arith.constant 0 : i32
      %dma_start3A_1206 = tpu.memref_slice %arg5[%add3A_1201, %dma_start3A_1205] : memref<512x48xi32, #tpu.memory_space<vmem>> -> memref<1x48xi32, #tpu.memory_space<vmem>>
      %dma_start3A_1207 = tpu.memref_squeeze %dma_start3A_1206 : memref<1x48xi32, #tpu.memory_space<vmem>> -> memref<48xi32, #tpu.memory_space<vmem>>
      %dma_start3A_1208 = arith.constant 0 : i32
      %dma_start3A_1209 = arith.constant 0 : i32
      %dma_start3A_1210 = tpu.memref_slice %arg2[%dma_start3A_1208, %dma_start3A_1209] : memref<100000x64xf32, #tpu.memory_space<hbm>> -> memref<100000x64xf32, #tpu.memory_space<hbm>>
      tpu.enqueue_indirect_dma source(%dma_start3A_1210 : memref<100000x64xf32, #tpu.memory_space<hbm>>) target(%dma_start3A_1204 : memref<48x64xf32, #tpu.memory_space<vmem>>) offsets(%dma_start3A_1207 : memref<48xi32, #tpu.memory_space<vmem>>) semaphore(%arg9 : memref<!tpu.dma_semaphore, #tpu.memory_space<semaphore_mem>>)
      %mul3A_1211 = arith.constant 16 : i32
      %mul3A_1212 = arith.muli %add3A_1145, %mul3A_1211 : i32
      %add3A_1213 = arith.constant 5 : i32
      %add3A_1214 = arith.addi %mul3A_1212, %add3A_1213 : i32
      %dma_start3A_1215 = arith.constant 240 : i32
      %dma_start3A_1216 = arith.constant 0 : i32
      %dma_start3A_1217 = tpu.memref_slice %arg6[%dma_start3A_1215, %dma_start3A_1216] : memref<768x64xf32, #tpu.memory_space<vmem>> -> memref<48x64xf32, #tpu.memory_space<vmem>>
      %dma_start3A_1218 = arith.constant 0 : i32
      %dma_start3A_1219 = tpu.memref_slice %arg5[%add3A_1214, %dma_start3A_1218] : memref<512x48xi32, #tpu.memory_space<vmem>> -> memref<1x48xi32, #tpu.memory_space<vmem>>
      %dma_start3A_1220 = tpu.memref_squeeze %dma_start3A_1219 : memref<1x48xi32, #tpu.memory_space<vmem>> -> memref<48xi32, #tpu.memory_space<vmem>>
      %dma_start3A_1221 = arith.constant 0 : i32
      %dma_start3A_1222 = arith.constant 0 : i32
      %dma_start3A_1223 = tpu.memref_slice %arg2[%dma_start3A_1221, %dma_start3A_1222] : memref<100000x64xf32, #tpu.memory_space<hbm>> -> memref<100000x64xf32, #tpu.memory_space<hbm>>
      tpu.enqueue_indirect_dma source(%dma_start3A_1223 : memref<100000x64xf32, #tpu.memory_space<hbm>>) target(%dma_start3A_1217 : memref<48x64xf32, #tpu.memory_space<vmem>>) offsets(%dma_start3A_1220 : memref<48xi32, #tpu.memory_space<vmem>>) semaphore(%arg9 : memref<!tpu.dma_semaphore, #tpu.memory_space<semaphore_mem>>)
      %mul3A_1224 = arith.constant 16 : i32
      %mul3A_1225 = arith.muli %add3A_1145, %mul3A_1224 : i32
      %add3A_1226 = arith.constant 6 : i32
      %add3A_1227 = arith.addi %mul3A_1225, %add3A_1226 : i32
      %dma_start3A_1228 = arith.constant 288 : i32
      %dma_start3A_1229 = arith.constant 0 : i32
      %dma_start3A_1230 = tpu.memref_slice %arg6[%dma_start3A_1228, %dma_start3A_1229] : memref<768x64xf32, #tpu.memory_space<vmem>> -> memref<48x64xf32, #tpu.memory_space<vmem>>
      %dma_start3A_1231 = arith.constant 0 : i32
      %dma_start3A_1232 = tpu.memref_slice %arg5[%add3A_1227, %dma_start3A_1231] : memref<512x48xi32, #tpu.memory_space<vmem>> -> memref<1x48xi32, #tpu.memory_space<vmem>>
      %dma_start3A_1233 = tpu.memref_squeeze %dma_start3A_1232 : memref<1x48xi32, #tpu.memory_space<vmem>> -> memref<48xi32, #tpu.memory_space<vmem>>
      %dma_start3A_1234 = arith.constant 0 : i32
      %dma_start3A_1235 = arith.constant 0 : i32
      %dma_start3A_1236 = tpu.memref_slice %arg2[%dma_start3A_1234, %dma_start3A_1235] : memref<100000x64xf32, #tpu.memory_space<hbm>> -> memref<100000x64xf32, #tpu.memory_space<hbm>>
      tpu.enqueue_indirect_dma source(%dma_start3A_1236 : memref<100000x64xf32, #tpu.memory_space<hbm>>) target(%dma_start3A_1230 : memref<48x64xf32, #tpu.memory_space<vmem>>) offsets(%dma_start3A_1233 : memref<48xi32, #tpu.memory_space<vmem>>) semaphore(%arg9 : memref<!tpu.dma_semaphore, #tpu.memory_space<semaphore_mem>>)
      %mul3A_1237 = arith.constant 16 : i32
      %mul3A_1238 = arith.muli %add3A_1145, %mul3A_1237 : i32
      %add3A_1239 = arith.constant 7 : i32
      %add3A_1240 = arith.addi %mul3A_1238, %add3A_1239 : i32
      %dma_start3A_1241 = arith.constant 336 : i32
      %dma_start3A_1242 = arith.constant 0 : i32
      %dma_start3A_1243 = tpu.memref_slice %arg6[%dma_start3A_1241, %dma_start3A_1242] : memref<768x64xf32, #tpu.memory_space<vmem>> -> memref<48x64xf32, #tpu.memory_space<vmem>>
      %dma_start3A_1244 = arith.constant 0 : i32
      %dma_start3A_1245 = tpu.memref_slice %arg5[%add3A_1240, %dma_start3A_1244] : memref<512x48xi32, #tpu.memory_space<vmem>> -> memref<1x48xi32, #tpu.memory_space<vmem>>
      %dma_start3A_1246 = tpu.memref_squeeze %dma_start3A_1245 : memref<1x48xi32, #tpu.memory_space<vmem>> -> memref<48xi32, #tpu.memory_space<vmem>>
      %dma_start3A_1247 = arith.constant 0 : i32
      %dma_start3A_1248 = arith.constant 0 : i32
      %dma_start3A_1249 = tpu.memref_slice %arg2[%dma_start3A_1247, %dma_start3A_1248] : memref<100000x64xf32, #tpu.memory_space<hbm>> -> memref<100000x64xf32, #tpu.memory_space<hbm>>
      tpu.enqueue_indirect_dma source(%dma_start3A_1249 : memref<100000x64xf32, #tpu.memory_space<hbm>>) target(%dma_start3A_1243 : memref<48x64xf32, #tpu.memory_space<vmem>>) offsets(%dma_start3A_1246 : memref<48xi32, #tpu.memory_space<vmem>>) semaphore(%arg9 : memref<!tpu.dma_semaphore, #tpu.memory_space<semaphore_mem>>)
      %mul3A_1250 = arith.constant 16 : i32
      %mul3A_1251 = arith.muli %add3A_1145, %mul3A_1250 : i32
      %add3A_1252 = arith.constant 8 : i32
      %add3A_1253 = arith.addi %mul3A_1251, %add3A_1252 : i32
      %dma_start3A_1254 = arith.constant 384 : i32
      %dma_start3A_1255 = arith.constant 0 : i32
      %dma_start3A_1256 = tpu.memref_slice %arg6[%dma_start3A_1254, %dma_start3A_1255] : memref<768x64xf32, #tpu.memory_space<vmem>> -> memref<48x64xf32, #tpu.memory_space<vmem>>
      %dma_start3A_1257 = arith.constant 0 : i32
      %dma_start3A_1258 = tpu.memref_slice %arg5[%add3A_1253, %dma_start3A_1257] : memref<512x48xi32, #tpu.memory_space<vmem>> -> memref<1x48xi32, #tpu.memory_space<vmem>>
      %dma_start3A_1259 = tpu.memref_squeeze %dma_start3A_1258 : memref<1x48xi32, #tpu.memory_space<vmem>> -> memref<48xi32, #tpu.memory_space<vmem>>
      %dma_start3A_1260 = arith.constant 0 : i32
      %dma_start3A_1261 = arith.constant 0 : i32
      %dma_start3A_1262 = tpu.memref_slice %arg2[%dma_start3A_1260, %dma_start3A_1261] : memref<100000x64xf32, #tpu.memory_space<hbm>> -> memref<100000x64xf32, #tpu.memory_space<hbm>>
      tpu.enqueue_indirect_dma source(%dma_start3A_1262 : memref<100000x64xf32, #tpu.memory_space<hbm>>) target(%dma_start3A_1256 : memref<48x64xf32, #tpu.memory_space<vmem>>) offsets(%dma_start3A_1259 : memref<48xi32, #tpu.memory_space<vmem>>) semaphore(%arg9 : memref<!tpu.dma_semaphore, #tpu.memory_space<semaphore_mem>>)
      %mul3A_1263 = arith.constant 16 : i32
      %mul3A_1264 = arith.muli %add3A_1145, %mul3A_1263 : i32
      %add3A_1265 = arith.constant 9 : i32
      %add3A_1266 = arith.addi %mul3A_1264, %add3A_1265 : i32
      %dma_start3A_1267 = arith.constant 432 : i32
      %dma_start3A_1268 = arith.constant 0 : i32
      %dma_start3A_1269 = tpu.memref_slice %arg6[%dma_start3A_1267, %dma_start3A_1268] : memref<768x64xf32, #tpu.memory_space<vmem>> -> memref<48x64xf32, #tpu.memory_space<vmem>>
      %dma_start3A_1270 = arith.constant 0 : i32
      %dma_start3A_1271 = tpu.memref_slice %arg5[%add3A_1266, %dma_start3A_1270] : memref<512x48xi32, #tpu.memory_space<vmem>> -> memref<1x48xi32, #tpu.memory_space<vmem>>
      %dma_start3A_1272 = tpu.memref_squeeze %dma_start3A_1271 : memref<1x48xi32, #tpu.memory_space<vmem>> -> memref<48xi32, #tpu.memory_space<vmem>>
      %dma_start3A_1273 = arith.constant 0 : i32
      %dma_start3A_1274 = arith.constant 0 : i32
      %dma_start3A_1275 = tpu.memref_slice %arg2[%dma_start3A_1273, %dma_start3A_1274] : memref<100000x64xf32, #tpu.memory_space<hbm>> -> memref<100000x64xf32, #tpu.memory_space<hbm>>
      tpu.enqueue_indirect_dma source(%dma_start3A_1275 : memref<100000x64xf32, #tpu.memory_space<hbm>>) target(%dma_start3A_1269 : memref<48x64xf32, #tpu.memory_space<vmem>>) offsets(%dma_start3A_1272 : memref<48xi32, #tpu.memory_space<vmem>>) semaphore(%arg9 : memref<!tpu.dma_semaphore, #tpu.memory_space<semaphore_mem>>)
      %mul3A_1276 = arith.constant 16 : i32
      %mul3A_1277 = arith.muli %add3A_1145, %mul3A_1276 : i32
      %add3A_1278 = arith.constant 10 : i32
      %add3A_1279 = arith.addi %mul3A_1277, %add3A_1278 : i32
      %dma_start3A_1280 = arith.constant 480 : i32
      %dma_start3A_1281 = arith.constant 0 : i32
      %dma_start3A_1282 = tpu.memref_slice %arg6[%dma_start3A_1280, %dma_start3A_1281] : memref<768x64xf32, #tpu.memory_space<vmem>> -> memref<48x64xf32, #tpu.memory_space<vmem>>
      %dma_start3A_1283 = arith.constant 0 : i32
      %dma_start3A_1284 = tpu.memref_slice %arg5[%add3A_1279, %dma_start3A_1283] : memref<512x48xi32, #tpu.memory_space<vmem>> -> memref<1x48xi32, #tpu.memory_space<vmem>>
      %dma_start3A_1285 = tpu.memref_squeeze %dma_start3A_1284 : memref<1x48xi32, #tpu.memory_space<vmem>> -> memref<48xi32, #tpu.memory_space<vmem>>
      %dma_start3A_1286 = arith.constant 0 : i32
      %dma_start3A_1287 = arith.constant 0 : i32
      %dma_start3A_1288 = tpu.memref_slice %arg2[%dma_start3A_1286, %dma_start3A_1287] : memref<100000x64xf32, #tpu.memory_space<hbm>> -> memref<100000x64xf32, #tpu.memory_space<hbm>>
      tpu.enqueue_indirect_dma source(%dma_start3A_1288 : memref<100000x64xf32, #tpu.memory_space<hbm>>) target(%dma_start3A_1282 : memref<48x64xf32, #tpu.memory_space<vmem>>) offsets(%dma_start3A_1285 : memref<48xi32, #tpu.memory_space<vmem>>) semaphore(%arg9 : memref<!tpu.dma_semaphore, #tpu.memory_space<semaphore_mem>>)
      %mul3A_1289 = arith.constant 16 : i32
      %mul3A_1290 = arith.muli %add3A_1145, %mul3A_1289 : i32
      %add3A_1291 = arith.constant 11 : i32
      %add3A_1292 = arith.addi %mul3A_1290, %add3A_1291 : i32
      %dma_start3A_1293 = arith.constant 528 : i32
      %dma_start3A_1294 = arith.constant 0 : i32
      %dma_start3A_1295 = tpu.memref_slice %arg6[%dma_start3A_1293, %dma_start3A_1294] : memref<768x64xf32, #tpu.memory_space<vmem>> -> memref<48x64xf32, #tpu.memory_space<vmem>>
      %dma_start3A_1296 = arith.constant 0 : i32
      %dma_start3A_1297 = tpu.memref_slice %arg5[%add3A_1292, %dma_start3A_1296] : memref<512x48xi32, #tpu.memory_space<vmem>> -> memref<1x48xi32, #tpu.memory_space<vmem>>
      %dma_start3A_1298 = tpu.memref_squeeze %dma_start3A_1297 : memref<1x48xi32, #tpu.memory_space<vmem>> -> memref<48xi32, #tpu.memory_space<vmem>>
      %dma_start3A_1299 = arith.constant 0 : i32
      %dma_start3A_1300 = arith.constant 0 : i32
      %dma_start3A_1301 = tpu.memref_slice %arg2[%dma_start3A_1299, %dma_start3A_1300] : memref<100000x64xf32, #tpu.memory_space<hbm>> -> memref<100000x64xf32, #tpu.memory_space<hbm>>
      tpu.enqueue_indirect_dma source(%dma_start3A_1301 : memref<100000x64xf32, #tpu.memory_space<hbm>>) target(%dma_start3A_1295 : memref<48x64xf32, #tpu.memory_space<vmem>>) offsets(%dma_start3A_1298 : memref<48xi32, #tpu.memory_space<vmem>>) semaphore(%arg9 : memref<!tpu.dma_semaphore, #tpu.memory_space<semaphore_mem>>)
      %mul3A_1302 = arith.constant 16 : i32
      %mul3A_1303 = arith.muli %add3A_1145, %mul3A_1302 : i32
      %add3A_1304 = arith.constant 12 : i32
      %add3A_1305 = arith.addi %mul3A_1303, %add3A_1304 : i32
      %dma_start3A_1306 = arith.constant 576 : i32
      %dma_start3A_1307 = arith.constant 0 : i32
      %dma_start3A_1308 = tpu.memref_slice %arg6[%dma_start3A_1306, %dma_start3A_1307] : memref<768x64xf32, #tpu.memory_space<vmem>> -> memref<48x64xf32, #tpu.memory_space<vmem>>
      %dma_start3A_1309 = arith.constant 0 : i32
      %dma_start3A_1310 = tpu.memref_slice %arg5[%add3A_1305, %dma_start3A_1309] : memref<512x48xi32, #tpu.memory_space<vmem>> -> memref<1x48xi32, #tpu.memory_space<vmem>>
      %dma_start3A_1311 = tpu.memref_squeeze %dma_start3A_1310 : memref<1x48xi32, #tpu.memory_space<vmem>> -> memref<48xi32, #tpu.memory_space<vmem>>
      %dma_start3A_1312 = arith.constant 0 : i32
      %dma_start3A_1313 = arith.constant 0 : i32
      %dma_start3A_1314 = tpu.memref_slice %arg2[%dma_start3A_1312, %dma_start3A_1313] : memref<100000x64xf32, #tpu.memory_space<hbm>> -> memref<100000x64xf32, #tpu.memory_space<hbm>>
      tpu.enqueue_indirect_dma source(%dma_start3A_1314 : memref<100000x64xf32, #tpu.memory_space<hbm>>) target(%dma_start3A_1308 : memref<48x64xf32, #tpu.memory_space<vmem>>) offsets(%dma_start3A_1311 : memref<48xi32, #tpu.memory_space<vmem>>) semaphore(%arg9 : memref<!tpu.dma_semaphore, #tpu.memory_space<semaphore_mem>>)
      %mul3A_1315 = arith.constant 16 : i32
      %mul3A_1316 = arith.muli %add3A_1145, %mul3A_1315 : i32
      %add3A_1317 = arith.constant 13 : i32
      %add3A_1318 = arith.addi %mul3A_1316, %add3A_1317 : i32
      %dma_start3A_1319 = arith.constant 624 : i32
      %dma_start3A_1320 = arith.constant 0 : i32
      %dma_start3A_1321 = tpu.memref_slice %arg6[%dma_start3A_1319, %dma_start3A_1320] : memref<768x64xf32, #tpu.memory_space<vmem>> -> memref<48x64xf32, #tpu.memory_space<vmem>>
      %dma_start3A_1322 = arith.constant 0 : i32
      %dma_start3A_1323 = tpu.memref_slice %arg5[%add3A_1318, %dma_start3A_1322] : memref<512x48xi32, #tpu.memory_space<vmem>> -> memref<1x48xi32, #tpu.memory_space<vmem>>
      %dma_start3A_1324 = tpu.memref_squeeze %dma_start3A_1323 : memref<1x48xi32, #tpu.memory_space<vmem>> -> memref<48xi32, #tpu.memory_space<vmem>>
      %dma_start3A_1325 = arith.constant 0 : i32
      %dma_start3A_1326 = arith.constant 0 : i32
      %dma_start3A_1327 = tpu.memref_slice %arg2[%dma_start3A_1325, %dma_start3A_1326] : memref<100000x64xf32, #tpu.memory_space<hbm>> -> memref<100000x64xf32, #tpu.memory_space<hbm>>
      tpu.enqueue_indirect_dma source(%dma_start3A_1327 : memref<100000x64xf32, #tpu.memory_space<hbm>>) target(%dma_start3A_1321 : memref<48x64xf32, #tpu.memory_space<vmem>>) offsets(%dma_start3A_1324 : memref<48xi32, #tpu.memory_space<vmem>>) semaphore(%arg9 : memref<!tpu.dma_semaphore, #tpu.memory_space<semaphore_mem>>)
      %mul3A_1328 = arith.constant 16 : i32
      %mul3A_1329 = arith.muli %add3A_1145, %mul3A_1328 : i32
      %add3A_1330 = arith.constant 14 : i32
      %add3A_1331 = arith.addi %mul3A_1329, %add3A_1330 : i32
      %dma_start3A_1332 = arith.constant 672 : i32
      %dma_start3A_1333 = arith.constant 0 : i32
      %dma_start3A_1334 = tpu.memref_slice %arg6[%dma_start3A_1332, %dma_start3A_1333] : memref<768x64xf32, #tpu.memory_space<vmem>> -> memref<48x64xf32, #tpu.memory_space<vmem>>
      %dma_start3A_1335 = arith.constant 0 : i32
      %dma_start3A_1336 = tpu.memref_slice %arg5[%add3A_1331, %dma_start3A_1335] : memref<512x48xi32, #tpu.memory_space<vmem>> -> memref<1x48xi32, #tpu.memory_space<vmem>>
      %dma_start3A_1337 = tpu.memref_squeeze %dma_start3A_1336 : memref<1x48xi32, #tpu.memory_space<vmem>> -> memref<48xi32, #tpu.memory_space<vmem>>
      %dma_start3A_1338 = arith.constant 0 : i32
      %dma_start3A_1339 = arith.constant 0 : i32
      %dma_start3A_1340 = tpu.memref_slice %arg2[%dma_start3A_1338, %dma_start3A_1339] : memref<100000x64xf32, #tpu.memory_space<hbm>> -> memref<100000x64xf32, #tpu.memory_space<hbm>>
      tpu.enqueue_indirect_dma source(%dma_start3A_1340 : memref<100000x64xf32, #tpu.memory_space<hbm>>) target(%dma_start3A_1334 : memref<48x64xf32, #tpu.memory_space<vmem>>) offsets(%dma_start3A_1337 : memref<48xi32, #tpu.memory_space<vmem>>) semaphore(%arg9 : memref<!tpu.dma_semaphore, #tpu.memory_space<semaphore_mem>>)
      %mul3A_1341 = arith.constant 16 : i32
      %mul3A_1342 = arith.muli %add3A_1145, %mul3A_1341 : i32
      %add3A_1343 = arith.constant 15 : i32
      %add3A_1344 = arith.addi %mul3A_1342, %add3A_1343 : i32
      %dma_start3A_1345 = arith.constant 720 : i32
      %dma_start3A_1346 = arith.constant 0 : i32
      %dma_start3A_1347 = tpu.memref_slice %arg6[%dma_start3A_1345, %dma_start3A_1346] : memref<768x64xf32, #tpu.memory_space<vmem>> -> memref<48x64xf32, #tpu.memory_space<vmem>>
      %dma_start3A_1348 = arith.constant 0 : i32
      %dma_start3A_1349 = tpu.memref_slice %arg5[%add3A_1344, %dma_start3A_1348] : memref<512x48xi32, #tpu.memory_space<vmem>> -> memref<1x48xi32, #tpu.memory_space<vmem>>
      %dma_start3A_1350 = tpu.memref_squeeze %dma_start3A_1349 : memref<1x48xi32, #tpu.memory_space<vmem>> -> memref<48xi32, #tpu.memory_space<vmem>>
      %dma_start3A_1351 = arith.constant 0 : i32
      %dma_start3A_1352 = arith.constant 0 : i32
      %dma_start3A_1353 = tpu.memref_slice %arg2[%dma_start3A_1351, %dma_start3A_1352] : memref<100000x64xf32, #tpu.memory_space<hbm>> -> memref<100000x64xf32, #tpu.memory_space<hbm>>
      tpu.enqueue_indirect_dma source(%dma_start3A_1353 : memref<100000x64xf32, #tpu.memory_space<hbm>>) target(%dma_start3A_1347 : memref<48x64xf32, #tpu.memory_space<vmem>>) offsets(%dma_start3A_1350 : memref<48xi32, #tpu.memory_space<vmem>>) semaphore(%arg9 : memref<!tpu.dma_semaphore, #tpu.memory_space<semaphore_mem>>)
      %dma_wait3A_1354 = arith.constant 0 : i32
      %dma_wait3A_1355 = arith.constant 0 : i32
      %dma_wait3A_1356 = tpu.memref_slice %arg7[%dma_wait3A_1354, %dma_wait3A_1355] : memref<768x64xf32, #tpu.memory_space<vmem>> -> memref<48x64xf32, #tpu.memory_space<vmem>>
      %dma_wait3A_1357 = arith.constant 0 : i32
      %dma_wait3A_1358 = arith.constant 0 : i32
      %dma_wait3A_1359 = tpu.memref_slice %arg2[%dma_wait3A_1357, %dma_wait3A_1358] : memref<100000x64xf32, #tpu.memory_space<hbm>> -> memref<48x64xf32, #tpu.memory_space<hbm>>
      %dma_wait3A_1360 = arith.constant 0 : i32
      %dma_wait3A_1361 = arith.constant 0 : i32
      %dma_wait3A_1362 = tpu.memref_slice %arg7[%dma_wait3A_1360, %dma_wait3A_1361] : memref<768x64xf32, #tpu.memory_space<vmem>> -> memref<48x64xf32, #tpu.memory_space<vmem>>
      %dma_wait3A_1363 = arith.constant 0 : i32
      %dma_wait3A_1364 = arith.constant 0 : i32
      %dma_wait3A_1365 = tpu.memref_slice %arg2[%dma_wait3A_1363, %dma_wait3A_1364] : memref<100000x64xf32, #tpu.memory_space<hbm>> -> memref<48x64xf32, #tpu.memory_space<hbm>>
      tpu.wait_dma2 semaphore(%arg10 : memref<!tpu.dma_semaphore, #tpu.memory_space<semaphore_mem>>) src(%dma_wait3A_1365 : memref<48x64xf32, #tpu.memory_space<hbm>>) dst(%dma_wait3A_1362 : memref<48x64xf32, #tpu.memory_space<vmem>>)
      %dma_wait3A_1366 = arith.constant 48 : i32
      %dma_wait3A_1367 = arith.constant 0 : i32
      %dma_wait3A_1368 = tpu.memref_slice %arg7[%dma_wait3A_1366, %dma_wait3A_1367] : memref<768x64xf32, #tpu.memory_space<vmem>> -> memref<48x64xf32, #tpu.memory_space<vmem>>
      %dma_wait3A_1369 = arith.constant 0 : i32
      %dma_wait3A_1370 = arith.constant 0 : i32
      %dma_wait3A_1371 = tpu.memref_slice %arg2[%dma_wait3A_1369, %dma_wait3A_1370] : memref<100000x64xf32, #tpu.memory_space<hbm>> -> memref<48x64xf32, #tpu.memory_space<hbm>>
      %dma_wait3A_1372 = arith.constant 48 : i32
      %dma_wait3A_1373 = arith.constant 0 : i32
      %dma_wait3A_1374 = tpu.memref_slice %arg7[%dma_wait3A_1372, %dma_wait3A_1373] : memref<768x64xf32, #tpu.memory_space<vmem>> -> memref<48x64xf32, #tpu.memory_space<vmem>>
      %dma_wait3A_1375 = arith.constant 0 : i32
      %dma_wait3A_1376 = arith.constant 0 : i32
      %dma_wait3A_1377 = tpu.memref_slice %arg2[%dma_wait3A_1375, %dma_wait3A_1376] : memref<100000x64xf32, #tpu.memory_space<hbm>> -> memref<48x64xf32, #tpu.memory_space<hbm>>
      tpu.wait_dma2 semaphore(%arg10 : memref<!tpu.dma_semaphore, #tpu.memory_space<semaphore_mem>>) src(%dma_wait3A_1377 : memref<48x64xf32, #tpu.memory_space<hbm>>) dst(%dma_wait3A_1374 : memref<48x64xf32, #tpu.memory_space<vmem>>)
      %dma_wait3A_1378 = arith.constant 96 : i32
      %dma_wait3A_1379 = arith.constant 0 : i32
      %dma_wait3A_1380 = tpu.memref_slice %arg7[%dma_wait3A_1378, %dma_wait3A_1379] : memref<768x64xf32, #tpu.memory_space<vmem>> -> memref<48x64xf32, #tpu.memory_space<vmem>>
      %dma_wait3A_1381 = arith.constant 0 : i32
      %dma_wait3A_1382 = arith.constant 0 : i32
      %dma_wait3A_1383 = tpu.memref_slice %arg2[%dma_wait3A_1381, %dma_wait3A_1382] : memref<100000x64xf32, #tpu.memory_space<hbm>> -> memref<48x64xf32, #tpu.memory_space<hbm>>
      %dma_wait3A_1384 = arith.constant 96 : i32
      %dma_wait3A_1385 = arith.constant 0 : i32
      %dma_wait3A_1386 = tpu.memref_slice %arg7[%dma_wait3A_1384, %dma_wait3A_1385] : memref<768x64xf32, #tpu.memory_space<vmem>> -> memref<48x64xf32, #tpu.memory_space<vmem>>
      %dma_wait3A_1387 = arith.constant 0 : i32
      %dma_wait3A_1388 = arith.constant 0 : i32
      %dma_wait3A_1389 = tpu.memref_slice %arg2[%dma_wait3A_1387, %dma_wait3A_1388] : memref<100000x64xf32, #tpu.memory_space<hbm>> -> memref<48x64xf32, #tpu.memory_space<hbm>>
      tpu.wait_dma2 semaphore(%arg10 : memref<!tpu.dma_semaphore, #tpu.memory_space<semaphore_mem>>) src(%dma_wait3A_1389 : memref<48x64xf32, #tpu.memory_space<hbm>>) dst(%dma_wait3A_1386 : memref<48x64xf32, #tpu.memory_space<vmem>>)
      %dma_wait3A_1390 = arith.constant 144 : i32
      %dma_wait3A_1391 = arith.constant 0 : i32
      %dma_wait3A_1392 = tpu.memref_slice %arg7[%dma_wait3A_1390, %dma_wait3A_1391] : memref<768x64xf32, #tpu.memory_space<vmem>> -> memref<48x64xf32, #tpu.memory_space<vmem>>
      %dma_wait3A_1393 = arith.constant 0 : i32
      %dma_wait3A_1394 = arith.constant 0 : i32
      %dma_wait3A_1395 = tpu.memref_slice %arg2[%dma_wait3A_1393, %dma_wait3A_1394] : memref<100000x64xf32, #tpu.memory_space<hbm>> -> memref<48x64xf32, #tpu.memory_space<hbm>>
      %dma_wait3A_1396 = arith.constant 144 : i32
      %dma_wait3A_1397 = arith.constant 0 : i32
      %dma_wait3A_1398 = tpu.memref_slice %arg7[%dma_wait3A_1396, %dma_wait3A_1397] : memref<768x64xf32, #tpu.memory_space<vmem>> -> memref<48x64xf32, #tpu.memory_space<vmem>>
      %dma_wait3A_1399 = arith.constant 0 : i32
      %dma_wait3A_1400 = arith.constant 0 : i32
      %dma_wait3A_1401 = tpu.memref_slice %arg2[%dma_wait3A_1399, %dma_wait3A_1400] : memref<100000x64xf32, #tpu.memory_space<hbm>> -> memref<48x64xf32, #tpu.memory_space<hbm>>
      tpu.wait_dma2 semaphore(%arg10 : memref<!tpu.dma_semaphore, #tpu.memory_space<semaphore_mem>>) src(%dma_wait3A_1401 : memref<48x64xf32, #tpu.memory_space<hbm>>) dst(%dma_wait3A_1398 : memref<48x64xf32, #tpu.memory_space<vmem>>)
      %dma_wait3A_1402 = arith.constant 192 : i32
      %dma_wait3A_1403 = arith.constant 0 : i32
      %dma_wait3A_1404 = tpu.memref_slice %arg7[%dma_wait3A_1402, %dma_wait3A_1403] : memref<768x64xf32, #tpu.memory_space<vmem>> -> memref<48x64xf32, #tpu.memory_space<vmem>>
      %dma_wait3A_1405 = arith.constant 0 : i32
      %dma_wait3A_1406 = arith.constant 0 : i32
      %dma_wait3A_1407 = tpu.memref_slice %arg2[%dma_wait3A_1405, %dma_wait3A_1406] : memref<100000x64xf32, #tpu.memory_space<hbm>> -> memref<48x64xf32, #tpu.memory_space<hbm>>
      %dma_wait3A_1408 = arith.constant 192 : i32
      %dma_wait3A_1409 = arith.constant 0 : i32
      %dma_wait3A_1410 = tpu.memref_slice %arg7[%dma_wait3A_1408, %dma_wait3A_1409] : memref<768x64xf32, #tpu.memory_space<vmem>> -> memref<48x64xf32, #tpu.memory_space<vmem>>
      %dma_wait3A_1411 = arith.constant 0 : i32
      %dma_wait3A_1412 = arith.constant 0 : i32
      %dma_wait3A_1413 = tpu.memref_slice %arg2[%dma_wait3A_1411, %dma_wait3A_1412] : memref<100000x64xf32, #tpu.memory_space<hbm>> -> memref<48x64xf32, #tpu.memory_space<hbm>>
      tpu.wait_dma2 semaphore(%arg10 : memref<!tpu.dma_semaphore, #tpu.memory_space<semaphore_mem>>) src(%dma_wait3A_1413 : memref<48x64xf32, #tpu.memory_space<hbm>>) dst(%dma_wait3A_1410 : memref<48x64xf32, #tpu.memory_space<vmem>>)
      %dma_wait3A_1414 = arith.constant 240 : i32
      %dma_wait3A_1415 = arith.constant 0 : i32
      %dma_wait3A_1416 = tpu.memref_slice %arg7[%dma_wait3A_1414, %dma_wait3A_1415] : memref<768x64xf32, #tpu.memory_space<vmem>> -> memref<48x64xf32, #tpu.memory_space<vmem>>
      %dma_wait3A_1417 = arith.constant 0 : i32
      %dma_wait3A_1418 = arith.constant 0 : i32
      %dma_wait3A_1419 = tpu.memref_slice %arg2[%dma_wait3A_1417, %dma_wait3A_1418] : memref<100000x64xf32, #tpu.memory_space<hbm>> -> memref<48x64xf32, #tpu.memory_space<hbm>>
      %dma_wait3A_1420 = arith.constant 240 : i32
      %dma_wait3A_1421 = arith.constant 0 : i32
      %dma_wait3A_1422 = tpu.memref_slice %arg7[%dma_wait3A_1420, %dma_wait3A_1421] : memref<768x64xf32, #tpu.memory_space<vmem>> -> memref<48x64xf32, #tpu.memory_space<vmem>>
      %dma_wait3A_1423 = arith.constant 0 : i32
      %dma_wait3A_1424 = arith.constant 0 : i32
      %dma_wait3A_1425 = tpu.memref_slice %arg2[%dma_wait3A_1423, %dma_wait3A_1424] : memref<100000x64xf32, #tpu.memory_space<hbm>> -> memref<48x64xf32, #tpu.memory_space<hbm>>
      tpu.wait_dma2 semaphore(%arg10 : memref<!tpu.dma_semaphore, #tpu.memory_space<semaphore_mem>>) src(%dma_wait3A_1425 : memref<48x64xf32, #tpu.memory_space<hbm>>) dst(%dma_wait3A_1422 : memref<48x64xf32, #tpu.memory_space<vmem>>)
      %dma_wait3A_1426 = arith.constant 288 : i32
      %dma_wait3A_1427 = arith.constant 0 : i32
      %dma_wait3A_1428 = tpu.memref_slice %arg7[%dma_wait3A_1426, %dma_wait3A_1427] : memref<768x64xf32, #tpu.memory_space<vmem>> -> memref<48x64xf32, #tpu.memory_space<vmem>>
      %dma_wait3A_1429 = arith.constant 0 : i32
      %dma_wait3A_1430 = arith.constant 0 : i32
      %dma_wait3A_1431 = tpu.memref_slice %arg2[%dma_wait3A_1429, %dma_wait3A_1430] : memref<100000x64xf32, #tpu.memory_space<hbm>> -> memref<48x64xf32, #tpu.memory_space<hbm>>
      %dma_wait3A_1432 = arith.constant 288 : i32
      %dma_wait3A_1433 = arith.constant 0 : i32
      %dma_wait3A_1434 = tpu.memref_slice %arg7[%dma_wait3A_1432, %dma_wait3A_1433] : memref<768x64xf32, #tpu.memory_space<vmem>> -> memref<48x64xf32, #tpu.memory_space<vmem>>
      %dma_wait3A_1435 = arith.constant 0 : i32
      %dma_wait3A_1436 = arith.constant 0 : i32
      %dma_wait3A_1437 = tpu.memref_slice %arg2[%dma_wait3A_1435, %dma_wait3A_1436] : memref<100000x64xf32, #tpu.memory_space<hbm>> -> memref<48x64xf32, #tpu.memory_space<hbm>>
      tpu.wait_dma2 semaphore(%arg10 : memref<!tpu.dma_semaphore, #tpu.memory_space<semaphore_mem>>) src(%dma_wait3A_1437 : memref<48x64xf32, #tpu.memory_space<hbm>>) dst(%dma_wait3A_1434 : memref<48x64xf32, #tpu.memory_space<vmem>>)
      %dma_wait3A_1438 = arith.constant 336 : i32
      %dma_wait3A_1439 = arith.constant 0 : i32
      %dma_wait3A_1440 = tpu.memref_slice %arg7[%dma_wait3A_1438, %dma_wait3A_1439] : memref<768x64xf32, #tpu.memory_space<vmem>> -> memref<48x64xf32, #tpu.memory_space<vmem>>
      %dma_wait3A_1441 = arith.constant 0 : i32
      %dma_wait3A_1442 = arith.constant 0 : i32
      %dma_wait3A_1443 = tpu.memref_slice %arg2[%dma_wait3A_1441, %dma_wait3A_1442] : memref<100000x64xf32, #tpu.memory_space<hbm>> -> memref<48x64xf32, #tpu.memory_space<hbm>>
      %dma_wait3A_1444 = arith.constant 336 : i32
      %dma_wait3A_1445 = arith.constant 0 : i32
      %dma_wait3A_1446 = tpu.memref_slice %arg7[%dma_wait3A_1444, %dma_wait3A_1445] : memref<768x64xf32, #tpu.memory_space<vmem>> -> memref<48x64xf32, #tpu.memory_space<vmem>>
      %dma_wait3A_1447 = arith.constant 0 : i32
      %dma_wait3A_1448 = arith.constant 0 : i32
      %dma_wait3A_1449 = tpu.memref_slice %arg2[%dma_wait3A_1447, %dma_wait3A_1448] : memref<100000x64xf32, #tpu.memory_space<hbm>> -> memref<48x64xf32, #tpu.memory_space<hbm>>
      tpu.wait_dma2 semaphore(%arg10 : memref<!tpu.dma_semaphore, #tpu.memory_space<semaphore_mem>>) src(%dma_wait3A_1449 : memref<48x64xf32, #tpu.memory_space<hbm>>) dst(%dma_wait3A_1446 : memref<48x64xf32, #tpu.memory_space<vmem>>)
      %dma_wait3A_1450 = arith.constant 384 : i32
      %dma_wait3A_1451 = arith.constant 0 : i32
      %dma_wait3A_1452 = tpu.memref_slice %arg7[%dma_wait3A_1450, %dma_wait3A_1451] : memref<768x64xf32, #tpu.memory_space<vmem>> -> memref<48x64xf32, #tpu.memory_space<vmem>>
      %dma_wait3A_1453 = arith.constant 0 : i32
      %dma_wait3A_1454 = arith.constant 0 : i32
      %dma_wait3A_1455 = tpu.memref_slice %arg2[%dma_wait3A_1453, %dma_wait3A_1454] : memref<100000x64xf32, #tpu.memory_space<hbm>> -> memref<48x64xf32, #tpu.memory_space<hbm>>
      %dma_wait3A_1456 = arith.constant 384 : i32
      %dma_wait3A_1457 = arith.constant 0 : i32
      %dma_wait3A_1458 = tpu.memref_slice %arg7[%dma_wait3A_1456, %dma_wait3A_1457] : memref<768x64xf32, #tpu.memory_space<vmem>> -> memref<48x64xf32, #tpu.memory_space<vmem>>
      %dma_wait3A_1459 = arith.constant 0 : i32
      %dma_wait3A_1460 = arith.constant 0 : i32
      %dma_wait3A_1461 = tpu.memref_slice %arg2[%dma_wait3A_1459, %dma_wait3A_1460] : memref<100000x64xf32, #tpu.memory_space<hbm>> -> memref<48x64xf32, #tpu.memory_space<hbm>>
      tpu.wait_dma2 semaphore(%arg10 : memref<!tpu.dma_semaphore, #tpu.memory_space<semaphore_mem>>) src(%dma_wait3A_1461 : memref<48x64xf32, #tpu.memory_space<hbm>>) dst(%dma_wait3A_1458 : memref<48x64xf32, #tpu.memory_space<vmem>>)
      %dma_wait3A_1462 = arith.constant 432 : i32
      %dma_wait3A_1463 = arith.constant 0 : i32
      %dma_wait3A_1464 = tpu.memref_slice %arg7[%dma_wait3A_1462, %dma_wait3A_1463] : memref<768x64xf32, #tpu.memory_space<vmem>> -> memref<48x64xf32, #tpu.memory_space<vmem>>
      %dma_wait3A_1465 = arith.constant 0 : i32
      %dma_wait3A_1466 = arith.constant 0 : i32
      %dma_wait3A_1467 = tpu.memref_slice %arg2[%dma_wait3A_1465, %dma_wait3A_1466] : memref<100000x64xf32, #tpu.memory_space<hbm>> -> memref<48x64xf32, #tpu.memory_space<hbm>>
      %dma_wait3A_1468 = arith.constant 432 : i32
      %dma_wait3A_1469 = arith.constant 0 : i32
      %dma_wait3A_1470 = tpu.memref_slice %arg7[%dma_wait3A_1468, %dma_wait3A_1469] : memref<768x64xf32, #tpu.memory_space<vmem>> -> memref<48x64xf32, #tpu.memory_space<vmem>>
      %dma_wait3A_1471 = arith.constant 0 : i32
      %dma_wait3A_1472 = arith.constant 0 : i32
      %dma_wait3A_1473 = tpu.memref_slice %arg2[%dma_wait3A_1471, %dma_wait3A_1472] : memref<100000x64xf32, #tpu.memory_space<hbm>> -> memref<48x64xf32, #tpu.memory_space<hbm>>
      tpu.wait_dma2 semaphore(%arg10 : memref<!tpu.dma_semaphore, #tpu.memory_space<semaphore_mem>>) src(%dma_wait3A_1473 : memref<48x64xf32, #tpu.memory_space<hbm>>) dst(%dma_wait3A_1470 : memref<48x64xf32, #tpu.memory_space<vmem>>)
      %dma_wait3A_1474 = arith.constant 480 : i32
      %dma_wait3A_1475 = arith.constant 0 : i32
      %dma_wait3A_1476 = tpu.memref_slice %arg7[%dma_wait3A_1474, %dma_wait3A_1475] : memref<768x64xf32, #tpu.memory_space<vmem>> -> memref<48x64xf32, #tpu.memory_space<vmem>>
      %dma_wait3A_1477 = arith.constant 0 : i32
      %dma_wait3A_1478 = arith.constant 0 : i32
      %dma_wait3A_1479 = tpu.memref_slice %arg2[%dma_wait3A_1477, %dma_wait3A_1478] : memref<100000x64xf32, #tpu.memory_space<hbm>> -> memref<48x64xf32, #tpu.memory_space<hbm>>
      %dma_wait3A_1480 = arith.constant 480 : i32
      %dma_wait3A_1481 = arith.constant 0 : i32
      %dma_wait3A_1482 = tpu.memref_slice %arg7[%dma_wait3A_1480, %dma_wait3A_1481] : memref<768x64xf32, #tpu.memory_space<vmem>> -> memref<48x64xf32, #tpu.memory_space<vmem>>
      %dma_wait3A_1483 = arith.constant 0 : i32
      %dma_wait3A_1484 = arith.constant 0 : i32
      %dma_wait3A_1485 = tpu.memref_slice %arg2[%dma_wait3A_1483, %dma_wait3A_1484] : memref<100000x64xf32, #tpu.memory_space<hbm>> -> memref<48x64xf32, #tpu.memory_space<hbm>>
      tpu.wait_dma2 semaphore(%arg10 : memref<!tpu.dma_semaphore, #tpu.memory_space<semaphore_mem>>) src(%dma_wait3A_1485 : memref<48x64xf32, #tpu.memory_space<hbm>>) dst(%dma_wait3A_1482 : memref<48x64xf32, #tpu.memory_space<vmem>>)
      %dma_wait3A_1486 = arith.constant 528 : i32
      %dma_wait3A_1487 = arith.constant 0 : i32
      %dma_wait3A_1488 = tpu.memref_slice %arg7[%dma_wait3A_1486, %dma_wait3A_1487] : memref<768x64xf32, #tpu.memory_space<vmem>> -> memref<48x64xf32, #tpu.memory_space<vmem>>
      %dma_wait3A_1489 = arith.constant 0 : i32
      %dma_wait3A_1490 = arith.constant 0 : i32
      %dma_wait3A_1491 = tpu.memref_slice %arg2[%dma_wait3A_1489, %dma_wait3A_1490] : memref<100000x64xf32, #tpu.memory_space<hbm>> -> memref<48x64xf32, #tpu.memory_space<hbm>>
      %dma_wait3A_1492 = arith.constant 528 : i32
      %dma_wait3A_1493 = arith.constant 0 : i32
      %dma_wait3A_1494 = tpu.memref_slice %arg7[%dma_wait3A_1492, %dma_wait3A_1493] : memref<768x64xf32, #tpu.memory_space<vmem>> -> memref<48x64xf32, #tpu.memory_space<vmem>>
      %dma_wait3A_1495 = arith.constant 0 : i32
      %dma_wait3A_1496 = arith.constant 0 : i32
      %dma_wait3A_1497 = tpu.memref_slice %arg2[%dma_wait3A_1495, %dma_wait3A_1496] : memref<100000x64xf32, #tpu.memory_space<hbm>> -> memref<48x64xf32, #tpu.memory_space<hbm>>
      tpu.wait_dma2 semaphore(%arg10 : memref<!tpu.dma_semaphore, #tpu.memory_space<semaphore_mem>>) src(%dma_wait3A_1497 : memref<48x64xf32, #tpu.memory_space<hbm>>) dst(%dma_wait3A_1494 : memref<48x64xf32, #tpu.memory_space<vmem>>)
      %dma_wait3A_1498 = arith.constant 576 : i32
      %dma_wait3A_1499 = arith.constant 0 : i32
      %dma_wait3A_1500 = tpu.memref_slice %arg7[%dma_wait3A_1498, %dma_wait3A_1499] : memref<768x64xf32, #tpu.memory_space<vmem>> -> memref<48x64xf32, #tpu.memory_space<vmem>>
      %dma_wait3A_1501 = arith.constant 0 : i32
      %dma_wait3A_1502 = arith.constant 0 : i32
      %dma_wait3A_1503 = tpu.memref_slice %arg2[%dma_wait3A_1501, %dma_wait3A_1502] : memref<100000x64xf32, #tpu.memory_space<hbm>> -> memref<48x64xf32, #tpu.memory_space<hbm>>
      %dma_wait3A_1504 = arith.constant 576 : i32
      %dma_wait3A_1505 = arith.constant 0 : i32
      %dma_wait3A_1506 = tpu.memref_slice %arg7[%dma_wait3A_1504, %dma_wait3A_1505] : memref<768x64xf32, #tpu.memory_space<vmem>> -> memref<48x64xf32, #tpu.memory_space<vmem>>
      %dma_wait3A_1507 = arith.constant 0 : i32
      %dma_wait3A_1508 = arith.constant 0 : i32
      %dma_wait3A_1509 = tpu.memref_slice %arg2[%dma_wait3A_1507, %dma_wait3A_1508] : memref<100000x64xf32, #tpu.memory_space<hbm>> -> memref<48x64xf32, #tpu.memory_space<hbm>>
      tpu.wait_dma2 semaphore(%arg10 : memref<!tpu.dma_semaphore, #tpu.memory_space<semaphore_mem>>) src(%dma_wait3A_1509 : memref<48x64xf32, #tpu.memory_space<hbm>>) dst(%dma_wait3A_1506 : memref<48x64xf32, #tpu.memory_space<vmem>>)
      %dma_wait3A_1510 = arith.constant 624 : i32
      %dma_wait3A_1511 = arith.constant 0 : i32
      %dma_wait3A_1512 = tpu.memref_slice %arg7[%dma_wait3A_1510, %dma_wait3A_1511] : memref<768x64xf32, #tpu.memory_space<vmem>> -> memref<48x64xf32, #tpu.memory_space<vmem>>
      %dma_wait3A_1513 = arith.constant 0 : i32
      %dma_wait3A_1514 = arith.constant 0 : i32
      %dma_wait3A_1515 = tpu.memref_slice %arg2[%dma_wait3A_1513, %dma_wait3A_1514] : memref<100000x64xf32, #tpu.memory_space<hbm>> -> memref<48x64xf32, #tpu.memory_space<hbm>>
      %dma_wait3A_1516 = arith.constant 624 : i32
      %dma_wait3A_1517 = arith.constant 0 : i32
      %dma_wait3A_1518 = tpu.memref_slice %arg7[%dma_wait3A_1516, %dma_wait3A_1517] : memref<768x64xf32, #tpu.memory_space<vmem>> -> memref<48x64xf32, #tpu.memory_space<vmem>>
      %dma_wait3A_1519 = arith.constant 0 : i32
      %dma_wait3A_1520 = arith.constant 0 : i32
      %dma_wait3A_1521 = tpu.memref_slice %arg2[%dma_wait3A_1519, %dma_wait3A_1520] : memref<100000x64xf32, #tpu.memory_space<hbm>> -> memref<48x64xf32, #tpu.memory_space<hbm>>
      tpu.wait_dma2 semaphore(%arg10 : memref<!tpu.dma_semaphore, #tpu.memory_space<semaphore_mem>>) src(%dma_wait3A_1521 : memref<48x64xf32, #tpu.memory_space<hbm>>) dst(%dma_wait3A_1518 : memref<48x64xf32, #tpu.memory_space<vmem>>)
      %dma_wait3A_1522 = arith.constant 672 : i32
      %dma_wait3A_1523 = arith.constant 0 : i32
      %dma_wait3A_1524 = tpu.memref_slice %arg7[%dma_wait3A_1522, %dma_wait3A_1523] : memref<768x64xf32, #tpu.memory_space<vmem>> -> memref<48x64xf32, #tpu.memory_space<vmem>>
      %dma_wait3A_1525 = arith.constant 0 : i32
      %dma_wait3A_1526 = arith.constant 0 : i32
      %dma_wait3A_1527 = tpu.memref_slice %arg2[%dma_wait3A_1525, %dma_wait3A_1526] : memref<100000x64xf32, #tpu.memory_space<hbm>> -> memref<48x64xf32, #tpu.memory_space<hbm>>
      %dma_wait3A_1528 = arith.constant 672 : i32
      %dma_wait3A_1529 = arith.constant 0 : i32
      %dma_wait3A_1530 = tpu.memref_slice %arg7[%dma_wait3A_1528, %dma_wait3A_1529] : memref<768x64xf32, #tpu.memory_space<vmem>> -> memref<48x64xf32, #tpu.memory_space<vmem>>
      %dma_wait3A_1531 = arith.constant 0 : i32
      %dma_wait3A_1532 = arith.constant 0 : i32
      %dma_wait3A_1533 = tpu.memref_slice %arg2[%dma_wait3A_1531, %dma_wait3A_1532] : memref<100000x64xf32, #tpu.memory_space<hbm>> -> memref<48x64xf32, #tpu.memory_space<hbm>>
      tpu.wait_dma2 semaphore(%arg10 : memref<!tpu.dma_semaphore, #tpu.memory_space<semaphore_mem>>) src(%dma_wait3A_1533 : memref<48x64xf32, #tpu.memory_space<hbm>>) dst(%dma_wait3A_1530 : memref<48x64xf32, #tpu.memory_space<vmem>>)
      %dma_wait3A_1534 = arith.constant 720 : i32
      %dma_wait3A_1535 = arith.constant 0 : i32
      %dma_wait3A_1536 = tpu.memref_slice %arg7[%dma_wait3A_1534, %dma_wait3A_1535] : memref<768x64xf32, #tpu.memory_space<vmem>> -> memref<48x64xf32, #tpu.memory_space<vmem>>
      %dma_wait3A_1537 = arith.constant 0 : i32
      %dma_wait3A_1538 = arith.constant 0 : i32
      %dma_wait3A_1539 = tpu.memref_slice %arg2[%dma_wait3A_1537, %dma_wait3A_1538] : memref<100000x64xf32, #tpu.memory_space<hbm>> -> memref<48x64xf32, #tpu.memory_space<hbm>>
      %dma_wait3A_1540 = arith.constant 720 : i32
      %dma_wait3A_1541 = arith.constant 0 : i32
      %dma_wait3A_1542 = tpu.memref_slice %arg7[%dma_wait3A_1540, %dma_wait3A_1541] : memref<768x64xf32, #tpu.memory_space<vmem>> -> memref<48x64xf32, #tpu.memory_space<vmem>>
      %dma_wait3A_1543 = arith.constant 0 : i32
      %dma_wait3A_1544 = arith.constant 0 : i32
      %dma_wait3A_1545 = tpu.memref_slice %arg2[%dma_wait3A_1543, %dma_wait3A_1544] : memref<100000x64xf32, #tpu.memory_space<hbm>> -> memref<48x64xf32, #tpu.memory_space<hbm>>
      tpu.wait_dma2 semaphore(%arg10 : memref<!tpu.dma_semaphore, #tpu.memory_space<semaphore_mem>>) src(%dma_wait3A_1545 : memref<48x64xf32, #tpu.memory_space<hbm>>) dst(%dma_wait3A_1542 : memref<48x64xf32, #tpu.memory_space<vmem>>)
      %scan3A_1546 = arith.constant 0 : i32
      %scan3A_1547 = arith.constant 16 : i32
      %scan3A_1548 = arith.addi %scan3A_1546, %scan3A_1547 : i32
      %scan3A_1549 = arith.constant 1 : i32
      %scan3A_1550:4 = scf.for %scan3A_1552 = %scan3A_1546 to %scan3A_1548 step %scan3A_1549 iter_args(%scan3A_1553 = %scan3A_1142#0, %scan3A_1554 = %scan3A_1142#1, %scan3A_1555 = %scan3A_1142#2, %scan3A_1556 = %scan3A_1142#3) -> (vector<16xf32>, vector<16xf32>, vector<16xf32>, vector<16xf32>)  : i32 {
        %mul3A_1557 = arith.constant 48 : i32
        %mul3A_1558 = arith.muli %scan3A_1552, %mul3A_1557 : i32
        %scan3A_1559 = arith.constant 0 : i32
        %scan3A_1560 = arith.constant 24 : i32
        %scan3A_1561 = arith.addi %scan3A_1559, %scan3A_1560 : i32
        %scan3A_1562 = arith.constant 4 : i32
        %scan3A_1563:4 = scf.for %scan3A_1565 = %scan3A_1559 to %scan3A_1561 step %scan3A_1562 iter_args(%scan3A_1566 = %scan3A_1553, %scan3A_1567 = %scan3A_1554, %scan3A_1568 = %scan3A_1555, %scan3A_1569 = %scan3A_1556) -> (vector<16xf32>, vector<16xf32>, vector<16xf32>, vector<16xf32>)  : i32 {
          %add3A_1570 = arith.addi %mul3A_1558, %scan3A_1565 : i32
          %get3A = arith.index_cast %add3A_1570 : i32 to index
          %get3A_1571 = arith.constant 0 : index
          %get3A_1572 = tpu.vector_load %arg7[%get3A, %get3A_1571] {strides = array<i32>} : memref<768x64xf32, #tpu.memory_space<vmem>>, vector<1x16xf32>,
          %get3A_1573 = vector.shape_cast %get3A_1572 : vector<1x16xf32> to vector<16xf32>
          %add3A_1574 = arith.addi %mul3A_1558, %scan3A_1565 : i32
          %add3A_1575 = arith.constant 24 : i32
          %add3A_1576 = arith.addi %add3A_1574, %add3A_1575 : i32
          %get3A_1577 = arith.index_cast %add3A_1576 : i32 to index
          %get3A_1578 = arith.constant 0 : index
          %get3A_1579 = tpu.vector_load %arg7[%get3A_1577, %get3A_1578] {strides = array<i32>} : memref<768x64xf32, #tpu.memory_space<vmem>>, vector<1x16xf32>,
          %get3A_1580 = vector.shape_cast %get3A_1579 : vector<1x16xf32> to vector<16xf32>
          %sub3A = arith.subf %get3A_1573, %get3A_1580 : vector<16xf32>
          %mul3A_1581 = arith.mulf %sub3A, %sub3A : vector<16xf32>
          %add3A_1582 = arith.addf %scan3A_1566, %mul3A_1581 : vector<16xf32>
          %add3A_1583 = arith.addi %mul3A_1558, %scan3A_1565 : i32
          %get3A_1584 = arith.index_cast %add3A_1583 : i32 to index
          %get3A_1585 = arith.constant 16 : index
          %get3A_1586 = tpu.vector_load %arg7[%get3A_1584, %get3A_1585] {strides = array<i32>} : memref<768x64xf32, #tpu.memory_space<vmem>>, vector<1x16xf32>,
          %get3A_1587 = vector.shape_cast %get3A_1586 : vector<1x16xf32> to vector<16xf32>
          %add3A_1588 = arith.addi %mul3A_1558, %scan3A_1565 : i32
          %add3A_1589 = arith.constant 24 : i32
          %add3A_1590 = arith.addi %add3A_1588, %add3A_1589 : i32
          %get3A_1591 = arith.index_cast %add3A_1590 : i32 to index
          %get3A_1592 = arith.constant 16 : index
          %get3A_1593 = tpu.vector_load %arg7[%get3A_1591, %get3A_1592] {strides = array<i32>} : memref<768x64xf32, #tpu.memory_space<vmem>>, vector<1x16xf32>,
          %get3A_1594 = vector.shape_cast %get3A_1593 : vector<1x16xf32> to vector<16xf32>
          %sub3A_1595 = arith.subf %get3A_1587, %get3A_1594 : vector<16xf32>
          %mul3A_1596 = arith.mulf %sub3A_1595, %sub3A_1595 : vector<16xf32>
          %add3A_1597 = arith.addf %scan3A_1567, %mul3A_1596 : vector<16xf32>
          %add3A_1598 = arith.addi %mul3A_1558, %scan3A_1565 : i32
          %get3A_1599 = arith.index_cast %add3A_1598 : i32 to index
          %get3A_1600 = arith.constant 32 : index
          %get3A_1601 = tpu.vector_load %arg7[%get3A_1599, %get3A_1600] {strides = array<i32>} : memref<768x64xf32, #tpu.memory_space<vmem>>, vector<1x16xf32>,
          %get3A_1602 = vector.shape_cast %get3A_1601 : vector<1x16xf32> to vector<16xf32>
          %add3A_1603 = arith.addi %mul3A_1558, %scan3A_1565 : i32
          %add3A_1604 = arith.constant 24 : i32
          %add3A_1605 = arith.addi %add3A_1603, %add3A_1604 : i32
          %get3A_1606 = arith.index_cast %add3A_1605 : i32 to index
          %get3A_1607 = arith.constant 32 : index
          %get3A_1608 = tpu.vector_load %arg7[%get3A_1606, %get3A_1607] {strides = array<i32>} : memref<768x64xf32, #tpu.memory_space<vmem>>, vector<1x16xf32>,
          %get3A_1609 = vector.shape_cast %get3A_1608 : vector<1x16xf32> to vector<16xf32>
          %sub3A_1610 = arith.subf %get3A_1602, %get3A_1609 : vector<16xf32>
          %mul3A_1611 = arith.mulf %sub3A_1610, %sub3A_1610 : vector<16xf32>
          %add3A_1612 = arith.addf %scan3A_1568, %mul3A_1611 : vector<16xf32>
          %add3A_1613 = arith.addi %mul3A_1558, %scan3A_1565 : i32
          %get3A_1614 = arith.index_cast %add3A_1613 : i32 to index
          %get3A_1615 = arith.constant 48 : index
          %get3A_1616 = tpu.vector_load %arg7[%get3A_1614, %get3A_1615] {strides = array<i32>} : memref<768x64xf32, #tpu.memory_space<vmem>>, vector<1x16xf32>,
          %get3A_1617 = vector.shape_cast %get3A_1616 : vector<1x16xf32> to vector<16xf32>
          %add3A_1618 = arith.addi %mul3A_1558, %scan3A_1565 : i32
          %add3A_1619 = arith.constant 24 : i32
          %add3A_1620 = arith.addi %add3A_1618, %add3A_1619 : i32
          %get3A_1621 = arith.index_cast %add3A_1620 : i32 to index
          %get3A_1622 = arith.constant 48 : index
          %get3A_1623 = tpu.vector_load %arg7[%get3A_1621, %get3A_1622] {strides = array<i32>} : memref<768x64xf32, #tpu.memory_space<vmem>>, vector<1x16xf32>,
          %get3A_1624 = vector.shape_cast %get3A_1623 : vector<1x16xf32> to vector<16xf32>
          %sub3A_1625 = arith.subf %get3A_1617, %get3A_1624 : vector<16xf32>
          %mul3A_1626 = arith.mulf %sub3A_1625, %sub3A_1625 : vector<16xf32>
          %add3A_1627 = arith.addf %scan3A_1569, %mul3A_1626 : vector<16xf32>
          %scan3A_1628 = arith.constant 1 : i32
          %scan3A_1629 = arith.addi %scan3A_1565, %scan3A_1628 : i32
          %add3A_1630 = arith.addi %mul3A_1558, %scan3A_1629 : i32
          %get3A_1631 = arith.index_cast %add3A_1630 : i32 to index
          %get3A_1632 = arith.constant 0 : index
          %get3A_1633 = tpu.vector_load %arg7[%get3A_1631, %get3A_1632] {strides = array<i32>} : memref<768x64xf32, #tpu.memory_space<vmem>>, vector<1x16xf32>,
          %get3A_1634 = vector.shape_cast %get3A_1633 : vector<1x16xf32> to vector<16xf32>
          %add3A_1635 = arith.addi %mul3A_1558, %scan3A_1629 : i32
          %add3A_1636 = arith.constant 24 : i32
          %add3A_1637 = arith.addi %add3A_1635, %add3A_1636 : i32
          %get3A_1638 = arith.index_cast %add3A_1637 : i32 to index
          %get3A_1639 = arith.constant 0 : index
          %get3A_1640 = tpu.vector_load %arg7[%get3A_1638, %get3A_1639] {strides = array<i32>} : memref<768x64xf32, #tpu.memory_space<vmem>>, vector<1x16xf32>,
          %get3A_1641 = vector.shape_cast %get3A_1640 : vector<1x16xf32> to vector<16xf32>
          %sub3A_1642 = arith.subf %get3A_1634, %get3A_1641 : vector<16xf32>
          %mul3A_1643 = arith.mulf %sub3A_1642, %sub3A_1642 : vector<16xf32>
          %add3A_1644 = arith.addf %add3A_1582, %mul3A_1643 : vector<16xf32>
          %add3A_1645 = arith.addi %mul3A_1558, %scan3A_1629 : i32
          %get3A_1646 = arith.index_cast %add3A_1645 : i32 to index
          %get3A_1647 = arith.constant 16 : index
          %get3A_1648 = tpu.vector_load %arg7[%get3A_1646, %get3A_1647] {strides = array<i32>} : memref<768x64xf32, #tpu.memory_space<vmem>>, vector<1x16xf32>,
          %get3A_1649 = vector.shape_cast %get3A_1648 : vector<1x16xf32> to vector<16xf32>
          %add3A_1650 = arith.addi %mul3A_1558, %scan3A_1629 : i32
          %add3A_1651 = arith.constant 24 : i32
          %add3A_1652 = arith.addi %add3A_1650, %add3A_1651 : i32
          %get3A_1653 = arith.index_cast %add3A_1652 : i32 to index
          %get3A_1654 = arith.constant 16 : index
          %get3A_1655 = tpu.vector_load %arg7[%get3A_1653, %get3A_1654] {strides = array<i32>} : memref<768x64xf32, #tpu.memory_space<vmem>>, vector<1x16xf32>,
          %get3A_1656 = vector.shape_cast %get3A_1655 : vector<1x16xf32> to vector<16xf32>
          %sub3A_1657 = arith.subf %get3A_1649, %get3A_1656 : vector<16xf32>
          %mul3A_1658 = arith.mulf %sub3A_1657, %sub3A_1657 : vector<16xf32>
          %add3A_1659 = arith.addf %add3A_1597, %mul3A_1658 : vector<16xf32>
          %add3A_1660 = arith.addi %mul3A_1558, %scan3A_1629 : i32
          %get3A_1661 = arith.index_cast %add3A_1660 : i32 to index
          %get3A_1662 = arith.constant 32 : index
          %get3A_1663 = tpu.vector_load %arg7[%get3A_1661, %get3A_1662] {strides = array<i32>} : memref<768x64xf32, #tpu.memory_space<vmem>>, vector<1x16xf32>,
          %get3A_1664 = vector.shape_cast %get3A_1663 : vector<1x16xf32> to vector<16xf32>
          %add3A_1665 = arith.addi %mul3A_1558, %scan3A_1629 : i32
          %add3A_1666 = arith.constant 24 : i32
          %add3A_1667 = arith.addi %add3A_1665, %add3A_1666 : i32
          %get3A_1668 = arith.index_cast %add3A_1667 : i32 to index
          %get3A_1669 = arith.constant 32 : index
          %get3A_1670 = tpu.vector_load %arg7[%get3A_1668, %get3A_1669] {strides = array<i32>} : memref<768x64xf32, #tpu.memory_space<vmem>>, vector<1x16xf32>,
          %get3A_1671 = vector.shape_cast %get3A_1670 : vector<1x16xf32> to vector<16xf32>
          %sub3A_1672 = arith.subf %get3A_1664, %get3A_1671 : vector<16xf32>
          %mul3A_1673 = arith.mulf %sub3A_1672, %sub3A_1672 : vector<16xf32>
          %add3A_1674 = arith.addf %add3A_1612, %mul3A_1673 : vector<16xf32>
          %add3A_1675 = arith.addi %mul3A_1558, %scan3A_1629 : i32
          %get3A_1676 = arith.index_cast %add3A_1675 : i32 to index
          %get3A_1677 = arith.constant 48 : index
          %get3A_1678 = tpu.vector_load %arg7[%get3A_1676, %get3A_1677] {strides = array<i32>} : memref<768x64xf32, #tpu.memory_space<vmem>>, vector<1x16xf32>,
          %get3A_1679 = vector.shape_cast %get3A_1678 : vector<1x16xf32> to vector<16xf32>
          %add3A_1680 = arith.addi %mul3A_1558, %scan3A_1629 : i32
          %add3A_1681 = arith.constant 24 : i32
          %add3A_1682 = arith.addi %add3A_1680, %add3A_1681 : i32
          %get3A_1683 = arith.index_cast %add3A_1682 : i32 to index
          %get3A_1684 = arith.constant 48 : index
          %get3A_1685 = tpu.vector_load %arg7[%get3A_1683, %get3A_1684] {strides = array<i32>} : memref<768x64xf32, #tpu.memory_space<vmem>>, vector<1x16xf32>,
          %get3A_1686 = vector.shape_cast %get3A_1685 : vector<1x16xf32> to vector<16xf32>
          %sub3A_1687 = arith.subf %get3A_1679, %get3A_1686 : vector<16xf32>
          %mul3A_1688 = arith.mulf %sub3A_1687, %sub3A_1687 : vector<16xf32>
          %add3A_1689 = arith.addf %add3A_1627, %mul3A_1688 : vector<16xf32>
          %scan3A_1690 = arith.constant 2 : i32
          %scan3A_1691 = arith.addi %scan3A_1565, %scan3A_1690 : i32
          %add3A_1692 = arith.addi %mul3A_1558, %scan3A_1691 : i32
          %get3A_1693 = arith.index_cast %add3A_1692 : i32 to index
          %get3A_1694 = arith.constant 0 : index
          %get3A_1695 = tpu.vector_load %arg7[%get3A_1693, %get3A_1694] {strides = array<i32>} : memref<768x64xf32, #tpu.memory_space<vmem>>, vector<1x16xf32>,
          %get3A_1696 = vector.shape_cast %get3A_1695 : vector<1x16xf32> to vector<16xf32>
          %add3A_1697 = arith.addi %mul3A_1558, %scan3A_1691 : i32
          %add3A_1698 = arith.constant 24 : i32
          %add3A_1699 = arith.addi %add3A_1697, %add3A_1698 : i32
          %get3A_1700 = arith.index_cast %add3A_1699 : i32 to index
          %get3A_1701 = arith.constant 0 : index
          %get3A_1702 = tpu.vector_load %arg7[%get3A_1700, %get3A_1701] {strides = array<i32>} : memref<768x64xf32, #tpu.memory_space<vmem>>, vector<1x16xf32>,
          %get3A_1703 = vector.shape_cast %get3A_1702 : vector<1x16xf32> to vector<16xf32>
          %sub3A_1704 = arith.subf %get3A_1696, %get3A_1703 : vector<16xf32>
          %mul3A_1705 = arith.mulf %sub3A_1704, %sub3A_1704 : vector<16xf32>
          %add3A_1706 = arith.addf %add3A_1644, %mul3A_1705 : vector<16xf32>
          %add3A_1707 = arith.addi %mul3A_1558, %scan3A_1691 : i32
          %get3A_1708 = arith.index_cast %add3A_1707 : i32 to index
          %get3A_1709 = arith.constant 16 : index
          %get3A_1710 = tpu.vector_load %arg7[%get3A_1708, %get3A_1709] {strides = array<i32>} : memref<768x64xf32, #tpu.memory_space<vmem>>, vector<1x16xf32>,
          %get3A_1711 = vector.shape_cast %get3A_1710 : vector<1x16xf32> to vector<16xf32>
          %add3A_1712 = arith.addi %mul3A_1558, %scan3A_1691 : i32
          %add3A_1713 = arith.constant 24 : i32
          %add3A_1714 = arith.addi %add3A_1712, %add3A_1713 : i32
          %get3A_1715 = arith.index_cast %add3A_1714 : i32 to index
          %get3A_1716 = arith.constant 16 : index
          %get3A_1717 = tpu.vector_load %arg7[%get3A_1715, %get3A_1716] {strides = array<i32>} : memref<768x64xf32, #tpu.memory_space<vmem>>, vector<1x16xf32>,
          %get3A_1718 = vector.shape_cast %get3A_1717 : vector<1x16xf32> to vector<16xf32>
          %sub3A_1719 = arith.subf %get3A_1711, %get3A_1718 : vector<16xf32>
          %mul3A_1720 = arith.mulf %sub3A_1719, %sub3A_1719 : vector<16xf32>
          %add3A_1721 = arith.addf %add3A_1659, %mul3A_1720 : vector<16xf32>
          %add3A_1722 = arith.addi %mul3A_1558, %scan3A_1691 : i32
          %get3A_1723 = arith.index_cast %add3A_1722 : i32 to index
          %get3A_1724 = arith.constant 32 : index
          %get3A_1725 = tpu.vector_load %arg7[%get3A_1723, %get3A_1724] {strides = array<i32>} : memref<768x64xf32, #tpu.memory_space<vmem>>, vector<1x16xf32>,
          %get3A_1726 = vector.shape_cast %get3A_1725 : vector<1x16xf32> to vector<16xf32>
          %add3A_1727 = arith.addi %mul3A_1558, %scan3A_1691 : i32
          %add3A_1728 = arith.constant 24 : i32
          %add3A_1729 = arith.addi %add3A_1727, %add3A_1728 : i32
          %get3A_1730 = arith.index_cast %add3A_1729 : i32 to index
          %get3A_1731 = arith.constant 32 : index
          %get3A_1732 = tpu.vector_load %arg7[%get3A_1730, %get3A_1731] {strides = array<i32>} : memref<768x64xf32, #tpu.memory_space<vmem>>, vector<1x16xf32>,
          %get3A_1733 = vector.shape_cast %get3A_1732 : vector<1x16xf32> to vector<16xf32>
          %sub3A_1734 = arith.subf %get3A_1726, %get3A_1733 : vector<16xf32>
          %mul3A_1735 = arith.mulf %sub3A_1734, %sub3A_1734 : vector<16xf32>
          %add3A_1736 = arith.addf %add3A_1674, %mul3A_1735 : vector<16xf32>
          %add3A_1737 = arith.addi %mul3A_1558, %scan3A_1691 : i32
          %get3A_1738 = arith.index_cast %add3A_1737 : i32 to index
          %get3A_1739 = arith.constant 48 : index
          %get3A_1740 = tpu.vector_load %arg7[%get3A_1738, %get3A_1739] {strides = array<i32>} : memref<768x64xf32, #tpu.memory_space<vmem>>, vector<1x16xf32>,
          %get3A_1741 = vector.shape_cast %get3A_1740 : vector<1x16xf32> to vector<16xf32>
          %add3A_1742 = arith.addi %mul3A_1558, %scan3A_1691 : i32
          %add3A_1743 = arith.constant 24 : i32
          %add3A_1744 = arith.addi %add3A_1742, %add3A_1743 : i32
          %get3A_1745 = arith.index_cast %add3A_1744 : i32 to index
          %get3A_1746 = arith.constant 48 : index
          %get3A_1747 = tpu.vector_load %arg7[%get3A_1745, %get3A_1746] {strides = array<i32>} : memref<768x64xf32, #tpu.memory_space<vmem>>, vector<1x16xf32>,
          %get3A_1748 = vector.shape_cast %get3A_1747 : vector<1x16xf32> to vector<16xf32>
          %sub3A_1749 = arith.subf %get3A_1741, %get3A_1748 : vector<16xf32>
          %mul3A_1750 = arith.mulf %sub3A_1749, %sub3A_1749 : vector<16xf32>
          %add3A_1751 = arith.addf %add3A_1689, %mul3A_1750 : vector<16xf32>
          %scan3A_1752 = arith.constant 3 : i32
          %scan3A_1753 = arith.addi %scan3A_1565, %scan3A_1752 : i32
          %add3A_1754 = arith.addi %mul3A_1558, %scan3A_1753 : i32
          %get3A_1755 = arith.index_cast %add3A_1754 : i32 to index
          %get3A_1756 = arith.constant 0 : index
          %get3A_1757 = tpu.vector_load %arg7[%get3A_1755, %get3A_1756] {strides = array<i32>} : memref<768x64xf32, #tpu.memory_space<vmem>>, vector<1x16xf32>,
          %get3A_1758 = vector.shape_cast %get3A_1757 : vector<1x16xf32> to vector<16xf32>
          %add3A_1759 = arith.addi %mul3A_1558, %scan3A_1753 : i32
          %add3A_1760 = arith.constant 24 : i32
          %add3A_1761 = arith.addi %add3A_1759, %add3A_1760 : i32
          %get3A_1762 = arith.index_cast %add3A_1761 : i32 to index
          %get3A_1763 = arith.constant 0 : index
          %get3A_1764 = tpu.vector_load %arg7[%get3A_1762, %get3A_1763] {strides = array<i32>} : memref<768x64xf32, #tpu.memory_space<vmem>>, vector<1x16xf32>,
          %get3A_1765 = vector.shape_cast %get3A_1764 : vector<1x16xf32> to vector<16xf32>
          %sub3A_1766 = arith.subf %get3A_1758, %get3A_1765 : vector<16xf32>
          %mul3A_1767 = arith.mulf %sub3A_1766, %sub3A_1766 : vector<16xf32>
          %add3A_1768 = arith.addf %add3A_1706, %mul3A_1767 : vector<16xf32>
          %add3A_1769 = arith.addi %mul3A_1558, %scan3A_1753 : i32
          %get3A_1770 = arith.index_cast %add3A_1769 : i32 to index
          %get3A_1771 = arith.constant 16 : index
          %get3A_1772 = tpu.vector_load %arg7[%get3A_1770, %get3A_1771] {strides = array<i32>} : memref<768x64xf32, #tpu.memory_space<vmem>>, vector<1x16xf32>,
          %get3A_1773 = vector.shape_cast %get3A_1772 : vector<1x16xf32> to vector<16xf32>
          %add3A_1774 = arith.addi %mul3A_1558, %scan3A_1753 : i32
          %add3A_1775 = arith.constant 24 : i32
          %add3A_1776 = arith.addi %add3A_1774, %add3A_1775 : i32
          %get3A_1777 = arith.index_cast %add3A_1776 : i32 to index
          %get3A_1778 = arith.constant 16 : index
          %get3A_1779 = tpu.vector_load %arg7[%get3A_1777, %get3A_1778] {strides = array<i32>} : memref<768x64xf32, #tpu.memory_space<vmem>>, vector<1x16xf32>,
          %get3A_1780 = vector.shape_cast %get3A_1779 : vector<1x16xf32> to vector<16xf32>
          %sub3A_1781 = arith.subf %get3A_1773, %get3A_1780 : vector<16xf32>
          %mul3A_1782 = arith.mulf %sub3A_1781, %sub3A_1781 : vector<16xf32>
          %add3A_1783 = arith.addf %add3A_1721, %mul3A_1782 : vector<16xf32>
          %add3A_1784 = arith.addi %mul3A_1558, %scan3A_1753 : i32
          %get3A_1785 = arith.index_cast %add3A_1784 : i32 to index
          %get3A_1786 = arith.constant 32 : index
          %get3A_1787 = tpu.vector_load %arg7[%get3A_1785, %get3A_1786] {strides = array<i32>} : memref<768x64xf32, #tpu.memory_space<vmem>>, vector<1x16xf32>,
          %get3A_1788 = vector.shape_cast %get3A_1787 : vector<1x16xf32> to vector<16xf32>
          %add3A_1789 = arith.addi %mul3A_1558, %scan3A_1753 : i32
          %add3A_1790 = arith.constant 24 : i32
          %add3A_1791 = arith.addi %add3A_1789, %add3A_1790 : i32
          %get3A_1792 = arith.index_cast %add3A_1791 : i32 to index
          %get3A_1793 = arith.constant 32 : index
          %get3A_1794 = tpu.vector_load %arg7[%get3A_1792, %get3A_1793] {strides = array<i32>} : memref<768x64xf32, #tpu.memory_space<vmem>>, vector<1x16xf32>,
          %get3A_1795 = vector.shape_cast %get3A_1794 : vector<1x16xf32> to vector<16xf32>
          %sub3A_1796 = arith.subf %get3A_1788, %get3A_1795 : vector<16xf32>
          %mul3A_1797 = arith.mulf %sub3A_1796, %sub3A_1796 : vector<16xf32>
          %add3A_1798 = arith.addf %add3A_1736, %mul3A_1797 : vector<16xf32>
          %add3A_1799 = arith.addi %mul3A_1558, %scan3A_1753 : i32
          %get3A_1800 = arith.index_cast %add3A_1799 : i32 to index
          %get3A_1801 = arith.constant 48 : index
          %get3A_1802 = tpu.vector_load %arg7[%get3A_1800, %get3A_1801] {strides = array<i32>} : memref<768x64xf32, #tpu.memory_space<vmem>>, vector<1x16xf32>,
          %get3A_1803 = vector.shape_cast %get3A_1802 : vector<1x16xf32> to vector<16xf32>
          %add3A_1804 = arith.addi %mul3A_1558, %scan3A_1753 : i32
          %add3A_1805 = arith.constant 24 : i32
          %add3A_1806 = arith.addi %add3A_1804, %add3A_1805 : i32
          %get3A_1807 = arith.index_cast %add3A_1806 : i32 to index
          %get3A_1808 = arith.constant 48 : index
          %get3A_1809 = tpu.vector_load %arg7[%get3A_1807, %get3A_1808] {strides = array<i32>} : memref<768x64xf32, #tpu.memory_space<vmem>>, vector<1x16xf32>,
          %get3A_1810 = vector.shape_cast %get3A_1809 : vector<1x16xf32> to vector<16xf32>
          %sub3A_1811 = arith.subf %get3A_1803, %get3A_1810 : vector<16xf32>
          %mul3A_1812 = arith.mulf %sub3A_1811, %sub3A_1811 : vector<16xf32>
          %add3A_1813 = arith.addf %add3A_1751, %mul3A_1812 : vector<16xf32>
          scf.yield %add3A_1768, %add3A_1783, %add3A_1798, %add3A_1813 : vector<16xf32>, vector<16xf32>, vector<16xf32>, vector<16xf32>
        }
        %scan3A_1564 = arith.constant 24 : i32
        scf.yield %scan3A_1563#0, %scan3A_1563#1, %scan3A_1563#2, %scan3A_1563#3 : vector<16xf32>, vector<16xf32>, vector<16xf32>, vector<16xf32>
      }
      %scan3A_1551 = arith.constant 16 : i32
      scf.yield %scan3A_1550#0, %scan3A_1550#1, %scan3A_1550#2, %scan3A_1550#3 : vector<16xf32>, vector<16xf32>, vector<16xf32>, vector<16xf32>
    }
    %scan3A_167 = arith.constant 15 : i32
    %dma_start3A_168 = arith.constant 496 : i32
    %dma_start3A_169 = arith.constant 0 : i32
    %dma_start3A_170 = arith.constant 0 : i32
    %dma_start3A_171 = tpu.memref_slice %arg7[%dma_start3A_169, %dma_start3A_170] : memref<768x64xf32, #tpu.memory_space<vmem>> -> memref<48x64xf32, #tpu.memory_space<vmem>>
    %dma_start3A_172 = arith.constant 0 : i32
    %dma_start3A_173 = tpu.memref_slice %arg5[%dma_start3A_168, %dma_start3A_172] : memref<512x48xi32, #tpu.memory_space<vmem>> -> memref<1x48xi32, #tpu.memory_space<vmem>>
    %dma_start3A_174 = tpu.memref_squeeze %dma_start3A_173 : memref<1x48xi32, #tpu.memory_space<vmem>> -> memref<48xi32, #tpu.memory_space<vmem>>
    %dma_start3A_175 = arith.constant 0 : i32
    %dma_start3A_176 = arith.constant 0 : i32
    %dma_start3A_177 = tpu.memref_slice %arg2[%dma_start3A_175, %dma_start3A_176] : memref<100000x64xf32, #tpu.memory_space<hbm>> -> memref<100000x64xf32, #tpu.memory_space<hbm>>
    tpu.enqueue_indirect_dma source(%dma_start3A_177 : memref<100000x64xf32, #tpu.memory_space<hbm>>) target(%dma_start3A_171 : memref<48x64xf32, #tpu.memory_space<vmem>>) offsets(%dma_start3A_174 : memref<48xi32, #tpu.memory_space<vmem>>) semaphore(%arg10 : memref<!tpu.dma_semaphore, #tpu.memory_space<semaphore_mem>>)
    %dma_start3A_178 = arith.constant 497 : i32
    %dma_start3A_179 = arith.constant 48 : i32
    %dma_start3A_180 = arith.constant 0 : i32
    %dma_start3A_181 = tpu.memref_slice %arg7[%dma_start3A_179, %dma_start3A_180] : memref<768x64xf32, #tpu.memory_space<vmem>> -> memref<48x64xf32, #tpu.memory_space<vmem>>
    %dma_start3A_182 = arith.constant 0 : i32
    %dma_start3A_183 = tpu.memref_slice %arg5[%dma_start3A_178, %dma_start3A_182] : memref<512x48xi32, #tpu.memory_space<vmem>> -> memref<1x48xi32, #tpu.memory_space<vmem>>
    %dma_start3A_184 = tpu.memref_squeeze %dma_start3A_183 : memref<1x48xi32, #tpu.memory_space<vmem>> -> memref<48xi32, #tpu.memory_space<vmem>>
    %dma_start3A_185 = arith.constant 0 : i32
    %dma_start3A_186 = arith.constant 0 : i32
    %dma_start3A_187 = tpu.memref_slice %arg2[%dma_start3A_185, %dma_start3A_186] : memref<100000x64xf32, #tpu.memory_space<hbm>> -> memref<100000x64xf32, #tpu.memory_space<hbm>>
    tpu.enqueue_indirect_dma source(%dma_start3A_187 : memref<100000x64xf32, #tpu.memory_space<hbm>>) target(%dma_start3A_181 : memref<48x64xf32, #tpu.memory_space<vmem>>) offsets(%dma_start3A_184 : memref<48xi32, #tpu.memory_space<vmem>>) semaphore(%arg10 : memref<!tpu.dma_semaphore, #tpu.memory_space<semaphore_mem>>)
    %dma_start3A_188 = arith.constant 498 : i32
    %dma_start3A_189 = arith.constant 96 : i32
    %dma_start3A_190 = arith.constant 0 : i32
    %dma_start3A_191 = tpu.memref_slice %arg7[%dma_start3A_189, %dma_start3A_190] : memref<768x64xf32, #tpu.memory_space<vmem>> -> memref<48x64xf32, #tpu.memory_space<vmem>>
    %dma_start3A_192 = arith.constant 0 : i32
    %dma_start3A_193 = tpu.memref_slice %arg5[%dma_start3A_188, %dma_start3A_192] : memref<512x48xi32, #tpu.memory_space<vmem>> -> memref<1x48xi32, #tpu.memory_space<vmem>>
    %dma_start3A_194 = tpu.memref_squeeze %dma_start3A_193 : memref<1x48xi32, #tpu.memory_space<vmem>> -> memref<48xi32, #tpu.memory_space<vmem>>
    %dma_start3A_195 = arith.constant 0 : i32
    %dma_start3A_196 = arith.constant 0 : i32
    %dma_start3A_197 = tpu.memref_slice %arg2[%dma_start3A_195, %dma_start3A_196] : memref<100000x64xf32, #tpu.memory_space<hbm>> -> memref<100000x64xf32, #tpu.memory_space<hbm>>
    tpu.enqueue_indirect_dma source(%dma_start3A_197 : memref<100000x64xf32, #tpu.memory_space<hbm>>) target(%dma_start3A_191 : memref<48x64xf32, #tpu.memory_space<vmem>>) offsets(%dma_start3A_194 : memref<48xi32, #tpu.memory_space<vmem>>) semaphore(%arg10 : memref<!tpu.dma_semaphore, #tpu.memory_space<semaphore_mem>>)
    %dma_start3A_198 = arith.constant 499 : i32
    %dma_start3A_199 = arith.constant 144 : i32
    %dma_start3A_200 = arith.constant 0 : i32
    %dma_start3A_201 = tpu.memref_slice %arg7[%dma_start3A_199, %dma_start3A_200] : memref<768x64xf32, #tpu.memory_space<vmem>> -> memref<48x64xf32, #tpu.memory_space<vmem>>
    %dma_start3A_202 = arith.constant 0 : i32
    %dma_start3A_203 = tpu.memref_slice %arg5[%dma_start3A_198, %dma_start3A_202] : memref<512x48xi32, #tpu.memory_space<vmem>> -> memref<1x48xi32, #tpu.memory_space<vmem>>
    %dma_start3A_204 = tpu.memref_squeeze %dma_start3A_203 : memref<1x48xi32, #tpu.memory_space<vmem>> -> memref<48xi32, #tpu.memory_space<vmem>>
    %dma_start3A_205 = arith.constant 0 : i32
    %dma_start3A_206 = arith.constant 0 : i32
    %dma_start3A_207 = tpu.memref_slice %arg2[%dma_start3A_205, %dma_start3A_206] : memref<100000x64xf32, #tpu.memory_space<hbm>> -> memref<100000x64xf32, #tpu.memory_space<hbm>>
    tpu.enqueue_indirect_dma source(%dma_start3A_207 : memref<100000x64xf32, #tpu.memory_space<hbm>>) target(%dma_start3A_201 : memref<48x64xf32, #tpu.memory_space<vmem>>) offsets(%dma_start3A_204 : memref<48xi32, #tpu.memory_space<vmem>>) semaphore(%arg10 : memref<!tpu.dma_semaphore, #tpu.memory_space<semaphore_mem>>)
    %dma_start3A_208 = arith.constant 500 : i32
    %dma_start3A_209 = arith.constant 192 : i32
    %dma_start3A_210 = arith.constant 0 : i32
    %dma_start3A_211 = tpu.memref_slice %arg7[%dma_start3A_209, %dma_start3A_210] : memref<768x64xf32, #tpu.memory_space<vmem>> -> memref<48x64xf32, #tpu.memory_space<vmem>>
    %dma_start3A_212 = arith.constant 0 : i32
    %dma_start3A_213 = tpu.memref_slice %arg5[%dma_start3A_208, %dma_start3A_212] : memref<512x48xi32, #tpu.memory_space<vmem>> -> memref<1x48xi32, #tpu.memory_space<vmem>>
    %dma_start3A_214 = tpu.memref_squeeze %dma_start3A_213 : memref<1x48xi32, #tpu.memory_space<vmem>> -> memref<48xi32, #tpu.memory_space<vmem>>
    %dma_start3A_215 = arith.constant 0 : i32
    %dma_start3A_216 = arith.constant 0 : i32
    %dma_start3A_217 = tpu.memref_slice %arg2[%dma_start3A_215, %dma_start3A_216] : memref<100000x64xf32, #tpu.memory_space<hbm>> -> memref<100000x64xf32, #tpu.memory_space<hbm>>
    tpu.enqueue_indirect_dma source(%dma_start3A_217 : memref<100000x64xf32, #tpu.memory_space<hbm>>) target(%dma_start3A_211 : memref<48x64xf32, #tpu.memory_space<vmem>>) offsets(%dma_start3A_214 : memref<48xi32, #tpu.memory_space<vmem>>) semaphore(%arg10 : memref<!tpu.dma_semaphore, #tpu.memory_space<semaphore_mem>>)
    %dma_start3A_218 = arith.constant 501 : i32
    %dma_start3A_219 = arith.constant 240 : i32
    %dma_start3A_220 = arith.constant 0 : i32
    %dma_start3A_221 = tpu.memref_slice %arg7[%dma_start3A_219, %dma_start3A_220] : memref<768x64xf32, #tpu.memory_space<vmem>> -> memref<48x64xf32, #tpu.memory_space<vmem>>
    %dma_start3A_222 = arith.constant 0 : i32
    %dma_start3A_223 = tpu.memref_slice %arg5[%dma_start3A_218, %dma_start3A_222] : memref<512x48xi32, #tpu.memory_space<vmem>> -> memref<1x48xi32, #tpu.memory_space<vmem>>
    %dma_start3A_224 = tpu.memref_squeeze %dma_start3A_223 : memref<1x48xi32, #tpu.memory_space<vmem>> -> memref<48xi32, #tpu.memory_space<vmem>>
    %dma_start3A_225 = arith.constant 0 : i32
    %dma_start3A_226 = arith.constant 0 : i32
    %dma_start3A_227 = tpu.memref_slice %arg2[%dma_start3A_225, %dma_start3A_226] : memref<100000x64xf32, #tpu.memory_space<hbm>> -> memref<100000x64xf32, #tpu.memory_space<hbm>>
    tpu.enqueue_indirect_dma source(%dma_start3A_227 : memref<100000x64xf32, #tpu.memory_space<hbm>>) target(%dma_start3A_221 : memref<48x64xf32, #tpu.memory_space<vmem>>) offsets(%dma_start3A_224 : memref<48xi32, #tpu.memory_space<vmem>>) semaphore(%arg10 : memref<!tpu.dma_semaphore, #tpu.memory_space<semaphore_mem>>)
    %dma_start3A_228 = arith.constant 502 : i32
    %dma_start3A_229 = arith.constant 288 : i32
    %dma_start3A_230 = arith.constant 0 : i32
    %dma_start3A_231 = tpu.memref_slice %arg7[%dma_start3A_229, %dma_start3A_230] : memref<768x64xf32, #tpu.memory_space<vmem>> -> memref<48x64xf32, #tpu.memory_space<vmem>>
    %dma_start3A_232 = arith.constant 0 : i32
    %dma_start3A_233 = tpu.memref_slice %arg5[%dma_start3A_228, %dma_start3A_232] : memref<512x48xi32, #tpu.memory_space<vmem>> -> memref<1x48xi32, #tpu.memory_space<vmem>>
    %dma_start3A_234 = tpu.memref_squeeze %dma_start3A_233 : memref<1x48xi32, #tpu.memory_space<vmem>> -> memref<48xi32, #tpu.memory_space<vmem>>
    %dma_start3A_235 = arith.constant 0 : i32
    %dma_start3A_236 = arith.constant 0 : i32
    %dma_start3A_237 = tpu.memref_slice %arg2[%dma_start3A_235, %dma_start3A_236] : memref<100000x64xf32, #tpu.memory_space<hbm>> -> memref<100000x64xf32, #tpu.memory_space<hbm>>
    tpu.enqueue_indirect_dma source(%dma_start3A_237 : memref<100000x64xf32, #tpu.memory_space<hbm>>) target(%dma_start3A_231 : memref<48x64xf32, #tpu.memory_space<vmem>>) offsets(%dma_start3A_234 : memref<48xi32, #tpu.memory_space<vmem>>) semaphore(%arg10 : memref<!tpu.dma_semaphore, #tpu.memory_space<semaphore_mem>>)
    %dma_start3A_238 = arith.constant 503 : i32
    %dma_start3A_239 = arith.constant 336 : i32
    %dma_start3A_240 = arith.constant 0 : i32
    %dma_start3A_241 = tpu.memref_slice %arg7[%dma_start3A_239, %dma_start3A_240] : memref<768x64xf32, #tpu.memory_space<vmem>> -> memref<48x64xf32, #tpu.memory_space<vmem>>
    %dma_start3A_242 = arith.constant 0 : i32
    %dma_start3A_243 = tpu.memref_slice %arg5[%dma_start3A_238, %dma_start3A_242] : memref<512x48xi32, #tpu.memory_space<vmem>> -> memref<1x48xi32, #tpu.memory_space<vmem>>
    %dma_start3A_244 = tpu.memref_squeeze %dma_start3A_243 : memref<1x48xi32, #tpu.memory_space<vmem>> -> memref<48xi32, #tpu.memory_space<vmem>>
    %dma_start3A_245 = arith.constant 0 : i32
    %dma_start3A_246 = arith.constant 0 : i32
    %dma_start3A_247 = tpu.memref_slice %arg2[%dma_start3A_245, %dma_start3A_246] : memref<100000x64xf32, #tpu.memory_space<hbm>> -> memref<100000x64xf32, #tpu.memory_space<hbm>>
    tpu.enqueue_indirect_dma source(%dma_start3A_247 : memref<100000x64xf32, #tpu.memory_space<hbm>>) target(%dma_start3A_241 : memref<48x64xf32, #tpu.memory_space<vmem>>) offsets(%dma_start3A_244 : memref<48xi32, #tpu.memory_space<vmem>>) semaphore(%arg10 : memref<!tpu.dma_semaphore, #tpu.memory_space<semaphore_mem>>)
    %dma_start3A_248 = arith.constant 504 : i32
    %dma_start3A_249 = arith.constant 384 : i32
    %dma_start3A_250 = arith.constant 0 : i32
    %dma_start3A_251 = tpu.memref_slice %arg7[%dma_start3A_249, %dma_start3A_250] : memref<768x64xf32, #tpu.memory_space<vmem>> -> memref<48x64xf32, #tpu.memory_space<vmem>>
    %dma_start3A_252 = arith.constant 0 : i32
    %dma_start3A_253 = tpu.memref_slice %arg5[%dma_start3A_248, %dma_start3A_252] : memref<512x48xi32, #tpu.memory_space<vmem>> -> memref<1x48xi32, #tpu.memory_space<vmem>>
    %dma_start3A_254 = tpu.memref_squeeze %dma_start3A_253 : memref<1x48xi32, #tpu.memory_space<vmem>> -> memref<48xi32, #tpu.memory_space<vmem>>
    %dma_start3A_255 = arith.constant 0 : i32
    %dma_start3A_256 = arith.constant 0 : i32
    %dma_start3A_257 = tpu.memref_slice %arg2[%dma_start3A_255, %dma_start3A_256] : memref<100000x64xf32, #tpu.memory_space<hbm>> -> memref<100000x64xf32, #tpu.memory_space<hbm>>
    tpu.enqueue_indirect_dma source(%dma_start3A_257 : memref<100000x64xf32, #tpu.memory_space<hbm>>) target(%dma_start3A_251 : memref<48x64xf32, #tpu.memory_space<vmem>>) offsets(%dma_start3A_254 : memref<48xi32, #tpu.memory_space<vmem>>) semaphore(%arg10 : memref<!tpu.dma_semaphore, #tpu.memory_space<semaphore_mem>>)
    %dma_start3A_258 = arith.constant 505 : i32
    %dma_start3A_259 = arith.constant 432 : i32
    %dma_start3A_260 = arith.constant 0 : i32
    %dma_start3A_261 = tpu.memref_slice %arg7[%dma_start3A_259, %dma_start3A_260] : memref<768x64xf32, #tpu.memory_space<vmem>> -> memref<48x64xf32, #tpu.memory_space<vmem>>
    %dma_start3A_262 = arith.constant 0 : i32
    %dma_start3A_263 = tpu.memref_slice %arg5[%dma_start3A_258, %dma_start3A_262] : memref<512x48xi32, #tpu.memory_space<vmem>> -> memref<1x48xi32, #tpu.memory_space<vmem>>
    %dma_start3A_264 = tpu.memref_squeeze %dma_start3A_263 : memref<1x48xi32, #tpu.memory_space<vmem>> -> memref<48xi32, #tpu.memory_space<vmem>>
    %dma_start3A_265 = arith.constant 0 : i32
    %dma_start3A_266 = arith.constant 0 : i32
    %dma_start3A_267 = tpu.memref_slice %arg2[%dma_start3A_265, %dma_start3A_266] : memref<100000x64xf32, #tpu.memory_space<hbm>> -> memref<100000x64xf32, #tpu.memory_space<hbm>>
    tpu.enqueue_indirect_dma source(%dma_start3A_267 : memref<100000x64xf32, #tpu.memory_space<hbm>>) target(%dma_start3A_261 : memref<48x64xf32, #tpu.memory_space<vmem>>) offsets(%dma_start3A_264 : memref<48xi32, #tpu.memory_space<vmem>>) semaphore(%arg10 : memref<!tpu.dma_semaphore, #tpu.memory_space<semaphore_mem>>)
    %dma_start3A_268 = arith.constant 506 : i32
    %dma_start3A_269 = arith.constant 480 : i32
    %dma_start3A_270 = arith.constant 0 : i32
    %dma_start3A_271 = tpu.memref_slice %arg7[%dma_start3A_269, %dma_start3A_270] : memref<768x64xf32, #tpu.memory_space<vmem>> -> memref<48x64xf32, #tpu.memory_space<vmem>>
    %dma_start3A_272 = arith.constant 0 : i32
    %dma_start3A_273 = tpu.memref_slice %arg5[%dma_start3A_268, %dma_start3A_272] : memref<512x48xi32, #tpu.memory_space<vmem>> -> memref<1x48xi32, #tpu.memory_space<vmem>>
    %dma_start3A_274 = tpu.memref_squeeze %dma_start3A_273 : memref<1x48xi32, #tpu.memory_space<vmem>> -> memref<48xi32, #tpu.memory_space<vmem>>
    %dma_start3A_275 = arith.constant 0 : i32
    %dma_start3A_276 = arith.constant 0 : i32
    %dma_start3A_277 = tpu.memref_slice %arg2[%dma_start3A_275, %dma_start3A_276] : memref<100000x64xf32, #tpu.memory_space<hbm>> -> memref<100000x64xf32, #tpu.memory_space<hbm>>
    tpu.enqueue_indirect_dma source(%dma_start3A_277 : memref<100000x64xf32, #tpu.memory_space<hbm>>) target(%dma_start3A_271 : memref<48x64xf32, #tpu.memory_space<vmem>>) offsets(%dma_start3A_274 : memref<48xi32, #tpu.memory_space<vmem>>) semaphore(%arg10 : memref<!tpu.dma_semaphore, #tpu.memory_space<semaphore_mem>>)
    %dma_start3A_278 = arith.constant 507 : i32
    %dma_start3A_279 = arith.constant 528 : i32
    %dma_start3A_280 = arith.constant 0 : i32
    %dma_start3A_281 = tpu.memref_slice %arg7[%dma_start3A_279, %dma_start3A_280] : memref<768x64xf32, #tpu.memory_space<vmem>> -> memref<48x64xf32, #tpu.memory_space<vmem>>
    %dma_start3A_282 = arith.constant 0 : i32
    %dma_start3A_283 = tpu.memref_slice %arg5[%dma_start3A_278, %dma_start3A_282] : memref<512x48xi32, #tpu.memory_space<vmem>> -> memref<1x48xi32, #tpu.memory_space<vmem>>
    %dma_start3A_284 = tpu.memref_squeeze %dma_start3A_283 : memref<1x48xi32, #tpu.memory_space<vmem>> -> memref<48xi32, #tpu.memory_space<vmem>>
    %dma_start3A_285 = arith.constant 0 : i32
    %dma_start3A_286 = arith.constant 0 : i32
    %dma_start3A_287 = tpu.memref_slice %arg2[%dma_start3A_285, %dma_start3A_286] : memref<100000x64xf32, #tpu.memory_space<hbm>> -> memref<100000x64xf32, #tpu.memory_space<hbm>>
    tpu.enqueue_indirect_dma source(%dma_start3A_287 : memref<100000x64xf32, #tpu.memory_space<hbm>>) target(%dma_start3A_281 : memref<48x64xf32, #tpu.memory_space<vmem>>) offsets(%dma_start3A_284 : memref<48xi32, #tpu.memory_space<vmem>>) semaphore(%arg10 : memref<!tpu.dma_semaphore, #tpu.memory_space<semaphore_mem>>)
    %dma_start3A_288 = arith.constant 508 : i32
    %dma_start3A_289 = arith.constant 576 : i32
    %dma_start3A_290 = arith.constant 0 : i32
    %dma_start3A_291 = tpu.memref_slice %arg7[%dma_start3A_289, %dma_start3A_290] : memref<768x64xf32, #tpu.memory_space<vmem>> -> memref<48x64xf32, #tpu.memory_space<vmem>>
    %dma_start3A_292 = arith.constant 0 : i32
    %dma_start3A_293 = tpu.memref_slice %arg5[%dma_start3A_288, %dma_start3A_292] : memref<512x48xi32, #tpu.memory_space<vmem>> -> memref<1x48xi32, #tpu.memory_space<vmem>>
    %dma_start3A_294 = tpu.memref_squeeze %dma_start3A_293 : memref<1x48xi32, #tpu.memory_space<vmem>> -> memref<48xi32, #tpu.memory_space<vmem>>
    %dma_start3A_295 = arith.constant 0 : i32
    %dma_start3A_296 = arith.constant 0 : i32
    %dma_start3A_297 = tpu.memref_slice %arg2[%dma_start3A_295, %dma_start3A_296] : memref<100000x64xf32, #tpu.memory_space<hbm>> -> memref<100000x64xf32, #tpu.memory_space<hbm>>
    tpu.enqueue_indirect_dma source(%dma_start3A_297 : memref<100000x64xf32, #tpu.memory_space<hbm>>) target(%dma_start3A_291 : memref<48x64xf32, #tpu.memory_space<vmem>>) offsets(%dma_start3A_294 : memref<48xi32, #tpu.memory_space<vmem>>) semaphore(%arg10 : memref<!tpu.dma_semaphore, #tpu.memory_space<semaphore_mem>>)
    %dma_start3A_298 = arith.constant 509 : i32
    %dma_start3A_299 = arith.constant 624 : i32
    %dma_start3A_300 = arith.constant 0 : i32
    %dma_start3A_301 = tpu.memref_slice %arg7[%dma_start3A_299, %dma_start3A_300] : memref<768x64xf32, #tpu.memory_space<vmem>> -> memref<48x64xf32, #tpu.memory_space<vmem>>
    %dma_start3A_302 = arith.constant 0 : i32
    %dma_start3A_303 = tpu.memref_slice %arg5[%dma_start3A_298, %dma_start3A_302] : memref<512x48xi32, #tpu.memory_space<vmem>> -> memref<1x48xi32, #tpu.memory_space<vmem>>
    %dma_start3A_304 = tpu.memref_squeeze %dma_start3A_303 : memref<1x48xi32, #tpu.memory_space<vmem>> -> memref<48xi32, #tpu.memory_space<vmem>>
    %dma_start3A_305 = arith.constant 0 : i32
    %dma_start3A_306 = arith.constant 0 : i32
    %dma_start3A_307 = tpu.memref_slice %arg2[%dma_start3A_305, %dma_start3A_306] : memref<100000x64xf32, #tpu.memory_space<hbm>> -> memref<100000x64xf32, #tpu.memory_space<hbm>>
    tpu.enqueue_indirect_dma source(%dma_start3A_307 : memref<100000x64xf32, #tpu.memory_space<hbm>>) target(%dma_start3A_301 : memref<48x64xf32, #tpu.memory_space<vmem>>) offsets(%dma_start3A_304 : memref<48xi32, #tpu.memory_space<vmem>>) semaphore(%arg10 : memref<!tpu.dma_semaphore, #tpu.memory_space<semaphore_mem>>)
    %dma_start3A_308 = arith.constant 510 : i32
    %dma_start3A_309 = arith.constant 672 : i32
    %dma_start3A_310 = arith.constant 0 : i32
    %dma_start3A_311 = tpu.memref_slice %arg7[%dma_start3A_309, %dma_start3A_310] : memref<768x64xf32, #tpu.memory_space<vmem>> -> memref<48x64xf32, #tpu.memory_space<vmem>>
    %dma_start3A_312 = arith.constant 0 : i32
    %dma_start3A_313 = tpu.memref_slice %arg5[%dma_start3A_308, %dma_start3A_312] : memref<512x48xi32, #tpu.memory_space<vmem>> -> memref<1x48xi32, #tpu.memory_space<vmem>>
    %dma_start3A_314 = tpu.memref_squeeze %dma_start3A_313 : memref<1x48xi32, #tpu.memory_space<vmem>> -> memref<48xi32, #tpu.memory_space<vmem>>
    %dma_start3A_315 = arith.constant 0 : i32
    %dma_start3A_316 = arith.constant 0 : i32
    %dma_start3A_317 = tpu.memref_slice %arg2[%dma_start3A_315, %dma_start3A_316] : memref<100000x64xf32, #tpu.memory_space<hbm>> -> memref<100000x64xf32, #tpu.memory_space<hbm>>
    tpu.enqueue_indirect_dma source(%dma_start3A_317 : memref<100000x64xf32, #tpu.memory_space<hbm>>) target(%dma_start3A_311 : memref<48x64xf32, #tpu.memory_space<vmem>>) offsets(%dma_start3A_314 : memref<48xi32, #tpu.memory_space<vmem>>) semaphore(%arg10 : memref<!tpu.dma_semaphore, #tpu.memory_space<semaphore_mem>>)
    %dma_start3A_318 = arith.constant 511 : i32
    %dma_start3A_319 = arith.constant 720 : i32
    %dma_start3A_320 = arith.constant 0 : i32
    %dma_start3A_321 = tpu.memref_slice %arg7[%dma_start3A_319, %dma_start3A_320] : memref<768x64xf32, #tpu.memory_space<vmem>> -> memref<48x64xf32, #tpu.memory_space<vmem>>
    %dma_start3A_322 = arith.constant 0 : i32
    %dma_start3A_323 = tpu.memref_slice %arg5[%dma_start3A_318, %dma_start3A_322] : memref<512x48xi32, #tpu.memory_space<vmem>> -> memref<1x48xi32, #tpu.memory_space<vmem>>
    %dma_start3A_324 = tpu.memref_squeeze %dma_start3A_323 : memref<1x48xi32, #tpu.memory_space<vmem>> -> memref<48xi32, #tpu.memory_space<vmem>>
    %dma_start3A_325 = arith.constant 0 : i32
    %dma_start3A_326 = arith.constant 0 : i32
    %dma_start3A_327 = tpu.memref_slice %arg2[%dma_start3A_325, %dma_start3A_326] : memref<100000x64xf32, #tpu.memory_space<hbm>> -> memref<100000x64xf32, #tpu.memory_space<hbm>>
    tpu.enqueue_indirect_dma source(%dma_start3A_327 : memref<100000x64xf32, #tpu.memory_space<hbm>>) target(%dma_start3A_321 : memref<48x64xf32, #tpu.memory_space<vmem>>) offsets(%dma_start3A_324 : memref<48xi32, #tpu.memory_space<vmem>>) semaphore(%arg10 : memref<!tpu.dma_semaphore, #tpu.memory_space<semaphore_mem>>)
    %dma_wait3A = arith.constant 0 : i32
    %dma_wait3A_328 = arith.constant 0 : i32
    %dma_wait3A_329 = tpu.memref_slice %arg6[%dma_wait3A, %dma_wait3A_328] : memref<768x64xf32, #tpu.memory_space<vmem>> -> memref<48x64xf32, #tpu.memory_space<vmem>>
    %dma_wait3A_330 = arith.constant 0 : i32
    %dma_wait3A_331 = arith.constant 0 : i32
    %dma_wait3A_332 = tpu.memref_slice %arg2[%dma_wait3A_330, %dma_wait3A_331] : memref<100000x64xf32, #tpu.memory_space<hbm>> -> memref<48x64xf32, #tpu.memory_space<hbm>>
    %dma_wait3A_333 = arith.constant 0 : i32
    %dma_wait3A_334 = arith.constant 0 : i32
    %dma_wait3A_335 = tpu.memref_slice %arg6[%dma_wait3A_333, %dma_wait3A_334] : memref<768x64xf32, #tpu.memory_space<vmem>> -> memref<48x64xf32, #tpu.memory_space<vmem>>
    %dma_wait3A_336 = arith.constant 0 : i32
    %dma_wait3A_337 = arith.constant 0 : i32
    %dma_wait3A_338 = tpu.memref_slice %arg2[%dma_wait3A_336, %dma_wait3A_337] : memref<100000x64xf32, #tpu.memory_space<hbm>> -> memref<48x64xf32, #tpu.memory_space<hbm>>
    tpu.wait_dma2 semaphore(%arg9 : memref<!tpu.dma_semaphore, #tpu.memory_space<semaphore_mem>>) src(%dma_wait3A_338 : memref<48x64xf32, #tpu.memory_space<hbm>>) dst(%dma_wait3A_335 : memref<48x64xf32, #tpu.memory_space<vmem>>)
    %dma_wait3A_339 = arith.constant 48 : i32
    %dma_wait3A_340 = arith.constant 0 : i32
    %dma_wait3A_341 = tpu.memref_slice %arg6[%dma_wait3A_339, %dma_wait3A_340] : memref<768x64xf32, #tpu.memory_space<vmem>> -> memref<48x64xf32, #tpu.memory_space<vmem>>
    %dma_wait3A_342 = arith.constant 0 : i32
    %dma_wait3A_343 = arith.constant 0 : i32
    %dma_wait3A_344 = tpu.memref_slice %arg2[%dma_wait3A_342, %dma_wait3A_343] : memref<100000x64xf32, #tpu.memory_space<hbm>> -> memref<48x64xf32, #tpu.memory_space<hbm>>
    %dma_wait3A_345 = arith.constant 48 : i32
    %dma_wait3A_346 = arith.constant 0 : i32
    %dma_wait3A_347 = tpu.memref_slice %arg6[%dma_wait3A_345, %dma_wait3A_346] : memref<768x64xf32, #tpu.memory_space<vmem>> -> memref<48x64xf32, #tpu.memory_space<vmem>>
    %dma_wait3A_348 = arith.constant 0 : i32
    %dma_wait3A_349 = arith.constant 0 : i32
    %dma_wait3A_350 = tpu.memref_slice %arg2[%dma_wait3A_348, %dma_wait3A_349] : memref<100000x64xf32, #tpu.memory_space<hbm>> -> memref<48x64xf32, #tpu.memory_space<hbm>>
    tpu.wait_dma2 semaphore(%arg9 : memref<!tpu.dma_semaphore, #tpu.memory_space<semaphore_mem>>) src(%dma_wait3A_350 : memref<48x64xf32, #tpu.memory_space<hbm>>) dst(%dma_wait3A_347 : memref<48x64xf32, #tpu.memory_space<vmem>>)
    %dma_wait3A_351 = arith.constant 96 : i32
    %dma_wait3A_352 = arith.constant 0 : i32
    %dma_wait3A_353 = tpu.memref_slice %arg6[%dma_wait3A_351, %dma_wait3A_352] : memref<768x64xf32, #tpu.memory_space<vmem>> -> memref<48x64xf32, #tpu.memory_space<vmem>>
    %dma_wait3A_354 = arith.constant 0 : i32
    %dma_wait3A_355 = arith.constant 0 : i32
    %dma_wait3A_356 = tpu.memref_slice %arg2[%dma_wait3A_354, %dma_wait3A_355] : memref<100000x64xf32, #tpu.memory_space<hbm>> -> memref<48x64xf32, #tpu.memory_space<hbm>>
    %dma_wait3A_357 = arith.constant 96 : i32
    %dma_wait3A_358 = arith.constant 0 : i32
    %dma_wait3A_359 = tpu.memref_slice %arg6[%dma_wait3A_357, %dma_wait3A_358] : memref<768x64xf32, #tpu.memory_space<vmem>> -> memref<48x64xf32, #tpu.memory_space<vmem>>
    %dma_wait3A_360 = arith.constant 0 : i32
    %dma_wait3A_361 = arith.constant 0 : i32
    %dma_wait3A_362 = tpu.memref_slice %arg2[%dma_wait3A_360, %dma_wait3A_361] : memref<100000x64xf32, #tpu.memory_space<hbm>> -> memref<48x64xf32, #tpu.memory_space<hbm>>
    tpu.wait_dma2 semaphore(%arg9 : memref<!tpu.dma_semaphore, #tpu.memory_space<semaphore_mem>>) src(%dma_wait3A_362 : memref<48x64xf32, #tpu.memory_space<hbm>>) dst(%dma_wait3A_359 : memref<48x64xf32, #tpu.memory_space<vmem>>)
    %dma_wait3A_363 = arith.constant 144 : i32
    %dma_wait3A_364 = arith.constant 0 : i32
    %dma_wait3A_365 = tpu.memref_slice %arg6[%dma_wait3A_363, %dma_wait3A_364] : memref<768x64xf32, #tpu.memory_space<vmem>> -> memref<48x64xf32, #tpu.memory_space<vmem>>
    %dma_wait3A_366 = arith.constant 0 : i32
    %dma_wait3A_367 = arith.constant 0 : i32
    %dma_wait3A_368 = tpu.memref_slice %arg2[%dma_wait3A_366, %dma_wait3A_367] : memref<100000x64xf32, #tpu.memory_space<hbm>> -> memref<48x64xf32, #tpu.memory_space<hbm>>
    %dma_wait3A_369 = arith.constant 144 : i32
    %dma_wait3A_370 = arith.constant 0 : i32
    %dma_wait3A_371 = tpu.memref_slice %arg6[%dma_wait3A_369, %dma_wait3A_370] : memref<768x64xf32, #tpu.memory_space<vmem>> -> memref<48x64xf32, #tpu.memory_space<vmem>>
    %dma_wait3A_372 = arith.constant 0 : i32
    %dma_wait3A_373 = arith.constant 0 : i32
    %dma_wait3A_374 = tpu.memref_slice %arg2[%dma_wait3A_372, %dma_wait3A_373] : memref<100000x64xf32, #tpu.memory_space<hbm>> -> memref<48x64xf32, #tpu.memory_space<hbm>>
    tpu.wait_dma2 semaphore(%arg9 : memref<!tpu.dma_semaphore, #tpu.memory_space<semaphore_mem>>) src(%dma_wait3A_374 : memref<48x64xf32, #tpu.memory_space<hbm>>) dst(%dma_wait3A_371 : memref<48x64xf32, #tpu.memory_space<vmem>>)
    %dma_wait3A_375 = arith.constant 192 : i32
    %dma_wait3A_376 = arith.constant 0 : i32
    %dma_wait3A_377 = tpu.memref_slice %arg6[%dma_wait3A_375, %dma_wait3A_376] : memref<768x64xf32, #tpu.memory_space<vmem>> -> memref<48x64xf32, #tpu.memory_space<vmem>>
    %dma_wait3A_378 = arith.constant 0 : i32
    %dma_wait3A_379 = arith.constant 0 : i32
    %dma_wait3A_380 = tpu.memref_slice %arg2[%dma_wait3A_378, %dma_wait3A_379] : memref<100000x64xf32, #tpu.memory_space<hbm>> -> memref<48x64xf32, #tpu.memory_space<hbm>>
    %dma_wait3A_381 = arith.constant 192 : i32
    %dma_wait3A_382 = arith.constant 0 : i32
    %dma_wait3A_383 = tpu.memref_slice %arg6[%dma_wait3A_381, %dma_wait3A_382] : memref<768x64xf32, #tpu.memory_space<vmem>> -> memref<48x64xf32, #tpu.memory_space<vmem>>
    %dma_wait3A_384 = arith.constant 0 : i32
    %dma_wait3A_385 = arith.constant 0 : i32
    %dma_wait3A_386 = tpu.memref_slice %arg2[%dma_wait3A_384, %dma_wait3A_385] : memref<100000x64xf32, #tpu.memory_space<hbm>> -> memref<48x64xf32, #tpu.memory_space<hbm>>
    tpu.wait_dma2 semaphore(%arg9 : memref<!tpu.dma_semaphore, #tpu.memory_space<semaphore_mem>>) src(%dma_wait3A_386 : memref<48x64xf32, #tpu.memory_space<hbm>>) dst(%dma_wait3A_383 : memref<48x64xf32, #tpu.memory_space<vmem>>)
    %dma_wait3A_387 = arith.constant 240 : i32
    %dma_wait3A_388 = arith.constant 0 : i32
    %dma_wait3A_389 = tpu.memref_slice %arg6[%dma_wait3A_387, %dma_wait3A_388] : memref<768x64xf32, #tpu.memory_space<vmem>> -> memref<48x64xf32, #tpu.memory_space<vmem>>
    %dma_wait3A_390 = arith.constant 0 : i32
    %dma_wait3A_391 = arith.constant 0 : i32
    %dma_wait3A_392 = tpu.memref_slice %arg2[%dma_wait3A_390, %dma_wait3A_391] : memref<100000x64xf32, #tpu.memory_space<hbm>> -> memref<48x64xf32, #tpu.memory_space<hbm>>
    %dma_wait3A_393 = arith.constant 240 : i32
    %dma_wait3A_394 = arith.constant 0 : i32
    %dma_wait3A_395 = tpu.memref_slice %arg6[%dma_wait3A_393, %dma_wait3A_394] : memref<768x64xf32, #tpu.memory_space<vmem>> -> memref<48x64xf32, #tpu.memory_space<vmem>>
    %dma_wait3A_396 = arith.constant 0 : i32
    %dma_wait3A_397 = arith.constant 0 : i32
    %dma_wait3A_398 = tpu.memref_slice %arg2[%dma_wait3A_396, %dma_wait3A_397] : memref<100000x64xf32, #tpu.memory_space<hbm>> -> memref<48x64xf32, #tpu.memory_space<hbm>>
    tpu.wait_dma2 semaphore(%arg9 : memref<!tpu.dma_semaphore, #tpu.memory_space<semaphore_mem>>) src(%dma_wait3A_398 : memref<48x64xf32, #tpu.memory_space<hbm>>) dst(%dma_wait3A_395 : memref<48x64xf32, #tpu.memory_space<vmem>>)
    %dma_wait3A_399 = arith.constant 288 : i32
    %dma_wait3A_400 = arith.constant 0 : i32
    %dma_wait3A_401 = tpu.memref_slice %arg6[%dma_wait3A_399, %dma_wait3A_400] : memref<768x64xf32, #tpu.memory_space<vmem>> -> memref<48x64xf32, #tpu.memory_space<vmem>>
    %dma_wait3A_402 = arith.constant 0 : i32
    %dma_wait3A_403 = arith.constant 0 : i32
    %dma_wait3A_404 = tpu.memref_slice %arg2[%dma_wait3A_402, %dma_wait3A_403] : memref<100000x64xf32, #tpu.memory_space<hbm>> -> memref<48x64xf32, #tpu.memory_space<hbm>>
    %dma_wait3A_405 = arith.constant 288 : i32
    %dma_wait3A_406 = arith.constant 0 : i32
    %dma_wait3A_407 = tpu.memref_slice %arg6[%dma_wait3A_405, %dma_wait3A_406] : memref<768x64xf32, #tpu.memory_space<vmem>> -> memref<48x64xf32, #tpu.memory_space<vmem>>
    %dma_wait3A_408 = arith.constant 0 : i32
    %dma_wait3A_409 = arith.constant 0 : i32
    %dma_wait3A_410 = tpu.memref_slice %arg2[%dma_wait3A_408, %dma_wait3A_409] : memref<100000x64xf32, #tpu.memory_space<hbm>> -> memref<48x64xf32, #tpu.memory_space<hbm>>
    tpu.wait_dma2 semaphore(%arg9 : memref<!tpu.dma_semaphore, #tpu.memory_space<semaphore_mem>>) src(%dma_wait3A_410 : memref<48x64xf32, #tpu.memory_space<hbm>>) dst(%dma_wait3A_407 : memref<48x64xf32, #tpu.memory_space<vmem>>)
    %dma_wait3A_411 = arith.constant 336 : i32
    %dma_wait3A_412 = arith.constant 0 : i32
    %dma_wait3A_413 = tpu.memref_slice %arg6[%dma_wait3A_411, %dma_wait3A_412] : memref<768x64xf32, #tpu.memory_space<vmem>> -> memref<48x64xf32, #tpu.memory_space<vmem>>
    %dma_wait3A_414 = arith.constant 0 : i32
    %dma_wait3A_415 = arith.constant 0 : i32
    %dma_wait3A_416 = tpu.memref_slice %arg2[%dma_wait3A_414, %dma_wait3A_415] : memref<100000x64xf32, #tpu.memory_space<hbm>> -> memref<48x64xf32, #tpu.memory_space<hbm>>
    %dma_wait3A_417 = arith.constant 336 : i32
    %dma_wait3A_418 = arith.constant 0 : i32
    %dma_wait3A_419 = tpu.memref_slice %arg6[%dma_wait3A_417, %dma_wait3A_418] : memref<768x64xf32, #tpu.memory_space<vmem>> -> memref<48x64xf32, #tpu.memory_space<vmem>>
    %dma_wait3A_420 = arith.constant 0 : i32
    %dma_wait3A_421 = arith.constant 0 : i32
    %dma_wait3A_422 = tpu.memref_slice %arg2[%dma_wait3A_420, %dma_wait3A_421] : memref<100000x64xf32, #tpu.memory_space<hbm>> -> memref<48x64xf32, #tpu.memory_space<hbm>>
    tpu.wait_dma2 semaphore(%arg9 : memref<!tpu.dma_semaphore, #tpu.memory_space<semaphore_mem>>) src(%dma_wait3A_422 : memref<48x64xf32, #tpu.memory_space<hbm>>) dst(%dma_wait3A_419 : memref<48x64xf32, #tpu.memory_space<vmem>>)
    %dma_wait3A_423 = arith.constant 384 : i32
    %dma_wait3A_424 = arith.constant 0 : i32
    %dma_wait3A_425 = tpu.memref_slice %arg6[%dma_wait3A_423, %dma_wait3A_424] : memref<768x64xf32, #tpu.memory_space<vmem>> -> memref<48x64xf32, #tpu.memory_space<vmem>>
    %dma_wait3A_426 = arith.constant 0 : i32
    %dma_wait3A_427 = arith.constant 0 : i32
    %dma_wait3A_428 = tpu.memref_slice %arg2[%dma_wait3A_426, %dma_wait3A_427] : memref<100000x64xf32, #tpu.memory_space<hbm>> -> memref<48x64xf32, #tpu.memory_space<hbm>>
    %dma_wait3A_429 = arith.constant 384 : i32
    %dma_wait3A_430 = arith.constant 0 : i32
    %dma_wait3A_431 = tpu.memref_slice %arg6[%dma_wait3A_429, %dma_wait3A_430] : memref<768x64xf32, #tpu.memory_space<vmem>> -> memref<48x64xf32, #tpu.memory_space<vmem>>
    %dma_wait3A_432 = arith.constant 0 : i32
    %dma_wait3A_433 = arith.constant 0 : i32
    %dma_wait3A_434 = tpu.memref_slice %arg2[%dma_wait3A_432, %dma_wait3A_433] : memref<100000x64xf32, #tpu.memory_space<hbm>> -> memref<48x64xf32, #tpu.memory_space<hbm>>
    tpu.wait_dma2 semaphore(%arg9 : memref<!tpu.dma_semaphore, #tpu.memory_space<semaphore_mem>>) src(%dma_wait3A_434 : memref<48x64xf32, #tpu.memory_space<hbm>>) dst(%dma_wait3A_431 : memref<48x64xf32, #tpu.memory_space<vmem>>)
    %dma_wait3A_435 = arith.constant 432 : i32
    %dma_wait3A_436 = arith.constant 0 : i32
    %dma_wait3A_437 = tpu.memref_slice %arg6[%dma_wait3A_435, %dma_wait3A_436] : memref<768x64xf32, #tpu.memory_space<vmem>> -> memref<48x64xf32, #tpu.memory_space<vmem>>
    %dma_wait3A_438 = arith.constant 0 : i32
    %dma_wait3A_439 = arith.constant 0 : i32
    %dma_wait3A_440 = tpu.memref_slice %arg2[%dma_wait3A_438, %dma_wait3A_439] : memref<100000x64xf32, #tpu.memory_space<hbm>> -> memref<48x64xf32, #tpu.memory_space<hbm>>
    %dma_wait3A_441 = arith.constant 432 : i32
    %dma_wait3A_442 = arith.constant 0 : i32
    %dma_wait3A_443 = tpu.memref_slice %arg6[%dma_wait3A_441, %dma_wait3A_442] : memref<768x64xf32, #tpu.memory_space<vmem>> -> memref<48x64xf32, #tpu.memory_space<vmem>>
    %dma_wait3A_444 = arith.constant 0 : i32
    %dma_wait3A_445 = arith.constant 0 : i32
    %dma_wait3A_446 = tpu.memref_slice %arg2[%dma_wait3A_444, %dma_wait3A_445] : memref<100000x64xf32, #tpu.memory_space<hbm>> -> memref<48x64xf32, #tpu.memory_space<hbm>>
    tpu.wait_dma2 semaphore(%arg9 : memref<!tpu.dma_semaphore, #tpu.memory_space<semaphore_mem>>) src(%dma_wait3A_446 : memref<48x64xf32, #tpu.memory_space<hbm>>) dst(%dma_wait3A_443 : memref<48x64xf32, #tpu.memory_space<vmem>>)
    %dma_wait3A_447 = arith.constant 480 : i32
    %dma_wait3A_448 = arith.constant 0 : i32
    %dma_wait3A_449 = tpu.memref_slice %arg6[%dma_wait3A_447, %dma_wait3A_448] : memref<768x64xf32, #tpu.memory_space<vmem>> -> memref<48x64xf32, #tpu.memory_space<vmem>>
    %dma_wait3A_450 = arith.constant 0 : i32
    %dma_wait3A_451 = arith.constant 0 : i32
    %dma_wait3A_452 = tpu.memref_slice %arg2[%dma_wait3A_450, %dma_wait3A_451] : memref<100000x64xf32, #tpu.memory_space<hbm>> -> memref<48x64xf32, #tpu.memory_space<hbm>>
    %dma_wait3A_453 = arith.constant 480 : i32
    %dma_wait3A_454 = arith.constant 0 : i32
    %dma_wait3A_455 = tpu.memref_slice %arg6[%dma_wait3A_453, %dma_wait3A_454] : memref<768x64xf32, #tpu.memory_space<vmem>> -> memref<48x64xf32, #tpu.memory_space<vmem>>
    %dma_wait3A_456 = arith.constant 0 : i32
    %dma_wait3A_457 = arith.constant 0 : i32
    %dma_wait3A_458 = tpu.memref_slice %arg2[%dma_wait3A_456, %dma_wait3A_457] : memref<100000x64xf32, #tpu.memory_space<hbm>> -> memref<48x64xf32, #tpu.memory_space<hbm>>
    tpu.wait_dma2 semaphore(%arg9 : memref<!tpu.dma_semaphore, #tpu.memory_space<semaphore_mem>>) src(%dma_wait3A_458 : memref<48x64xf32, #tpu.memory_space<hbm>>) dst(%dma_wait3A_455 : memref<48x64xf32, #tpu.memory_space<vmem>>)
    %dma_wait3A_459 = arith.constant 528 : i32
    %dma_wait3A_460 = arith.constant 0 : i32
    %dma_wait3A_461 = tpu.memref_slice %arg6[%dma_wait3A_459, %dma_wait3A_460] : memref<768x64xf32, #tpu.memory_space<vmem>> -> memref<48x64xf32, #tpu.memory_space<vmem>>
    %dma_wait3A_462 = arith.constant 0 : i32
    %dma_wait3A_463 = arith.constant 0 : i32
    %dma_wait3A_464 = tpu.memref_slice %arg2[%dma_wait3A_462, %dma_wait3A_463] : memref<100000x64xf32, #tpu.memory_space<hbm>> -> memref<48x64xf32, #tpu.memory_space<hbm>>
    %dma_wait3A_465 = arith.constant 528 : i32
    %dma_wait3A_466 = arith.constant 0 : i32
    %dma_wait3A_467 = tpu.memref_slice %arg6[%dma_wait3A_465, %dma_wait3A_466] : memref<768x64xf32, #tpu.memory_space<vmem>> -> memref<48x64xf32, #tpu.memory_space<vmem>>
    %dma_wait3A_468 = arith.constant 0 : i32
    %dma_wait3A_469 = arith.constant 0 : i32
    %dma_wait3A_470 = tpu.memref_slice %arg2[%dma_wait3A_468, %dma_wait3A_469] : memref<100000x64xf32, #tpu.memory_space<hbm>> -> memref<48x64xf32, #tpu.memory_space<hbm>>
    tpu.wait_dma2 semaphore(%arg9 : memref<!tpu.dma_semaphore, #tpu.memory_space<semaphore_mem>>) src(%dma_wait3A_470 : memref<48x64xf32, #tpu.memory_space<hbm>>) dst(%dma_wait3A_467 : memref<48x64xf32, #tpu.memory_space<vmem>>)
    %dma_wait3A_471 = arith.constant 576 : i32
    %dma_wait3A_472 = arith.constant 0 : i32
    %dma_wait3A_473 = tpu.memref_slice %arg6[%dma_wait3A_471, %dma_wait3A_472] : memref<768x64xf32, #tpu.memory_space<vmem>> -> memref<48x64xf32, #tpu.memory_space<vmem>>
    %dma_wait3A_474 = arith.constant 0 : i32
    %dma_wait3A_475 = arith.constant 0 : i32
    %dma_wait3A_476 = tpu.memref_slice %arg2[%dma_wait3A_474, %dma_wait3A_475] : memref<100000x64xf32, #tpu.memory_space<hbm>> -> memref<48x64xf32, #tpu.memory_space<hbm>>
    %dma_wait3A_477 = arith.constant 576 : i32
    %dma_wait3A_478 = arith.constant 0 : i32
    %dma_wait3A_479 = tpu.memref_slice %arg6[%dma_wait3A_477, %dma_wait3A_478] : memref<768x64xf32, #tpu.memory_space<vmem>> -> memref<48x64xf32, #tpu.memory_space<vmem>>
    %dma_wait3A_480 = arith.constant 0 : i32
    %dma_wait3A_481 = arith.constant 0 : i32
    %dma_wait3A_482 = tpu.memref_slice %arg2[%dma_wait3A_480, %dma_wait3A_481] : memref<100000x64xf32, #tpu.memory_space<hbm>> -> memref<48x64xf32, #tpu.memory_space<hbm>>
    tpu.wait_dma2 semaphore(%arg9 : memref<!tpu.dma_semaphore, #tpu.memory_space<semaphore_mem>>) src(%dma_wait3A_482 : memref<48x64xf32, #tpu.memory_space<hbm>>) dst(%dma_wait3A_479 : memref<48x64xf32, #tpu.memory_space<vmem>>)
    %dma_wait3A_483 = arith.constant 624 : i32
    %dma_wait3A_484 = arith.constant 0 : i32
    %dma_wait3A_485 = tpu.memref_slice %arg6[%dma_wait3A_483, %dma_wait3A_484] : memref<768x64xf32, #tpu.memory_space<vmem>> -> memref<48x64xf32, #tpu.memory_space<vmem>>
    %dma_wait3A_486 = arith.constant 0 : i32
    %dma_wait3A_487 = arith.constant 0 : i32
    %dma_wait3A_488 = tpu.memref_slice %arg2[%dma_wait3A_486, %dma_wait3A_487] : memref<100000x64xf32, #tpu.memory_space<hbm>> -> memref<48x64xf32, #tpu.memory_space<hbm>>
    %dma_wait3A_489 = arith.constant 624 : i32
    %dma_wait3A_490 = arith.constant 0 : i32
    %dma_wait3A_491 = tpu.memref_slice %arg6[%dma_wait3A_489, %dma_wait3A_490] : memref<768x64xf32, #tpu.memory_space<vmem>> -> memref<48x64xf32, #tpu.memory_space<vmem>>
    %dma_wait3A_492 = arith.constant 0 : i32
    %dma_wait3A_493 = arith.constant 0 : i32
    %dma_wait3A_494 = tpu.memref_slice %arg2[%dma_wait3A_492, %dma_wait3A_493] : memref<100000x64xf32, #tpu.memory_space<hbm>> -> memref<48x64xf32, #tpu.memory_space<hbm>>
    tpu.wait_dma2 semaphore(%arg9 : memref<!tpu.dma_semaphore, #tpu.memory_space<semaphore_mem>>) src(%dma_wait3A_494 : memref<48x64xf32, #tpu.memory_space<hbm>>) dst(%dma_wait3A_491 : memref<48x64xf32, #tpu.memory_space<vmem>>)
    %dma_wait3A_495 = arith.constant 672 : i32
    %dma_wait3A_496 = arith.constant 0 : i32
    %dma_wait3A_497 = tpu.memref_slice %arg6[%dma_wait3A_495, %dma_wait3A_496] : memref<768x64xf32, #tpu.memory_space<vmem>> -> memref<48x64xf32, #tpu.memory_space<vmem>>
    %dma_wait3A_498 = arith.constant 0 : i32
    %dma_wait3A_499 = arith.constant 0 : i32
    %dma_wait3A_500 = tpu.memref_slice %arg2[%dma_wait3A_498, %dma_wait3A_499] : memref<100000x64xf32, #tpu.memory_space<hbm>> -> memref<48x64xf32, #tpu.memory_space<hbm>>
    %dma_wait3A_501 = arith.constant 672 : i32
    %dma_wait3A_502 = arith.constant 0 : i32
    %dma_wait3A_503 = tpu.memref_slice %arg6[%dma_wait3A_501, %dma_wait3A_502] : memref<768x64xf32, #tpu.memory_space<vmem>> -> memref<48x64xf32, #tpu.memory_space<vmem>>
    %dma_wait3A_504 = arith.constant 0 : i32
    %dma_wait3A_505 = arith.constant 0 : i32
    %dma_wait3A_506 = tpu.memref_slice %arg2[%dma_wait3A_504, %dma_wait3A_505] : memref<100000x64xf32, #tpu.memory_space<hbm>> -> memref<48x64xf32, #tpu.memory_space<hbm>>
    tpu.wait_dma2 semaphore(%arg9 : memref<!tpu.dma_semaphore, #tpu.memory_space<semaphore_mem>>) src(%dma_wait3A_506 : memref<48x64xf32, #tpu.memory_space<hbm>>) dst(%dma_wait3A_503 : memref<48x64xf32, #tpu.memory_space<vmem>>)
    %dma_wait3A_507 = arith.constant 720 : i32
    %dma_wait3A_508 = arith.constant 0 : i32
    %dma_wait3A_509 = tpu.memref_slice %arg6[%dma_wait3A_507, %dma_wait3A_508] : memref<768x64xf32, #tpu.memory_space<vmem>> -> memref<48x64xf32, #tpu.memory_space<vmem>>
    %dma_wait3A_510 = arith.constant 0 : i32
    %dma_wait3A_511 = arith.constant 0 : i32
    %dma_wait3A_512 = tpu.memref_slice %arg2[%dma_wait3A_510, %dma_wait3A_511] : memref<100000x64xf32, #tpu.memory_space<hbm>> -> memref<48x64xf32, #tpu.memory_space<hbm>>
    %dma_wait3A_513 = arith.constant 720 : i32
    %dma_wait3A_514 = arith.constant 0 : i32
    %dma_wait3A_515 = tpu.memref_slice %arg6[%dma_wait3A_513, %dma_wait3A_514] : memref<768x64xf32, #tpu.memory_space<vmem>> -> memref<48x64xf32, #tpu.memory_space<vmem>>
    %dma_wait3A_516 = arith.constant 0 : i32
    %dma_wait3A_517 = arith.constant 0 : i32
    %dma_wait3A_518 = tpu.memref_slice %arg2[%dma_wait3A_516, %dma_wait3A_517] : memref<100000x64xf32, #tpu.memory_space<hbm>> -> memref<48x64xf32, #tpu.memory_space<hbm>>
    tpu.wait_dma2 semaphore(%arg9 : memref<!tpu.dma_semaphore, #tpu.memory_space<semaphore_mem>>) src(%dma_wait3A_518 : memref<48x64xf32, #tpu.memory_space<hbm>>) dst(%dma_wait3A_515 : memref<48x64xf32, #tpu.memory_space<vmem>>)
    %scan3A_519 = arith.constant 0 : i32
    %scan3A_520 = arith.constant 16 : i32
    %scan3A_521 = arith.addi %scan3A_519, %scan3A_520 : i32
    %scan3A_522 = arith.constant 1 : i32
    %scan3A_523:4 = scf.for %scan3A_729 = %scan3A_519 to %scan3A_521 step %scan3A_522 iter_args(%scan3A_730 = %scan3A_166#0, %scan3A_731 = %scan3A_166#1, %scan3A_732 = %scan3A_166#2, %scan3A_733 = %scan3A_166#3) -> (vector<16xf32>, vector<16xf32>, vector<16xf32>, vector<16xf32>)  : i32 {
      %mul3A_734 = arith.constant 48 : i32
      %mul3A_735 = arith.muli %scan3A_729, %mul3A_734 : i32
      %scan3A_736 = arith.constant 0 : i32
      %scan3A_737 = arith.constant 24 : i32
      %scan3A_738 = arith.addi %scan3A_736, %scan3A_737 : i32
      %scan3A_739 = arith.constant 4 : i32
      %scan3A_740:4 = scf.for %scan3A_742 = %scan3A_736 to %scan3A_738 step %scan3A_739 iter_args(%scan3A_743 = %scan3A_730, %scan3A_744 = %scan3A_731, %scan3A_745 = %scan3A_732, %scan3A_746 = %scan3A_733) -> (vector<16xf32>, vector<16xf32>, vector<16xf32>, vector<16xf32>)  : i32 {
        %add3A_747 = arith.addi %mul3A_735, %scan3A_742 : i32
        %get3A = arith.index_cast %add3A_747 : i32 to index
        %get3A_748 = arith.constant 0 : index
        %get3A_749 = tpu.vector_load %arg6[%get3A, %get3A_748] {strides = array<i32>} : memref<768x64xf32, #tpu.memory_space<vmem>>, vector<1x16xf32>,
        %get3A_750 = vector.shape_cast %get3A_749 : vector<1x16xf32> to vector<16xf32>
        %add3A_751 = arith.addi %mul3A_735, %scan3A_742 : i32
        %add3A_752 = arith.constant 24 : i32
        %add3A_753 = arith.addi %add3A_751, %add3A_752 : i32
        %get3A_754 = arith.index_cast %add3A_753 : i32 to index
        %get3A_755 = arith.constant 0 : index
        %get3A_756 = tpu.vector_load %arg6[%get3A_754, %get3A_755] {strides = array<i32>} : memref<768x64xf32, #tpu.memory_space<vmem>>, vector<1x16xf32>,
        %get3A_757 = vector.shape_cast %get3A_756 : vector<1x16xf32> to vector<16xf32>
        %sub3A = arith.subf %get3A_750, %get3A_757 : vector<16xf32>
        %mul3A_758 = arith.mulf %sub3A, %sub3A : vector<16xf32>
        %add3A_759 = arith.addf %scan3A_743, %mul3A_758 : vector<16xf32>
        %add3A_760 = arith.addi %mul3A_735, %scan3A_742 : i32
        %get3A_761 = arith.index_cast %add3A_760 : i32 to index
        %get3A_762 = arith.constant 16 : index
        %get3A_763 = tpu.vector_load %arg6[%get3A_761, %get3A_762] {strides = array<i32>} : memref<768x64xf32, #tpu.memory_space<vmem>>, vector<1x16xf32>,
        %get3A_764 = vector.shape_cast %get3A_763 : vector<1x16xf32> to vector<16xf32>
        %add3A_765 = arith.addi %mul3A_735, %scan3A_742 : i32
        %add3A_766 = arith.constant 24 : i32
        %add3A_767 = arith.addi %add3A_765, %add3A_766 : i32
        %get3A_768 = arith.index_cast %add3A_767 : i32 to index
        %get3A_769 = arith.constant 16 : index
        %get3A_770 = tpu.vector_load %arg6[%get3A_768, %get3A_769] {strides = array<i32>} : memref<768x64xf32, #tpu.memory_space<vmem>>, vector<1x16xf32>,
        %get3A_771 = vector.shape_cast %get3A_770 : vector<1x16xf32> to vector<16xf32>
        %sub3A_772 = arith.subf %get3A_764, %get3A_771 : vector<16xf32>
        %mul3A_773 = arith.mulf %sub3A_772, %sub3A_772 : vector<16xf32>
        %add3A_774 = arith.addf %scan3A_744, %mul3A_773 : vector<16xf32>
        %add3A_775 = arith.addi %mul3A_735, %scan3A_742 : i32
        %get3A_776 = arith.index_cast %add3A_775 : i32 to index
        %get3A_777 = arith.constant 32 : index
        %get3A_778 = tpu.vector_load %arg6[%get3A_776, %get3A_777] {strides = array<i32>} : memref<768x64xf32, #tpu.memory_space<vmem>>, vector<1x16xf32>,
        %get3A_779 = vector.shape_cast %get3A_778 : vector<1x16xf32> to vector<16xf32>
        %add3A_780 = arith.addi %mul3A_735, %scan3A_742 : i32
        %add3A_781 = arith.constant 24 : i32
        %add3A_782 = arith.addi %add3A_780, %add3A_781 : i32
        %get3A_783 = arith.index_cast %add3A_782 : i32 to index
        %get3A_784 = arith.constant 32 : index
        %get3A_785 = tpu.vector_load %arg6[%get3A_783, %get3A_784] {strides = array<i32>} : memref<768x64xf32, #tpu.memory_space<vmem>>, vector<1x16xf32>,
        %get3A_786 = vector.shape_cast %get3A_785 : vector<1x16xf32> to vector<16xf32>
        %sub3A_787 = arith.subf %get3A_779, %get3A_786 : vector<16xf32>
        %mul3A_788 = arith.mulf %sub3A_787, %sub3A_787 : vector<16xf32>
        %add3A_789 = arith.addf %scan3A_745, %mul3A_788 : vector<16xf32>
        %add3A_790 = arith.addi %mul3A_735, %scan3A_742 : i32
        %get3A_791 = arith.index_cast %add3A_790 : i32 to index
        %get3A_792 = arith.constant 48 : index
        %get3A_793 = tpu.vector_load %arg6[%get3A_791, %get3A_792] {strides = array<i32>} : memref<768x64xf32, #tpu.memory_space<vmem>>, vector<1x16xf32>,
        %get3A_794 = vector.shape_cast %get3A_793 : vector<1x16xf32> to vector<16xf32>
        %add3A_795 = arith.addi %mul3A_735, %scan3A_742 : i32
        %add3A_796 = arith.constant 24 : i32
        %add3A_797 = arith.addi %add3A_795, %add3A_796 : i32
        %get3A_798 = arith.index_cast %add3A_797 : i32 to index
        %get3A_799 = arith.constant 48 : index
        %get3A_800 = tpu.vector_load %arg6[%get3A_798, %get3A_799] {strides = array<i32>} : memref<768x64xf32, #tpu.memory_space<vmem>>, vector<1x16xf32>,
        %get3A_801 = vector.shape_cast %get3A_800 : vector<1x16xf32> to vector<16xf32>
        %sub3A_802 = arith.subf %get3A_794, %get3A_801 : vector<16xf32>
        %mul3A_803 = arith.mulf %sub3A_802, %sub3A_802 : vector<16xf32>
        %add3A_804 = arith.addf %scan3A_746, %mul3A_803 : vector<16xf32>
        %scan3A_805 = arith.constant 1 : i32
        %scan3A_806 = arith.addi %scan3A_742, %scan3A_805 : i32
        %add3A_807 = arith.addi %mul3A_735, %scan3A_806 : i32
        %get3A_808 = arith.index_cast %add3A_807 : i32 to index
        %get3A_809 = arith.constant 0 : index
        %get3A_810 = tpu.vector_load %arg6[%get3A_808, %get3A_809] {strides = array<i32>} : memref<768x64xf32, #tpu.memory_space<vmem>>, vector<1x16xf32>,
        %get3A_811 = vector.shape_cast %get3A_810 : vector<1x16xf32> to vector<16xf32>
        %add3A_812 = arith.addi %mul3A_735, %scan3A_806 : i32
        %add3A_813 = arith.constant 24 : i32
        %add3A_814 = arith.addi %add3A_812, %add3A_813 : i32
        %get3A_815 = arith.index_cast %add3A_814 : i32 to index
        %get3A_816 = arith.constant 0 : index
        %get3A_817 = tpu.vector_load %arg6[%get3A_815, %get3A_816] {strides = array<i32>} : memref<768x64xf32, #tpu.memory_space<vmem>>, vector<1x16xf32>,
        %get3A_818 = vector.shape_cast %get3A_817 : vector<1x16xf32> to vector<16xf32>
        %sub3A_819 = arith.subf %get3A_811, %get3A_818 : vector<16xf32>
        %mul3A_820 = arith.mulf %sub3A_819, %sub3A_819 : vector<16xf32>
        %add3A_821 = arith.addf %add3A_759, %mul3A_820 : vector<16xf32>
        %add3A_822 = arith.addi %mul3A_735, %scan3A_806 : i32
        %get3A_823 = arith.index_cast %add3A_822 : i32 to index
        %get3A_824 = arith.constant 16 : index
        %get3A_825 = tpu.vector_load %arg6[%get3A_823, %get3A_824] {strides = array<i32>} : memref<768x64xf32, #tpu.memory_space<vmem>>, vector<1x16xf32>,
        %get3A_826 = vector.shape_cast %get3A_825 : vector<1x16xf32> to vector<16xf32>
        %add3A_827 = arith.addi %mul3A_735, %scan3A_806 : i32
        %add3A_828 = arith.constant 24 : i32
        %add3A_829 = arith.addi %add3A_827, %add3A_828 : i32
        %get3A_830 = arith.index_cast %add3A_829 : i32 to index
        %get3A_831 = arith.constant 16 : index
        %get3A_832 = tpu.vector_load %arg6[%get3A_830, %get3A_831] {strides = array<i32>} : memref<768x64xf32, #tpu.memory_space<vmem>>, vector<1x16xf32>,
        %get3A_833 = vector.shape_cast %get3A_832 : vector<1x16xf32> to vector<16xf32>
        %sub3A_834 = arith.subf %get3A_826, %get3A_833 : vector<16xf32>
        %mul3A_835 = arith.mulf %sub3A_834, %sub3A_834 : vector<16xf32>
        %add3A_836 = arith.addf %add3A_774, %mul3A_835 : vector<16xf32>
        %add3A_837 = arith.addi %mul3A_735, %scan3A_806 : i32
        %get3A_838 = arith.index_cast %add3A_837 : i32 to index
        %get3A_839 = arith.constant 32 : index
        %get3A_840 = tpu.vector_load %arg6[%get3A_838, %get3A_839] {strides = array<i32>} : memref<768x64xf32, #tpu.memory_space<vmem>>, vector<1x16xf32>,
        %get3A_841 = vector.shape_cast %get3A_840 : vector<1x16xf32> to vector<16xf32>
        %add3A_842 = arith.addi %mul3A_735, %scan3A_806 : i32
        %add3A_843 = arith.constant 24 : i32
        %add3A_844 = arith.addi %add3A_842, %add3A_843 : i32
        %get3A_845 = arith.index_cast %add3A_844 : i32 to index
        %get3A_846 = arith.constant 32 : index
        %get3A_847 = tpu.vector_load %arg6[%get3A_845, %get3A_846] {strides = array<i32>} : memref<768x64xf32, #tpu.memory_space<vmem>>, vector<1x16xf32>,
        %get3A_848 = vector.shape_cast %get3A_847 : vector<1x16xf32> to vector<16xf32>
        %sub3A_849 = arith.subf %get3A_841, %get3A_848 : vector<16xf32>
        %mul3A_850 = arith.mulf %sub3A_849, %sub3A_849 : vector<16xf32>
        %add3A_851 = arith.addf %add3A_789, %mul3A_850 : vector<16xf32>
        %add3A_852 = arith.addi %mul3A_735, %scan3A_806 : i32
        %get3A_853 = arith.index_cast %add3A_852 : i32 to index
        %get3A_854 = arith.constant 48 : index
        %get3A_855 = tpu.vector_load %arg6[%get3A_853, %get3A_854] {strides = array<i32>} : memref<768x64xf32, #tpu.memory_space<vmem>>, vector<1x16xf32>,
        %get3A_856 = vector.shape_cast %get3A_855 : vector<1x16xf32> to vector<16xf32>
        %add3A_857 = arith.addi %mul3A_735, %scan3A_806 : i32
        %add3A_858 = arith.constant 24 : i32
        %add3A_859 = arith.addi %add3A_857, %add3A_858 : i32
        %get3A_860 = arith.index_cast %add3A_859 : i32 to index
        %get3A_861 = arith.constant 48 : index
        %get3A_862 = tpu.vector_load %arg6[%get3A_860, %get3A_861] {strides = array<i32>} : memref<768x64xf32, #tpu.memory_space<vmem>>, vector<1x16xf32>,
        %get3A_863 = vector.shape_cast %get3A_862 : vector<1x16xf32> to vector<16xf32>
        %sub3A_864 = arith.subf %get3A_856, %get3A_863 : vector<16xf32>
        %mul3A_865 = arith.mulf %sub3A_864, %sub3A_864 : vector<16xf32>
        %add3A_866 = arith.addf %add3A_804, %mul3A_865 : vector<16xf32>
        %scan3A_867 = arith.constant 2 : i32
        %scan3A_868 = arith.addi %scan3A_742, %scan3A_867 : i32
        %add3A_869 = arith.addi %mul3A_735, %scan3A_868 : i32
        %get3A_870 = arith.index_cast %add3A_869 : i32 to index
        %get3A_871 = arith.constant 0 : index
        %get3A_872 = tpu.vector_load %arg6[%get3A_870, %get3A_871] {strides = array<i32>} : memref<768x64xf32, #tpu.memory_space<vmem>>, vector<1x16xf32>,
        %get3A_873 = vector.shape_cast %get3A_872 : vector<1x16xf32> to vector<16xf32>
        %add3A_874 = arith.addi %mul3A_735, %scan3A_868 : i32
        %add3A_875 = arith.constant 24 : i32
        %add3A_876 = arith.addi %add3A_874, %add3A_875 : i32
        %get3A_877 = arith.index_cast %add3A_876 : i32 to index
        %get3A_878 = arith.constant 0 : index
        %get3A_879 = tpu.vector_load %arg6[%get3A_877, %get3A_878] {strides = array<i32>} : memref<768x64xf32, #tpu.memory_space<vmem>>, vector<1x16xf32>,
        %get3A_880 = vector.shape_cast %get3A_879 : vector<1x16xf32> to vector<16xf32>
        %sub3A_881 = arith.subf %get3A_873, %get3A_880 : vector<16xf32>
        %mul3A_882 = arith.mulf %sub3A_881, %sub3A_881 : vector<16xf32>
        %add3A_883 = arith.addf %add3A_821, %mul3A_882 : vector<16xf32>
        %add3A_884 = arith.addi %mul3A_735, %scan3A_868 : i32
        %get3A_885 = arith.index_cast %add3A_884 : i32 to index
        %get3A_886 = arith.constant 16 : index
        %get3A_887 = tpu.vector_load %arg6[%get3A_885, %get3A_886] {strides = array<i32>} : memref<768x64xf32, #tpu.memory_space<vmem>>, vector<1x16xf32>,
        %get3A_888 = vector.shape_cast %get3A_887 : vector<1x16xf32> to vector<16xf32>
        %add3A_889 = arith.addi %mul3A_735, %scan3A_868 : i32
        %add3A_890 = arith.constant 24 : i32
        %add3A_891 = arith.addi %add3A_889, %add3A_890 : i32
        %get3A_892 = arith.index_cast %add3A_891 : i32 to index
        %get3A_893 = arith.constant 16 : index
        %get3A_894 = tpu.vector_load %arg6[%get3A_892, %get3A_893] {strides = array<i32>} : memref<768x64xf32, #tpu.memory_space<vmem>>, vector<1x16xf32>,
        %get3A_895 = vector.shape_cast %get3A_894 : vector<1x16xf32> to vector<16xf32>
        %sub3A_896 = arith.subf %get3A_888, %get3A_895 : vector<16xf32>
        %mul3A_897 = arith.mulf %sub3A_896, %sub3A_896 : vector<16xf32>
        %add3A_898 = arith.addf %add3A_836, %mul3A_897 : vector<16xf32>
        %add3A_899 = arith.addi %mul3A_735, %scan3A_868 : i32
        %get3A_900 = arith.index_cast %add3A_899 : i32 to index
        %get3A_901 = arith.constant 32 : index
        %get3A_902 = tpu.vector_load %arg6[%get3A_900, %get3A_901] {strides = array<i32>} : memref<768x64xf32, #tpu.memory_space<vmem>>, vector<1x16xf32>,
        %get3A_903 = vector.shape_cast %get3A_902 : vector<1x16xf32> to vector<16xf32>
        %add3A_904 = arith.addi %mul3A_735, %scan3A_868 : i32
        %add3A_905 = arith.constant 24 : i32
        %add3A_906 = arith.addi %add3A_904, %add3A_905 : i32
        %get3A_907 = arith.index_cast %add3A_906 : i32 to index
        %get3A_908 = arith.constant 32 : index
        %get3A_909 = tpu.vector_load %arg6[%get3A_907, %get3A_908] {strides = array<i32>} : memref<768x64xf32, #tpu.memory_space<vmem>>, vector<1x16xf32>,
        %get3A_910 = vector.shape_cast %get3A_909 : vector<1x16xf32> to vector<16xf32>
        %sub3A_911 = arith.subf %get3A_903, %get3A_910 : vector<16xf32>
        %mul3A_912 = arith.mulf %sub3A_911, %sub3A_911 : vector<16xf32>
        %add3A_913 = arith.addf %add3A_851, %mul3A_912 : vector<16xf32>
        %add3A_914 = arith.addi %mul3A_735, %scan3A_868 : i32
        %get3A_915 = arith.index_cast %add3A_914 : i32 to index
        %get3A_916 = arith.constant 48 : index
        %get3A_917 = tpu.vector_load %arg6[%get3A_915, %get3A_916] {strides = array<i32>} : memref<768x64xf32, #tpu.memory_space<vmem>>, vector<1x16xf32>,
        %get3A_918 = vector.shape_cast %get3A_917 : vector<1x16xf32> to vector<16xf32>
        %add3A_919 = arith.addi %mul3A_735, %scan3A_868 : i32
        %add3A_920 = arith.constant 24 : i32
        %add3A_921 = arith.addi %add3A_919, %add3A_920 : i32
        %get3A_922 = arith.index_cast %add3A_921 : i32 to index
        %get3A_923 = arith.constant 48 : index
        %get3A_924 = tpu.vector_load %arg6[%get3A_922, %get3A_923] {strides = array<i32>} : memref<768x64xf32, #tpu.memory_space<vmem>>, vector<1x16xf32>,
        %get3A_925 = vector.shape_cast %get3A_924 : vector<1x16xf32> to vector<16xf32>
        %sub3A_926 = arith.subf %get3A_918, %get3A_925 : vector<16xf32>
        %mul3A_927 = arith.mulf %sub3A_926, %sub3A_926 : vector<16xf32>
        %add3A_928 = arith.addf %add3A_866, %mul3A_927 : vector<16xf32>
        %scan3A_929 = arith.constant 3 : i32
        %scan3A_930 = arith.addi %scan3A_742, %scan3A_929 : i32
        %add3A_931 = arith.addi %mul3A_735, %scan3A_930 : i32
        %get3A_932 = arith.index_cast %add3A_931 : i32 to index
        %get3A_933 = arith.constant 0 : index
        %get3A_934 = tpu.vector_load %arg6[%get3A_932, %get3A_933] {strides = array<i32>} : memref<768x64xf32, #tpu.memory_space<vmem>>, vector<1x16xf32>,
        %get3A_935 = vector.shape_cast %get3A_934 : vector<1x16xf32> to vector<16xf32>
        %add3A_936 = arith.addi %mul3A_735, %scan3A_930 : i32
        %add3A_937 = arith.constant 24 : i32
        %add3A_938 = arith.addi %add3A_936, %add3A_937 : i32
        %get3A_939 = arith.index_cast %add3A_938 : i32 to index
        %get3A_940 = arith.constant 0 : index
        %get3A_941 = tpu.vector_load %arg6[%get3A_939, %get3A_940] {strides = array<i32>} : memref<768x64xf32, #tpu.memory_space<vmem>>, vector<1x16xf32>,
        %get3A_942 = vector.shape_cast %get3A_941 : vector<1x16xf32> to vector<16xf32>
        %sub3A_943 = arith.subf %get3A_935, %get3A_942 : vector<16xf32>
        %mul3A_944 = arith.mulf %sub3A_943, %sub3A_943 : vector<16xf32>
        %add3A_945 = arith.addf %add3A_883, %mul3A_944 : vector<16xf32>
        %add3A_946 = arith.addi %mul3A_735, %scan3A_930 : i32
        %get3A_947 = arith.index_cast %add3A_946 : i32 to index
        %get3A_948 = arith.constant 16 : index
        %get3A_949 = tpu.vector_load %arg6[%get3A_947, %get3A_948] {strides = array<i32>} : memref<768x64xf32, #tpu.memory_space<vmem>>, vector<1x16xf32>,
        %get3A_950 = vector.shape_cast %get3A_949 : vector<1x16xf32> to vector<16xf32>
        %add3A_951 = arith.addi %mul3A_735, %scan3A_930 : i32
        %add3A_952 = arith.constant 24 : i32
        %add3A_953 = arith.addi %add3A_951, %add3A_952 : i32
        %get3A_954 = arith.index_cast %add3A_953 : i32 to index
        %get3A_955 = arith.constant 16 : index
        %get3A_956 = tpu.vector_load %arg6[%get3A_954, %get3A_955] {strides = array<i32>} : memref<768x64xf32, #tpu.memory_space<vmem>>, vector<1x16xf32>,
        %get3A_957 = vector.shape_cast %get3A_956 : vector<1x16xf32> to vector<16xf32>
        %sub3A_958 = arith.subf %get3A_950, %get3A_957 : vector<16xf32>
        %mul3A_959 = arith.mulf %sub3A_958, %sub3A_958 : vector<16xf32>
        %add3A_960 = arith.addf %add3A_898, %mul3A_959 : vector<16xf32>
        %add3A_961 = arith.addi %mul3A_735, %scan3A_930 : i32
        %get3A_962 = arith.index_cast %add3A_961 : i32 to index
        %get3A_963 = arith.constant 32 : index
        %get3A_964 = tpu.vector_load %arg6[%get3A_962, %get3A_963] {strides = array<i32>} : memref<768x64xf32, #tpu.memory_space<vmem>>, vector<1x16xf32>,
        %get3A_965 = vector.shape_cast %get3A_964 : vector<1x16xf32> to vector<16xf32>
        %add3A_966 = arith.addi %mul3A_735, %scan3A_930 : i32
        %add3A_967 = arith.constant 24 : i32
        %add3A_968 = arith.addi %add3A_966, %add3A_967 : i32
        %get3A_969 = arith.index_cast %add3A_968 : i32 to index
        %get3A_970 = arith.constant 32 : index
        %get3A_971 = tpu.vector_load %arg6[%get3A_969, %get3A_970] {strides = array<i32>} : memref<768x64xf32, #tpu.memory_space<vmem>>, vector<1x16xf32>,
        %get3A_972 = vector.shape_cast %get3A_971 : vector<1x16xf32> to vector<16xf32>
        %sub3A_973 = arith.subf %get3A_965, %get3A_972 : vector<16xf32>
        %mul3A_974 = arith.mulf %sub3A_973, %sub3A_973 : vector<16xf32>
        %add3A_975 = arith.addf %add3A_913, %mul3A_974 : vector<16xf32>
        %add3A_976 = arith.addi %mul3A_735, %scan3A_930 : i32
        %get3A_977 = arith.index_cast %add3A_976 : i32 to index
        %get3A_978 = arith.constant 48 : index
        %get3A_979 = tpu.vector_load %arg6[%get3A_977, %get3A_978] {strides = array<i32>} : memref<768x64xf32, #tpu.memory_space<vmem>>, vector<1x16xf32>,
        %get3A_980 = vector.shape_cast %get3A_979 : vector<1x16xf32> to vector<16xf32>
        %add3A_981 = arith.addi %mul3A_735, %scan3A_930 : i32
        %add3A_982 = arith.constant 24 : i32
        %add3A_983 = arith.addi %add3A_981, %add3A_982 : i32
        %get3A_984 = arith.index_cast %add3A_983 : i32 to index
        %get3A_985 = arith.constant 48 : index
        %get3A_986 = tpu.vector_load %arg6[%get3A_984, %get3A_985] {strides = array<i32>} : memref<768x64xf32, #tpu.memory_space<vmem>>, vector<1x16xf32>,
        %get3A_987 = vector.shape_cast %get3A_986 : vector<1x16xf32> to vector<16xf32>
        %sub3A_988 = arith.subf %get3A_980, %get3A_987 : vector<16xf32>
        %mul3A_989 = arith.mulf %sub3A_988, %sub3A_988 : vector<16xf32>
        %add3A_990 = arith.addf %add3A_928, %mul3A_989 : vector<16xf32>
        scf.yield %add3A_945, %add3A_960, %add3A_975, %add3A_990 : vector<16xf32>, vector<16xf32>, vector<16xf32>, vector<16xf32>
      }
      %scan3A_741 = arith.constant 24 : i32
      scf.yield %scan3A_740#0, %scan3A_740#1, %scan3A_740#2, %scan3A_740#3 : vector<16xf32>, vector<16xf32>, vector<16xf32>, vector<16xf32>
    }
    %scan3A_524 = arith.constant 16 : i32
    %dma_wait3A_525 = arith.constant 0 : i32
    %dma_wait3A_526 = arith.constant 0 : i32
    %dma_wait3A_527 = tpu.memref_slice %arg7[%dma_wait3A_525, %dma_wait3A_526] : memref<768x64xf32, #tpu.memory_space<vmem>> -> memref<48x64xf32, #tpu.memory_space<vmem>>
    %dma_wait3A_528 = arith.constant 0 : i32
    %dma_wait3A_529 = arith.constant 0 : i32
    %dma_wait3A_530 = tpu.memref_slice %arg2[%dma_wait3A_528, %dma_wait3A_529] : memref<100000x64xf32, #tpu.memory_space<hbm>> -> memref<48x64xf32, #tpu.memory_space<hbm>>
    %dma_wait3A_531 = arith.constant 0 : i32
    %dma_wait3A_532 = arith.constant 0 : i32
    %dma_wait3A_533 = tpu.memref_slice %arg7[%dma_wait3A_531, %dma_wait3A_532] : memref<768x64xf32, #tpu.memory_space<vmem>> -> memref<48x64xf32, #tpu.memory_space<vmem>>
    %dma_wait3A_534 = arith.constant 0 : i32
    %dma_wait3A_535 = arith.constant 0 : i32
    %dma_wait3A_536 = tpu.memref_slice %arg2[%dma_wait3A_534, %dma_wait3A_535] : memref<100000x64xf32, #tpu.memory_space<hbm>> -> memref<48x64xf32, #tpu.memory_space<hbm>>
    tpu.wait_dma2 semaphore(%arg10 : memref<!tpu.dma_semaphore, #tpu.memory_space<semaphore_mem>>) src(%dma_wait3A_536 : memref<48x64xf32, #tpu.memory_space<hbm>>) dst(%dma_wait3A_533 : memref<48x64xf32, #tpu.memory_space<vmem>>)
    %dma_wait3A_537 = arith.constant 48 : i32
    %dma_wait3A_538 = arith.constant 0 : i32
    %dma_wait3A_539 = tpu.memref_slice %arg7[%dma_wait3A_537, %dma_wait3A_538] : memref<768x64xf32, #tpu.memory_space<vmem>> -> memref<48x64xf32, #tpu.memory_space<vmem>>
    %dma_wait3A_540 = arith.constant 0 : i32
    %dma_wait3A_541 = arith.constant 0 : i32
    %dma_wait3A_542 = tpu.memref_slice %arg2[%dma_wait3A_540, %dma_wait3A_541] : memref<100000x64xf32, #tpu.memory_space<hbm>> -> memref<48x64xf32, #tpu.memory_space<hbm>>
    %dma_wait3A_543 = arith.constant 48 : i32
    %dma_wait3A_544 = arith.constant 0 : i32
    %dma_wait3A_545 = tpu.memref_slice %arg7[%dma_wait3A_543, %dma_wait3A_544] : memref<768x64xf32, #tpu.memory_space<vmem>> -> memref<48x64xf32, #tpu.memory_space<vmem>>
    %dma_wait3A_546 = arith.constant 0 : i32
    %dma_wait3A_547 = arith.constant 0 : i32
    %dma_wait3A_548 = tpu.memref_slice %arg2[%dma_wait3A_546, %dma_wait3A_547] : memref<100000x64xf32, #tpu.memory_space<hbm>> -> memref<48x64xf32, #tpu.memory_space<hbm>>
    tpu.wait_dma2 semaphore(%arg10 : memref<!tpu.dma_semaphore, #tpu.memory_space<semaphore_mem>>) src(%dma_wait3A_548 : memref<48x64xf32, #tpu.memory_space<hbm>>) dst(%dma_wait3A_545 : memref<48x64xf32, #tpu.memory_space<vmem>>)
    %dma_wait3A_549 = arith.constant 96 : i32
    %dma_wait3A_550 = arith.constant 0 : i32
    %dma_wait3A_551 = tpu.memref_slice %arg7[%dma_wait3A_549, %dma_wait3A_550] : memref<768x64xf32, #tpu.memory_space<vmem>> -> memref<48x64xf32, #tpu.memory_space<vmem>>
    %dma_wait3A_552 = arith.constant 0 : i32
    %dma_wait3A_553 = arith.constant 0 : i32
    %dma_wait3A_554 = tpu.memref_slice %arg2[%dma_wait3A_552, %dma_wait3A_553] : memref<100000x64xf32, #tpu.memory_space<hbm>> -> memref<48x64xf32, #tpu.memory_space<hbm>>
    %dma_wait3A_555 = arith.constant 96 : i32
    %dma_wait3A_556 = arith.constant 0 : i32
    %dma_wait3A_557 = tpu.memref_slice %arg7[%dma_wait3A_555, %dma_wait3A_556] : memref<768x64xf32, #tpu.memory_space<vmem>> -> memref<48x64xf32, #tpu.memory_space<vmem>>
    %dma_wait3A_558 = arith.constant 0 : i32
    %dma_wait3A_559 = arith.constant 0 : i32
    %dma_wait3A_560 = tpu.memref_slice %arg2[%dma_wait3A_558, %dma_wait3A_559] : memref<100000x64xf32, #tpu.memory_space<hbm>> -> memref<48x64xf32, #tpu.memory_space<hbm>>
    tpu.wait_dma2 semaphore(%arg10 : memref<!tpu.dma_semaphore, #tpu.memory_space<semaphore_mem>>) src(%dma_wait3A_560 : memref<48x64xf32, #tpu.memory_space<hbm>>) dst(%dma_wait3A_557 : memref<48x64xf32, #tpu.memory_space<vmem>>)
    %dma_wait3A_561 = arith.constant 144 : i32
    %dma_wait3A_562 = arith.constant 0 : i32
    %dma_wait3A_563 = tpu.memref_slice %arg7[%dma_wait3A_561, %dma_wait3A_562] : memref<768x64xf32, #tpu.memory_space<vmem>> -> memref<48x64xf32, #tpu.memory_space<vmem>>
    %dma_wait3A_564 = arith.constant 0 : i32
    %dma_wait3A_565 = arith.constant 0 : i32
    %dma_wait3A_566 = tpu.memref_slice %arg2[%dma_wait3A_564, %dma_wait3A_565] : memref<100000x64xf32, #tpu.memory_space<hbm>> -> memref<48x64xf32, #tpu.memory_space<hbm>>
    %dma_wait3A_567 = arith.constant 144 : i32
    %dma_wait3A_568 = arith.constant 0 : i32
    %dma_wait3A_569 = tpu.memref_slice %arg7[%dma_wait3A_567, %dma_wait3A_568] : memref<768x64xf32, #tpu.memory_space<vmem>> -> memref<48x64xf32, #tpu.memory_space<vmem>>
    %dma_wait3A_570 = arith.constant 0 : i32
    %dma_wait3A_571 = arith.constant 0 : i32
    %dma_wait3A_572 = tpu.memref_slice %arg2[%dma_wait3A_570, %dma_wait3A_571] : memref<100000x64xf32, #tpu.memory_space<hbm>> -> memref<48x64xf32, #tpu.memory_space<hbm>>
    tpu.wait_dma2 semaphore(%arg10 : memref<!tpu.dma_semaphore, #tpu.memory_space<semaphore_mem>>) src(%dma_wait3A_572 : memref<48x64xf32, #tpu.memory_space<hbm>>) dst(%dma_wait3A_569 : memref<48x64xf32, #tpu.memory_space<vmem>>)
    %dma_wait3A_573 = arith.constant 192 : i32
    %dma_wait3A_574 = arith.constant 0 : i32
    %dma_wait3A_575 = tpu.memref_slice %arg7[%dma_wait3A_573, %dma_wait3A_574] : memref<768x64xf32, #tpu.memory_space<vmem>> -> memref<48x64xf32, #tpu.memory_space<vmem>>
    %dma_wait3A_576 = arith.constant 0 : i32
    %dma_wait3A_577 = arith.constant 0 : i32
    %dma_wait3A_578 = tpu.memref_slice %arg2[%dma_wait3A_576, %dma_wait3A_577] : memref<100000x64xf32, #tpu.memory_space<hbm>> -> memref<48x64xf32, #tpu.memory_space<hbm>>
    %dma_wait3A_579 = arith.constant 192 : i32
    %dma_wait3A_580 = arith.constant 0 : i32
    %dma_wait3A_581 = tpu.memref_slice %arg7[%dma_wait3A_579, %dma_wait3A_580] : memref<768x64xf32, #tpu.memory_space<vmem>> -> memref<48x64xf32, #tpu.memory_space<vmem>>
    %dma_wait3A_582 = arith.constant 0 : i32
    %dma_wait3A_583 = arith.constant 0 : i32
    %dma_wait3A_584 = tpu.memref_slice %arg2[%dma_wait3A_582, %dma_wait3A_583] : memref<100000x64xf32, #tpu.memory_space<hbm>> -> memref<48x64xf32, #tpu.memory_space<hbm>>
    tpu.wait_dma2 semaphore(%arg10 : memref<!tpu.dma_semaphore, #tpu.memory_space<semaphore_mem>>) src(%dma_wait3A_584 : memref<48x64xf32, #tpu.memory_space<hbm>>) dst(%dma_wait3A_581 : memref<48x64xf32, #tpu.memory_space<vmem>>)
    %dma_wait3A_585 = arith.constant 240 : i32
    %dma_wait3A_586 = arith.constant 0 : i32
    %dma_wait3A_587 = tpu.memref_slice %arg7[%dma_wait3A_585, %dma_wait3A_586] : memref<768x64xf32, #tpu.memory_space<vmem>> -> memref<48x64xf32, #tpu.memory_space<vmem>>
    %dma_wait3A_588 = arith.constant 0 : i32
    %dma_wait3A_589 = arith.constant 0 : i32
    %dma_wait3A_590 = tpu.memref_slice %arg2[%dma_wait3A_588, %dma_wait3A_589] : memref<100000x64xf32, #tpu.memory_space<hbm>> -> memref<48x64xf32, #tpu.memory_space<hbm>>
    %dma_wait3A_591 = arith.constant 240 : i32
    %dma_wait3A_592 = arith.constant 0 : i32
    %dma_wait3A_593 = tpu.memref_slice %arg7[%dma_wait3A_591, %dma_wait3A_592] : memref<768x64xf32, #tpu.memory_space<vmem>> -> memref<48x64xf32, #tpu.memory_space<vmem>>
    %dma_wait3A_594 = arith.constant 0 : i32
    %dma_wait3A_595 = arith.constant 0 : i32
    %dma_wait3A_596 = tpu.memref_slice %arg2[%dma_wait3A_594, %dma_wait3A_595] : memref<100000x64xf32, #tpu.memory_space<hbm>> -> memref<48x64xf32, #tpu.memory_space<hbm>>
    tpu.wait_dma2 semaphore(%arg10 : memref<!tpu.dma_semaphore, #tpu.memory_space<semaphore_mem>>) src(%dma_wait3A_596 : memref<48x64xf32, #tpu.memory_space<hbm>>) dst(%dma_wait3A_593 : memref<48x64xf32, #tpu.memory_space<vmem>>)
    %dma_wait3A_597 = arith.constant 288 : i32
    %dma_wait3A_598 = arith.constant 0 : i32
    %dma_wait3A_599 = tpu.memref_slice %arg7[%dma_wait3A_597, %dma_wait3A_598] : memref<768x64xf32, #tpu.memory_space<vmem>> -> memref<48x64xf32, #tpu.memory_space<vmem>>
    %dma_wait3A_600 = arith.constant 0 : i32
    %dma_wait3A_601 = arith.constant 0 : i32
    %dma_wait3A_602 = tpu.memref_slice %arg2[%dma_wait3A_600, %dma_wait3A_601] : memref<100000x64xf32, #tpu.memory_space<hbm>> -> memref<48x64xf32, #tpu.memory_space<hbm>>
    %dma_wait3A_603 = arith.constant 288 : i32
    %dma_wait3A_604 = arith.constant 0 : i32
    %dma_wait3A_605 = tpu.memref_slice %arg7[%dma_wait3A_603, %dma_wait3A_604] : memref<768x64xf32, #tpu.memory_space<vmem>> -> memref<48x64xf32, #tpu.memory_space<vmem>>
    %dma_wait3A_606 = arith.constant 0 : i32
    %dma_wait3A_607 = arith.constant 0 : i32
    %dma_wait3A_608 = tpu.memref_slice %arg2[%dma_wait3A_606, %dma_wait3A_607] : memref<100000x64xf32, #tpu.memory_space<hbm>> -> memref<48x64xf32, #tpu.memory_space<hbm>>
    tpu.wait_dma2 semaphore(%arg10 : memref<!tpu.dma_semaphore, #tpu.memory_space<semaphore_mem>>) src(%dma_wait3A_608 : memref<48x64xf32, #tpu.memory_space<hbm>>) dst(%dma_wait3A_605 : memref<48x64xf32, #tpu.memory_space<vmem>>)
    %dma_wait3A_609 = arith.constant 336 : i32
    %dma_wait3A_610 = arith.constant 0 : i32
    %dma_wait3A_611 = tpu.memref_slice %arg7[%dma_wait3A_609, %dma_wait3A_610] : memref<768x64xf32, #tpu.memory_space<vmem>> -> memref<48x64xf32, #tpu.memory_space<vmem>>
    %dma_wait3A_612 = arith.constant 0 : i32
    %dma_wait3A_613 = arith.constant 0 : i32
    %dma_wait3A_614 = tpu.memref_slice %arg2[%dma_wait3A_612, %dma_wait3A_613] : memref<100000x64xf32, #tpu.memory_space<hbm>> -> memref<48x64xf32, #tpu.memory_space<hbm>>
    %dma_wait3A_615 = arith.constant 336 : i32
    %dma_wait3A_616 = arith.constant 0 : i32
    %dma_wait3A_617 = tpu.memref_slice %arg7[%dma_wait3A_615, %dma_wait3A_616] : memref<768x64xf32, #tpu.memory_space<vmem>> -> memref<48x64xf32, #tpu.memory_space<vmem>>
    %dma_wait3A_618 = arith.constant 0 : i32
    %dma_wait3A_619 = arith.constant 0 : i32
    %dma_wait3A_620 = tpu.memref_slice %arg2[%dma_wait3A_618, %dma_wait3A_619] : memref<100000x64xf32, #tpu.memory_space<hbm>> -> memref<48x64xf32, #tpu.memory_space<hbm>>
    tpu.wait_dma2 semaphore(%arg10 : memref<!tpu.dma_semaphore, #tpu.memory_space<semaphore_mem>>) src(%dma_wait3A_620 : memref<48x64xf32, #tpu.memory_space<hbm>>) dst(%dma_wait3A_617 : memref<48x64xf32, #tpu.memory_space<vmem>>)
    %dma_wait3A_621 = arith.constant 384 : i32
    %dma_wait3A_622 = arith.constant 0 : i32
    %dma_wait3A_623 = tpu.memref_slice %arg7[%dma_wait3A_621, %dma_wait3A_622] : memref<768x64xf32, #tpu.memory_space<vmem>> -> memref<48x64xf32, #tpu.memory_space<vmem>>
    %dma_wait3A_624 = arith.constant 0 : i32
    %dma_wait3A_625 = arith.constant 0 : i32
    %dma_wait3A_626 = tpu.memref_slice %arg2[%dma_wait3A_624, %dma_wait3A_625] : memref<100000x64xf32, #tpu.memory_space<hbm>> -> memref<48x64xf32, #tpu.memory_space<hbm>>
    %dma_wait3A_627 = arith.constant 384 : i32
    %dma_wait3A_628 = arith.constant 0 : i32
    %dma_wait3A_629 = tpu.memref_slice %arg7[%dma_wait3A_627, %dma_wait3A_628] : memref<768x64xf32, #tpu.memory_space<vmem>> -> memref<48x64xf32, #tpu.memory_space<vmem>>
    %dma_wait3A_630 = arith.constant 0 : i32
    %dma_wait3A_631 = arith.constant 0 : i32
    %dma_wait3A_632 = tpu.memref_slice %arg2[%dma_wait3A_630, %dma_wait3A_631] : memref<100000x64xf32, #tpu.memory_space<hbm>> -> memref<48x64xf32, #tpu.memory_space<hbm>>
    tpu.wait_dma2 semaphore(%arg10 : memref<!tpu.dma_semaphore, #tpu.memory_space<semaphore_mem>>) src(%dma_wait3A_632 : memref<48x64xf32, #tpu.memory_space<hbm>>) dst(%dma_wait3A_629 : memref<48x64xf32, #tpu.memory_space<vmem>>)
    %dma_wait3A_633 = arith.constant 432 : i32
    %dma_wait3A_634 = arith.constant 0 : i32
    %dma_wait3A_635 = tpu.memref_slice %arg7[%dma_wait3A_633, %dma_wait3A_634] : memref<768x64xf32, #tpu.memory_space<vmem>> -> memref<48x64xf32, #tpu.memory_space<vmem>>
    %dma_wait3A_636 = arith.constant 0 : i32
    %dma_wait3A_637 = arith.constant 0 : i32
    %dma_wait3A_638 = tpu.memref_slice %arg2[%dma_wait3A_636, %dma_wait3A_637] : memref<100000x64xf32, #tpu.memory_space<hbm>> -> memref<48x64xf32, #tpu.memory_space<hbm>>
    %dma_wait3A_639 = arith.constant 432 : i32
    %dma_wait3A_640 = arith.constant 0 : i32
    %dma_wait3A_641 = tpu.memref_slice %arg7[%dma_wait3A_639, %dma_wait3A_640] : memref<768x64xf32, #tpu.memory_space<vmem>> -> memref<48x64xf32, #tpu.memory_space<vmem>>
    %dma_wait3A_642 = arith.constant 0 : i32
    %dma_wait3A_643 = arith.constant 0 : i32
    %dma_wait3A_644 = tpu.memref_slice %arg2[%dma_wait3A_642, %dma_wait3A_643] : memref<100000x64xf32, #tpu.memory_space<hbm>> -> memref<48x64xf32, #tpu.memory_space<hbm>>
    tpu.wait_dma2 semaphore(%arg10 : memref<!tpu.dma_semaphore, #tpu.memory_space<semaphore_mem>>) src(%dma_wait3A_644 : memref<48x64xf32, #tpu.memory_space<hbm>>) dst(%dma_wait3A_641 : memref<48x64xf32, #tpu.memory_space<vmem>>)
    %dma_wait3A_645 = arith.constant 480 : i32
    %dma_wait3A_646 = arith.constant 0 : i32
    %dma_wait3A_647 = tpu.memref_slice %arg7[%dma_wait3A_645, %dma_wait3A_646] : memref<768x64xf32, #tpu.memory_space<vmem>> -> memref<48x64xf32, #tpu.memory_space<vmem>>
    %dma_wait3A_648 = arith.constant 0 : i32
    %dma_wait3A_649 = arith.constant 0 : i32
    %dma_wait3A_650 = tpu.memref_slice %arg2[%dma_wait3A_648, %dma_wait3A_649] : memref<100000x64xf32, #tpu.memory_space<hbm>> -> memref<48x64xf32, #tpu.memory_space<hbm>>
    %dma_wait3A_651 = arith.constant 480 : i32
    %dma_wait3A_652 = arith.constant 0 : i32
    %dma_wait3A_653 = tpu.memref_slice %arg7[%dma_wait3A_651, %dma_wait3A_652] : memref<768x64xf32, #tpu.memory_space<vmem>> -> memref<48x64xf32, #tpu.memory_space<vmem>>
    %dma_wait3A_654 = arith.constant 0 : i32
    %dma_wait3A_655 = arith.constant 0 : i32
    %dma_wait3A_656 = tpu.memref_slice %arg2[%dma_wait3A_654, %dma_wait3A_655] : memref<100000x64xf32, #tpu.memory_space<hbm>> -> memref<48x64xf32, #tpu.memory_space<hbm>>
    tpu.wait_dma2 semaphore(%arg10 : memref<!tpu.dma_semaphore, #tpu.memory_space<semaphore_mem>>) src(%dma_wait3A_656 : memref<48x64xf32, #tpu.memory_space<hbm>>) dst(%dma_wait3A_653 : memref<48x64xf32, #tpu.memory_space<vmem>>)
    %dma_wait3A_657 = arith.constant 528 : i32
    %dma_wait3A_658 = arith.constant 0 : i32
    %dma_wait3A_659 = tpu.memref_slice %arg7[%dma_wait3A_657, %dma_wait3A_658] : memref<768x64xf32, #tpu.memory_space<vmem>> -> memref<48x64xf32, #tpu.memory_space<vmem>>
    %dma_wait3A_660 = arith.constant 0 : i32
    %dma_wait3A_661 = arith.constant 0 : i32
    %dma_wait3A_662 = tpu.memref_slice %arg2[%dma_wait3A_660, %dma_wait3A_661] : memref<100000x64xf32, #tpu.memory_space<hbm>> -> memref<48x64xf32, #tpu.memory_space<hbm>>
    %dma_wait3A_663 = arith.constant 528 : i32
    %dma_wait3A_664 = arith.constant 0 : i32
    %dma_wait3A_665 = tpu.memref_slice %arg7[%dma_wait3A_663, %dma_wait3A_664] : memref<768x64xf32, #tpu.memory_space<vmem>> -> memref<48x64xf32, #tpu.memory_space<vmem>>
    %dma_wait3A_666 = arith.constant 0 : i32
    %dma_wait3A_667 = arith.constant 0 : i32
    %dma_wait3A_668 = tpu.memref_slice %arg2[%dma_wait3A_666, %dma_wait3A_667] : memref<100000x64xf32, #tpu.memory_space<hbm>> -> memref<48x64xf32, #tpu.memory_space<hbm>>
    tpu.wait_dma2 semaphore(%arg10 : memref<!tpu.dma_semaphore, #tpu.memory_space<semaphore_mem>>) src(%dma_wait3A_668 : memref<48x64xf32, #tpu.memory_space<hbm>>) dst(%dma_wait3A_665 : memref<48x64xf32, #tpu.memory_space<vmem>>)
    %dma_wait3A_669 = arith.constant 576 : i32
    %dma_wait3A_670 = arith.constant 0 : i32
    %dma_wait3A_671 = tpu.memref_slice %arg7[%dma_wait3A_669, %dma_wait3A_670] : memref<768x64xf32, #tpu.memory_space<vmem>> -> memref<48x64xf32, #tpu.memory_space<vmem>>
    %dma_wait3A_672 = arith.constant 0 : i32
    %dma_wait3A_673 = arith.constant 0 : i32
    %dma_wait3A_674 = tpu.memref_slice %arg2[%dma_wait3A_672, %dma_wait3A_673] : memref<100000x64xf32, #tpu.memory_space<hbm>> -> memref<48x64xf32, #tpu.memory_space<hbm>>
    %dma_wait3A_675 = arith.constant 576 : i32
    %dma_wait3A_676 = arith.constant 0 : i32
    %dma_wait3A_677 = tpu.memref_slice %arg7[%dma_wait3A_675, %dma_wait3A_676] : memref<768x64xf32, #tpu.memory_space<vmem>> -> memref<48x64xf32, #tpu.memory_space<vmem>>
    %dma_wait3A_678 = arith.constant 0 : i32
    %dma_wait3A_679 = arith.constant 0 : i32
    %dma_wait3A_680 = tpu.memref_slice %arg2[%dma_wait3A_678, %dma_wait3A_679] : memref<100000x64xf32, #tpu.memory_space<hbm>> -> memref<48x64xf32, #tpu.memory_space<hbm>>
    tpu.wait_dma2 semaphore(%arg10 : memref<!tpu.dma_semaphore, #tpu.memory_space<semaphore_mem>>) src(%dma_wait3A_680 : memref<48x64xf32, #tpu.memory_space<hbm>>) dst(%dma_wait3A_677 : memref<48x64xf32, #tpu.memory_space<vmem>>)
    %dma_wait3A_681 = arith.constant 624 : i32
    %dma_wait3A_682 = arith.constant 0 : i32
    %dma_wait3A_683 = tpu.memref_slice %arg7[%dma_wait3A_681, %dma_wait3A_682] : memref<768x64xf32, #tpu.memory_space<vmem>> -> memref<48x64xf32, #tpu.memory_space<vmem>>
    %dma_wait3A_684 = arith.constant 0 : i32
    %dma_wait3A_685 = arith.constant 0 : i32
    %dma_wait3A_686 = tpu.memref_slice %arg2[%dma_wait3A_684, %dma_wait3A_685] : memref<100000x64xf32, #tpu.memory_space<hbm>> -> memref<48x64xf32, #tpu.memory_space<hbm>>
    %dma_wait3A_687 = arith.constant 624 : i32
    %dma_wait3A_688 = arith.constant 0 : i32
    %dma_wait3A_689 = tpu.memref_slice %arg7[%dma_wait3A_687, %dma_wait3A_688] : memref<768x64xf32, #tpu.memory_space<vmem>> -> memref<48x64xf32, #tpu.memory_space<vmem>>
    %dma_wait3A_690 = arith.constant 0 : i32
    %dma_wait3A_691 = arith.constant 0 : i32
    %dma_wait3A_692 = tpu.memref_slice %arg2[%dma_wait3A_690, %dma_wait3A_691] : memref<100000x64xf32, #tpu.memory_space<hbm>> -> memref<48x64xf32, #tpu.memory_space<hbm>>
    tpu.wait_dma2 semaphore(%arg10 : memref<!tpu.dma_semaphore, #tpu.memory_space<semaphore_mem>>) src(%dma_wait3A_692 : memref<48x64xf32, #tpu.memory_space<hbm>>) dst(%dma_wait3A_689 : memref<48x64xf32, #tpu.memory_space<vmem>>)
    %dma_wait3A_693 = arith.constant 672 : i32
    %dma_wait3A_694 = arith.constant 0 : i32
    %dma_wait3A_695 = tpu.memref_slice %arg7[%dma_wait3A_693, %dma_wait3A_694] : memref<768x64xf32, #tpu.memory_space<vmem>> -> memref<48x64xf32, #tpu.memory_space<vmem>>
    %dma_wait3A_696 = arith.constant 0 : i32
    %dma_wait3A_697 = arith.constant 0 : i32
    %dma_wait3A_698 = tpu.memref_slice %arg2[%dma_wait3A_696, %dma_wait3A_697] : memref<100000x64xf32, #tpu.memory_space<hbm>> -> memref<48x64xf32, #tpu.memory_space<hbm>>
    %dma_wait3A_699 = arith.constant 672 : i32
    %dma_wait3A_700 = arith.constant 0 : i32
    %dma_wait3A_701 = tpu.memref_slice %arg7[%dma_wait3A_699, %dma_wait3A_700] : memref<768x64xf32, #tpu.memory_space<vmem>> -> memref<48x64xf32, #tpu.memory_space<vmem>>
    %dma_wait3A_702 = arith.constant 0 : i32
    %dma_wait3A_703 = arith.constant 0 : i32
    %dma_wait3A_704 = tpu.memref_slice %arg2[%dma_wait3A_702, %dma_wait3A_703] : memref<100000x64xf32, #tpu.memory_space<hbm>> -> memref<48x64xf32, #tpu.memory_space<hbm>>
    tpu.wait_dma2 semaphore(%arg10 : memref<!tpu.dma_semaphore, #tpu.memory_space<semaphore_mem>>) src(%dma_wait3A_704 : memref<48x64xf32, #tpu.memory_space<hbm>>) dst(%dma_wait3A_701 : memref<48x64xf32, #tpu.memory_space<vmem>>)
    %dma_wait3A_705 = arith.constant 720 : i32
    %dma_wait3A_706 = arith.constant 0 : i32
    %dma_wait3A_707 = tpu.memref_slice %arg7[%dma_wait3A_705, %dma_wait3A_706] : memref<768x64xf32, #tpu.memory_space<vmem>> -> memref<48x64xf32, #tpu.memory_space<vmem>>
    %dma_wait3A_708 = arith.constant 0 : i32
    %dma_wait3A_709 = arith.constant 0 : i32
    %dma_wait3A_710 = tpu.memref_slice %arg2[%dma_wait3A_708, %dma_wait3A_709] : memref<100000x64xf32, #tpu.memory_space<hbm>> -> memref<48x64xf32, #tpu.memory_space<hbm>>
    %dma_wait3A_711 = arith.constant 720 : i32
    %dma_wait3A_712 = arith.constant 0 : i32
    %dma_wait3A_713 = tpu.memref_slice %arg7[%dma_wait3A_711, %dma_wait3A_712] : memref<768x64xf32, #tpu.memory_space<vmem>> -> memref<48x64xf32, #tpu.memory_space<vmem>>
    %dma_wait3A_714 = arith.constant 0 : i32
    %dma_wait3A_715 = arith.constant 0 : i32
    %dma_wait3A_716 = tpu.memref_slice %arg2[%dma_wait3A_714, %dma_wait3A_715] : memref<100000x64xf32, #tpu.memory_space<hbm>> -> memref<48x64xf32, #tpu.memory_space<hbm>>
    tpu.wait_dma2 semaphore(%arg10 : memref<!tpu.dma_semaphore, #tpu.memory_space<semaphore_mem>>) src(%dma_wait3A_716 : memref<48x64xf32, #tpu.memory_space<hbm>>) dst(%dma_wait3A_713 : memref<48x64xf32, #tpu.memory_space<vmem>>)
    %scan3A_717 = arith.constant 0 : i32
    %scan3A_718 = arith.constant 16 : i32
    %scan3A_719 = arith.addi %scan3A_717, %scan3A_718 : i32
    %scan3A_720 = arith.constant 1 : i32
    %scan3A_721:4 = scf.for %scan3A_729 = %scan3A_717 to %scan3A_719 step %scan3A_720 iter_args(%scan3A_730 = %scan3A_523#0, %scan3A_731 = %scan3A_523#1, %scan3A_732 = %scan3A_523#2, %scan3A_733 = %scan3A_523#3) -> (vector<16xf32>, vector<16xf32>, vector<16xf32>, vector<16xf32>)  : i32 {
      %mul3A_734 = arith.constant 48 : i32
      %mul3A_735 = arith.muli %scan3A_729, %mul3A_734 : i32
      %scan3A_736 = arith.constant 0 : i32
      %scan3A_737 = arith.constant 24 : i32
      %scan3A_738 = arith.addi %scan3A_736, %scan3A_737 : i32
      %scan3A_739 = arith.constant 4 : i32
      %scan3A_740:4 = scf.for %scan3A_742 = %scan3A_736 to %scan3A_738 step %scan3A_739 iter_args(%scan3A_743 = %scan3A_730, %scan3A_744 = %scan3A_731, %scan3A_745 = %scan3A_732, %scan3A_746 = %scan3A_733) -> (vector<16xf32>, vector<16xf32>, vector<16xf32>, vector<16xf32>)  : i32 {
        %add3A_747 = arith.addi %mul3A_735, %scan3A_742 : i32
        %get3A = arith.index_cast %add3A_747 : i32 to index
        %get3A_748 = arith.constant 0 : index
        %get3A_749 = tpu.vector_load %arg7[%get3A, %get3A_748] {strides = array<i32>} : memref<768x64xf32, #tpu.memory_space<vmem>>, vector<1x16xf32>,
        %get3A_750 = vector.shape_cast %get3A_749 : vector<1x16xf32> to vector<16xf32>
        %add3A_751 = arith.addi %mul3A_735, %scan3A_742 : i32
        %add3A_752 = arith.constant 24 : i32
        %add3A_753 = arith.addi %add3A_751, %add3A_752 : i32
        %get3A_754 = arith.index_cast %add3A_753 : i32 to index
        %get3A_755 = arith.constant 0 : index
        %get3A_756 = tpu.vector_load %arg7[%get3A_754, %get3A_755] {strides = array<i32>} : memref<768x64xf32, #tpu.memory_space<vmem>>, vector<1x16xf32>,
        %get3A_757 = vector.shape_cast %get3A_756 : vector<1x16xf32> to vector<16xf32>
        %sub3A = arith.subf %get3A_750, %get3A_757 : vector<16xf32>
        %mul3A_758 = arith.mulf %sub3A, %sub3A : vector<16xf32>
        %add3A_759 = arith.addf %scan3A_743, %mul3A_758 : vector<16xf32>
        %add3A_760 = arith.addi %mul3A_735, %scan3A_742 : i32
        %get3A_761 = arith.index_cast %add3A_760 : i32 to index
        %get3A_762 = arith.constant 16 : index
        %get3A_763 = tpu.vector_load %arg7[%get3A_761, %get3A_762] {strides = array<i32>} : memref<768x64xf32, #tpu.memory_space<vmem>>, vector<1x16xf32>,
        %get3A_764 = vector.shape_cast %get3A_763 : vector<1x16xf32> to vector<16xf32>
        %add3A_765 = arith.addi %mul3A_735, %scan3A_742 : i32
        %add3A_766 = arith.constant 24 : i32
        %add3A_767 = arith.addi %add3A_765, %add3A_766 : i32
        %get3A_768 = arith.index_cast %add3A_767 : i32 to index
        %get3A_769 = arith.constant 16 : index
        %get3A_770 = tpu.vector_load %arg7[%get3A_768, %get3A_769] {strides = array<i32>} : memref<768x64xf32, #tpu.memory_space<vmem>>, vector<1x16xf32>,
        %get3A_771 = vector.shape_cast %get3A_770 : vector<1x16xf32> to vector<16xf32>
        %sub3A_772 = arith.subf %get3A_764, %get3A_771 : vector<16xf32>
        %mul3A_773 = arith.mulf %sub3A_772, %sub3A_772 : vector<16xf32>
        %add3A_774 = arith.addf %scan3A_744, %mul3A_773 : vector<16xf32>
        %add3A_775 = arith.addi %mul3A_735, %scan3A_742 : i32
        %get3A_776 = arith.index_cast %add3A_775 : i32 to index
        %get3A_777 = arith.constant 32 : index
        %get3A_778 = tpu.vector_load %arg7[%get3A_776, %get3A_777] {strides = array<i32>} : memref<768x64xf32, #tpu.memory_space<vmem>>, vector<1x16xf32>,
        %get3A_779 = vector.shape_cast %get3A_778 : vector<1x16xf32> to vector<16xf32>
        %add3A_780 = arith.addi %mul3A_735, %scan3A_742 : i32
        %add3A_781 = arith.constant 24 : i32
        %add3A_782 = arith.addi %add3A_780, %add3A_781 : i32
        %get3A_783 = arith.index_cast %add3A_782 : i32 to index
        %get3A_784 = arith.constant 32 : index
        %get3A_785 = tpu.vector_load %arg7[%get3A_783, %get3A_784] {strides = array<i32>} : memref<768x64xf32, #tpu.memory_space<vmem>>, vector<1x16xf32>,
        %get3A_786 = vector.shape_cast %get3A_785 : vector<1x16xf32> to vector<16xf32>
        %sub3A_787 = arith.subf %get3A_779, %get3A_786 : vector<16xf32>
        %mul3A_788 = arith.mulf %sub3A_787, %sub3A_787 : vector<16xf32>
        %add3A_789 = arith.addf %scan3A_745, %mul3A_788 : vector<16xf32>
        %add3A_790 = arith.addi %mul3A_735, %scan3A_742 : i32
        %get3A_791 = arith.index_cast %add3A_790 : i32 to index
        %get3A_792 = arith.constant 48 : index
        %get3A_793 = tpu.vector_load %arg7[%get3A_791, %get3A_792] {strides = array<i32>} : memref<768x64xf32, #tpu.memory_space<vmem>>, vector<1x16xf32>,
        %get3A_794 = vector.shape_cast %get3A_793 : vector<1x16xf32> to vector<16xf32>
        %add3A_795 = arith.addi %mul3A_735, %scan3A_742 : i32
        %add3A_796 = arith.constant 24 : i32
        %add3A_797 = arith.addi %add3A_795, %add3A_796 : i32
        %get3A_798 = arith.index_cast %add3A_797 : i32 to index
        %get3A_799 = arith.constant 48 : index
        %get3A_800 = tpu.vector_load %arg7[%get3A_798, %get3A_799] {strides = array<i32>} : memref<768x64xf32, #tpu.memory_space<vmem>>, vector<1x16xf32>,
        %get3A_801 = vector.shape_cast %get3A_800 : vector<1x16xf32> to vector<16xf32>
        %sub3A_802 = arith.subf %get3A_794, %get3A_801 : vector<16xf32>
        %mul3A_803 = arith.mulf %sub3A_802, %sub3A_802 : vector<16xf32>
        %add3A_804 = arith.addf %scan3A_746, %mul3A_803 : vector<16xf32>
        %scan3A_805 = arith.constant 1 : i32
        %scan3A_806 = arith.addi %scan3A_742, %scan3A_805 : i32
        %add3A_807 = arith.addi %mul3A_735, %scan3A_806 : i32
        %get3A_808 = arith.index_cast %add3A_807 : i32 to index
        %get3A_809 = arith.constant 0 : index
        %get3A_810 = tpu.vector_load %arg7[%get3A_808, %get3A_809] {strides = array<i32>} : memref<768x64xf32, #tpu.memory_space<vmem>>, vector<1x16xf32>,
        %get3A_811 = vector.shape_cast %get3A_810 : vector<1x16xf32> to vector<16xf32>
        %add3A_812 = arith.addi %mul3A_735, %scan3A_806 : i32
        %add3A_813 = arith.constant 24 : i32
        %add3A_814 = arith.addi %add3A_812, %add3A_813 : i32
        %get3A_815 = arith.index_cast %add3A_814 : i32 to index
        %get3A_816 = arith.constant 0 : index
        %get3A_817 = tpu.vector_load %arg7[%get3A_815, %get3A_816] {strides = array<i32>} : memref<768x64xf32, #tpu.memory_space<vmem>>, vector<1x16xf32>,
        %get3A_818 = vector.shape_cast %get3A_817 : vector<1x16xf32> to vector<16xf32>
        %sub3A_819 = arith.subf %get3A_811, %get3A_818 : vector<16xf32>
        %mul3A_820 = arith.mulf %sub3A_819, %sub3A_819 : vector<16xf32>
        %add3A_821 = arith.addf %add3A_759, %mul3A_820 : vector<16xf32>
        %add3A_822 = arith.addi %mul3A_735, %scan3A_806 : i32
        %get3A_823 = arith.index_cast %add3A_822 : i32 to index
        %get3A_824 = arith.constant 16 : index
        %get3A_825 = tpu.vector_load %arg7[%get3A_823, %get3A_824] {strides = array<i32>} : memref<768x64xf32, #tpu.memory_space<vmem>>, vector<1x16xf32>,
        %get3A_826 = vector.shape_cast %get3A_825 : vector<1x16xf32> to vector<16xf32>
        %add3A_827 = arith.addi %mul3A_735, %scan3A_806 : i32
        %add3A_828 = arith.constant 24 : i32
        %add3A_829 = arith.addi %add3A_827, %add3A_828 : i32
        %get3A_830 = arith.index_cast %add3A_829 : i32 to index
        %get3A_831 = arith.constant 16 : index
        %get3A_832 = tpu.vector_load %arg7[%get3A_830, %get3A_831] {strides = array<i32>} : memref<768x64xf32, #tpu.memory_space<vmem>>, vector<1x16xf32>,
        %get3A_833 = vector.shape_cast %get3A_832 : vector<1x16xf32> to vector<16xf32>
        %sub3A_834 = arith.subf %get3A_826, %get3A_833 : vector<16xf32>
        %mul3A_835 = arith.mulf %sub3A_834, %sub3A_834 : vector<16xf32>
        %add3A_836 = arith.addf %add3A_774, %mul3A_835 : vector<16xf32>
        %add3A_837 = arith.addi %mul3A_735, %scan3A_806 : i32
        %get3A_838 = arith.index_cast %add3A_837 : i32 to index
        %get3A_839 = arith.constant 32 : index
        %get3A_840 = tpu.vector_load %arg7[%get3A_838, %get3A_839] {strides = array<i32>} : memref<768x64xf32, #tpu.memory_space<vmem>>, vector<1x16xf32>,
        %get3A_841 = vector.shape_cast %get3A_840 : vector<1x16xf32> to vector<16xf32>
        %add3A_842 = arith.addi %mul3A_735, %scan3A_806 : i32
        %add3A_843 = arith.constant 24 : i32
        %add3A_844 = arith.addi %add3A_842, %add3A_843 : i32
        %get3A_845 = arith.index_cast %add3A_844 : i32 to index
        %get3A_846 = arith.constant 32 : index
        %get3A_847 = tpu.vector_load %arg7[%get3A_845, %get3A_846] {strides = array<i32>} : memref<768x64xf32, #tpu.memory_space<vmem>>, vector<1x16xf32>,
        %get3A_848 = vector.shape_cast %get3A_847 : vector<1x16xf32> to vector<16xf32>
        %sub3A_849 = arith.subf %get3A_841, %get3A_848 : vector<16xf32>
        %mul3A_850 = arith.mulf %sub3A_849, %sub3A_849 : vector<16xf32>
        %add3A_851 = arith.addf %add3A_789, %mul3A_850 : vector<16xf32>
        %add3A_852 = arith.addi %mul3A_735, %scan3A_806 : i32
        %get3A_853 = arith.index_cast %add3A_852 : i32 to index
        %get3A_854 = arith.constant 48 : index
        %get3A_855 = tpu.vector_load %arg7[%get3A_853, %get3A_854] {strides = array<i32>} : memref<768x64xf32, #tpu.memory_space<vmem>>, vector<1x16xf32>,
        %get3A_856 = vector.shape_cast %get3A_855 : vector<1x16xf32> to vector<16xf32>
        %add3A_857 = arith.addi %mul3A_735, %scan3A_806 : i32
        %add3A_858 = arith.constant 24 : i32
        %add3A_859 = arith.addi %add3A_857, %add3A_858 : i32
        %get3A_860 = arith.index_cast %add3A_859 : i32 to index
        %get3A_861 = arith.constant 48 : index
        %get3A_862 = tpu.vector_load %arg7[%get3A_860, %get3A_861] {strides = array<i32>} : memref<768x64xf32, #tpu.memory_space<vmem>>, vector<1x16xf32>,
        %get3A_863 = vector.shape_cast %get3A_862 : vector<1x16xf32> to vector<16xf32>
        %sub3A_864 = arith.subf %get3A_856, %get3A_863 : vector<16xf32>
        %mul3A_865 = arith.mulf %sub3A_864, %sub3A_864 : vector<16xf32>
        %add3A_866 = arith.addf %add3A_804, %mul3A_865 : vector<16xf32>
        %scan3A_867 = arith.constant 2 : i32
        %scan3A_868 = arith.addi %scan3A_742, %scan3A_867 : i32
        %add3A_869 = arith.addi %mul3A_735, %scan3A_868 : i32
        %get3A_870 = arith.index_cast %add3A_869 : i32 to index
        %get3A_871 = arith.constant 0 : index
        %get3A_872 = tpu.vector_load %arg7[%get3A_870, %get3A_871] {strides = array<i32>} : memref<768x64xf32, #tpu.memory_space<vmem>>, vector<1x16xf32>,
        %get3A_873 = vector.shape_cast %get3A_872 : vector<1x16xf32> to vector<16xf32>
        %add3A_874 = arith.addi %mul3A_735, %scan3A_868 : i32
        %add3A_875 = arith.constant 24 : i32
        %add3A_876 = arith.addi %add3A_874, %add3A_875 : i32
        %get3A_877 = arith.index_cast %add3A_876 : i32 to index
        %get3A_878 = arith.constant 0 : index
        %get3A_879 = tpu.vector_load %arg7[%get3A_877, %get3A_878] {strides = array<i32>} : memref<768x64xf32, #tpu.memory_space<vmem>>, vector<1x16xf32>,
        %get3A_880 = vector.shape_cast %get3A_879 : vector<1x16xf32> to vector<16xf32>
        %sub3A_881 = arith.subf %get3A_873, %get3A_880 : vector<16xf32>
        %mul3A_882 = arith.mulf %sub3A_881, %sub3A_881 : vector<16xf32>
        %add3A_883 = arith.addf %add3A_821, %mul3A_882 : vector<16xf32>
        %add3A_884 = arith.addi %mul3A_735, %scan3A_868 : i32
        %get3A_885 = arith.index_cast %add3A_884 : i32 to index
        %get3A_886 = arith.constant 16 : index
        %get3A_887 = tpu.vector_load %arg7[%get3A_885, %get3A_886] {strides = array<i32>} : memref<768x64xf32, #tpu.memory_space<vmem>>, vector<1x16xf32>,
        %get3A_888 = vector.shape_cast %get3A_887 : vector<1x16xf32> to vector<16xf32>
        %add3A_889 = arith.addi %mul3A_735, %scan3A_868 : i32
        %add3A_890 = arith.constant 24 : i32
        %add3A_891 = arith.addi %add3A_889, %add3A_890 : i32
        %get3A_892 = arith.index_cast %add3A_891 : i32 to index
        %get3A_893 = arith.constant 16 : index
        %get3A_894 = tpu.vector_load %arg7[%get3A_892, %get3A_893] {strides = array<i32>} : memref<768x64xf32, #tpu.memory_space<vmem>>, vector<1x16xf32>,
        %get3A_895 = vector.shape_cast %get3A_894 : vector<1x16xf32> to vector<16xf32>
        %sub3A_896 = arith.subf %get3A_888, %get3A_895 : vector<16xf32>
        %mul3A_897 = arith.mulf %sub3A_896, %sub3A_896 : vector<16xf32>
        %add3A_898 = arith.addf %add3A_836, %mul3A_897 : vector<16xf32>
        %add3A_899 = arith.addi %mul3A_735, %scan3A_868 : i32
        %get3A_900 = arith.index_cast %add3A_899 : i32 to index
        %get3A_901 = arith.constant 32 : index
        %get3A_902 = tpu.vector_load %arg7[%get3A_900, %get3A_901] {strides = array<i32>} : memref<768x64xf32, #tpu.memory_space<vmem>>, vector<1x16xf32>,
        %get3A_903 = vector.shape_cast %get3A_902 : vector<1x16xf32> to vector<16xf32>
        %add3A_904 = arith.addi %mul3A_735, %scan3A_868 : i32
        %add3A_905 = arith.constant 24 : i32
        %add3A_906 = arith.addi %add3A_904, %add3A_905 : i32
        %get3A_907 = arith.index_cast %add3A_906 : i32 to index
        %get3A_908 = arith.constant 32 : index
        %get3A_909 = tpu.vector_load %arg7[%get3A_907, %get3A_908] {strides = array<i32>} : memref<768x64xf32, #tpu.memory_space<vmem>>, vector<1x16xf32>,
        %get3A_910 = vector.shape_cast %get3A_909 : vector<1x16xf32> to vector<16xf32>
        %sub3A_911 = arith.subf %get3A_903, %get3A_910 : vector<16xf32>
        %mul3A_912 = arith.mulf %sub3A_911, %sub3A_911 : vector<16xf32>
        %add3A_913 = arith.addf %add3A_851, %mul3A_912 : vector<16xf32>
        %add3A_914 = arith.addi %mul3A_735, %scan3A_868 : i32
        %get3A_915 = arith.index_cast %add3A_914 : i32 to index
        %get3A_916 = arith.constant 48 : index
        %get3A_917 = tpu.vector_load %arg7[%get3A_915, %get3A_916] {strides = array<i32>} : memref<768x64xf32, #tpu.memory_space<vmem>>, vector<1x16xf32>,
        %get3A_918 = vector.shape_cast %get3A_917 : vector<1x16xf32> to vector<16xf32>
        %add3A_919 = arith.addi %mul3A_735, %scan3A_868 : i32
        %add3A_920 = arith.constant 24 : i32
        %add3A_921 = arith.addi %add3A_919, %add3A_920 : i32
        %get3A_922 = arith.index_cast %add3A_921 : i32 to index
        %get3A_923 = arith.constant 48 : index
        %get3A_924 = tpu.vector_load %arg7[%get3A_922, %get3A_923] {strides = array<i32>} : memref<768x64xf32, #tpu.memory_space<vmem>>, vector<1x16xf32>,
        %get3A_925 = vector.shape_cast %get3A_924 : vector<1x16xf32> to vector<16xf32>
        %sub3A_926 = arith.subf %get3A_918, %get3A_925 : vector<16xf32>
        %mul3A_927 = arith.mulf %sub3A_926, %sub3A_926 : vector<16xf32>
        %add3A_928 = arith.addf %add3A_866, %mul3A_927 : vector<16xf32>
        %scan3A_929 = arith.constant 3 : i32
        %scan3A_930 = arith.addi %scan3A_742, %scan3A_929 : i32
        %add3A_931 = arith.addi %mul3A_735, %scan3A_930 : i32
        %get3A_932 = arith.index_cast %add3A_931 : i32 to index
        %get3A_933 = arith.constant 0 : index
        %get3A_934 = tpu.vector_load %arg7[%get3A_932, %get3A_933] {strides = array<i32>} : memref<768x64xf32, #tpu.memory_space<vmem>>, vector<1x16xf32>,
        %get3A_935 = vector.shape_cast %get3A_934 : vector<1x16xf32> to vector<16xf32>
        %add3A_936 = arith.addi %mul3A_735, %scan3A_930 : i32
        %add3A_937 = arith.constant 24 : i32
        %add3A_938 = arith.addi %add3A_936, %add3A_937 : i32
        %get3A_939 = arith.index_cast %add3A_938 : i32 to index
        %get3A_940 = arith.constant 0 : index
        %get3A_941 = tpu.vector_load %arg7[%get3A_939, %get3A_940] {strides = array<i32>} : memref<768x64xf32, #tpu.memory_space<vmem>>, vector<1x16xf32>,
        %get3A_942 = vector.shape_cast %get3A_941 : vector<1x16xf32> to vector<16xf32>
        %sub3A_943 = arith.subf %get3A_935, %get3A_942 : vector<16xf32>
        %mul3A_944 = arith.mulf %sub3A_943, %sub3A_943 : vector<16xf32>
        %add3A_945 = arith.addf %add3A_883, %mul3A_944 : vector<16xf32>
        %add3A_946 = arith.addi %mul3A_735, %scan3A_930 : i32
        %get3A_947 = arith.index_cast %add3A_946 : i32 to index
        %get3A_948 = arith.constant 16 : index
        %get3A_949 = tpu.vector_load %arg7[%get3A_947, %get3A_948] {strides = array<i32>} : memref<768x64xf32, #tpu.memory_space<vmem>>, vector<1x16xf32>,
        %get3A_950 = vector.shape_cast %get3A_949 : vector<1x16xf32> to vector<16xf32>
        %add3A_951 = arith.addi %mul3A_735, %scan3A_930 : i32
        %add3A_952 = arith.constant 24 : i32
        %add3A_953 = arith.addi %add3A_951, %add3A_952 : i32
        %get3A_954 = arith.index_cast %add3A_953 : i32 to index
        %get3A_955 = arith.constant 16 : index
        %get3A_956 = tpu.vector_load %arg7[%get3A_954, %get3A_955] {strides = array<i32>} : memref<768x64xf32, #tpu.memory_space<vmem>>, vector<1x16xf32>,
        %get3A_957 = vector.shape_cast %get3A_956 : vector<1x16xf32> to vector<16xf32>
        %sub3A_958 = arith.subf %get3A_950, %get3A_957 : vector<16xf32>
        %mul3A_959 = arith.mulf %sub3A_958, %sub3A_958 : vector<16xf32>
        %add3A_960 = arith.addf %add3A_898, %mul3A_959 : vector<16xf32>
        %add3A_961 = arith.addi %mul3A_735, %scan3A_930 : i32
        %get3A_962 = arith.index_cast %add3A_961 : i32 to index
        %get3A_963 = arith.constant 32 : index
        %get3A_964 = tpu.vector_load %arg7[%get3A_962, %get3A_963] {strides = array<i32>} : memref<768x64xf32, #tpu.memory_space<vmem>>, vector<1x16xf32>,
        %get3A_965 = vector.shape_cast %get3A_964 : vector<1x16xf32> to vector<16xf32>
        %add3A_966 = arith.addi %mul3A_735, %scan3A_930 : i32
        %add3A_967 = arith.constant 24 : i32
        %add3A_968 = arith.addi %add3A_966, %add3A_967 : i32
        %get3A_969 = arith.index_cast %add3A_968 : i32 to index
        %get3A_970 = arith.constant 32 : index
        %get3A_971 = tpu.vector_load %arg7[%get3A_969, %get3A_970] {strides = array<i32>} : memref<768x64xf32, #tpu.memory_space<vmem>>, vector<1x16xf32>,
        %get3A_972 = vector.shape_cast %get3A_971 : vector<1x16xf32> to vector<16xf32>
        %sub3A_973 = arith.subf %get3A_965, %get3A_972 : vector<16xf32>
        %mul3A_974 = arith.mulf %sub3A_973, %sub3A_973 : vector<16xf32>
        %add3A_975 = arith.addf %add3A_913, %mul3A_974 : vector<16xf32>
        %add3A_976 = arith.addi %mul3A_735, %scan3A_930 : i32
        %get3A_977 = arith.index_cast %add3A_976 : i32 to index
        %get3A_978 = arith.constant 48 : index
        %get3A_979 = tpu.vector_load %arg7[%get3A_977, %get3A_978] {strides = array<i32>} : memref<768x64xf32, #tpu.memory_space<vmem>>, vector<1x16xf32>,
        %get3A_980 = vector.shape_cast %get3A_979 : vector<1x16xf32> to vector<16xf32>
        %add3A_981 = arith.addi %mul3A_735, %scan3A_930 : i32
        %add3A_982 = arith.constant 24 : i32
        %add3A_983 = arith.addi %add3A_981, %add3A_982 : i32
        %get3A_984 = arith.index_cast %add3A_983 : i32 to index
        %get3A_985 = arith.constant 48 : index
        %get3A_986 = tpu.vector_load %arg7[%get3A_984, %get3A_985] {strides = array<i32>} : memref<768x64xf32, #tpu.memory_space<vmem>>, vector<1x16xf32>,
        %get3A_987 = vector.shape_cast %get3A_986 : vector<1x16xf32> to vector<16xf32>
        %sub3A_988 = arith.subf %get3A_980, %get3A_987 : vector<16xf32>
        %mul3A_989 = arith.mulf %sub3A_988, %sub3A_988 : vector<16xf32>
        %add3A_990 = arith.addf %add3A_928, %mul3A_989 : vector<16xf32>
        scf.yield %add3A_945, %add3A_960, %add3A_975, %add3A_990 : vector<16xf32>, vector<16xf32>, vector<16xf32>, vector<16xf32>
      }
      %scan3A_741 = arith.constant 24 : i32
      scf.yield %scan3A_740#0, %scan3A_740#1, %scan3A_740#2, %scan3A_740#3 : vector<16xf32>, vector<16xf32>, vector<16xf32>, vector<16xf32>
    }
    %scan3A_722 = arith.constant 16 : i32
    %add3A_723 = arith.addf %scan3A_721#0, %scan3A_721#1 : vector<16xf32>
    %add3A_724 = arith.addf %scan3A_721#2, %scan3A_721#3 : vector<16xf32>
    %add3A_725 = arith.addf %add3A_723, %add3A_724 : vector<16xf32>
    %swap3A = arith.constant 0 : index
    %swap3A_726 = tpu.vector_load %arg8[%swap3A] {strides = array<i32>} : memref<16xf32, #tpu.memory_space<vmem>>, vector<16xf32>,
    %swap3A_727 = vector.shape_cast %swap3A_726 : vector<16xf32> to vector<16xf32>
    %swap3A_728 = vector.shape_cast %add3A_725 : vector<16xf32> to vector<16xf32>
    tpu.vector_store %arg8[%swap3A], %swap3A_728 {strides = array<i32>} : memref<16xf32, #tpu.memory_space<vmem>>, vector<16xf32>,
    "tpu.region"() ({
      %run_scoped3A = tpu.sem_alloc : memref<!tpu.dma_semaphore, #tpu.memory_space<semaphore_mem>>
      %dma_start3A_729 = arith.constant 0 : i32
      %dma_start3A_730 = tpu.memref_slice %arg4[%add3A, %dma_start3A_729] : memref<32x16xf32, #tpu.memory_space<hbm>> -> memref<1x16xf32, #tpu.memory_space<hbm>>
      %dma_start3A_731 = tpu.memref_squeeze %dma_start3A_730 : memref<1x16xf32, #tpu.memory_space<hbm>> -> memref<16xf32, #tpu.memory_space<hbm>>
      %dma_start3A_732 = arith.constant 0 : i32
      %dma_start3A_733 = tpu.memref_slice %arg4[%add3A, %dma_start3A_732] : memref<32x16xf32, #tpu.memory_space<hbm>> -> memref<1x16xf32, #tpu.memory_space<hbm>>
      %dma_start3A_734 = tpu.memref_squeeze %dma_start3A_733 : memref<1x16xf32, #tpu.memory_space<hbm>> -> memref<16xf32, #tpu.memory_space<hbm>>
      tpu.enqueue_dma source(%arg8 : memref<16xf32, #tpu.memory_space<vmem>>) target(%dma_start3A_734 : memref<16xf32, #tpu.memory_space<hbm>>) target_semaphore(%run_scoped3A : memref<!tpu.dma_semaphore, #tpu.memory_space<semaphore_mem>>)
      %dma_wait3A_735 = arith.constant 0 : i32
      %dma_wait3A_736 = tpu.memref_slice %arg4[%add3A, %dma_wait3A_735] : memref<32x16xf32, #tpu.memory_space<hbm>> -> memref<1x16xf32, #tpu.memory_space<hbm>>
      %dma_wait3A_737 = tpu.memref_squeeze %dma_wait3A_736 : memref<1x16xf32, #tpu.memory_space<hbm>> -> memref<16xf32, #tpu.memory_space<hbm>>
      %dma_wait3A_738 = arith.constant 0 : i32
      %dma_wait3A_739 = tpu.memref_slice %arg4[%add3A, %dma_wait3A_738] : memref<32x16xf32, #tpu.memory_space<hbm>> -> memref<1x16xf32, #tpu.memory_space<hbm>>
      %dma_wait3A_740 = tpu.memref_squeeze %dma_wait3A_739 : memref<1x16xf32, #tpu.memory_space<hbm>> -> memref<16xf32, #tpu.memory_space<hbm>>
      tpu.wait_dma2 semaphore(%run_scoped3A : memref<!tpu.dma_semaphore, #tpu.memory_space<semaphore_mem>>) src(%arg8 : memref<16xf32, #tpu.memory_space<vmem>>) dst(%dma_wait3A_740 : memref<16xf32, #tpu.memory_space<hbm>>)
      tpu.yield
    }) : () -> ()
    return
  }
}

</mosaic_0001>

<sc_bundles>
// kernel: kernel.3.cloned.1.call-start
scs
__scs_entry_jumppad:
0x0: {  	(pc) =	sbr.rel $0x88, $3  }
0x1: {  	(tag) =	ssettag $0x0;
	lr =	simm.s32 $0x1  }
0x2: {  	[smem:$0x3F9F] =	sst lr;
	_ =	strace $0xD0000000  }
0x3: {  	_ = 	snop  }
0x4: {  	_ = 	snop  }
0x5: {  	_ = 	snop  }
0x6: {  	_ = 	snop  }
0x7: {  	_ = 	snop  }
__scs_overlays_trampoline_lowered:
0x8: {  	[smem:$0x3FAE] =	sst s0  }
0x9: {  	[smem:$0x3FAF] =	sst s1  }
0xa: {  	[smem:$0x3FB0] =	sst s2  }
0xb: {  	[smem:$0x3FB1] =	sst s3  }
0xc: {  	[smem:$0x3FB2] =	sst s4  }
0xd: {  	[smem:$0x3FB3] =	sst s5  }
0xe: {  	[smem:$0x3FB4] =	sst s6  }
0xf: {  	[smem:$0x3FB5] =	sst s7  }
0x10: {  	[smem:$0x3FB6] =	sst s8  }
0x11: {  	[smem:$0x3FB7] =	sst s9;
	s0 =	simm.s32 @!p0 $0x0  }
0x12: {  	s1 =	sld [smem:$0x3F9D];
	s0 =	simm.s32 @p0 $0x1  }
0x13: {  	[smem:$0x3FB8] =	sst s0;
	s0 =	simm.s32 @!p1 $0x0  }
0x14: {  	s2 =	sld [smem:$0x3F9C];
	s0 =	simm.s32 @p1 $0x1  }
0x15: {  	[smem:$0x3FB9] =	sst s0;
	s0 =	simm.s32 @!p2 $0x0  }
0x16: {  	s3 =	sld [smem:$0x3FDB];
	s0 =	simm.s32 @p2 $0x1  }
0x17: {  	s4 =	simm.s32 $0x1BF5;
	[smem:$0x3FBB] =	sst s0  }
0x18: {  	s0 =	sld [smem:$0x3F9E];
	_ =	swait.ge [sflag:s4], $0x0  }
0x19: {  	s7 =	sld [smem:$0x3F9F]  }
0x1a: {  	s8 =	sadd.s32 $0xFFFFE003, lr  }
0x1b: {  	s9 =	sadd.s32 $0xFFFFFEF7, lr;
	s5 =	simm.s32 $0xFFFFFFFF;
	p2 =	slt.u32 s8, $0xFFFFF086  }
0x1c: {  	p1 =	slt.u32 s9, $0xF7A;
	s5 =	simm.s32 @!p2 $0x0  }
0x1d: {  	s5 =	simm.s32 @p1 $0x1;
	p0 =	seq.s32 s7, s2  }
0x1e: {  	s7 =	smul.u32 @!p0 $0xF7A, s2;
	p2 =	seq.s32 @!p0 s5, $0x0  }
0x1f: {  	s9 =	smul.u32 $0xF7A, s1;
	s8 =	simm.s32 @!p0 $0x1BF5;
	p2 =	por !p2, p0  }
0x20: {  	[sflag:s8] =	ssyncset.s32 @!p0 $0xFFFFF086;
	s6 =	sadd.s32 @!p0 s3, s7;
	s7 =	simm.s32 @!p0 $0x108  }
0x21: {  	s3 =	sadd.s32 s3, s9;
	s6 =	sadd.s32 @!p0 $0x88, s6;
	s7 =	simm.s32 @p2 $0x1082  }
0x22: {  	[simem:s7], [sflag:s8] =	dma.local @!p0 [hbm:s6], $0xF7A  }
0x23: {  	s9 =	sor.u32 $0xD0000000, s2;
	s6 =	simm.s32 $0x108;
	_ =	swait.ge @!p0 [sflag:s8], $0x0  }
0x24: {  	s3 =	sadd.s32 $0x88, s3;
	s6 =	simm.s32 @!p1 $0x1082;
	[sflag:s4] =	ssyncset.s32 $0xFFFFF086  }
0x25: {  	[simem:s6], [sflag:s4] =	dma.local [hbm:s3], $0xF7A  }
0x26: {  	[smem:$0x3F9F] =	sst s1;
	(tag) =	ssettag s2;
	_ =	strace s9  }
0x27: {  	s1 =	sld [smem:$0x3FAF]  }
0x28: {  	s2 =	sld [smem:$0x3FB0]  }
0x29: {  	s4 =	sld [smem:$0x3FB2]  }
0x2a: {  	p0 =	seq.s32 s5, $0x0;
	s5 =	sld [smem:$0x3FB3]  }
0x2b: {  	s6 =	sld [smem:$0x3FB4]  }
0x2c: {  	s7 =	sld [smem:$0x3FB5]  }
0x2d: {  	s3 =	simm.s32 $0x108;
	s8 =	sld [smem:$0x3FB6]  }
0x2e: {  	s3 =	simm.s32 @!p0 $0x1082;
	s9 =	sld [smem:$0x3FB7]  }
0x2f: {  	lr =	sadd.s32 s0, s3;
	s0 =	sld [smem:$0x3FAE]  }
0x30: {  	s3 =	sld [smem:$0x3FB1]  }
0x31: {  	[smem:$0x3FBA] =	sst s10  }
0x32: {  	s10 =	sld [smem:$0x3FB8];
	_ =	sdelay $0x3  }
0x33: {  	p0 =	seq.s32 s10, $0x1;
	s10 =	sld [smem:$0x3FBA];
	_ =	sdelay $0x3  }
0x34: {  	[smem:$0x3FBA] =	sst s10  }
0x35: {  	s10 =	sld [smem:$0x3FB9];
	_ =	sdelay $0x3  }
0x36: {  	p1 =	seq.s32 s10, $0x1;
	s10 =	sld [smem:$0x3FBA];
	_ =	sdelay $0x3  }
0x37: {  	[smem:$0x3FBA] =	sst s10  }
0x38: {  	s10 =	sld [smem:$0x3FBB]  }
0x39: {  	_ = 	snop;
	(pc) =	sbr.ind lr, $3  }
0x3a: {  	_ = 	snop  }
0x3b: {  	_ = 	snop  }
0x3c: {  	p2 =	seq.s32 s10, $0x1;
	s10 =	sld [smem:$0x3FBA]  }
0x3d: {  	_ =	shalt  }
0x3e: {  	_ =	shalt  }
0x3f: {  	_ =	shalt  }
0x40: {  	_ =	shalt  }
0x41: {  	_ =	shalt  }
0x42: {  	_ =	shalt  }
0x43: {  	_ =	shalt  }
0x44: {  	_ =	shalt  }
0x45: {  	_ =	shalt  }
0x46: {  	_ =	shalt  }
0x47: {  	_ =	shalt  }
0x48: {  	_ =	shalt  }
0x49: {  	_ =	shalt  }
0x4a: {  	_ =	shalt  }
0x4b: {  	_ =	shalt  }
0x4c: {  	_ =	shalt  }
0x4d: {  	_ =	shalt  }
0x4e: {  	_ =	shalt  }
0x4f: {  	_ =	shalt  }
0x50: {  	_ =	shalt  }
0x51: {  	_ =	shalt  }
0x52: {  	_ =	shalt  }
0x53: {  	_ =	shalt  }
0x54: {  	_ =	shalt  }
0x55: {  	_ =	shalt  }
0x56: {  	_ =	shalt  }
0x57: {  	_ =	shalt  }
0x58: {  	_ =	shalt  }
0x59: {  	_ =	shalt  }
0x5a: {  	_ =	shalt  }
0x5b: {  	_ =	shalt  }
0x5c: {  	_ =	shalt  }
0x5d: {  	_ =	shalt  }
0x5e: {  	_ =	shalt  }
0x5f: {  	_ =	shalt  }
0x60: {  	_ =	shalt  }
0x61: {  	_ =	shalt  }
0x62: {  	_ =	shalt  }
0x63: {  	_ =	shalt  }
0x64: {  	_ =	shalt  }
0x65: {  	_ =	shalt  }
0x66: {  	_ =	shalt  }
0x67: {  	_ =	shalt  }
0x68: {  	_ =	shalt  }
0x69: {  	_ =	shalt  }
0x6a: {  	_ =	shalt  }
0x6b: {  	_ =	shalt  }
0x6c: {  	_ =	shalt  }
0x6d: {  	_ =	shalt  }
0x6e: {  	_ =	shalt  }
0x6f: {  	_ =	shalt  }
0x70: {  	_ =	shalt  }
0x71: {  	_ =	shalt  }
0x72: {  	_ =	shalt  }
0x73: {  	_ =	shalt  }
0x74: {  	_ =	shalt  }
0x75: {  	_ =	shalt  }
0x76: {  	_ =	shalt  }
0x77: {  	_ =	shalt  }
0x78: {  	_ =	shalt  }
0x79: {  	_ =	shalt  }
0x7a: {  	_ =	shalt  }
0x7b: {  	_ =	shalt  }
0x7c: {  	_ =	shalt  }
0x7d: {  	_ =	shalt  }
0x7e: {  	_ =	shalt  }
0x7f: {  	_ =	shalt  }
0x80: {  	_ =	shalt  }
0x81: {  	_ =	shalt  }
0x82: {  	_ =	shalt  }
0x83: {  	_ =	shalt  }
0x84: {  	_ =	shalt  }
0x85: {  	_ =	shalt  }
0x86: {  	_ =	shalt  }
0x87: {  	_ =	shalt  }
.Lfunc_end0:
.L_simem_size_0:
called_computation_lowered:
.L_overlay_start_0:
0x88: {  	s2 =	sld [smem:$0x3FD9]  }
0x89: {  	s3 =	sld [smem:$0x3FFE];
	_ =	sdelay $0x1  }
0x8a: {  	s1 =	srdreg.scid  }
0x8b: {  	s0 =	sand.u32 $0x1, s1  }
0x8c: {  	s16 =	sshll.u32 s0, $0xA;
	s2 =	sadd.s32 s3, s2  }
0x8d: {  	s2 =	sadd.s32 s2, s16  }
0x8e: {  	[smem:$0x3FC6] =	sst s2  }
0x8f: {  	_ = 	snop  }
0x90: {  	(tm) =	ssettm $0x1  }
0x91: {  	s17 =	sld [smem:$0x3FFB];
	_ =	sdelay $0x3  }
0x92: {  	_ =	strace s17  }
0x93: {  	s2 =	sld [smem:$0x3FFC];
	_ =	sdelay $0x3  }
0x94: {  	_ =	strace s2  }
0x95: {  	s2 =	sld [smem:$0x3FFD];
	_ =	sdelay $0x3  }
0x96: {  	_ =	strace s2  }
0x97: {  	_ =	strace $0x8FFFFFFF  }
0x98: {  	s18 =	sld [smem:$0x3FDB];
	_ =	sdelay $0x1  }
0x99: {  	s19 =	simm.s32 $_scs_section_size  }
0x9a: {  	s4 =	simm.s32 $_size__tile_overlayer_lowered;
	s5 =	simm.s32 $_tile_overlayer_lowered  }
0x9b: {  	s22 =	simm.s32 $0x1BFF;
	s21 =	sshll.u32 s5, $0x1;
	s2 =	sadd.s32 s19, s18  }
0x9c: {  	s6 =	simm.s32 $0x0;
	s20 =	sshll.u32 s4, $0x1;
	s4 =	sadd.s32 s21, s2  }
0x9d: {  	[timem:s6], [sflag:s22] =	dma.local [hbm:s4], s20  }
0x9e: {  	_ =	swait.ge [sflag:s22], s20  }
0x9f: {  	s3 =	ssub.s32 $0x0, s20;
	[sflag:s22] =	ssyncset.done $0x0  }
0xa0: {  	[sflag:s22] =	ssyncadd.s32 s3;
	_ =	sdelay $0x1  }
0xa1: {  	s23 =	simm.s32 $0x1B8B  }
0xa2: {  	_ =	swait.ge [sflag:s23], $0x1  }
0xa3: {  	[sflag:s23] =	ssyncset.done $0x0  }
0xa4: {  	s25 =	simm.s32 $0x1B8E;
	s24 =	sld [smem:$0x3FFE];
	[sflag:s23] =	ssyncadd.s32 $0xFFFFFFFF  }
0xa5: {  	s26 =	simm.s32 $execute0_lowered;
	[smem:$0x3FD2] =	sst s25  }
0xa6: {  	s4 =	sshll.u32 s26, $0x1;
	_ =	strace $0x80000046;
	[dreg:$0x1] =	wrdreg $0xFFFFFFFF  }
0xa7: {  	s28 =	simm.s32 $_size_execute0_lowered;
	s2 =	sadd.s32 s2, s4;
	[dreg:$0x0] =	wrdreg $0x0  }
0xa8: {  	s4 =	sshll.u32 s28, $0x1;
	[dreg:$0x2] =	wrdreg s2  }
0xa9: {  	[dreg:$0x3] =	wrdreg s4  }
0xaa: {  	[dreg:$0x4] =	wrdreg $0xC0  }
0xab: {  	_ =	task [dreg:s6], $0x5FFFF  }
0xac: {  	[dreg:$0x1] =	wrdreg $0xFFFFFFFF  }
0xad: {  	[dreg:$0x0] =	wrdreg $0x60  }
0xae: {  	[dreg:$0x2] =	wrdreg s24  }
0xaf: {  	[dreg:$0x3] =	wrdreg $0x9  }
0xb0: {  	_ =	task.clear_ibuf [dreg:s6], $0x4FFFF;
	_ =	strace $0x90000046  }
0xb1: {  	s29 =	simm.s32 $0x9;
	_ =	strace $0x80000048  }
0xb2: {  	_ =	swait.ge [sflag:s29], $0x1  }
0xb3: {  	[sflag:s29] =	ssyncadd.s32 $0xFFFFFFFF  }
0xb4: {  	_ =	strace $0x90000048  }
0xb5: {  	_ =	sfence  }
0xb6: {  	s30 =	sld [smem:$0x0];
	_ =	sdelay $0x2  }
0xb7: {  	s31 =	sshll.u32 s1, $0xD;
	s1 =	sshrl.u32 s1, $0x2  }
0xb8: {  	s3 =	sand.u32 $0x4000, s31;
	s1 =	sadd.s32 s1, s30  }
0xb9: {  	s0 =	sor.u32 s3, s0;
	s1 =	sshll.u32 s1, $0x11  }
0xba: {  	s0 =	sor.u32 s1, s0  }
0xbb: {  	s0 =	sadd.s32 $0x8F2B, s0  }
0xbc: {  	[sflag:s0] =	ssyncadd.remote.s32 $0x1  }
0xbd: {  	_ =	sfence.sel $0xFFFF  }
0xbe: {  	[dreg:$0x0] =	wrdreg $0xFFFFFFFF;
	(pc) =	sbr.abs _section_cstart, $3  }
0xbf: {  	[dreg:$0x1] =	wrdreg $0xFFFFFFFF  }
0xc0: {  	_ =	task.clear_ibuf [dreg:s6], $0x2FFFF;
	_ =	strace $0x9FFFFFFF  }
0xc1: {  	(tm) =	ssettm $0x7FFFFFFF  }
tec
execute0_lowered:
.L_overlay_start_1:
0x0: {  	(tag) =	ssettag $0x1  }
0x1: {  	s0 =	rddreg [dreg:$0x0]  }
0x2: {  	s1 =	srdreg.scid;
	s2 =	stileid.u32;
	s18 =	simm.s32 $0x0  }
0x3: {  	s22 =	simm.s32 $0x3;
	s8 =	simm.s32 $0x30;
	s31 =	simm.s32 $0xE400  }
0x4: {  	s13 =	simm.s32 $0xFC00;
	s17 =	simm.s32 $0x10800;
	s21 =	simm.s32 $0x11400  }
0x5: {  	s23 =	simm.s32 $0x12000;
	s28 =	simm.s32 $0x13800;
	s30 =	simm.s32 $0x14400  }
0x6: {  	s11 =	simm.s32 $0x15C00;
	s15 =	simm.s32 $0x16800;
	s19 =	simm.s32 $0x17400  }
0x7: {  	s5 =	simm.s32 $0x18C00;
	s6 =	simm.s32 $0x19800;
	s7 =	simm.s32 $0x1B000  }
0x8: {  	s9 =	simm.s32 $0x1BC00;
	s10 =	simm.s32 $0x1C800;
	s12 =	simm.s32 $0x1D400  }
0x9: {  	s14 =	simm.s32 $0x1;
	s16 =	simm.s32 $0x2;
	s24 =	simm.s32 $0x0  }
0xa: {  	s1 =	sand.u32 $0x1, s1;
	s2 =	sshll.u32 s2, $0x1;
	[smem:$0x7FF] =	sst s18  }
0xb: {  	s3 =	sadd.s32 $0x186C00, s0;
	s2 =	sor.u32 s1, s2;
	s1 =	ssub.s32 $0x2, s1  }
0xc: {  	_ =	strace $0x80000047;
	s4 =	smul.u32 $0xC00, s2;
	s25 =	sshrl.u32 s1, $0x1  }
0xd: {  	s2 =	sshll.u32 s2, $0x1;
	s1 =	ssub.s32 s1, s25;
	s25 =	simm.s32 $0x12C00  }
0xe: {  	s4 =	sadd.s32 s4, s0;
	s0 =	sadd.s32 s2, s0;
	s29 =	smax.u32 s1, $0x1  }
0xf: {  	s1 =	simm.s32 $0xF000;
	s26 =	sadd.s32 $0x200, s4;
	[dreg:$0x4] =	wrdreg s29  }
0x10: {  	s2 =	simm.s32 $0x1A400;
	s0 =	sadd.s32 $0x18200, s0;
	[dreg:$0x2] =	wrdreg s26  }
0x11: {  	s4 =	simm.s32 $0x18000;
	[dreg:$0x3] =	wrdreg s0;
	s0 =	simm.s32 $0x15000  }
.LBB2_1:
0x12: {  	[dreg:$0x5] =	wrdreg s24  }
0x13: {  	s20 =	rddreg [dreg:$0x2]  }
0x14: {  	[tilespmem:s18], [sflag:$0x3] =	stream.linear.gather [hbm4b:s20+s18], $0x6000, $0x38;
	[tilespmem:$0x1E010] =	vst v63  }
0x15: {  	_ =	swait.ge [sflag:s22], $0x6000  }
0x16: {  	[sflag:s22] =	ssyncset.done $0x0  }
0x17: {  	[sflag:s22] =	ssyncadd.s32 $0xFFFFA000;
	s22 =	simm.s32 $0x6000  }
0x18: {  	[tilespmem:s22], [sflag:$0x1] =	stream.indirect.gather [hbm4b:s3+s8], $0x40, s18, s8, $0xb8;
	[tilespmem:$0x1E010] =	vst v63  }
0x19: {  	s24 =	simm.s32 $0x6C00  }
0x1a: {  	[tilespmem:s24], [sflag:$0x1] =	stream.indirect.gather [hbm4b:s3+s8], $0x40, s8, s8, $0xb8;
	[tilespmem:$0x1E010] =	vst v63  }
0x1b: {  	s26 =	simm.s32 $0x60;
	s29 =	simm.s32 $0x7800  }
0x1c: {  	[tilespmem:s29], [sflag:$0x1] =	stream.indirect.gather [hbm4b:s3+s8], $0x40, s26, s8, $0xb8;
	[tilespmem:$0x1E010] =	vst v63  }
0x1d: {  	s22 =	simm.s32 $0x90;
	s24 =	simm.s32 $0x8400  }
0x1e: {  	[tilespmem:s24], [sflag:$0x1] =	stream.indirect.gather [hbm4b:s3+s8], $0x40, s22, s8, $0xb8;
	[tilespmem:$0x1E010] =	vst v63  }
0x1f: {  	s26 =	simm.s32 $0xC0;
	s29 =	simm.s32 $0x9000  }
0x20: {  	[tilespmem:s29], [sflag:$0x1] =	stream.indirect.gather [hbm4b:s3+s8], $0x40, s26, s8, $0xb8;
	[tilespmem:$0x1E010] =	vst v63  }
0x21: {  	s22 =	simm.s32 $0xF0;
	s24 =	simm.s32 $0x9C00  }
0x22: {  	[tilespmem:s24], [sflag:$0x1] =	stream.indirect.gather [hbm4b:s3+s8], $0x40, s22, s8, $0xb8;
	[tilespmem:$0x1E010] =	vst v63  }
0x23: {  	s26 =	simm.s32 $0x120;
	s29 =	simm.s32 $0xA800  }
0x24: {  	[tilespmem:s29], [sflag:$0x1] =	stream.indirect.gather [hbm4b:s3+s8], $0x40, s26, s8, $0xb8;
	[tilespmem:$0x1E010] =	vst v63  }
0x25: {  	s22 =	simm.s32 $0x150;
	s24 =	simm.s32 $0xB400  }
0x26: {  	[tilespmem:s24], [sflag:$0x1] =	stream.indirect.gather [hbm4b:s3+s8], $0x40, s22, s8, $0xb8;
	[tilespmem:$0x1E010] =	vst v63  }
0x27: {  	s26 =	simm.s32 $0x180;
	s29 =	simm.s32 $0xC000  }
0x28: {  	[tilespmem:s29], [sflag:$0x1] =	stream.indirect.gather [hbm4b:s3+s8], $0x40, s26, s8, $0xb8;
	[tilespmem:$0x1E010] =	vst v63  }
0x29: {  	s22 =	simm.s32 $0x1B0;
	s24 =	simm.s32 $0xCC00  }
0x2a: {  	[tilespmem:s24], [sflag:$0x1] =	stream.indirect.gather [hbm4b:s3+s8], $0x40, s22, s8, $0xb8;
	[tilespmem:$0x1E010] =	vst v63  }
0x2b: {  	s26 =	simm.s32 $0x1E0;
	s29 =	simm.s32 $0xD800  }
0x2c: {  	[tilespmem:s29], [sflag:$0x1] =	stream.indirect.gather [hbm4b:s3+s8], $0x40, s26, s8, $0xb8;
	[tilespmem:$0x1E010] =	vst v63  }
0x2d: {  	s20 =	simm.s32 $0x210  }
0x2e: {  	[tilespmem:s31], [sflag:$0x1] =	stream.indirect.gather [hbm4b:s3+s8], $0x40, s20, s8, $0xb8;
	[tilespmem:$0x1E010] =	vst v63  }
0x2f: {  	s22 =	simm.s32 $0x240  }
0x30: {  	[tilespmem:s1], [sflag:$0x1] =	stream.indirect.gather [hbm4b:s3+s8], $0x40, s22, s8, $0xb8;
	[tilespmem:$0x1E010] =	vst v63  }
0x31: {  	s24 =	simm.s32 $0x270  }
0x32: {  	[tilespmem:s13], [sflag:$0x1] =	stream.indirect.gather [hbm4b:s3+s8], $0x40, s24, s8, $0xb8;
	[tilespmem:$0x1E010] =	vst v63  }
0x33: {  	s26 =	simm.s32 $0x2A0  }
0x34: {  	[tilespmem:s17], [sflag:$0x1] =	stream.indirect.gather [hbm4b:s3+s8], $0x40, s26, s8, $0xb8;
	[tilespmem:$0x1E010] =	vst v63  }
0x35: {  	v0 =	vimm.f32 $0.0e+00;
	s18 =	simm.s32 $0x0;
	s29 =	simm.s32 $0x2D0  }
0x36: {  	v1 =	vimm.f32 $0.0e+00;
	v2 =	vimm.f32 $0.0e+00;
	v3 =	vimm.f32 $0.0e+00;
	[tilespmem:s21], [sflag:$0x1] =	stream.indirect.gather [hbm4b:s3+s8], $0x40, s29, s8, $0xb8;
	[tilespmem:$0x1E010] =	vst v63  }
.LBB2_2:
0x37: {  	s20 =	smul.u32 $0x1800, s18;
	_ =	sdelay $0x1  }
0x38: {  	s20 =	sshra.s32 s20, $0x2  }
0x39: {  	s22 =	sadd.s32 $0x300, s20  }
0x3a: {  	[tilespmem:s23], [sflag:$0x2] =	stream.indirect.gather [hbm4b:s3+s8], $0x40, s22, s8, $0xb8;
	[tilespmem:$0x1E010] =	vst v63  }
0x3b: {  	s24 =	sadd.s32 $0x330, s20  }
0x3c: {  	[tilespmem:s25], [sflag:$0x2] =	stream.indirect.gather [hbm4b:s3+s8], $0x40, s24, s8, $0xb8;
	[tilespmem:$0x1E010] =	vst v63  }
0x3d: {  	s26 =	sadd.s32 $0x360, s20  }
0x3e: {  	[tilespmem:s28], [sflag:$0x2] =	stream.indirect.gather [hbm4b:s3+s8], $0x40, s26, s8, $0xb8;
	[tilespmem:$0x1E010] =	vst v63  }
0x3f: {  	s29 =	sadd.s32 $0x390, s20  }
0x40: {  	[tilespmem:s30], [sflag:$0x2] =	stream.indirect.gather [hbm4b:s3+s8], $0x40, s29, s8, $0xb8;
	[tilespmem:$0x1E010] =	vst v63  }
0x41: {  	s24 =	sadd.s32 $0x3C0, s20  }
0x42: {  	[tilespmem:s0], [sflag:$0x2] =	stream.indirect.gather [hbm4b:s3+s8], $0x40, s24, s8, $0xb8;
	[tilespmem:$0x1E010] =	vst v63  }
0x43: {  	s26 =	sadd.s32 $0x3F0, s20  }
0x44: {  	[tilespmem:s11], [sflag:$0x2] =	stream.indirect.gather [hbm4b:s3+s8], $0x40, s26, s8, $0xb8;
	[tilespmem:$0x1E010] =	vst v63  }
0x45: {  	s29 =	sadd.s32 $0x420, s20  }
0x46: {  	[tilespmem:s15], [sflag:$0x2] =	stream.indirect.gather [hbm4b:s3+s8], $0x40, s29, s8, $0xb8;
	[tilespmem:$0x1E010] =	vst v63  }
0x47: {  	s24 =	sadd.s32 $0x450, s20  }
0x48: {  	[tilespmem:s19], [sflag:$0x2] =	stream.indirect.gather [hbm4b:s3+s8], $0x40, s24, s8, $0xb8;
	[tilespmem:$0x1E010] =	vst v63  }
0x49: {  	s26 =	sadd.s32 $0x480, s20  }
0x4a: {  	[tilespmem:s4], [sflag:$0x2] =	stream.indirect.gather [hbm4b:s3+s8], $0x40, s26, s8, $0xb8;
	[tilespmem:$0x1E010] =	vst v63  }
0x4b: {  	s29 =	sadd.s32 $0x4B0, s20  }
0x4c: {  	[tilespmem:s5], [sflag:$0x2] =	stream.indirect.gather [hbm4b:s3+s8], $0x40, s29, s8, $0xb8;
	[tilespmem:$0x1E010] =	vst v63  }
0x4d: {  	s24 =	sadd.s32 $0x4E0, s20  }
0x4e: {  	[tilespmem:s6], [sflag:$0x2] =	stream.indirect.gather [hbm4b:s3+s8], $0x40, s24, s8, $0xb8;
	[tilespmem:$0x1E010] =	vst v63  }
0x4f: {  	s26 =	sadd.s32 $0x510, s20  }
0x50: {  	[tilespmem:s2], [sflag:$0x2] =	stream.indirect.gather [hbm4b:s3+s8], $0x40, s26, s8, $0xb8;
	[tilespmem:$0x1E010] =	vst v63  }
0x51: {  	s29 =	sadd.s32 $0x540, s20  }
0x52: {  	[tilespmem:s7], [sflag:$0x2] =	stream.indirect.gather [hbm4b:s3+s8], $0x40, s29, s8, $0xb8;
	[tilespmem:$0x1E010] =	vst v63  }
0x53: {  	s24 =	sadd.s32 $0x570, s20  }
0x54: {  	[tilespmem:s9], [sflag:$0x2] =	stream.indirect.gather [hbm4b:s3+s8], $0x40, s24, s8, $0xb8;
	[tilespmem:$0x1E010] =	vst v63  }
0x55: {  	s26 =	sadd.s32 $0x5A0, s20  }
0x56: {  	[tilespmem:s10], [sflag:$0x2] =	stream.indirect.gather [hbm4b:s3+s8], $0x40, s26, s8, $0xb8;
	[tilespmem:$0x1E010] =	vst v63  }
0x57: {  	s29 =	sadd.s32 $0x5D0, s20  }
0x58: {  	[tilespmem:s12], [sflag:$0x2] =	stream.indirect.gather [hbm4b:s3+s8], $0x40, s29, s8, $0xb8;
	[tilespmem:$0x1E010] =	vst v63  }
0x59: {  	_ =	swait.ge [sflag:s14], $0xC00  }
0x5a: {  	[sflag:s14] =	ssyncset.done $0x0  }
0x5b: {  	[sflag:s14] =	ssyncadd.s32 $0xFFFFF400  }
0x5c: {  	_ =	swait.ge [sflag:s14], $0xC00  }
0x5d: {  	[sflag:s14] =	ssyncset.done $0x0  }
0x5e: {  	[sflag:s14] =	ssyncadd.s32 $0xFFFFF400  }
0x5f: {  	_ =	swait.ge [sflag:s14], $0xC00  }
0x60: {  	[sflag:s14] =	ssyncset.done $0x0  }
0x61: {  	[sflag:s14] =	ssyncadd.s32 $0xFFFFF400  }
0x62: {  	_ =	swait.ge [sflag:s14], $0xC00  }
0x63: {  	[sflag:s14] =	ssyncset.done $0x0  }
0x64: {  	[sflag:s14] =	ssyncadd.s32 $0xFFFFF400  }
0x65: {  	_ =	swait.ge [sflag:s14], $0xC00  }
0x66: {  	[sflag:s14] =	ssyncset.done $0x0  }
0x67: {  	[sflag:s14] =	ssyncadd.s32 $0xFFFFF400  }
0x68: {  	_ =	swait.ge [sflag:s14], $0xC00  }
0x69: {  	[sflag:s14] =	ssyncset.done $0x0  }
0x6a: {  	[sflag:s14] =	ssyncadd.s32 $0xFFFFF400  }
0x6b: {  	_ =	swait.ge [sflag:s14], $0xC00  }
0x6c: {  	[sflag:s14] =	ssyncset.done $0x0  }
0x6d: {  	[sflag:s14] =	ssyncadd.s32 $0xFFFFF400  }
0x6e: {  	_ =	swait.ge [sflag:s14], $0xC00  }
0x6f: {  	[sflag:s14] =	ssyncset.done $0x0  }
0x70: {  	[sflag:s14] =	ssyncadd.s32 $0xFFFFF400  }
0x71: {  	_ =	swait.ge [sflag:s14], $0xC00  }
0x72: {  	[sflag:s14] =	ssyncset.done $0x0  }
0x73: {  	[sflag:s14] =	ssyncadd.s32 $0xFFFFF400  }
0x74: {  	_ =	swait.ge [sflag:s14], $0xC00  }
0x75: {  	[sflag:s14] =	ssyncset.done $0x0  }
0x76: {  	[sflag:s14] =	ssyncadd.s32 $0xFFFFF400  }
0x77: {  	_ =	swait.ge [sflag:s14], $0xC00  }
0x78: {  	[sflag:s14] =	ssyncset.done $0x0  }
0x79: {  	[sflag:s14] =	ssyncadd.s32 $0xFFFFF400  }
0x7a: {  	_ =	swait.ge [sflag:s14], $0xC00  }
0x7b: {  	[sflag:s14] =	ssyncset.done $0x0  }
0x7c: {  	[sflag:s14] =	ssyncadd.s32 $0xFFFFF400  }
0x7d: {  	_ =	swait.ge [sflag:s14], $0xC00  }
0x7e: {  	[sflag:s14] =	ssyncset.done $0x0  }
0x7f: {  	[sflag:s14] =	ssyncadd.s32 $0xFFFFF400  }
0x80: {  	_ =	swait.ge [sflag:s14], $0xC00  }
0x81: {  	[sflag:s14] =	ssyncset.done $0x0  }
0x82: {  	[sflag:s14] =	ssyncadd.s32 $0xFFFFF400  }
0x83: {  	_ =	swait.ge [sflag:s14], $0xC00  }
0x84: {  	[sflag:s14] =	ssyncset.done $0x0  }
0x85: {  	[sflag:s14] =	ssyncadd.s32 $0xFFFFF400  }
0x86: {  	_ =	swait.ge [sflag:s14], $0xC00  }
0x87: {  	[sflag:s14] =	ssyncset.done $0x0  }
0x88: {  	s22 =	simm.s32 $0x0;
	s24 =	simm.s32 $0x66F0;
	[sflag:s14] =	ssyncadd.s32 $0xFFFFF400  }
.LBB2_3:
0x89: {  	v4 =	vld [tilespmem:s24+$0xFFFFF9D0]  }
0x8a: {  	v5 =	vld [tilespmem:s24+$0xFFFFFFD0]  }
0x8b: {  	v8 =	vld [tilespmem:s24+$0xFFFFF9E0]  }
0x8c: {  	v9 =	vld [tilespmem:s24+$0xFFFFFFE0]  }
0x8d: {  	v11 =	vld [tilespmem:s24+$0xFFFFF9F0]  }
0x8e: {  	v13 =	vld [tilespmem:s24+$0xFFFFFFF0]  }
0x8f: {  	v18 =	vld [tilespmem:s24+$0xFFFFFA00]  }
0x90: {  	v20 =	vld [tilespmem:s24+$0x0]  }
0x91: {  	v19 =	vld [tilespmem:s24+$0xFFFFF990]  }
0x92: {  	v21 =	vld [tilespmem:s24+$0xFFFFFF90]  }
0x93: {  	v22 =	vld [tilespmem:s24+$0xFFFFF9A0]  }
0x94: {  	v23 =	vld [tilespmem:s24+$0xFFFFFFA0]  }
0x95: {  	v24 =	vld [tilespmem:s24+$0xFFFFF9B0]  }
0x96: {  	v25 =	vld [tilespmem:s24+$0xFFFFFFB0]  }
0x97: {  	v26 =	vld [tilespmem:s24+$0xFFFFF9C0]  }
0x98: {  	v27 =	vld [tilespmem:s24+$0xFFFFFFC0]  }
0x99: {  	v28 =	vld [tilespmem:s24+$0xFFFFF950]  }
0x9a: {  	v29 =	vld [tilespmem:s24+$0xFFFFFF50]  }
0x9b: {  	v30 =	vld [tilespmem:s24+$0xFFFFF960]  }
0x9c: {  	v31 =	vld [tilespmem:s24+$0xFFFFFF60]  }
0x9d: {  	v6 =	vld [tilespmem:s24+$0xFFFFF970]  }
0x9e: {  	v7 =	vld [tilespmem:s24+$0xFFFFFF70]  }
0x9f: {  	v32 =	vld [tilespmem:s24+$0xFFFFF910]  }
0xa0: {  	v33 =	vld [tilespmem:s24+$0xFFFFFF10]  }
0xa1: {  	v12 =	vld [tilespmem:s24+$0xFFFFF920]  }
0xa2: {  	v14 =	vld [tilespmem:s24+$0xFFFFFF20]  }
0xa3: {  	v10 =	vld [tilespmem:s24+$0xFFFFF930];
	v16 =	vsub.f32 v4, v5  }
0xa4: {  	v15 =	vld [tilespmem:s24+$0xFFFFFF30];
	v17 =	vsub.f32 v8, v9;
	v5 =	vsub.f32 v11, v13  }
0xa5: {  	v13 =	vld [tilespmem:s24+$0xFFFFF940];
	v19 =	vsub.f32 v19, v21;
	v4 =	vsub.f32 v18, v20  }
0xa6: {  	v18 =	vld [tilespmem:s24+$0xFFFFFF40];
	v21 =	vsub.f32 v22, v23;
	v8 =	vsub.f32 v24, v25  }
0xa7: {  	v22 =	vsub.f32 v28, v29;
	v11 =	vld [tilespmem:s24+$0xFFFFF980];
	v9 =	vsub.f32 v26, v27  }
0xa8: {  	s26 =	simm.s32 $0x0;
	s29 =	sadd.s32 $0x100, s24;
	v23 =	vsub.f32 v32, v33;
	v24 =	vsub.f32 v30, v31;
	v20 =	vld [tilespmem:s24+$0xFFFFFF80]  }
.LBB2_4:
0xa9: {  	v25 =	vld [tilespmem:s29+$0xFFFFF9D0];
	v12 =	vsub.f32 v12, v14;
	v14 =	vmul.f32 v16, v16;
	v16 =	vmul.f32 v17, v17  }
0xaa: {  	v10 =	vsub.f32 v10, v15;
	v15 =	vmul.f32 v19, v19;
	v19 =	vmul.f32 v21, v21;
	v17 =	vld [tilespmem:s29+$0xFFFFFFD0]  }
0xab: {  	v21 =	vld [tilespmem:s29+$0xFFFFF9E0];
	v13 =	vsub.f32 v13, v18;
	v18 =	vmul.f32 v22, v22;
	v22 =	vmul.f32 v24, v24  }
0xac: {  	v6 =	vsub.f32 v6, v7;
	v23 =	vmul.f32 v23, v23;
	v12 =	vmul.f32 v12, v12;
	v24 =	vld [tilespmem:s29+$0xFFFFFFE0]  }
0xad: {  	v7 =	vmul.f32 v10, v10;
	v26 =	vld [tilespmem:s29+$0xFFFFF9F0];
	v10 =	vmul.f32 v13, v13;
	v11 =	vsub.f32 v11, v20  }
0xae: {  	v6 =	vmul.f32 v6, v6;
	v3 =	vadd.f32 v23, v3;
	v2 =	vadd.f32 v12, v2;
	v13 =	vld [tilespmem:s29+$0xFFFFFFF0]  }
0xaf: {  	v1 =	vadd.f32 v7, v1;
	v20 =	vld [tilespmem:s29+$0xFFFFFA00];
	v0 =	vadd.f32 v10, v0;
	v7 =	vmul.f32 v11, v11  }
0xb0: {  	v8 =	vmul.f32 v8, v8;
	v3 =	vadd.f32 v18, v3;
	v2 =	vadd.f32 v22, v2;
	v11 =	vld [tilespmem:s29+$0x0]  }
0xb1: {  	v1 =	vadd.f32 v6, v1;
	v6 =	vmul.f32 v9, v9;
	v18 =	vld [tilespmem:s29+$0xFFFFF990];
	v0 =	vadd.f32 v7, v0  }
0xb2: {  	v5 =	vmul.f32 v5, v5;
	v3 =	vadd.f32 v15, v3;
	v2 =	vadd.f32 v19, v2;
	v9 =	vld [tilespmem:s29+$0xFFFFFF90]  }
0xb3: {  	v4 =	vmul.f32 v4, v4;
	v1 =	vadd.f32 v8, v1;
	v22 =	vld [tilespmem:s29+$0xFFFFF9A0];
	v0 =	vadd.f32 v6, v0  }
0xb4: {  	v3 =	vadd.f32 v14, v3;
	v2 =	vadd.f32 v16, v2;
	v8 =	vld [tilespmem:s29+$0xFFFFFFA0]  }
0xb5: {  	v1 =	vadd.f32 v5, v1;
	v23 =	vld [tilespmem:s29+$0xFFFFF9B0];
	v0 =	vadd.f32 v4, v0  }
0xb6: {  	v27 =	vld [tilespmem:s29+$0xFFFFFFB0]  }
0xb7: {  	v28 =	vld [tilespmem:s29+$0xFFFFF9C0]  }
0xb8: {  	v29 =	vld [tilespmem:s29+$0xFFFFFFC0]  }
0xb9: {  	v30 =	vld [tilespmem:s29+$0xFFFFF950]  }
0xba: {  	v31 =	vld [tilespmem:s29+$0xFFFFFF50]  }
0xbb: {  	v32 =	vld [tilespmem:s29+$0xFFFFF960]  }
0xbc: {  	v33 =	vld [tilespmem:s29+$0xFFFFFF60]  }
0xbd: {  	v6 =	vld [tilespmem:s29+$0xFFFFF970]  }
0xbe: {  	v7 =	vld [tilespmem:s29+$0xFFFFFF70]  }
0xbf: {  	v34 =	vld [tilespmem:s29+$0xFFFFF910]  }
0xc0: {  	v35 =	vld [tilespmem:s29+$0xFFFFFF10]  }
0xc1: {  	v12 =	vld [tilespmem:s29+$0xFFFFF920]  }
0xc2: {  	s26 =	sadd.s32 $0x4, s26;
	v14 =	vld [tilespmem:s29+$0xFFFFFF20]  }
0xc3: {  	p0 =	slt.u32 s26, $0x14;
	v16 =	vsub.f32 v25, v17;
	v10 =	vld [tilespmem:s29+$0xFFFFF930]  }
.Ltmp0:
0xc4: {  	v17 =	vsub.f32 v21, v24;
	v5 =	vsub.f32 v26, v13;
	v15 =	vld [tilespmem:s29+$0xFFFFFF30];
	(pc) =	sbr.rel @p0 .LBB2_4-.Ltmp0, $4  }
0xc5: {  	v4 =	vsub.f32 v20, v11;
	v19 =	vsub.f32 v18, v9;
	v13 =	vld [tilespmem:s29+$0xFFFFF940]  }
0xc6: {  	v21 =	vsub.f32 v22, v8;
	v8 =	vsub.f32 v23, v27;
	v18 =	vld [tilespmem:s29+$0xFFFFFF40]  }
0xc7: {  	v9 =	vsub.f32 v28, v29;
	v22 =	vsub.f32 v30, v31;
	v11 =	vld [tilespmem:s29+$0xFFFFF980]  }
0xc8: {  	v24 =	vsub.f32 v32, v33;
	v23 =	vsub.f32 v34, v35;
	v20 =	vld [tilespmem:s29+$0xFFFFFF80];
	s29 =	sadd.s32 $0x100, s29  }
0xc9: {  	v12 =	vsub.f32 v12, v14;
	v53 =	vmul.f32 v16, v16;
	v54 =	vmul.f32 v17, v17  }
0xca: {  	v10 =	vsub.f32 v10, v15;
	v55 =	vmul.f32 v19, v19;
	v56 =	vmul.f32 v21, v21  }
0xcb: {  	v57 =	vmul.f32 v22, v22;
	v58 =	vmul.f32 v24, v24;
	v13 =	vsub.f32 v13, v18  }
0xcc: {  	v6 =	vsub.f32 v6, v7;
	v59 =	vmul.f32 v23, v23;
	v12 =	vmul.f32 v12, v12  }
0xcd: {  	v60 =	vmul.f32 v10, v10;
	v61 =	vmul.f32 v13, v13;
	v11 =	vsub.f32 v11, v20  }
0xce: {  	v6 =	vmul.f32 v6, v6;
	v3 =	vadd.f32 v59, v3;
	v2 =	vadd.f32 v12, v2  }
0xcf: {  	s22 =	sadd.s32 $0x1, s22;
	v1 =	vadd.f32 v60, v1;
	v0 =	vadd.f32 v61, v0;
	v62 =	vmul.f32 v11, v11  }
0xd0: {  	v8 =	vmul.f32 v8, v8;
	p0 =	sne.s32 s22, $0x10;
	v3 =	vadd.f32 v57, v3;
	v2 =	vadd.f32 v58, v2  }
.Ltmp1:
0xd1: {  	v63 =	vmul.f32 v9, v9;
	v1 =	vadd.f32 v6, v1;
	v0 =	vadd.f32 v62, v0;
	(pc) =	sbr.rel @p0 .LBB2_3-.Ltmp1, $4  }
0xd2: {  	v5 =	vmul.f32 v5, v5;
	v3 =	vadd.f32 v55, v3;
	v2 =	vadd.f32 v56, v2  }
0xd3: {  	v4 =	vmul.f32 v4, v4;
	v1 =	vadd.f32 v8, v1;
	v0 =	vadd.f32 v63, v0  }
0xd4: {  	v3 =	vadd.f32 v53, v3;
	v2 =	vadd.f32 v54, v2  }
0xd5: {  	s24 =	sadd.s32 $0xC00, s24;
	v1 =	vadd.f32 v5, v1;
	v0 =	vadd.f32 v4, v0  }
0xd6: {  	s22 =	sadd.s32 $0x600, s20;
	s24 =	simm.s32 $0x6000  }
0xd7: {  	[tilespmem:s24], [sflag:$0x1] =	stream.indirect.gather [hbm4b:s3+s8], $0x40, s22, s8, $0xb8;
	[tilespmem:$0x1E010] =	vst v63  }
0xd8: {  	s26 =	sadd.s32 $0x630, s20;
	s29 =	simm.s32 $0x6C00  }
0xd9: {  	[tilespmem:s29], [sflag:$0x1] =	stream.indirect.gather [hbm4b:s3+s8], $0x40, s26, s8, $0xb8;
	[tilespmem:$0x1E010] =	vst v63  }
0xda: {  	s26 =	sadd.s32 $0x660, s20;
	s29 =	simm.s32 $0x7800  }
0xdb: {  	[tilespmem:s29], [sflag:$0x1] =	stream.indirect.gather [hbm4b:s3+s8], $0x40, s26, s8, $0xb8;
	[tilespmem:$0x1E010] =	vst v63  }
0xdc: {  	s26 =	sadd.s32 $0x690, s20;
	s29 =	simm.s32 $0x8400  }
0xdd: {  	[tilespmem:s29], [sflag:$0x1] =	stream.indirect.gather [hbm4b:s3+s8], $0x40, s26, s8, $0xb8;
	[tilespmem:$0x1E010] =	vst v63  }
0xde: {  	s26 =	sadd.s32 $0x6C0, s20;
	s29 =	simm.s32 $0x9000  }
0xdf: {  	[tilespmem:s29], [sflag:$0x1] =	stream.indirect.gather [hbm4b:s3+s8], $0x40, s26, s8, $0xb8;
	[tilespmem:$0x1E010] =	vst v63  }
0xe0: {  	s26 =	sadd.s32 $0x6F0, s20;
	s29 =	simm.s32 $0x9C00  }
0xe1: {  	[tilespmem:s29], [sflag:$0x1] =	stream.indirect.gather [hbm4b:s3+s8], $0x40, s26, s8, $0xb8;
	[tilespmem:$0x1E010] =	vst v63  }
0xe2: {  	s26 =	sadd.s32 $0x720, s20;
	s29 =	simm.s32 $0xA800  }
0xe3: {  	[tilespmem:s29], [sflag:$0x1] =	stream.indirect.gather [hbm4b:s3+s8], $0x40, s26, s8, $0xb8;
	[tilespmem:$0x1E010] =	vst v63  }
0xe4: {  	s26 =	sadd.s32 $0x750, s20;
	s29 =	simm.s32 $0xB400  }
0xe5: {  	[tilespmem:s29], [sflag:$0x1] =	stream.indirect.gather [hbm4b:s3+s8], $0x40, s26, s8, $0xb8;
	[tilespmem:$0x1E010] =	vst v63  }
0xe6: {  	s26 =	sadd.s32 $0x780, s20;
	s29 =	simm.s32 $0xC000  }
0xe7: {  	[tilespmem:s29], [sflag:$0x1] =	stream.indirect.gather [hbm4b:s3+s8], $0x40, s26, s8, $0xb8;
	[tilespmem:$0x1E010] =	vst v63  }
0xe8: {  	s26 =	sadd.s32 $0x7B0, s20;
	s29 =	simm.s32 $0xCC00  }
0xe9: {  	[tilespmem:s29], [sflag:$0x1] =	stream.indirect.gather [hbm4b:s3+s8], $0x40, s26, s8, $0xb8;
	[tilespmem:$0x1E010] =	vst v63  }
0xea: {  	s26 =	sadd.s32 $0x7E0, s20;
	s29 =	simm.s32 $0xD800  }
0xeb: {  	[tilespmem:s29], [sflag:$0x1] =	stream.indirect.gather [hbm4b:s3+s8], $0x40, s26, s8, $0xb8;
	[tilespmem:$0x1E010] =	vst v63  }
0xec: {  	s26 =	sadd.s32 $0x810, s20  }
0xed: {  	[tilespmem:s31], [sflag:$0x1] =	stream.indirect.gather [hbm4b:s3+s8], $0x40, s26, s8, $0xb8;
	[tilespmem:$0x1E010] =	vst v63  }
0xee: {  	s29 =	sadd.s32 $0x840, s20  }
0xef: {  	[tilespmem:s1], [sflag:$0x1] =	stream.indirect.gather [hbm4b:s3+s8], $0x40, s29, s8, $0xb8;
	[tilespmem:$0x1E010] =	vst v63  }
0xf0: {  	s24 =	sadd.s32 $0x870, s20  }
0xf1: {  	[tilespmem:s13], [sflag:$0x1] =	stream.indirect.gather [hbm4b:s3+s8], $0x40, s24, s8, $0xb8;
	[tilespmem:$0x1E010] =	vst v63  }
0xf2: {  	s26 =	sadd.s32 $0x8A0, s20  }
0xf3: {  	[tilespmem:s17], [sflag:$0x1] =	stream.indirect.gather [hbm4b:s3+s8], $0x40, s26, s8, $0xb8;
	[tilespmem:$0x1E010] =	vst v63  }
0xf4: {  	s29 =	sadd.s32 $0x8D0, s20  }
0xf5: {  	[tilespmem:s21], [sflag:$0x1] =	stream.indirect.gather [hbm4b:s3+s8], $0x40, s29, s8, $0xb8;
	[tilespmem:$0x1E010] =	vst v63  }
0xf6: {  	_ =	swait.ge [sflag:s16], $0xC00  }
0xf7: {  	[sflag:s16] =	ssyncset.done $0x0  }
0xf8: {  	[sflag:s16] =	ssyncadd.s32 $0xFFFFF400  }
0xf9: {  	_ =	swait.ge [sflag:s16], $0xC00  }
0xfa: {  	[sflag:s16] =	ssyncset.done $0x0  }
0xfb: {  	[sflag:s16] =	ssyncadd.s32 $0xFFFFF400  }
0xfc: {  	_ =	swait.ge [sflag:s16], $0xC00  }
0xfd: {  	[sflag:s16] =	ssyncset.done $0x0  }
0xfe: {  	[sflag:s16] =	ssyncadd.s32 $0xFFFFF400  }
0xff: {  	_ =	swait.ge [sflag:s16], $0xC00  }
0x100: {  	[sflag:s16] =	ssyncset.done $0x0  }
0x101: {  	[sflag:s16] =	ssyncadd.s32 $0xFFFFF400  }
0x102: {  	_ =	swait.ge [sflag:s16], $0xC00  }
0x103: {  	[sflag:s16] =	ssyncset.done $0x0  }
0x104: {  	[sflag:s16] =	ssyncadd.s32 $0xFFFFF400  }
0x105: {  	_ =	swait.ge [sflag:s16], $0xC00  }
0x106: {  	[sflag:s16] =	ssyncset.done $0x0  }
0x107: {  	[sflag:s16] =	ssyncadd.s32 $0xFFFFF400  }
0x108: {  	_ =	swait.ge [sflag:s16], $0xC00  }
0x109: {  	[sflag:s16] =	ssyncset.done $0x0  }
0x10a: {  	[sflag:s16] =	ssyncadd.s32 $0xFFFFF400  }
0x10b: {  	_ =	swait.ge [sflag:s16], $0xC00  }
0x10c: {  	[sflag:s16] =	ssyncset.done $0x0  }
0x10d: {  	[sflag:s16] =	ssyncadd.s32 $0xFFFFF400  }
0x10e: {  	_ =	swait.ge [sflag:s16], $0xC00  }
0x10f: {  	[sflag:s16] =	ssyncset.done $0x0  }
0x110: {  	[sflag:s16] =	ssyncadd.s32 $0xFFFFF400  }
0x111: {  	_ =	swait.ge [sflag:s16], $0xC00  }
0x112: {  	[sflag:s16] =	ssyncset.done $0x0  }
0x113: {  	[sflag:s16] =	ssyncadd.s32 $0xFFFFF400  }
0x114: {  	_ =	swait.ge [sflag:s16], $0xC00  }
0x115: {  	[sflag:s16] =	ssyncset.done $0x0  }
0x116: {  	[sflag:s16] =	ssyncadd.s32 $0xFFFFF400  }
0x117: {  	_ =	swait.ge [sflag:s16], $0xC00  }
0x118: {  	[sflag:s16] =	ssyncset.done $0x0  }
0x119: {  	[sflag:s16] =	ssyncadd.s32 $0xFFFFF400  }
0x11a: {  	_ =	swait.ge [sflag:s16], $0xC00  }
0x11b: {  	[sflag:s16] =	ssyncset.done $0x0  }
0x11c: {  	[sflag:s16] =	ssyncadd.s32 $0xFFFFF400  }
0x11d: {  	_ =	swait.ge [sflag:s16], $0xC00  }
0x11e: {  	[sflag:s16] =	ssyncset.done $0x0  }
0x11f: {  	[sflag:s16] =	ssyncadd.s32 $0xFFFFF400  }
0x120: {  	_ =	swait.ge [sflag:s16], $0xC00  }
0x121: {  	[sflag:s16] =	ssyncset.done $0x0  }
0x122: {  	[sflag:s16] =	ssyncadd.s32 $0xFFFFF400  }
0x123: {  	_ =	swait.ge [sflag:s16], $0xC00  }
0x124: {  	[sflag:s16] =	ssyncset.done $0x0  }
0x125: {  	s22 =	simm.s32 $0x126F0;
	s20 =	simm.s32 $0x0;
	[sflag:s16] =	ssyncadd.s32 $0xFFFFF400  }
.LBB2_7:
0x126: {  	v4 =	vld [tilespmem:s22+$0xFFFFF9D0]  }
0x127: {  	v5 =	vld [tilespmem:s22+$0xFFFFFFD0]  }
0x128: {  	v8 =	vld [tilespmem:s22+$0xFFFFF9E0]  }
0x129: {  	v9 =	vld [tilespmem:s22+$0xFFFFFFE0]  }
0x12a: {  	v11 =	vld [tilespmem:s22+$0xFFFFF9F0]  }
0x12b: {  	v13 =	vld [tilespmem:s22+$0xFFFFFFF0]  }
0x12c: {  	v18 =	vld [tilespmem:s22+$0xFFFFFA00]  }
0x12d: {  	v20 =	vld [tilespmem:s22+$0x0]  }
0x12e: {  	v19 =	vld [tilespmem:s22+$0xFFFFF990]  }
0x12f: {  	v21 =	vld [tilespmem:s22+$0xFFFFFF90]  }
0x130: {  	v22 =	vld [tilespmem:s22+$0xFFFFF9A0]  }
0x131: {  	v23 =	vld [tilespmem:s22+$0xFFFFFFA0]  }
0x132: {  	v24 =	vld [tilespmem:s22+$0xFFFFF9B0]  }
0x133: {  	v25 =	vld [tilespmem:s22+$0xFFFFFFB0]  }
0x134: {  	v26 =	vld [tilespmem:s22+$0xFFFFF9C0]  }
0x135: {  	v27 =	vld [tilespmem:s22+$0xFFFFFFC0]  }
0x136: {  	v28 =	vld [tilespmem:s22+$0xFFFFF950]  }
0x137: {  	v29 =	vld [tilespmem:s22+$0xFFFFFF50]  }
0x138: {  	v30 =	vld [tilespmem:s22+$0xFFFFF960]  }
0x139: {  	v31 =	vld [tilespmem:s22+$0xFFFFFF60]  }
0x13a: {  	v6 =	vld [tilespmem:s22+$0xFFFFF970]  }
0x13b: {  	v7 =	vld [tilespmem:s22+$0xFFFFFF70]  }
0x13c: {  	v32 =	vld [tilespmem:s22+$0xFFFFF910]  }
0x13d: {  	v33 =	vld [tilespmem:s22+$0xFFFFFF10]  }
0x13e: {  	v12 =	vld [tilespmem:s22+$0xFFFFF920]  }
0x13f: {  	v14 =	vld [tilespmem:s22+$0xFFFFFF20]  }
0x140: {  	v10 =	vld [tilespmem:s22+$0xFFFFF930];
	v16 =	vsub.f32 v4, v5  }
0x141: {  	v15 =	vld [tilespmem:s22+$0xFFFFFF30];
	v17 =	vsub.f32 v8, v9;
	v5 =	vsub.f32 v11, v13  }
0x142: {  	v13 =	vld [tilespmem:s22+$0xFFFFF940];
	v19 =	vsub.f32 v19, v21;
	v4 =	vsub.f32 v18, v20  }
0x143: {  	v18 =	vld [tilespmem:s22+$0xFFFFFF40];
	v21 =	vsub.f32 v22, v23;
	v8 =	vsub.f32 v24, v25  }
0x144: {  	v22 =	vsub.f32 v28, v29;
	v11 =	vld [tilespmem:s22+$0xFFFFF980];
	v9 =	vsub.f32 v26, v27  }
0x145: {  	s24 =	simm.s32 $0x0;
	s26 =	sadd.s32 $0x100, s22;
	v23 =	vsub.f32 v32, v33;
	v24 =	vsub.f32 v30, v31;
	v20 =	vld [tilespmem:s22+$0xFFFFFF80]  }
.LBB2_8:
0x146: {  	v25 =	vld [tilespmem:s26+$0xFFFFF9D0];
	v12 =	vsub.f32 v12, v14;
	v14 =	vmul.f32 v16, v16;
	v16 =	vmul.f32 v17, v17  }
0x147: {  	v10 =	vsub.f32 v10, v15;
	v15 =	vmul.f32 v19, v19;
	v19 =	vmul.f32 v21, v21;
	v17 =	vld [tilespmem:s26+$0xFFFFFFD0]  }
0x148: {  	v21 =	vld [tilespmem:s26+$0xFFFFF9E0];
	v13 =	vsub.f32 v13, v18;
	v18 =	vmul.f32 v22, v22;
	v22 =	vmul.f32 v24, v24  }
0x149: {  	v6 =	vsub.f32 v6, v7;
	v23 =	vmul.f32 v23, v23;
	v12 =	vmul.f32 v12, v12;
	v24 =	vld [tilespmem:s26+$0xFFFFFFE0]  }
0x14a: {  	v7 =	vmul.f32 v10, v10;
	v26 =	vld [tilespmem:s26+$0xFFFFF9F0];
	v10 =	vmul.f32 v13, v13;
	v11 =	vsub.f32 v11, v20  }
0x14b: {  	v6 =	vmul.f32 v6, v6;
	v3 =	vadd.f32 v23, v3;
	v2 =	vadd.f32 v12, v2;
	v13 =	vld [tilespmem:s26+$0xFFFFFFF0]  }
0x14c: {  	v1 =	vadd.f32 v7, v1;
	v20 =	vld [tilespmem:s26+$0xFFFFFA00];
	v0 =	vadd.f32 v10, v0;
	v7 =	vmul.f32 v11, v11  }
0x14d: {  	v8 =	vmul.f32 v8, v8;
	v3 =	vadd.f32 v18, v3;
	v2 =	vadd.f32 v22, v2;
	v11 =	vld [tilespmem:s26+$0x0]  }
0x14e: {  	v1 =	vadd.f32 v6, v1;
	v6 =	vmul.f32 v9, v9;
	v18 =	vld [tilespmem:s26+$0xFFFFF990];
	v0 =	vadd.f32 v7, v0  }
0x14f: {  	v5 =	vmul.f32 v5, v5;
	v3 =	vadd.f32 v15, v3;
	v2 =	vadd.f32 v19, v2;
	v9 =	vld [tilespmem:s26+$0xFFFFFF90]  }
0x150: {  	v4 =	vmul.f32 v4, v4;
	v1 =	vadd.f32 v8, v1;
	v22 =	vld [tilespmem:s26+$0xFFFFF9A0];
	v0 =	vadd.f32 v6, v0  }
0x151: {  	v3 =	vadd.f32 v14, v3;
	v2 =	vadd.f32 v16, v2;
	v8 =	vld [tilespmem:s26+$0xFFFFFFA0]  }
0x152: {  	v1 =	vadd.f32 v5, v1;
	v23 =	vld [tilespmem:s26+$0xFFFFF9B0];
	v0 =	vadd.f32 v4, v0  }
0x153: {  	v27 =	vld [tilespmem:s26+$0xFFFFFFB0]  }
0x154: {  	v28 =	vld [tilespmem:s26+$0xFFFFF9C0]  }
0x155: {  	v29 =	vld [tilespmem:s26+$0xFFFFFFC0]  }
0x156: {  	v30 =	vld [tilespmem:s26+$0xFFFFF950]  }
0x157: {  	v31 =	vld [tilespmem:s26+$0xFFFFFF50]  }
0x158: {  	v32 =	vld [tilespmem:s26+$0xFFFFF960]  }
0x159: {  	v33 =	vld [tilespmem:s26+$0xFFFFFF60]  }
0x15a: {  	v6 =	vld [tilespmem:s26+$0xFFFFF970]  }
0x15b: {  	v7 =	vld [tilespmem:s26+$0xFFFFFF70]  }
0x15c: {  	v34 =	vld [tilespmem:s26+$0xFFFFF910]  }
0x15d: {  	v35 =	vld [tilespmem:s26+$0xFFFFFF10]  }
0x15e: {  	v12 =	vld [tilespmem:s26+$0xFFFFF920]  }
0x15f: {  	s24 =	sadd.s32 $0x4, s24;
	v14 =	vld [tilespmem:s26+$0xFFFFFF20]  }
0x160: {  	p0 =	slt.u32 s24, $0x14;
	v16 =	vsub.f32 v25, v17;
	v10 =	vld [tilespmem:s26+$0xFFFFF930]  }
.Ltmp2:
0x161: {  	v17 =	vsub.f32 v21, v24;
	v5 =	vsub.f32 v26, v13;
	v15 =	vld [tilespmem:s26+$0xFFFFFF30];
	(pc) =	sbr.rel @p0 .LBB2_8-.Ltmp2, $4  }
0x162: {  	v4 =	vsub.f32 v20, v11;
	v19 =	vsub.f32 v18, v9;
	v13 =	vld [tilespmem:s26+$0xFFFFF940]  }
0x163: {  	v21 =	vsub.f32 v22, v8;
	v8 =	vsub.f32 v23, v27;
	v18 =	vld [tilespmem:s26+$0xFFFFFF40]  }
0x164: {  	v9 =	vsub.f32 v28, v29;
	v22 =	vsub.f32 v30, v31;
	v11 =	vld [tilespmem:s26+$0xFFFFF980]  }
0x165: {  	v24 =	vsub.f32 v32, v33;
	v23 =	vsub.f32 v34, v35;
	v20 =	vld [tilespmem:s26+$0xFFFFFF80];
	s26 =	sadd.s32 $0x100, s26  }
0x166: {  	v12 =	vsub.f32 v12, v14;
	v53 =	vmul.f32 v16, v16;
	v54 =	vmul.f32 v17, v17  }
0x167: {  	v10 =	vsub.f32 v10, v15;
	v55 =	vmul.f32 v19, v19;
	v56 =	vmul.f32 v21, v21  }
0x168: {  	v57 =	vmul.f32 v22, v22;
	v58 =	vmul.f32 v24, v24;
	v13 =	vsub.f32 v13, v18  }
0x169: {  	v6 =	vsub.f32 v6, v7;
	v59 =	vmul.f32 v23, v23;
	v12 =	vmul.f32 v12, v12  }
0x16a: {  	v60 =	vmul.f32 v10, v10;
	v61 =	vmul.f32 v13, v13;
	v11 =	vsub.f32 v11, v20  }
0x16b: {  	v6 =	vmul.f32 v6, v6;
	v3 =	vadd.f32 v59, v3;
	v2 =	vadd.f32 v12, v2  }
0x16c: {  	s20 =	sadd.s32 $0x1, s20;
	v1 =	vadd.f32 v60, v1;
	v0 =	vadd.f32 v61, v0;
	v62 =	vmul.f32 v11, v11  }
0x16d: {  	v8 =	vmul.f32 v8, v8;
	p0 =	sne.s32 s20, $0x10;
	v3 =	vadd.f32 v57, v3;
	v2 =	vadd.f32 v58, v2  }
.Ltmp3:
0x16e: {  	v63 =	vmul.f32 v9, v9;
	v1 =	vadd.f32 v6, v1;
	v0 =	vadd.f32 v62, v0;
	(pc) =	sbr.rel @p0 .LBB2_7-.Ltmp3, $4  }
0x16f: {  	v5 =	vmul.f32 v5, v5;
	v3 =	vadd.f32 v55, v3;
	v2 =	vadd.f32 v56, v2  }
0x170: {  	v4 =	vmul.f32 v4, v4;
	v1 =	vadd.f32 v8, v1;
	v0 =	vadd.f32 v63, v0  }
0x171: {  	v3 =	vadd.f32 v53, v3;
	v2 =	vadd.f32 v54, v2  }
0x172: {  	s22 =	sadd.s32 $0xC00, s22;
	v1 =	vadd.f32 v5, v1;
	v0 =	vadd.f32 v4, v0  }
0x173: {  	s18 =	sadd.s32 $0x1, s18  }
0x174: {  	p0 =	sne.s32 s18, $0xF  }
.Ltmp4:
0x175: {  	_ = 	snop;
	(pc) =	sbr.rel @p0 .LBB2_2-.Ltmp4, $1  }
0x176: {  	_ =	sdelay $0x3  }
0x177: {  	s18 =	simm.s32 $0x5D00  }
0x178: {  	[tilespmem:s23], [sflag:$0x2] =	stream.indirect.gather [hbm4b:s3+s8], $0x40, s18, s8, $0xb8;
	[tilespmem:$0x1E010] =	vst v63  }
0x179: {  	s20 =	simm.s32 $0x5D30  }
0x17a: {  	[tilespmem:s25], [sflag:$0x2] =	stream.indirect.gather [hbm4b:s3+s8], $0x40, s20, s8, $0xb8;
	[tilespmem:$0x1E010] =	vst v63  }
0x17b: {  	s22 =	simm.s32 $0x5D60  }
0x17c: {  	[tilespmem:s28], [sflag:$0x2] =	stream.indirect.gather [hbm4b:s3+s8], $0x40, s22, s8, $0xb8;
	[tilespmem:$0x1E010] =	vst v63  }
0x17d: {  	s24 =	simm.s32 $0x5D90  }
0x17e: {  	[tilespmem:s30], [sflag:$0x2] =	stream.indirect.gather [hbm4b:s3+s8], $0x40, s24, s8, $0xb8;
	[tilespmem:$0x1E010] =	vst v63  }
0x17f: {  	s26 =	simm.s32 $0x5DC0  }
0x180: {  	[tilespmem:s0], [sflag:$0x2] =	stream.indirect.gather [hbm4b:s3+s8], $0x40, s26, s8, $0xb8;
	[tilespmem:$0x1E010] =	vst v63  }
0x181: {  	s29 =	simm.s32 $0x5DF0  }
0x182: {  	[tilespmem:s11], [sflag:$0x2] =	stream.indirect.gather [hbm4b:s3+s8], $0x40, s29, s8, $0xb8;
	[tilespmem:$0x1E010] =	vst v63  }
0x183: {  	s20 =	simm.s32 $0x5E20  }
0x184: {  	[tilespmem:s15], [sflag:$0x2] =	stream.indirect.gather [hbm4b:s3+s8], $0x40, s20, s8, $0xb8;
	[tilespmem:$0x1E010] =	vst v63  }
0x185: {  	s22 =	simm.s32 $0x5E50  }
0x186: {  	[tilespmem:s19], [sflag:$0x2] =	stream.indirect.gather [hbm4b:s3+s8], $0x40, s22, s8, $0xb8;
	[tilespmem:$0x1E010] =	vst v63  }
0x187: {  	s24 =	simm.s32 $0x5E80  }
0x188: {  	[tilespmem:s4], [sflag:$0x2] =	stream.indirect.gather [hbm4b:s3+s8], $0x40, s24, s8, $0xb8;
	[tilespmem:$0x1E010] =	vst v63  }
0x189: {  	s26 =	simm.s32 $0x5EB0  }
0x18a: {  	[tilespmem:s5], [sflag:$0x2] =	stream.indirect.gather [hbm4b:s3+s8], $0x40, s26, s8, $0xb8;
	[tilespmem:$0x1E010] =	vst v63  }
0x18b: {  	s29 =	simm.s32 $0x5EE0  }
0x18c: {  	[tilespmem:s6], [sflag:$0x2] =	stream.indirect.gather [hbm4b:s3+s8], $0x40, s29, s8, $0xb8;
	[tilespmem:$0x1E010] =	vst v63  }
0x18d: {  	s20 =	simm.s32 $0x5F10  }
0x18e: {  	[tilespmem:s2], [sflag:$0x2] =	stream.indirect.gather [hbm4b:s3+s8], $0x40, s20, s8, $0xb8;
	[tilespmem:$0x1E010] =	vst v63  }
0x18f: {  	s22 =	simm.s32 $0x5F40  }
0x190: {  	[tilespmem:s7], [sflag:$0x2] =	stream.indirect.gather [hbm4b:s3+s8], $0x40, s22, s8, $0xb8;
	[tilespmem:$0x1E010] =	vst v63  }
0x191: {  	s24 =	simm.s32 $0x5F70  }
0x192: {  	[tilespmem:s9], [sflag:$0x2] =	stream.indirect.gather [hbm4b:s3+s8], $0x40, s24, s8, $0xb8;
	[tilespmem:$0x1E010] =	vst v63  }
0x193: {  	s26 =	simm.s32 $0x5FA0  }
0x194: {  	[tilespmem:s10], [sflag:$0x2] =	stream.indirect.gather [hbm4b:s3+s8], $0x40, s26, s8, $0xb8;
	[tilespmem:$0x1E010] =	vst v63  }
0x195: {  	s29 =	simm.s32 $0x5FD0  }
0x196: {  	[tilespmem:s12], [sflag:$0x2] =	stream.indirect.gather [hbm4b:s3+s8], $0x40, s29, s8, $0xb8;
	[tilespmem:$0x1E010] =	vst v63  }
0x197: {  	_ =	swait.ge [sflag:s14], $0xC00  }
0x198: {  	[sflag:s14] =	ssyncset.done $0x0  }
0x199: {  	[sflag:s14] =	ssyncadd.s32 $0xFFFFF400  }
0x19a: {  	_ =	swait.ge [sflag:s14], $0xC00  }
0x19b: {  	[sflag:s14] =	ssyncset.done $0x0  }
0x19c: {  	[sflag:s14] =	ssyncadd.s32 $0xFFFFF400  }
0x19d: {  	_ =	swait.ge [sflag:s14], $0xC00  }
0x19e: {  	[sflag:s14] =	ssyncset.done $0x0  }
0x19f: {  	[sflag:s14] =	ssyncadd.s32 $0xFFFFF400  }
0x1a0: {  	_ =	swait.ge [sflag:s14], $0xC00  }
0x1a1: {  	[sflag:s14] =	ssyncset.done $0x0  }
0x1a2: {  	[sflag:s14] =	ssyncadd.s32 $0xFFFFF400  }
0x1a3: {  	_ =	swait.ge [sflag:s14], $0xC00  }
0x1a4: {  	[sflag:s14] =	ssyncset.done $0x0  }
0x1a5: {  	[sflag:s14] =	ssyncadd.s32 $0xFFFFF400  }
0x1a6: {  	_ =	swait.ge [sflag:s14], $0xC00  }
0x1a7: {  	[sflag:s14] =	ssyncset.done $0x0  }
0x1a8: {  	[sflag:s14] =	ssyncadd.s32 $0xFFFFF400  }
0x1a9: {  	_ =	swait.ge [sflag:s14], $0xC00  }
0x1aa: {  	[sflag:s14] =	ssyncset.done $0x0  }
0x1ab: {  	[sflag:s14] =	ssyncadd.s32 $0xFFFFF400  }
0x1ac: {  	_ =	swait.ge [sflag:s14], $0xC00  }
0x1ad: {  	[sflag:s14] =	ssyncset.done $0x0  }
0x1ae: {  	[sflag:s14] =	ssyncadd.s32 $0xFFFFF400  }
0x1af: {  	_ =	swait.ge [sflag:s14], $0xC00  }
0x1b0: {  	[sflag:s14] =	ssyncset.done $0x0  }
0x1b1: {  	[sflag:s14] =	ssyncadd.s32 $0xFFFFF400  }
0x1b2: {  	_ =	swait.ge [sflag:s14], $0xC00  }
0x1b3: {  	[sflag:s14] =	ssyncset.done $0x0  }
0x1b4: {  	[sflag:s14] =	ssyncadd.s32 $0xFFFFF400  }
0x1b5: {  	_ =	swait.ge [sflag:s14], $0xC00  }
0x1b6: {  	[sflag:s14] =	ssyncset.done $0x0  }
0x1b7: {  	[sflag:s14] =	ssyncadd.s32 $0xFFFFF400  }
0x1b8: {  	_ =	swait.ge [sflag:s14], $0xC00  }
0x1b9: {  	[sflag:s14] =	ssyncset.done $0x0  }
0x1ba: {  	[sflag:s14] =	ssyncadd.s32 $0xFFFFF400  }
0x1bb: {  	_ =	swait.ge [sflag:s14], $0xC00  }
0x1bc: {  	[sflag:s14] =	ssyncset.done $0x0  }
0x1bd: {  	[sflag:s14] =	ssyncadd.s32 $0xFFFFF400  }
0x1be: {  	_ =	swait.ge [sflag:s14], $0xC00  }
0x1bf: {  	[sflag:s14] =	ssyncset.done $0x0  }
0x1c0: {  	[sflag:s14] =	ssyncadd.s32 $0xFFFFF400  }
0x1c1: {  	_ =	swait.ge [sflag:s14], $0xC00  }
0x1c2: {  	[sflag:s14] =	ssyncset.done $0x0  }
0x1c3: {  	[sflag:s14] =	ssyncadd.s32 $0xFFFFF400  }
0x1c4: {  	_ =	swait.ge [sflag:s14], $0xC00  }
0x1c5: {  	[sflag:s14] =	ssyncset.done $0x0  }
0x1c6: {  	s18 =	simm.s32 $0x0;
	s20 =	simm.s32 $0x66F0;
	[sflag:s14] =	ssyncadd.s32 $0xFFFFF400  }
.LBB2_12:
0x1c7: {  	v4 =	vld [tilespmem:s20+$0xFFFFF9D0]  }
0x1c8: {  	v5 =	vld [tilespmem:s20+$0xFFFFFFD0]  }
0x1c9: {  	v8 =	vld [tilespmem:s20+$0xFFFFF9E0]  }
0x1ca: {  	v9 =	vld [tilespmem:s20+$0xFFFFFFE0]  }
0x1cb: {  	v11 =	vld [tilespmem:s20+$0xFFFFF9F0]  }
0x1cc: {  	v13 =	vld [tilespmem:s20+$0xFFFFFFF0]  }
0x1cd: {  	v18 =	vld [tilespmem:s20+$0xFFFFFA00]  }
0x1ce: {  	v20 =	vld [tilespmem:s20+$0x0]  }
0x1cf: {  	v19 =	vld [tilespmem:s20+$0xFFFFF990]  }
0x1d0: {  	v21 =	vld [tilespmem:s20+$0xFFFFFF90]  }
0x1d1: {  	v22 =	vld [tilespmem:s20+$0xFFFFF9A0]  }
0x1d2: {  	v23 =	vld [tilespmem:s20+$0xFFFFFFA0]  }
0x1d3: {  	v24 =	vld [tilespmem:s20+$0xFFFFF9B0]  }
0x1d4: {  	v25 =	vld [tilespmem:s20+$0xFFFFFFB0]  }
0x1d5: {  	v26 =	vld [tilespmem:s20+$0xFFFFF9C0]  }
0x1d6: {  	v27 =	vld [tilespmem:s20+$0xFFFFFFC0]  }
0x1d7: {  	v28 =	vld [tilespmem:s20+$0xFFFFF950]  }
0x1d8: {  	v29 =	vld [tilespmem:s20+$0xFFFFFF50]  }
0x1d9: {  	v30 =	vld [tilespmem:s20+$0xFFFFF960]  }
0x1da: {  	v31 =	vld [tilespmem:s20+$0xFFFFFF60]  }
0x1db: {  	v6 =	vld [tilespmem:s20+$0xFFFFF970]  }
0x1dc: {  	v7 =	vld [tilespmem:s20+$0xFFFFFF70]  }
0x1dd: {  	v32 =	vld [tilespmem:s20+$0xFFFFF910]  }
0x1de: {  	v33 =	vld [tilespmem:s20+$0xFFFFFF10]  }
0x1df: {  	v12 =	vld [tilespmem:s20+$0xFFFFF920]  }
0x1e0: {  	v14 =	vld [tilespmem:s20+$0xFFFFFF20]  }
0x1e1: {  	v10 =	vld [tilespmem:s20+$0xFFFFF930];
	v16 =	vsub.f32 v4, v5  }
0x1e2: {  	v15 =	vld [tilespmem:s20+$0xFFFFFF30];
	v17 =	vsub.f32 v8, v9;
	v5 =	vsub.f32 v11, v13  }
0x1e3: {  	v13 =	vld [tilespmem:s20+$0xFFFFF940];
	v19 =	vsub.f32 v19, v21;
	v4 =	vsub.f32 v18, v20  }
0x1e4: {  	v18 =	vld [tilespmem:s20+$0xFFFFFF40];
	v21 =	vsub.f32 v22, v23;
	v8 =	vsub.f32 v24, v25  }
0x1e5: {  	v22 =	vsub.f32 v28, v29;
	v11 =	vld [tilespmem:s20+$0xFFFFF980];
	v9 =	vsub.f32 v26, v27  }
0x1e6: {  	s22 =	simm.s32 $0x0;
	s24 =	sadd.s32 $0x100, s20;
	v23 =	vsub.f32 v32, v33;
	v24 =	vsub.f32 v30, v31;
	v20 =	vld [tilespmem:s20+$0xFFFFFF80]  }
.LBB2_13:
0x1e7: {  	v25 =	vld [tilespmem:s24+$0xFFFFF9D0];
	v12 =	vsub.f32 v12, v14;
	v14 =	vmul.f32 v16, v16;
	v16 =	vmul.f32 v17, v17  }
0x1e8: {  	v10 =	vsub.f32 v10, v15;
	v15 =	vmul.f32 v19, v19;
	v19 =	vmul.f32 v21, v21;
	v17 =	vld [tilespmem:s24+$0xFFFFFFD0]  }
0x1e9: {  	v21 =	vld [tilespmem:s24+$0xFFFFF9E0];
	v13 =	vsub.f32 v13, v18;
	v18 =	vmul.f32 v22, v22;
	v22 =	vmul.f32 v24, v24  }
0x1ea: {  	v6 =	vsub.f32 v6, v7;
	v23 =	vmul.f32 v23, v23;
	v12 =	vmul.f32 v12, v12;
	v24 =	vld [tilespmem:s24+$0xFFFFFFE0]  }
0x1eb: {  	v7 =	vmul.f32 v10, v10;
	v26 =	vld [tilespmem:s24+$0xFFFFF9F0];
	v10 =	vmul.f32 v13, v13;
	v11 =	vsub.f32 v11, v20  }
0x1ec: {  	v6 =	vmul.f32 v6, v6;
	v3 =	vadd.f32 v23, v3;
	v2 =	vadd.f32 v12, v2;
	v13 =	vld [tilespmem:s24+$0xFFFFFFF0]  }
0x1ed: {  	v1 =	vadd.f32 v7, v1;
	v20 =	vld [tilespmem:s24+$0xFFFFFA00];
	v0 =	vadd.f32 v10, v0;
	v7 =	vmul.f32 v11, v11  }
0x1ee: {  	v8 =	vmul.f32 v8, v8;
	v3 =	vadd.f32 v18, v3;
	v2 =	vadd.f32 v22, v2;
	v11 =	vld [tilespmem:s24+$0x0]  }
0x1ef: {  	v1 =	vadd.f32 v6, v1;
	v6 =	vmul.f32 v9, v9;
	v18 =	vld [tilespmem:s24+$0xFFFFF990];
	v0 =	vadd.f32 v7, v0  }
0x1f0: {  	v5 =	vmul.f32 v5, v5;
	v3 =	vadd.f32 v15, v3;
	v2 =	vadd.f32 v19, v2;
	v9 =	vld [tilespmem:s24+$0xFFFFFF90]  }
0x1f1: {  	v4 =	vmul.f32 v4, v4;
	v1 =	vadd.f32 v8, v1;
	v22 =	vld [tilespmem:s24+$0xFFFFF9A0];
	v0 =	vadd.f32 v6, v0  }
0x1f2: {  	v3 =	vadd.f32 v14, v3;
	v2 =	vadd.f32 v16, v2;
	v8 =	vld [tilespmem:s24+$0xFFFFFFA0]  }
0x1f3: {  	v1 =	vadd.f32 v5, v1;
	v23 =	vld [tilespmem:s24+$0xFFFFF9B0];
	v0 =	vadd.f32 v4, v0  }
0x1f4: {  	v27 =	vld [tilespmem:s24+$0xFFFFFFB0]  }
0x1f5: {  	v28 =	vld [tilespmem:s24+$0xFFFFF9C0]  }
0x1f6: {  	v29 =	vld [tilespmem:s24+$0xFFFFFFC0]  }
0x1f7: {  	v30 =	vld [tilespmem:s24+$0xFFFFF950]  }
0x1f8: {  	v31 =	vld [tilespmem:s24+$0xFFFFFF50]  }
0x1f9: {  	v32 =	vld [tilespmem:s24+$0xFFFFF960]  }
0x1fa: {  	v33 =	vld [tilespmem:s24+$0xFFFFFF60]  }
0x1fb: {  	v6 =	vld [tilespmem:s24+$0xFFFFF970]  }
0x1fc: {  	v7 =	vld [tilespmem:s24+$0xFFFFFF70]  }
0x1fd: {  	v34 =	vld [tilespmem:s24+$0xFFFFF910]  }
0x1fe: {  	v35 =	vld [tilespmem:s24+$0xFFFFFF10]  }
0x1ff: {  	v12 =	vld [tilespmem:s24+$0xFFFFF920]  }
0x200: {  	s22 =	sadd.s32 $0x4, s22;
	v14 =	vld [tilespmem:s24+$0xFFFFFF20]  }
0x201: {  	p0 =	slt.u32 s22, $0x14;
	v16 =	vsub.f32 v25, v17;
	v10 =	vld [tilespmem:s24+$0xFFFFF930]  }
.Ltmp5:
0x202: {  	v17 =	vsub.f32 v21, v24;
	v5 =	vsub.f32 v26, v13;
	v15 =	vld [tilespmem:s24+$0xFFFFFF30];
	(pc) =	sbr.rel @p0 .LBB2_13-.Ltmp5, $4  }
0x203: {  	v4 =	vsub.f32 v20, v11;
	v19 =	vsub.f32 v18, v9;
	v13 =	vld [tilespmem:s24+$0xFFFFF940]  }
0x204: {  	v21 =	vsub.f32 v22, v8;
	v8 =	vsub.f32 v23, v27;
	v18 =	vld [tilespmem:s24+$0xFFFFFF40]  }
0x205: {  	v9 =	vsub.f32 v28, v29;
	v22 =	vsub.f32 v30, v31;
	v11 =	vld [tilespmem:s24+$0xFFFFF980]  }
0x206: {  	v24 =	vsub.f32 v32, v33;
	v23 =	vsub.f32 v34, v35;
	v20 =	vld [tilespmem:s24+$0xFFFFFF80];
	s24 =	sadd.s32 $0x100, s24  }
0x207: {  	v12 =	vsub.f32 v12, v14;
	v53 =	vmul.f32 v16, v16;
	v54 =	vmul.f32 v17, v17  }
0x208: {  	v10 =	vsub.f32 v10, v15;
	v55 =	vmul.f32 v19, v19;
	v56 =	vmul.f32 v21, v21  }
0x209: {  	v57 =	vmul.f32 v22, v22;
	v58 =	vmul.f32 v24, v24;
	v13 =	vsub.f32 v13, v18  }
0x20a: {  	v6 =	vsub.f32 v6, v7;
	v59 =	vmul.f32 v23, v23;
	v12 =	vmul.f32 v12, v12  }
0x20b: {  	v60 =	vmul.f32 v10, v10;
	v61 =	vmul.f32 v13, v13;
	v11 =	vsub.f32 v11, v20  }
0x20c: {  	v6 =	vmul.f32 v6, v6;
	v3 =	vadd.f32 v59, v3;
	v2 =	vadd.f32 v12, v2  }
0x20d: {  	s18 =	sadd.s32 $0x1, s18;
	v1 =	vadd.f32 v60, v1;
	v0 =	vadd.f32 v61, v0;
	v62 =	vmul.f32 v11, v11  }
0x20e: {  	v8 =	vmul.f32 v8, v8;
	p0 =	sne.s32 s18, $0x10;
	v3 =	vadd.f32 v57, v3;
	v2 =	vadd.f32 v58, v2  }
.Ltmp6:
0x20f: {  	v63 =	vmul.f32 v9, v9;
	v1 =	vadd.f32 v6, v1;
	v0 =	vadd.f32 v62, v0;
	(pc) =	sbr.rel @p0 .LBB2_12-.Ltmp6, $4  }
0x210: {  	v5 =	vmul.f32 v5, v5;
	v3 =	vadd.f32 v55, v3;
	v2 =	vadd.f32 v56, v2  }
0x211: {  	v4 =	vmul.f32 v4, v4;
	v1 =	vadd.f32 v8, v1;
	v0 =	vadd.f32 v63, v0  }
0x212: {  	v3 =	vadd.f32 v53, v3;
	v2 =	vadd.f32 v54, v2  }
0x213: {  	s20 =	sadd.s32 $0xC00, s20;
	v1 =	vadd.f32 v5, v1;
	v0 =	vadd.f32 v4, v0  }
0x214: {  	_ =	swait.ge [sflag:s16], $0xC00  }
0x215: {  	[sflag:s16] =	ssyncset.done $0x0  }
0x216: {  	[sflag:s16] =	ssyncadd.s32 $0xFFFFF400  }
0x217: {  	_ =	swait.ge [sflag:s16], $0xC00  }
0x218: {  	[sflag:s16] =	ssyncset.done $0x0  }
0x219: {  	[sflag:s16] =	ssyncadd.s32 $0xFFFFF400  }
0x21a: {  	_ =	swait.ge [sflag:s16], $0xC00  }
0x21b: {  	[sflag:s16] =	ssyncset.done $0x0  }
0x21c: {  	[sflag:s16] =	ssyncadd.s32 $0xFFFFF400  }
0x21d: {  	_ =	swait.ge [sflag:s16], $0xC00  }
0x21e: {  	[sflag:s16] =	ssyncset.done $0x0  }
0x21f: {  	[sflag:s16] =	ssyncadd.s32 $0xFFFFF400  }
0x220: {  	_ =	swait.ge [sflag:s16], $0xC00  }
0x221: {  	[sflag:s16] =	ssyncset.done $0x0  }
0x222: {  	[sflag:s16] =	ssyncadd.s32 $0xFFFFF400  }
0x223: {  	_ =	swait.ge [sflag:s16], $0xC00  }
0x224: {  	[sflag:s16] =	ssyncset.done $0x0  }
0x225: {  	[sflag:s16] =	ssyncadd.s32 $0xFFFFF400  }
0x226: {  	_ =	swait.ge [sflag:s16], $0xC00  }
0x227: {  	[sflag:s16] =	ssyncset.done $0x0  }
0x228: {  	[sflag:s16] =	ssyncadd.s32 $0xFFFFF400  }
0x229: {  	_ =	swait.ge [sflag:s16], $0xC00  }
0x22a: {  	[sflag:s16] =	ssyncset.done $0x0  }
0x22b: {  	[sflag:s16] =	ssyncadd.s32 $0xFFFFF400  }
0x22c: {  	_ =	swait.ge [sflag:s16], $0xC00  }
0x22d: {  	[sflag:s16] =	ssyncset.done $0x0  }
0x22e: {  	[sflag:s16] =	ssyncadd.s32 $0xFFFFF400  }
0x22f: {  	_ =	swait.ge [sflag:s16], $0xC00  }
0x230: {  	[sflag:s16] =	ssyncset.done $0x0  }
0x231: {  	[sflag:s16] =	ssyncadd.s32 $0xFFFFF400  }
0x232: {  	_ =	swait.ge [sflag:s16], $0xC00  }
0x233: {  	[sflag:s16] =	ssyncset.done $0x0  }
0x234: {  	[sflag:s16] =	ssyncadd.s32 $0xFFFFF400  }
0x235: {  	_ =	swait.ge [sflag:s16], $0xC00  }
0x236: {  	[sflag:s16] =	ssyncset.done $0x0  }
0x237: {  	[sflag:s16] =	ssyncadd.s32 $0xFFFFF400  }
0x238: {  	_ =	swait.ge [sflag:s16], $0xC00  }
0x239: {  	[sflag:s16] =	ssyncset.done $0x0  }
0x23a: {  	[sflag:s16] =	ssyncadd.s32 $0xFFFFF400  }
0x23b: {  	_ =	swait.ge [sflag:s16], $0xC00  }
0x23c: {  	[sflag:s16] =	ssyncset.done $0x0  }
0x23d: {  	[sflag:s16] =	ssyncadd.s32 $0xFFFFF400  }
0x23e: {  	_ =	swait.ge [sflag:s16], $0xC00  }
0x23f: {  	[sflag:s16] =	ssyncset.done $0x0  }
0x240: {  	[sflag:s16] =	ssyncadd.s32 $0xFFFFF400  }
0x241: {  	_ =	swait.ge [sflag:s16], $0xC00  }
0x242: {  	[sflag:s16] =	ssyncset.done $0x0  }
0x243: {  	s18 =	simm.s32 $0x0;
	s20 =	simm.s32 $0x126F0;
	[sflag:s16] =	ssyncadd.s32 $0xFFFFF400  }
.LBB2_16:
0x244: {  	v4 =	vld [tilespmem:s20+$0xFFFFF9D0]  }
0x245: {  	v5 =	vld [tilespmem:s20+$0xFFFFFFD0]  }
0x246: {  	v8 =	vld [tilespmem:s20+$0xFFFFF9E0]  }
0x247: {  	v9 =	vld [tilespmem:s20+$0xFFFFFFE0]  }
0x248: {  	v11 =	vld [tilespmem:s20+$0xFFFFF9F0]  }
0x249: {  	v13 =	vld [tilespmem:s20+$0xFFFFFFF0]  }
0x24a: {  	v18 =	vld [tilespmem:s20+$0xFFFFFA00]  }
0x24b: {  	v20 =	vld [tilespmem:s20+$0x0]  }
0x24c: {  	v19 =	vld [tilespmem:s20+$0xFFFFF990]  }
0x24d: {  	v21 =	vld [tilespmem:s20+$0xFFFFFF90]  }
0x24e: {  	v22 =	vld [tilespmem:s20+$0xFFFFF9A0]  }
0x24f: {  	v23 =	vld [tilespmem:s20+$0xFFFFFFA0]  }
0x250: {  	v24 =	vld [tilespmem:s20+$0xFFFFF9B0]  }
0x251: {  	v25 =	vld [tilespmem:s20+$0xFFFFFFB0]  }
0x252: {  	v26 =	vld [tilespmem:s20+$0xFFFFF9C0]  }
0x253: {  	v27 =	vld [tilespmem:s20+$0xFFFFFFC0]  }
0x254: {  	v28 =	vld [tilespmem:s20+$0xFFFFF950]  }
0x255: {  	v29 =	vld [tilespmem:s20+$0xFFFFFF50]  }
0x256: {  	v30 =	vld [tilespmem:s20+$0xFFFFF960]  }
0x257: {  	v31 =	vld [tilespmem:s20+$0xFFFFFF60]  }
0x258: {  	v6 =	vld [tilespmem:s20+$0xFFFFF970]  }
0x259: {  	v7 =	vld [tilespmem:s20+$0xFFFFFF70]  }
0x25a: {  	v32 =	vld [tilespmem:s20+$0xFFFFF910]  }
0x25b: {  	v33 =	vld [tilespmem:s20+$0xFFFFFF10]  }
0x25c: {  	v12 =	vld [tilespmem:s20+$0xFFFFF920]  }
0x25d: {  	v14 =	vld [tilespmem:s20+$0xFFFFFF20]  }
0x25e: {  	v10 =	vld [tilespmem:s20+$0xFFFFF930];
	v16 =	vsub.f32 v4, v5  }
0x25f: {  	v15 =	vld [tilespmem:s20+$0xFFFFFF30];
	v17 =	vsub.f32 v8, v9;
	v5 =	vsub.f32 v11, v13  }
0x260: {  	v13 =	vld [tilespmem:s20+$0xFFFFF940];
	v19 =	vsub.f32 v19, v21;
	v4 =	vsub.f32 v18, v20  }
0x261: {  	v18 =	vld [tilespmem:s20+$0xFFFFFF40];
	v21 =	vsub.f32 v22, v23;
	v8 =	vsub.f32 v24, v25  }
0x262: {  	v22 =	vsub.f32 v28, v29;
	v11 =	vld [tilespmem:s20+$0xFFFFF980];
	v9 =	vsub.f32 v26, v27  }
0x263: {  	s22 =	simm.s32 $0x0;
	s24 =	sadd.s32 $0x100, s20;
	v23 =	vsub.f32 v32, v33;
	v24 =	vsub.f32 v30, v31;
	v20 =	vld [tilespmem:s20+$0xFFFFFF80]  }
.LBB2_17:
0x264: {  	v25 =	vld [tilespmem:s24+$0xFFFFF9D0];
	v12 =	vsub.f32 v12, v14;
	v14 =	vmul.f32 v16, v16;
	v16 =	vmul.f32 v17, v17  }
0x265: {  	v10 =	vsub.f32 v10, v15;
	v15 =	vmul.f32 v19, v19;
	v19 =	vmul.f32 v21, v21;
	v17 =	vld [tilespmem:s24+$0xFFFFFFD0]  }
0x266: {  	v21 =	vld [tilespmem:s24+$0xFFFFF9E0];
	v13 =	vsub.f32 v13, v18;
	v18 =	vmul.f32 v22, v22;
	v22 =	vmul.f32 v24, v24  }
0x267: {  	v6 =	vsub.f32 v6, v7;
	v23 =	vmul.f32 v23, v23;
	v12 =	vmul.f32 v12, v12;
	v24 =	vld [tilespmem:s24+$0xFFFFFFE0]  }
0x268: {  	v7 =	vmul.f32 v10, v10;
	v26 =	vld [tilespmem:s24+$0xFFFFF9F0];
	v10 =	vmul.f32 v13, v13;
	v11 =	vsub.f32 v11, v20  }
0x269: {  	v6 =	vmul.f32 v6, v6;
	v3 =	vadd.f32 v23, v3;
	v2 =	vadd.f32 v12, v2;
	v13 =	vld [tilespmem:s24+$0xFFFFFFF0]  }
0x26a: {  	v1 =	vadd.f32 v7, v1;
	v20 =	vld [tilespmem:s24+$0xFFFFFA00];
	v0 =	vadd.f32 v10, v0;
	v7 =	vmul.f32 v11, v11  }
0x26b: {  	v8 =	vmul.f32 v8, v8;
	v3 =	vadd.f32 v18, v3;
	v2 =	vadd.f32 v22, v2;
	v11 =	vld [tilespmem:s24+$0x0]  }
0x26c: {  	v1 =	vadd.f32 v6, v1;
	v6 =	vmul.f32 v9, v9;
	v18 =	vld [tilespmem:s24+$0xFFFFF990];
	v0 =	vadd.f32 v7, v0  }
0x26d: {  	v5 =	vmul.f32 v5, v5;
	v3 =	vadd.f32 v15, v3;
	v2 =	vadd.f32 v19, v2;
	v9 =	vld [tilespmem:s24+$0xFFFFFF90]  }
0x26e: {  	v4 =	vmul.f32 v4, v4;
	v1 =	vadd.f32 v8, v1;
	v22 =	vld [tilespmem:s24+$0xFFFFF9A0];
	v0 =	vadd.f32 v6, v0  }
0x26f: {  	v3 =	vadd.f32 v14, v3;
	v2 =	vadd.f32 v16, v2;
	v8 =	vld [tilespmem:s24+$0xFFFFFFA0]  }
0x270: {  	v1 =	vadd.f32 v5, v1;
	v23 =	vld [tilespmem:s24+$0xFFFFF9B0];
	v0 =	vadd.f32 v4, v0  }
0x271: {  	v27 =	vld [tilespmem:s24+$0xFFFFFFB0]  }
0x272: {  	v28 =	vld [tilespmem:s24+$0xFFFFF9C0]  }
0x273: {  	v29 =	vld [tilespmem:s24+$0xFFFFFFC0]  }
0x274: {  	v30 =	vld [tilespmem:s24+$0xFFFFF950]  }
0x275: {  	v31 =	vld [tilespmem:s24+$0xFFFFFF50]  }
0x276: {  	v32 =	vld [tilespmem:s24+$0xFFFFF960]  }
0x277: {  	v33 =	vld [tilespmem:s24+$0xFFFFFF60]  }
0x278: {  	v6 =	vld [tilespmem:s24+$0xFFFFF970]  }
0x279: {  	v7 =	vld [tilespmem:s24+$0xFFFFFF70]  }
0x27a: {  	v34 =	vld [tilespmem:s24+$0xFFFFF910]  }
0x27b: {  	v35 =	vld [tilespmem:s24+$0xFFFFFF10]  }
0x27c: {  	v12 =	vld [tilespmem:s24+$0xFFFFF920]  }
0x27d: {  	s22 =	sadd.s32 $0x4, s22;
	v14 =	vld [tilespmem:s24+$0xFFFFFF20]  }
0x27e: {  	p0 =	slt.u32 s22, $0x14;
	v16 =	vsub.f32 v25, v17;
	v10 =	vld [tilespmem:s24+$0xFFFFF930]  }
.Ltmp7:
0x27f: {  	v17 =	vsub.f32 v21, v24;
	v5 =	vsub.f32 v26, v13;
	v15 =	vld [tilespmem:s24+$0xFFFFFF30];
	(pc) =	sbr.rel @p0 .LBB2_17-.Ltmp7, $4  }
0x280: {  	v4 =	vsub.f32 v20, v11;
	v19 =	vsub.f32 v18, v9;
	v13 =	vld [tilespmem:s24+$0xFFFFF940]  }
0x281: {  	v21 =	vsub.f32 v22, v8;
	v8 =	vsub.f32 v23, v27;
	v18 =	vld [tilespmem:s24+$0xFFFFFF40]  }
0x282: {  	v9 =	vsub.f32 v28, v29;
	v22 =	vsub.f32 v30, v31;
	v11 =	vld [tilespmem:s24+$0xFFFFF980]  }
0x283: {  	v24 =	vsub.f32 v32, v33;
	v23 =	vsub.f32 v34, v35;
	v20 =	vld [tilespmem:s24+$0xFFFFFF80];
	s24 =	sadd.s32 $0x100, s24  }
0x284: {  	v12 =	vsub.f32 v12, v14;
	v53 =	vmul.f32 v16, v16;
	v54 =	vmul.f32 v17, v17  }
0x285: {  	v10 =	vsub.f32 v10, v15;
	v55 =	vmul.f32 v19, v19;
	v56 =	vmul.f32 v21, v21  }
0x286: {  	v57 =	vmul.f32 v22, v22;
	v58 =	vmul.f32 v24, v24;
	v13 =	vsub.f32 v13, v18  }
0x287: {  	v6 =	vsub.f32 v6, v7;
	v59 =	vmul.f32 v23, v23;
	v12 =	vmul.f32 v12, v12  }
0x288: {  	v60 =	vmul.f32 v10, v10;
	v61 =	vmul.f32 v13, v13;
	v11 =	vsub.f32 v11, v20  }
0x289: {  	v6 =	vmul.f32 v6, v6;
	v3 =	vadd.f32 v59, v3;
	v2 =	vadd.f32 v12, v2  }
0x28a: {  	s18 =	sadd.s32 $0x1, s18;
	v1 =	vadd.f32 v60, v1;
	v0 =	vadd.f32 v61, v0;
	v62 =	vmul.f32 v11, v11  }
0x28b: {  	v8 =	vmul.f32 v8, v8;
	p0 =	sne.s32 s18, $0x10;
	v3 =	vadd.f32 v57, v3;
	v2 =	vadd.f32 v58, v2  }
.Ltmp8:
0x28c: {  	v63 =	vmul.f32 v9, v9;
	v1 =	vadd.f32 v6, v1;
	v0 =	vadd.f32 v62, v0;
	(pc) =	sbr.rel @p0 .LBB2_16-.Ltmp8, $4  }
0x28d: {  	v5 =	vmul.f32 v5, v5;
	v3 =	vadd.f32 v55, v3;
	v2 =	vadd.f32 v56, v2  }
0x28e: {  	v4 =	vmul.f32 v4, v4;
	v1 =	vadd.f32 v8, v1;
	v0 =	vadd.f32 v63, v0  }
0x28f: {  	v3 =	vadd.f32 v53, v3;
	v2 =	vadd.f32 v54, v2  }
0x290: {  	s20 =	sadd.s32 $0xC00, s20;
	v1 =	vadd.f32 v5, v1;
	v0 =	vadd.f32 v4, v0  }
0x291: {  	_ = 	snop  }
0x292: {  	v2 =	vadd.f32 v2, v3;
	v0 =	vadd.f32 v0, v1;
	_ =	sdelay $0x1  }
0x293: {  	v0 =	vadd.f32 v0, v2;
	_ =	sdelay $0x1  }
0x294: {  	s18 =	simm.s32 $0x0;
	s20 =	rddreg [dreg:$0x3];
	s22 =	simm.s32 $0x1E000;
	[tilespmem:$0x1E000] =	vst v0  }
0x295: {  	[hbm4b:s20+s18] =	stream.linear.scatter [tilespmem:s22], [sflag:$0x3], $0x10, $0x38;
	[tilespmem:$0x1E010] =	vst v63  }
0x296: {  	s22 =	simm.s32 $0x3  }
0x297: {  	_ =	swait.ge [sflag:s22], $0x10  }
0x298: {  	s24 =	rddreg [dreg:$0x5]  }
0x299: {  	s29 =	rddreg [dreg:$0x4];
	s24 =	sadd.s32 $0x1, s24  }
0x29a: {  	p0 =	sne.s32 s24, s29  }
.Ltmp9:
0x29b: {  	_ = 	snop;
	(pc) =	sbr.rel @p0 .LBB2_1-.Ltmp9, $3  }
0x29c: {  	_ =	sdelay $0x1  }
0x29d: {  	[sflag:s22] =	ssyncset.done $0x0  }
0x29e: {  	[sflag:s22] =	ssyncadd.s32 $0xFFFFFFF0  }
0x29f: {  	_ =	sfence.sel $0x180000  }
0x2a0: {  	[bflag:$0x0] =	sbarrier.arrive $0xFFFF  }
0x2a1: {  	_ =	strace $0x90000047  }
0x2a2: {  	s0 =	stileid.u32;
	[bflag:$0x2] =	sbarrier.arrive $0xFFFF  }
0x2a3: {  	p0 =	sne.s32 s0, $0x0;
	s0 =	rddreg [dreg:$0x1]  }
0x2a4: {  	s0 =	sadd.s32 @!p0 $0x100000, s0  }
0x2a5: {  	[sflag:s0] =	ssyncadd.tile.s32 @!p0 $0x1;
	_ =	shalt  }
.Lfunc_end2:
_tile_overlayer_lowered:
.L_overlay_start_2:
0x2a6: {  	(tag) =	ssettag $0x2  }
0x2a7: {  	s0 =	rddreg [dreg:$0x0];
	s2 =	stileid.u32  }
0x2a8: {  	s1 =	rddreg [dreg:$0x1];
	p0 =	sne.s32 s2, $0x0  }
0x2a9: {  	s3 =	rddreg [dreg:$0x2];
	[bflag:$0x3] =	sbarrier.arrive $0xFFFF;
	s2 =	simm.s32 @!p0 $0x1C03  }
0x2aa: {  	[timem:s3], [sflag:s2] =	dma.local @!p0 [hbm:s0], s1  }
0x2ab: {  	s0 =	simm.s32 @!p0 $0x3  }
0x2ac: {  	_ =	swait.ge @!p0 [sflag:s0], s1  }
0x2ad: {  	s1 =	ssub.s32 @!p0 $0x0, s1;
	[sflag:s0] =	ssyncset.done @!p0 $0x0  }
0x2ae: {  	[sflag:s0] =	ssyncadd.s32 @!p0 s1  }
0x2af: {  	[bflag:$0x3] =	sbarrier.arrive $0xFFFF  }
0x2b0: {  	_ =	shalt  }

</sc_bundles>
